<compile_context>
chip_gen: v7x
topology: tpu7x:2x2x1
jax: 0.10.2.dev20260603
libtpu: 0.0.44.dev20260713+nightly
codegen_flags: <defaults>
</compile_context>

<pallas_src>
import jax
import jax.numpy as jnp
from jax import lax
from jax.experimental import pallas as pl
from jax.experimental.pallas import tpu as pltpu
from jax.experimental.pallas import tpu_sc as plsc

_NC = 2
_NS = 16
_NW = _NC * _NS
_LANE = 16
_BB = 128


def _sc_gather_tiled(tableT, idxT, B, L, V, D):
    nd_blk = D // 8
    n_bblk = B // _BB
    assert B % _BB == 0 and D % 8 == 0

    mesh = plsc.VectorSubcoreMesh(core_axis_name="c", subcore_axis_name="s")

    def body(tabT_h, idxT_h, out_h, ttab_v, idxl_v, stage_v, isem, osem):
        wid = lax.axis_index("s") * _NC + lax.axis_index("c")
        lo = (wid * nd_blk) // _NW
        hi = ((wid + 1) * nd_blk) // _NW
        row0 = lo * 8

        pltpu.sync_copy(tabT_h.at[pl.ds(row0 * V, 32 * V)], ttab_v)
        pltpu.make_async_copy(idxT_h.at[0], idxl_v.at[0], isem).start()

        def slab_copy(par, r0):
            return pltpu.make_async_copy(
                stage_v.at[par], out_h.at[pl.ds(r0, n_bblk)], osem.at[par])

        def bblk_body(bblk, args):
            parl, par, dbase = args
            boff = bblk * _BB
            idxregs = [
                idxl_v[parl, pl.ds(boff + j * _LANE, _LANE)] for j in range(8)
            ]
            prev = None
            for ds in range(9):
                vals = []
                if ds < 8:
                    row = ttab_v.at[pl.ds(dbase[ds], V)]
                for j in range(8):
                    if ds < 8:
                        vals.append(plsc.load_gather(row, [idxregs[j]]))
                    if prev is not None:
                        stage_v[par, bblk,
                                pl.ds((ds - 1) * _BB + j * _LANE, _LANE)] = prev[j]
                prev = vals
            return args

        def dblk_body(dblk, args):
            l, cnt = args
            par = cnt & 1
            dbase = [((dblk - lo) * 8 + ds) * V for ds in range(8)]
            @pl.when(cnt >= 2)
            def _():
                slab_copy(par, 0).wait()
            lax.fori_loop(0, n_bblk, bblk_body, (l & 1, par, dbase), unroll=4)
            r0 = (l * nd_blk + dblk) * n_bblk
            slab_copy(par, r0).start()
            return (l, cnt + 1)

        def l_body(l, cnt):
            pltpu.make_async_copy(idxT_h.at[0], idxl_v.at[0], isem).wait()
            nxt = jnp.minimum(l + 1, L - 1)
            pltpu.make_async_copy(
                idxT_h.at[nxt], idxl_v.at[(l + 1) & 1], isem).start()
            _, cnt = lax.fori_loop(lo, hi, dblk_body, (l, cnt))
            return cnt

        cnt = lax.fori_loop(0, L, l_body, jnp.int32(0))
        del cnt
        pltpu.make_async_copy(idxT_h.at[0], idxl_v.at[0], isem).wait()
        slab_copy(0, 0).wait()
        slab_copy(1, 0).wait()

    call = pl.kernel(
        body,
        out_type=jax.ShapeDtypeStruct((L * nd_blk * n_bblk, 8 * _BB),
                                      jnp.float32),
        mesh=mesh,
        scratch_types=[
            pltpu.VMEM((32 * V,), jnp.float32),
            pltpu.VMEM((2, B), jnp.int32),
            pltpu.VMEM((2, n_bblk, 8 * _BB), jnp.float32),
            pltpu.SemaphoreType.DMA,
            pltpu.SemaphoreType.DMA((2,)),
        ],
        compiler_params=pltpu.CompilerParams(
            use_tc_tiling_on_sc=False, needs_layout_passes=False),
    )
    return call(tableT.reshape(-1), idxT)


def kernel(idx, targets, table):
    B, L = idx.shape
    V, D = table.shape
    tableT = table.T
    idxT = idx.T
    out2 = _sc_gather_tiled(tableT, idxT, B, L, V, D)
    out5 = out2.reshape(L, D // 8, B // _BB, 8, _BB)
    return out5.transpose(2, 4, 0, 1, 3).reshape(B, L, D)

# --- scband reference (transcript-rebuilt; emitter-appended) ---
"""Pipeline reference for scband-bigram-torch-model-36197984371234 (READ-ONLY COPY).

The authoritative reference and input builder live on the scoring server;
editing this copy changes nothing except your own understanding.
"""

import jax, jax.numpy as jnp
import numpy as np

VOCAB = 1000
B = 4096
L = 20

def setup_inputs(seed: int = 0) -> dict:
    key = jax.random.key(seed)
    k1, k2, k3 = jax.random.split(key, 3)
    idx = jax.random.randint(k1, (B, L), 0, VOCAB, dtype=jnp.int64 if jax.config.jax_enable_x64 else jnp.int32).astype(jnp.int32)
    targets = jax.random.randint(k2, (B, L), 0, VOCAB, dtype=jnp.int64 if jax.config.jax_enable_x64 else jnp.int32).astype(jnp.int32)
    # Learned parameter: token embedding table [vocab_size, vocab_size]
    table = jax.random.normal(k3, (VOCAB, VOCAB), dtype=jnp.float32)
    return {"idx": idx, "targets": targets, "table": table}

def reference(idx, targets, table):
    # logits = self.token_embedding_table(idx)
    logits = jnp.take(table, idx, axis=0)  # [B, L, VOCAB]
    return logits

if __name__ == "__main__":
    import jax
    _d = setup_inputs()
    print(jax.jit(kernel)(*tuple(_d.values())))

</pallas_src>

<mosaic_0001>
#map = affine_map<(d0, d1) -> (0)>
#map1 = affine_map<(d0, d1) -> (0, 0)>
module attributes {stable_mosaic.version = 14 : i64} {
  func.func @body(%arg0: i32, %arg1: i32, %arg2: memref<1000000xf32, #tpu.memory_space<hbm>>, %arg3: memref<20x4096xi32, #tpu.memory_space<hbm>>, %arg4: memref<80000x1024xf32, #tpu.memory_space<hbm>>, %arg5: memref<32000xf32, #tpu.memory_space<vmem>>, %arg6: memref<2x4096xi32, #tpu.memory_space<vmem>>, %arg7: memref<2x32x1024xf32, #tpu.memory_space<vmem>>, %arg8: memref<!tpu.dma_semaphore, #tpu.memory_space<semaphore_mem>>, %arg9: memref<2x!tpu.dma_semaphore, #tpu.memory_space<semaphore_mem>>) attributes {dimension_semantics = [#tpu.dimension_semantics<core_parallel>, #tpu.dimension_semantics<subcore_parallel>], iteration_bounds = array<i64: 2, 16>, scalar_prefetch = 0 : i64, scratch_operands = 5 : i64, tpu.core_type = #tpu.core_type<sc_vector_subcore>, window_params = [{transform_indices = #map}, {transform_indices = #map1}, {transform_indices = #map1}]} {
    %mul3A = arith.constant 2 : i32
    %mul3A_0 = arith.muli %arg1, %mul3A : i32
    %add3A = arith.addi %mul3A_0, %arg0 : i32
    %mul3A_1 = arith.constant 125 : i32
    %mul3A_2 = arith.muli %add3A, %mul3A_1 : i32
    %jit3A = arith.constant 32 : i32
    %div3A = arith.divsi %mul3A_2, %jit3A : i32
    %sign3A = arith.constant 0 : i32
    %sign3A_3 = arith.cmpi sgt, %mul3A_2, %sign3A : i32
    %sign3A_4 = arith.extui %sign3A_3 : i1 to i32
    %sign3A_5 = arith.constant 0 : i32
    %sign3A_6 = arith.cmpi slt, %mul3A_2, %sign3A_5 : i32
    %sign3A_7 = arith.extui %sign3A_6 : i1 to i32
    %sign3A_8 = arith.subi %sign3A_4, %sign3A_7 : i32
    %sign3A_9 = arith.constant 0 : i32
    %sign3A_10 = arith.cmpi sgt, %jit3A, %sign3A_9 : i32
    %sign3A_11 = arith.extui %sign3A_10 : i1 to i32
    %sign3A_12 = arith.constant 0 : i32
    %sign3A_13 = arith.cmpi slt, %jit3A, %sign3A_12 : i32
    %sign3A_14 = arith.extui %sign3A_13 : i1 to i32
    %sign3A_15 = arith.subi %sign3A_11, %sign3A_14 : i32
    %ne3A = arith.cmpi ne, %sign3A_8, %sign3A_15 : i32
    %rem3A = arith.remsi %mul3A_2, %jit3A : i32
    %ne3A_16 = arith.constant 0 : i32
    %ne3A_17 = arith.cmpi ne, %rem3A, %ne3A_16 : i32
    %and3A = arith.andi %ne3A, %ne3A_17 : i1
    %sub3A = arith.constant 1 : i32
    %sub3A_18 = arith.subi %div3A, %sub3A : i32
    %select_n3A = arith.select %and3A, %sub3A_18, %div3A : i32
    %add3A_19 = arith.constant 1 : i32
    %add3A_20 = arith.addi %add3A, %add3A_19 : i32
    %mul3A_21 = arith.constant 125 : i32
    %mul3A_22 = arith.muli %add3A_20, %mul3A_21 : i32
    %jit3A_23 = arith.constant 32 : i32
    %div3A_24 = arith.divsi %mul3A_22, %jit3A_23 : i32
    %sign3A_25 = arith.constant 0 : i32
    %sign3A_26 = arith.cmpi sgt, %mul3A_22, %sign3A_25 : i32
    %sign3A_27 = arith.extui %sign3A_26 : i1 to i32
    %sign3A_28 = arith.constant 0 : i32
    %sign3A_29 = arith.cmpi slt, %mul3A_22, %sign3A_28 : i32
    %sign3A_30 = arith.extui %sign3A_29 : i1 to i32
    %sign3A_31 = arith.subi %sign3A_27, %sign3A_30 : i32
    %sign3A_32 = arith.constant 0 : i32
    %sign3A_33 = arith.cmpi sgt, %jit3A_23, %sign3A_32 : i32
    %sign3A_34 = arith.extui %sign3A_33 : i1 to i32
    %sign3A_35 = arith.constant 0 : i32
    %sign3A_36 = arith.cmpi slt, %jit3A_23, %sign3A_35 : i32
    %sign3A_37 = arith.extui %sign3A_36 : i1 to i32
    %sign3A_38 = arith.subi %sign3A_34, %sign3A_37 : i32
    %ne3A_39 = arith.cmpi ne, %sign3A_31, %sign3A_38 : i32
    %rem3A_40 = arith.remsi %mul3A_22, %jit3A_23 : i32
    %ne3A_41 = arith.constant 0 : i32
    %ne3A_42 = arith.cmpi ne, %rem3A_40, %ne3A_41 : i32
    %and3A_43 = arith.andi %ne3A_39, %ne3A_42 : i1
    %sub3A_44 = arith.constant 1 : i32
    %sub3A_45 = arith.subi %div3A_24, %sub3A_44 : i32
    %select_n3A_46 = arith.select %and3A_43, %sub3A_45, %div3A_24 : i32
    %mul3A_47 = arith.constant 8 : i32
    %mul3A_48 = arith.muli %select_n3A, %mul3A_47 : i32
    %mul3A_49 = arith.constant 1000 : i32
    %mul3A_50 = arith.muli %mul3A_48, %mul3A_49 : i32
    "tpu.region"() ({
      %run_scoped3A = tpu.sem_alloc : memref<!tpu.dma_semaphore, #tpu.memory_space<semaphore_mem>>
      %dma_start3A_119 = tpu.memref_slice %arg2[%mul3A_50] : memref<1000000xf32, #tpu.memory_space<hbm>> -> memref<32000xf32, #tpu.memory_space<hbm>>
      %dma_start3A_120 = tpu.memref_slice %arg2[%mul3A_50] : memref<1000000xf32, #tpu.memory_space<hbm>> -> memref<32000xf32, #tpu.memory_space<hbm>>
      tpu.enqueue_dma source(%dma_start3A_120 : memref<32000xf32, #tpu.memory_space<hbm>>) target(%arg5 : memref<32000xf32, #tpu.memory_space<vmem>>) target_semaphore(%run_scoped3A : memref<!tpu.dma_semaphore, #tpu.memory_space<semaphore_mem>>)
      %dma_wait3A_121 = tpu.memref_slice %arg2[%mul3A_50] : memref<1000000xf32, #tpu.memory_space<hbm>> -> memref<32000xf32, #tpu.memory_space<hbm>>
      %dma_wait3A_122 = tpu.memref_slice %arg2[%mul3A_50] : memref<1000000xf32, #tpu.memory_space<hbm>> -> memref<32000xf32, #tpu.memory_space<hbm>>
      tpu.wait_dma2 semaphore(%run_scoped3A : memref<!tpu.dma_semaphore, #tpu.memory_space<semaphore_mem>>) src(%dma_wait3A_122 : memref<32000xf32, #tpu.memory_space<hbm>>) dst(%arg5 : memref<32000xf32, #tpu.memory_space<vmem>>)
      tpu.yield
    }) : () -> ()
    %dma_start3A = arith.constant 0 : i32
    %dma_start3A_51 = arith.constant 0 : i32
    %dma_start3A_52 = arith.constant 0 : i32
    %dma_start3A_53 = tpu.memref_slice %arg6[%dma_start3A_51, %dma_start3A_52] : memref<2x4096xi32, #tpu.memory_space<vmem>> -> memref<1x4096xi32, #tpu.memory_space<vmem>>
    %dma_start3A_54 = tpu.memref_squeeze %dma_start3A_53 : memref<1x4096xi32, #tpu.memory_space<vmem>> -> memref<4096xi32, #tpu.memory_space<vmem>>
    %dma_start3A_55 = arith.constant 0 : i32
    %dma_start3A_56 = tpu.memref_slice %arg3[%dma_start3A, %dma_start3A_55] : memref<20x4096xi32, #tpu.memory_space<hbm>> -> memref<1x4096xi32, #tpu.memory_space<hbm>>
    %dma_start3A_57 = tpu.memref_squeeze %dma_start3A_56 : memref<1x4096xi32, #tpu.memory_space<hbm>> -> memref<4096xi32, #tpu.memory_space<hbm>>
    %dma_start3A_58 = arith.constant 0 : i32
    %dma_start3A_59 = tpu.memref_slice %arg6[%dma_start3A_51, %dma_start3A_58] : memref<2x4096xi32, #tpu.memory_space<vmem>> -> memref<1x4096xi32, #tpu.memory_space<vmem>>
    %dma_start3A_60 = tpu.memref_squeeze %dma_start3A_59 : memref<1x4096xi32, #tpu.memory_space<vmem>> -> memref<4096xi32, #tpu.memory_space<vmem>>
    %dma_start3A_61 = arith.constant 0 : i32
    %dma_start3A_62 = tpu.memref_slice %arg3[%dma_start3A, %dma_start3A_61] : memref<20x4096xi32, #tpu.memory_space<hbm>> -> memref<1x4096xi32, #tpu.memory_space<hbm>>
    %dma_start3A_63 = tpu.memref_squeeze %dma_start3A_62 : memref<1x4096xi32, #tpu.memory_space<hbm>> -> memref<4096xi32, #tpu.memory_space<hbm>>
    tpu.enqueue_dma source(%dma_start3A_63 : memref<4096xi32, #tpu.memory_space<hbm>>) target(%dma_start3A_60 : memref<4096xi32, #tpu.memory_space<vmem>>) target_semaphore(%arg8 : memref<!tpu.dma_semaphore, #tpu.memory_space<semaphore_mem>>)
    %scan3A = arith.constant 0 : i32
    %scan3A_64 = arith.constant 0 : i32
    %scan3A_65 = arith.constant 20 : i32
    %scan3A_66 = arith.addi %scan3A_64, %scan3A_65 : i32
    %scan3A_67 = arith.constant 1 : i32
    %scan3A_68 = scf.for %scan3A_119 = %scan3A_64 to %scan3A_66 step %scan3A_67 iter_args(%scan3A_120 = %scan3A) -> (i32)  : i32 {
      %dma_wait3A_121 = arith.constant 0 : i32
      %dma_wait3A_122 = arith.constant 0 : i32
      %dma_wait3A_123 = arith.constant 0 : i32
      %dma_wait3A_124 = tpu.memref_slice %arg6[%dma_wait3A_122, %dma_wait3A_123] : memref<2x4096xi32, #tpu.memory_space<vmem>> -> memref<1x4096xi32, #tpu.memory_space<vmem>>
      %dma_wait3A_125 = tpu.memref_squeeze %dma_wait3A_124 : memref<1x4096xi32, #tpu.memory_space<vmem>> -> memref<4096xi32, #tpu.memory_space<vmem>>
      %dma_wait3A_126 = arith.constant 0 : i32
      %dma_wait3A_127 = tpu.memref_slice %arg3[%dma_wait3A_121, %dma_wait3A_126] : memref<20x4096xi32, #tpu.memory_space<hbm>> -> memref<1x4096xi32, #tpu.memory_space<hbm>>
      %dma_wait3A_128 = tpu.memref_squeeze %dma_wait3A_127 : memref<1x4096xi32, #tpu.memory_space<hbm>> -> memref<4096xi32, #tpu.memory_space<hbm>>
      %dma_wait3A_129 = arith.constant 0 : i32
      %dma_wait3A_130 = tpu.memref_slice %arg6[%dma_wait3A_122, %dma_wait3A_129] : memref<2x4096xi32, #tpu.memory_space<vmem>> -> memref<1x4096xi32, #tpu.memory_space<vmem>>
      %dma_wait3A_131 = tpu.memref_squeeze %dma_wait3A_130 : memref<1x4096xi32, #tpu.memory_space<vmem>> -> memref<4096xi32, #tpu.memory_space<vmem>>
      %dma_wait3A_132 = arith.constant 0 : i32
      %dma_wait3A_133 = tpu.memref_slice %arg3[%dma_wait3A_121, %dma_wait3A_132] : memref<20x4096xi32, #tpu.memory_space<hbm>> -> memref<1x4096xi32, #tpu.memory_space<hbm>>
      %dma_wait3A_134 = tpu.memref_squeeze %dma_wait3A_133 : memref<1x4096xi32, #tpu.memory_space<hbm>> -> memref<4096xi32, #tpu.memory_space<hbm>>
      tpu.wait_dma2 semaphore(%arg8 : memref<!tpu.dma_semaphore, #tpu.memory_space<semaphore_mem>>) src(%dma_wait3A_134 : memref<4096xi32, #tpu.memory_space<hbm>>) dst(%dma_wait3A_131 : memref<4096xi32, #tpu.memory_space<vmem>>)
      %add3A_135 = arith.constant 1 : i32
      %add3A_136 = arith.addi %scan3A_119, %add3A_135 : i32
      %min3A = arith.constant 19 : i32
      %min3A_137 = arith.minsi %add3A_136, %min3A : i32
      %add3A_138 = arith.constant 1 : i32
      %add3A_139 = arith.addi %scan3A_119, %add3A_138 : i32
      %and3A_140 = arith.constant 1 : i32
      %and3A_141 = arith.andi %add3A_139, %and3A_140 : i32
      %dma_start3A_142 = arith.constant 0 : i32
      %dma_start3A_143 = tpu.memref_slice %arg6[%and3A_141, %dma_start3A_142] : memref<2x4096xi32, #tpu.memory_space<vmem>> -> memref<1x4096xi32, #tpu.memory_space<vmem>>
      %dma_start3A_144 = tpu.memref_squeeze %dma_start3A_143 : memref<1x4096xi32, #tpu.memory_space<vmem>> -> memref<4096xi32, #tpu.memory_space<vmem>>
      %dma_start3A_145 = arith.constant 0 : i32
      %dma_start3A_146 = tpu.memref_slice %arg3[%min3A_137, %dma_start3A_145] : memref<20x4096xi32, #tpu.memory_space<hbm>> -> memref<1x4096xi32, #tpu.memory_space<hbm>>
      %dma_start3A_147 = tpu.memref_squeeze %dma_start3A_146 : memref<1x4096xi32, #tpu.memory_space<hbm>> -> memref<4096xi32, #tpu.memory_space<hbm>>
      %dma_start3A_148 = arith.constant 0 : i32
      %dma_start3A_149 = tpu.memref_slice %arg6[%and3A_141, %dma_start3A_148] : memref<2x4096xi32, #tpu.memory_space<vmem>> -> memref<1x4096xi32, #tpu.memory_space<vmem>>
      %dma_start3A_150 = tpu.memref_squeeze %dma_start3A_149 : memref<1x4096xi32, #tpu.memory_space<vmem>> -> memref<4096xi32, #tpu.memory_space<vmem>>
      %dma_start3A_151 = arith.constant 0 : i32
      %dma_start3A_152 = tpu.memref_slice %arg3[%min3A_137, %dma_start3A_151] : memref<20x4096xi32, #tpu.memory_space<hbm>> -> memref<1x4096xi32, #tpu.memory_space<hbm>>
      %dma_start3A_153 = tpu.memref_squeeze %dma_start3A_152 : memref<1x4096xi32, #tpu.memory_space<hbm>> -> memref<4096xi32, #tpu.memory_space<hbm>>
      tpu.enqueue_dma source(%dma_start3A_153 : memref<4096xi32, #tpu.memory_space<hbm>>) target(%dma_start3A_150 : memref<4096xi32, #tpu.memory_space<vmem>>) target_semaphore(%arg8 : memref<!tpu.dma_semaphore, #tpu.memory_space<semaphore_mem>>)
      %while3A = arith.subi %select_n3A_46, %select_n3A : i32
      %while3A_154 = arith.addi %select_n3A, %while3A : i32
      %while3A_155 = arith.constant 1 : i32
      %while3A_156 = arith.divsi %while3A, %while3A_155 : i32
      %while3A_157 = arith.muli %while3A_156, %while3A_155 : i32
      %while3A_158 = arith.addi %select_n3A, %while3A_157 : i32
      %while3A_159 = arith.constant 1 : i32
      %while3A_160 = scf.for %while3A_163 = %select_n3A to %while3A_158 step %while3A_159 iter_args(%while3A_164 = %scan3A_120) -> (i32)  : i32 {
        %and3A_165 = arith.constant 1 : i32
        %and3A_166 = arith.andi %while3A_164, %and3A_165 : i32
        %sub3A_167 = arith.subi %while3A_163, %select_n3A : i32
        %mul3A_168 = arith.constant 8 : i32
        %mul3A_169 = arith.muli %sub3A_167, %mul3A_168 : i32
        %add3A_170 = arith.constant 0 : i32
        %add3A_171 = arith.addi %mul3A_169, %add3A_170 : i32
        %mul3A_172 = arith.constant 1000 : i32
        %mul3A_173 = arith.muli %add3A_171, %mul3A_172 : i32
        %sub3A_174 = arith.subi %while3A_163, %select_n3A : i32
        %mul3A_175 = arith.constant 8 : i32
        %mul3A_176 = arith.muli %sub3A_174, %mul3A_175 : i32
        %add3A_177 = arith.constant 1 : i32
        %add3A_178 = arith.addi %mul3A_176, %add3A_177 : i32
        %mul3A_179 = arith.constant 1000 : i32
        %mul3A_180 = arith.muli %add3A_178, %mul3A_179 : i32
        %sub3A_181 = arith.subi %while3A_163, %select_n3A : i32
        %mul3A_182 = arith.constant 8 : i32
        %mul3A_183 = arith.muli %sub3A_181, %mul3A_182 : i32
        %add3A_184 = arith.constant 2 : i32
        %add3A_185 = arith.addi %mul3A_183, %add3A_184 : i32
        %mul3A_186 = arith.constant 1000 : i32
        %mul3A_187 = arith.muli %add3A_185, %mul3A_186 : i32
        %sub3A_188 = arith.subi %while3A_163, %select_n3A : i32
        %mul3A_189 = arith.constant 8 : i32
        %mul3A_190 = arith.muli %sub3A_188, %mul3A_189 : i32
        %add3A_191 = arith.constant 3 : i32
        %add3A_192 = arith.addi %mul3A_190, %add3A_191 : i32
        %mul3A_193 = arith.constant 1000 : i32
        %mul3A_194 = arith.muli %add3A_192, %mul3A_193 : i32
        %sub3A_195 = arith.subi %while3A_163, %select_n3A : i32
        %mul3A_196 = arith.constant 8 : i32
        %mul3A_197 = arith.muli %sub3A_195, %mul3A_196 : i32
        %add3A_198 = arith.constant 4 : i32
        %add3A_199 = arith.addi %mul3A_197, %add3A_198 : i32
        %mul3A_200 = arith.constant 1000 : i32
        %mul3A_201 = arith.muli %add3A_199, %mul3A_200 : i32
        %sub3A_202 = arith.subi %while3A_163, %select_n3A : i32
        %mul3A_203 = arith.constant 8 : i32
        %mul3A_204 = arith.muli %sub3A_202, %mul3A_203 : i32
        %add3A_205 = arith.constant 5 : i32
        %add3A_206 = arith.addi %mul3A_204, %add3A_205 : i32
        %mul3A_207 = arith.constant 1000 : i32
        %mul3A_208 = arith.muli %add3A_206, %mul3A_207 : i32
        %sub3A_209 = arith.subi %while3A_163, %select_n3A : i32
        %mul3A_210 = arith.constant 8 : i32
        %mul3A_211 = arith.muli %sub3A_209, %mul3A_210 : i32
        %add3A_212 = arith.constant 6 : i32
        %add3A_213 = arith.addi %mul3A_211, %add3A_212 : i32
        %mul3A_214 = arith.constant 1000 : i32
        %mul3A_215 = arith.muli %add3A_213, %mul3A_214 : i32
        %sub3A_216 = arith.subi %while3A_163, %select_n3A : i32
        %mul3A_217 = arith.constant 8 : i32
        %mul3A_218 = arith.muli %sub3A_216, %mul3A_217 : i32
        %add3A_219 = arith.constant 7 : i32
        %add3A_220 = arith.addi %mul3A_218, %add3A_219 : i32
        %mul3A_221 = arith.constant 1000 : i32
        %mul3A_222 = arith.muli %add3A_220, %mul3A_221 : i32
        %ge3A = arith.constant 2 : i32
        %ge3A_223 = arith.cmpi sge, %while3A_164, %ge3A : i32
        %convert_element_type3A = arith.extui %ge3A_223 : i1 to i32
        %cond3A = arith.constant 0 : i32
        %cond3A_224 = arith.cmpi ne, %convert_element_type3A, %cond3A : i32
        scf.if %cond3A_224 {
          %dma_wait3A_253 = arith.constant 0 : i32
          %dma_wait3A_254 = arith.constant 0 : i32
          %dma_wait3A_255 = tpu.memref_slice %arg7[%and3A_166, %dma_wait3A_253, %dma_wait3A_254] : memref<2x32x1024xf32, #tpu.memory_space<vmem>> -> memref<1x32x1024xf32, #tpu.memory_space<vmem>>
          %dma_wait3A_256 = tpu.memref_squeeze %dma_wait3A_255 : memref<1x32x1024xf32, #tpu.memory_space<vmem>> -> memref<32x1024xf32, #tpu.memory_space<vmem>>
          %dma_wait3A_257 = arith.constant 0 : i32
          %dma_wait3A_258 = arith.constant 0 : i32
          %dma_wait3A_259 = tpu.memref_slice %arg4[%dma_wait3A_257, %dma_wait3A_258] : memref<80000x1024xf32, #tpu.memory_space<hbm>> -> memref<32x1024xf32, #tpu.memory_space<hbm>>
          %dma_wait3A_260 = tpu.memref_slice %arg9[%and3A_166] : memref<2x!tpu.dma_semaphore, #tpu.memory_space<semaphore_mem>> -> memref<1x!tpu.dma_semaphore, #tpu.memory_space<semaphore_mem>>
          %dma_wait3A_261 = tpu.memref_squeeze %dma_wait3A_260 : memref<1x!tpu.dma_semaphore, #tpu.memory_space<semaphore_mem>> -> memref<!tpu.dma_semaphore, #tpu.memory_space<semaphore_mem>>
          %dma_wait3A_262 = arith.constant 0 : i32
          %dma_wait3A_263 = arith.constant 0 : i32
          %dma_wait3A_264 = tpu.memref_slice %arg4[%dma_wait3A_262, %dma_wait3A_263] : memref<80000x1024xf32, #tpu.memory_space<hbm>> -> memref<32x1024xf32, #tpu.memory_space<hbm>>
          %dma_wait3A_265 = arith.constant 0 : i32
          %dma_wait3A_266 = arith.constant 0 : i32
          %dma_wait3A_267 = tpu.memref_slice %arg7[%and3A_166, %dma_wait3A_265, %dma_wait3A_266] : memref<2x32x1024xf32, #tpu.memory_space<vmem>> -> memref<1x32x1024xf32, #tpu.memory_space<vmem>>
          %dma_wait3A_268 = tpu.memref_squeeze %dma_wait3A_267 : memref<1x32x1024xf32, #tpu.memory_space<vmem>> -> memref<32x1024xf32, #tpu.memory_space<vmem>>
          tpu.wait_dma2 semaphore(%dma_wait3A_261 : memref<!tpu.dma_semaphore, #tpu.memory_space<semaphore_mem>>) src(%dma_wait3A_268 : memref<32x1024xf32, #tpu.memory_space<vmem>>) dst(%dma_wait3A_264 : memref<32x1024xf32, #tpu.memory_space<hbm>>)
        } else {
        }
        %and3A_225 = arith.constant 1 : i32
        %and3A_226 = arith.andi %scan3A_119, %and3A_225 : i32
        %scan3A_227 = arith.constant 0 : i32
        %scan3A_228 = arith.constant 32 : i32
        %scan3A_229 = arith.addi %scan3A_227, %scan3A_228 : i32
        %scan3A_230 = arith.constant 4 : i32
        scf.for %scan3A_253 = %scan3A_227 to %scan3A_229 step %scan3A_230  : i32 {
          %mul3A_254 = arith.constant 128 : i32
          %mul3A_255 = arith.muli %scan3A_253, %mul3A_254 : i32
          %add3A_256 = arith.constant 0 : i32
          %add3A_257 = arith.addi %mul3A_255, %add3A_256 : i32
          %get3A = arith.index_cast %and3A_226 : i32 to index
          %get3A_258 = arith.index_cast %add3A_257 : i32 to index
          %get3A_259 = tpu.vector_load %arg6[%get3A, %get3A_258] {strides = array<i32>} : memref<2x4096xi32, #tpu.memory_space<vmem>>, vector<16xi32>,
          %add3A_260 = arith.constant 16 : i32
          %add3A_261 = arith.addi %mul3A_255, %add3A_260 : i32
          %get3A_262 = arith.index_cast %and3A_226 : i32 to index
          %get3A_263 = arith.index_cast %add3A_261 : i32 to index
          %get3A_264 = tpu.vector_load %arg6[%get3A_262, %get3A_263] {strides = array<i32>} : memref<2x4096xi32, #tpu.memory_space<vmem>>, vector<16xi32>,
          %add3A_265 = arith.constant 32 : i32
          %add3A_266 = arith.addi %mul3A_255, %add3A_265 : i32
          %get3A_267 = arith.index_cast %and3A_226 : i32 to index
          %get3A_268 = arith.index_cast %add3A_266 : i32 to index
          %get3A_269 = tpu.vector_load %arg6[%get3A_267, %get3A_268] {strides = array<i32>} : memref<2x4096xi32, #tpu.memory_space<vmem>>, vector<16xi32>,
          %add3A_270 = arith.constant 48 : i32
          %add3A_271 = arith.addi %mul3A_255, %add3A_270 : i32
          %get3A_272 = arith.index_cast %and3A_226 : i32 to index
          %get3A_273 = arith.index_cast %add3A_271 : i32 to index
          %get3A_274 = tpu.vector_load %arg6[%get3A_272, %get3A_273] {strides = array<i32>} : memref<2x4096xi32, #tpu.memory_space<vmem>>, vector<16xi32>,
          %add3A_275 = arith.constant 64 : i32
          %add3A_276 = arith.addi %mul3A_255, %add3A_275 : i32
          %get3A_277 = arith.index_cast %and3A_226 : i32 to index
          %get3A_278 = arith.index_cast %add3A_276 : i32 to index
          %get3A_279 = tpu.vector_load %arg6[%get3A_277, %get3A_278] {strides = array<i32>} : memref<2x4096xi32, #tpu.memory_space<vmem>>, vector<16xi32>,
          %add3A_280 = arith.constant 80 : i32
          %add3A_281 = arith.addi %mul3A_255, %add3A_280 : i32
          %get3A_282 = arith.index_cast %and3A_226 : i32 to index
          %get3A_283 = arith.index_cast %add3A_281 : i32 to index
          %get3A_284 = tpu.vector_load %arg6[%get3A_282, %get3A_283] {strides = array<i32>} : memref<2x4096xi32, #tpu.memory_space<vmem>>, vector<16xi32>,
          %add3A_285 = arith.constant 96 : i32
          %add3A_286 = arith.addi %mul3A_255, %add3A_285 : i32
          %get3A_287 = arith.index_cast %and3A_226 : i32 to index
          %get3A_288 = arith.index_cast %add3A_286 : i32 to index
          %get3A_289 = tpu.vector_load %arg6[%get3A_287, %get3A_288] {strides = array<i32>} : memref<2x4096xi32, #tpu.memory_space<vmem>>, vector<16xi32>,
          %add3A_290 = arith.constant 112 : i32
          %add3A_291 = arith.addi %mul3A_255, %add3A_290 : i32
          %get3A_292 = arith.index_cast %and3A_226 : i32 to index
          %get3A_293 = arith.index_cast %add3A_291 : i32 to index
          %get3A_294 = tpu.vector_load %arg6[%get3A_292, %get3A_293] {strides = array<i32>} : memref<2x4096xi32, #tpu.memory_space<vmem>>, vector<16xi32>,
          %gather3A = tpu.memref_slice %arg5[%mul3A_173] : memref<32000xf32, #tpu.memory_space<vmem>> -> memref<1000xf32, #tpu.memory_space<vmem>>
          %gather3A_295 = tpu.vector_load_idx %gather3A[%get3A_259] : memref<1000xf32, #tpu.memory_space<vmem>>[vector<16xi32>], vector<16xf32>,
          %gather3A_296 = tpu.memref_slice %arg5[%mul3A_173] : memref<32000xf32, #tpu.memory_space<vmem>> -> memref<1000xf32, #tpu.memory_space<vmem>>
          %gather3A_297 = tpu.vector_load_idx %gather3A_296[%get3A_264] : memref<1000xf32, #tpu.memory_space<vmem>>[vector<16xi32>], vector<16xf32>,
          %gather3A_298 = tpu.memref_slice %arg5[%mul3A_173] : memref<32000xf32, #tpu.memory_space<vmem>> -> memref<1000xf32, #tpu.memory_space<vmem>>
          %gather3A_299 = tpu.vector_load_idx %gather3A_298[%get3A_269] : memref<1000xf32, #tpu.memory_space<vmem>>[vector<16xi32>], vector<16xf32>,
          %gather3A_300 = tpu.memref_slice %arg5[%mul3A_173] : memref<32000xf32, #tpu.memory_space<vmem>> -> memref<1000xf32, #tpu.memory_space<vmem>>
          %gather3A_301 = tpu.vector_load_idx %gather3A_300[%get3A_274] : memref<1000xf32, #tpu.memory_space<vmem>>[vector<16xi32>], vector<16xf32>,
          %gather3A_302 = tpu.memref_slice %arg5[%mul3A_173] : memref<32000xf32, #tpu.memory_space<vmem>> -> memref<1000xf32, #tpu.memory_space<vmem>>
          %gather3A_303 = tpu.vector_load_idx %gather3A_302[%get3A_279] : memref<1000xf32, #tpu.memory_space<vmem>>[vector<16xi32>], vector<16xf32>,
          %gather3A_304 = tpu.memref_slice %arg5[%mul3A_173] : memref<32000xf32, #tpu.memory_space<vmem>> -> memref<1000xf32, #tpu.memory_space<vmem>>
          %gather3A_305 = tpu.vector_load_idx %gather3A_304[%get3A_284] : memref<1000xf32, #tpu.memory_space<vmem>>[vector<16xi32>], vector<16xf32>,
          %gather3A_306 = tpu.memref_slice %arg5[%mul3A_173] : memref<32000xf32, #tpu.memory_space<vmem>> -> memref<1000xf32, #tpu.memory_space<vmem>>
          %gather3A_307 = tpu.vector_load_idx %gather3A_306[%get3A_289] : memref<1000xf32, #tpu.memory_space<vmem>>[vector<16xi32>], vector<16xf32>,
          %gather3A_308 = tpu.memref_slice %arg5[%mul3A_173] : memref<32000xf32, #tpu.memory_space<vmem>> -> memref<1000xf32, #tpu.memory_space<vmem>>
          %gather3A_309 = tpu.vector_load_idx %gather3A_308[%get3A_294] : memref<1000xf32, #tpu.memory_space<vmem>>[vector<16xi32>], vector<16xf32>,
          %gather3A_310 = tpu.memref_slice %arg5[%mul3A_180] : memref<32000xf32, #tpu.memory_space<vmem>> -> memref<1000xf32, #tpu.memory_space<vmem>>
          %gather3A_311 = tpu.vector_load_idx %gather3A_310[%get3A_259] : memref<1000xf32, #tpu.memory_space<vmem>>[vector<16xi32>], vector<16xf32>,
          %swap3A = arith.index_cast %and3A_166 : i32 to index
          %swap3A_312 = arith.index_cast %scan3A_253 : i32 to index
          %swap3A_313 = arith.constant 0 : index
          %swap3A_314 = tpu.vector_load %arg7[%swap3A, %swap3A_312, %swap3A_313] {strides = array<i32>} : memref<2x32x1024xf32, #tpu.memory_space<vmem>>, vector<16xf32>,
          tpu.vector_store %arg7[%swap3A, %swap3A_312, %swap3A_313], %gather3A_295 {strides = array<i32>} : memref<2x32x1024xf32, #tpu.memory_space<vmem>>, vector<16xf32>,
          %gather3A_315 = tpu.memref_slice %arg5[%mul3A_180] : memref<32000xf32, #tpu.memory_space<vmem>> -> memref<1000xf32, #tpu.memory_space<vmem>>
          %gather3A_316 = tpu.vector_load_idx %gather3A_315[%get3A_264] : memref<1000xf32, #tpu.memory_space<vmem>>[vector<16xi32>], vector<16xf32>,
          %swap3A_317 = arith.index_cast %and3A_166 : i32 to index
          %swap3A_318 = arith.index_cast %scan3A_253 : i32 to index
          %swap3A_319 = arith.constant 16 : index
          %swap3A_320 = tpu.vector_load %arg7[%swap3A_317, %swap3A_318, %swap3A_319] {strides = array<i32>} : memref<2x32x1024xf32, #tpu.memory_space<vmem>>, vector<16xf32>,
          tpu.vector_store %arg7[%swap3A_317, %swap3A_318, %swap3A_319], %gather3A_297 {strides = array<i32>} : memref<2x32x1024xf32, #tpu.memory_space<vmem>>, vector<16xf32>,
          %gather3A_321 = tpu.memref_slice %arg5[%mul3A_180] : memref<32000xf32, #tpu.memory_space<vmem>> -> memref<1000xf32, #tpu.memory_space<vmem>>
          %gather3A_322 = tpu.vector_load_idx %gather3A_321[%get3A_269] : memref<1000xf32, #tpu.memory_space<vmem>>[vector<16xi32>], vector<16xf32>,
          %swap3A_323 = arith.index_cast %and3A_166 : i32 to index
          %swap3A_324 = arith.index_cast %scan3A_253 : i32 to index
          %swap3A_325 = arith.constant 32 : index
          %swap3A_326 = tpu.vector_load %arg7[%swap3A_323, %swap3A_324, %swap3A_325] {strides = array<i32>} : memref<2x32x1024xf32, #tpu.memory_space<vmem>>, vector<16xf32>,
          tpu.vector_store %arg7[%swap3A_323, %swap3A_324, %swap3A_325], %gather3A_299 {strides = array<i32>} : memref<2x32x1024xf32, #tpu.memory_space<vmem>>, vector<16xf32>,
          %gather3A_327 = tpu.memref_slice %arg5[%mul3A_180] : memref<32000xf32, #tpu.memory_space<vmem>> -> memref<1000xf32, #tpu.memory_space<vmem>>
          %gather3A_328 = tpu.vector_load_idx %gather3A_327[%get3A_274] : memref<1000xf32, #tpu.memory_space<vmem>>[vector<16xi32>], vector<16xf32>,
          %swap3A_329 = arith.index_cast %and3A_166 : i32 to index
          %swap3A_330 = arith.index_cast %scan3A_253 : i32 to index
          %swap3A_331 = arith.constant 48 : index
          %swap3A_332 = tpu.vector_load %arg7[%swap3A_329, %swap3A_330, %swap3A_331] {strides = array<i32>} : memref<2x32x1024xf32, #tpu.memory_space<vmem>>, vector<16xf32>,
          tpu.vector_store %arg7[%swap3A_329, %swap3A_330, %swap3A_331], %gather3A_301 {strides = array<i32>} : memref<2x32x1024xf32, #tpu.memory_space<vmem>>, vector<16xf32>,
          %gather3A_333 = tpu.memref_slice %arg5[%mul3A_180] : memref<32000xf32, #tpu.memory_space<vmem>> -> memref<1000xf32, #tpu.memory_space<vmem>>
          %gather3A_334 = tpu.vector_load_idx %gather3A_333[%get3A_279] : memref<1000xf32, #tpu.memory_space<vmem>>[vector<16xi32>], vector<16xf32>,
          %swap3A_335 = arith.index_cast %and3A_166 : i32 to index
          %swap3A_336 = arith.index_cast %scan3A_253 : i32 to index
          %swap3A_337 = arith.constant 64 : index
          %swap3A_338 = tpu.vector_load %arg7[%swap3A_335, %swap3A_336, %swap3A_337] {strides = array<i32>} : memref<2x32x1024xf32, #tpu.memory_space<vmem>>, vector<16xf32>,
          tpu.vector_store %arg7[%swap3A_335, %swap3A_336, %swap3A_337], %gather3A_303 {strides = array<i32>} : memref<2x32x1024xf32, #tpu.memory_space<vmem>>, vector<16xf32>,
          %gather3A_339 = tpu.memref_slice %arg5[%mul3A_180] : memref<32000xf32, #tpu.memory_space<vmem>> -> memref<1000xf32, #tpu.memory_space<vmem>>
          %gather3A_340 = tpu.vector_load_idx %gather3A_339[%get3A_284] : memref<1000xf32, #tpu.memory_space<vmem>>[vector<16xi32>], vector<16xf32>,
          %swap3A_341 = arith.index_cast %and3A_166 : i32 to index
          %swap3A_342 = arith.index_cast %scan3A_253 : i32 to index
          %swap3A_343 = arith.constant 80 : index
          %swap3A_344 = tpu.vector_load %arg7[%swap3A_341, %swap3A_342, %swap3A_343] {strides = array<i32>} : memref<2x32x1024xf32, #tpu.memory_space<vmem>>, vector<16xf32>,
          tpu.vector_store %arg7[%swap3A_341, %swap3A_342, %swap3A_343], %gather3A_305 {strides = array<i32>} : memref<2x32x1024xf32, #tpu.memory_space<vmem>>, vector<16xf32>,
          %gather3A_345 = tpu.memref_slice %arg5[%mul3A_180] : memref<32000xf32, #tpu.memory_space<vmem>> -> memref<1000xf32, #tpu.memory_space<vmem>>
          %gather3A_346 = tpu.vector_load_idx %gather3A_345[%get3A_289] : memref<1000xf32, #tpu.memory_space<vmem>>[vector<16xi32>], vector<16xf32>,
          %swap3A_347 = arith.index_cast %and3A_166 : i32 to index
          %swap3A_348 = arith.index_cast %scan3A_253 : i32 to index
          %swap3A_349 = arith.constant 96 : index
          %swap3A_350 = tpu.vector_load %arg7[%swap3A_347, %swap3A_348, %swap3A_349] {strides = array<i32>} : memref<2x32x1024xf32, #tpu.memory_space<vmem>>, vector<16xf32>,
          tpu.vector_store %arg7[%swap3A_347, %swap3A_348, %swap3A_349], %gather3A_307 {strides = array<i32>} : memref<2x32x1024xf32, #tpu.memory_space<vmem>>, vector<16xf32>,
          %gather3A_351 = tpu.memref_slice %arg5[%mul3A_180] : memref<32000xf32, #tpu.memory_space<vmem>> -> memref<1000xf32, #tpu.memory_space<vmem>>
          %gather3A_352 = tpu.vector_load_idx %gather3A_351[%get3A_294] : memref<1000xf32, #tpu.memory_space<vmem>>[vector<16xi32>], vector<16xf32>,
          %swap3A_353 = arith.index_cast %and3A_166 : i32 to index
          %swap3A_354 = arith.index_cast %scan3A_253 : i32 to index
          %swap3A_355 = arith.constant 112 : index
          %swap3A_356 = tpu.vector_load %arg7[%swap3A_353, %swap3A_354, %swap3A_355] {strides = array<i32>} : memref<2x32x1024xf32, #tpu.memory_space<vmem>>, vector<16xf32>,
          tpu.vector_store %arg7[%swap3A_353, %swap3A_354, %swap3A_355], %gather3A_309 {strides = array<i32>} : memref<2x32x1024xf32, #tpu.memory_space<vmem>>, vector<16xf32>,
          %gather3A_357 = tpu.memref_slice %arg5[%mul3A_187] : memref<32000xf32, #tpu.memory_space<vmem>> -> memref<1000xf32, #tpu.memory_space<vmem>>
          %gather3A_358 = tpu.vector_load_idx %gather3A_357[%get3A_259] : memref<1000xf32, #tpu.memory_space<vmem>>[vector<16xi32>], vector<16xf32>,
          %swap3A_359 = arith.index_cast %and3A_166 : i32 to index
          %swap3A_360 = arith.index_cast %scan3A_253 : i32 to index
          %swap3A_361 = arith.constant 128 : index
          %swap3A_362 = tpu.vector_load %arg7[%swap3A_359, %swap3A_360, %swap3A_361] {strides = array<i32>} : memref<2x32x1024xf32, #tpu.memory_space<vmem>>, vector<16xf32>,
          tpu.vector_store %arg7[%swap3A_359, %swap3A_360, %swap3A_361], %gather3A_311 {strides = array<i32>} : memref<2x32x1024xf32, #tpu.memory_space<vmem>>, vector<16xf32>,
          %gather3A_363 = tpu.memref_slice %arg5[%mul3A_187] : memref<32000xf32, #tpu.memory_space<vmem>> -> memref<1000xf32, #tpu.memory_space<vmem>>
          %gather3A_364 = tpu.vector_load_idx %gather3A_363[%get3A_264] : memref<1000xf32, #tpu.memory_space<vmem>>[vector<16xi32>], vector<16xf32>,
          %swap3A_365 = arith.index_cast %and3A_166 : i32 to index
          %swap3A_366 = arith.index_cast %scan3A_253 : i32 to index
          %swap3A_367 = arith.constant 144 : index
          %swap3A_368 = tpu.vector_load %arg7[%swap3A_365, %swap3A_366, %swap3A_367] {strides = array<i32>} : memref<2x32x1024xf32, #tpu.memory_space<vmem>>, vector<16xf32>,
          tpu.vector_store %arg7[%swap3A_365, %swap3A_366, %swap3A_367], %gather3A_316 {strides = array<i32>} : memref<2x32x1024xf32, #tpu.memory_space<vmem>>, vector<16xf32>,
          %gather3A_369 = tpu.memref_slice %arg5[%mul3A_187] : memref<32000xf32, #tpu.memory_space<vmem>> -> memref<1000xf32, #tpu.memory_space<vmem>>
          %gather3A_370 = tpu.vector_load_idx %gather3A_369[%get3A_269] : memref<1000xf32, #tpu.memory_space<vmem>>[vector<16xi32>], vector<16xf32>,
          %swap3A_371 = arith.index_cast %and3A_166 : i32 to index
          %swap3A_372 = arith.index_cast %scan3A_253 : i32 to index
          %swap3A_373 = arith.constant 160 : index
          %swap3A_374 = tpu.vector_load %arg7[%swap3A_371, %swap3A_372, %swap3A_373] {strides = array<i32>} : memref<2x32x1024xf32, #tpu.memory_space<vmem>>, vector<16xf32>,
          tpu.vector_store %arg7[%swap3A_371, %swap3A_372, %swap3A_373], %gather3A_322 {strides = array<i32>} : memref<2x32x1024xf32, #tpu.memory_space<vmem>>, vector<16xf32>,
          %gather3A_375 = tpu.memref_slice %arg5[%mul3A_187] : memref<32000xf32, #tpu.memory_space<vmem>> -> memref<1000xf32, #tpu.memory_space<vmem>>
          %gather3A_376 = tpu.vector_load_idx %gather3A_375[%get3A_274] : memref<1000xf32, #tpu.memory_space<vmem>>[vector<16xi32>], vector<16xf32>,
          %swap3A_377 = arith.index_cast %and3A_166 : i32 to index
          %swap3A_378 = arith.index_cast %scan3A_253 : i32 to index
          %swap3A_379 = arith.constant 176 : index
          %swap3A_380 = tpu.vector_load %arg7[%swap3A_377, %swap3A_378, %swap3A_379] {strides = array<i32>} : memref<2x32x1024xf32, #tpu.memory_space<vmem>>, vector<16xf32>,
          tpu.vector_store %arg7[%swap3A_377, %swap3A_378, %swap3A_379], %gather3A_328 {strides = array<i32>} : memref<2x32x1024xf32, #tpu.memory_space<vmem>>, vector<16xf32>,
          %gather3A_381 = tpu.memref_slice %arg5[%mul3A_187] : memref<32000xf32, #tpu.memory_space<vmem>> -> memref<1000xf32, #tpu.memory_space<vmem>>
          %gather3A_382 = tpu.vector_load_idx %gather3A_381[%get3A_279] : memref<1000xf32, #tpu.memory_space<vmem>>[vector<16xi32>], vector<16xf32>,
          %swap3A_383 = arith.index_cast %and3A_166 : i32 to index
          %swap3A_384 = arith.index_cast %scan3A_253 : i32 to index
          %swap3A_385 = arith.constant 192 : index
          %swap3A_386 = tpu.vector_load %arg7[%swap3A_383, %swap3A_384, %swap3A_385] {strides = array<i32>} : memref<2x32x1024xf32, #tpu.memory_space<vmem>>, vector<16xf32>,
          tpu.vector_store %arg7[%swap3A_383, %swap3A_384, %swap3A_385], %gather3A_334 {strides = array<i32>} : memref<2x32x1024xf32, #tpu.memory_space<vmem>>, vector<16xf32>,
          %gather3A_387 = tpu.memref_slice %arg5[%mul3A_187] : memref<32000xf32, #tpu.memory_space<vmem>> -> memref<1000xf32, #tpu.memory_space<vmem>>
          %gather3A_388 = tpu.vector_load_idx %gather3A_387[%get3A_284] : memref<1000xf32, #tpu.memory_space<vmem>>[vector<16xi32>], vector<16xf32>,
          %swap3A_389 = arith.index_cast %and3A_166 : i32 to index
          %swap3A_390 = arith.index_cast %scan3A_253 : i32 to index
          %swap3A_391 = arith.constant 208 : index
          %swap3A_392 = tpu.vector_load %arg7[%swap3A_389, %swap3A_390, %swap3A_391] {strides = array<i32>} : memref<2x32x1024xf32, #tpu.memory_space<vmem>>, vector<16xf32>,
          tpu.vector_store %arg7[%swap3A_389, %swap3A_390, %swap3A_391], %gather3A_340 {strides = array<i32>} : memref<2x32x1024xf32, #tpu.memory_space<vmem>>, vector<16xf32>,
          %gather3A_393 = tpu.memref_slice %arg5[%mul3A_187] : memref<32000xf32, #tpu.memory_space<vmem>> -> memref<1000xf32, #tpu.memory_space<vmem>>
          %gather3A_394 = tpu.vector_load_idx %gather3A_393[%get3A_289] : memref<1000xf32, #tpu.memory_space<vmem>>[vector<16xi32>], vector<16xf32>,
          %swap3A_395 = arith.index_cast %and3A_166 : i32 to index
          %swap3A_396 = arith.index_cast %scan3A_253 : i32 to index
          %swap3A_397 = arith.constant 224 : index
          %swap3A_398 = tpu.vector_load %arg7[%swap3A_395, %swap3A_396, %swap3A_397] {strides = array<i32>} : memref<2x32x1024xf32, #tpu.memory_space<vmem>>, vector<16xf32>,
          tpu.vector_store %arg7[%swap3A_395, %swap3A_396, %swap3A_397], %gather3A_346 {strides = array<i32>} : memref<2x32x1024xf32, #tpu.memory_space<vmem>>, vector<16xf32>,
          %gather3A_399 = tpu.memref_slice %arg5[%mul3A_187] : memref<32000xf32, #tpu.memory_space<vmem>> -> memref<1000xf32, #tpu.memory_space<vmem>>
          %gather3A_400 = tpu.vector_load_idx %gather3A_399[%get3A_294] : memref<1000xf32, #tpu.memory_space<vmem>>[vector<16xi32>], vector<16xf32>,
          %swap3A_401 = arith.index_cast %and3A_166 : i32 to index
          %swap3A_402 = arith.index_cast %scan3A_253 : i32 to index
          %swap3A_403 = arith.constant 240 : index
          %swap3A_404 = tpu.vector_load %arg7[%swap3A_401, %swap3A_402, %swap3A_403] {strides = array<i32>} : memref<2x32x1024xf32, #tpu.memory_space<vmem>>, vector<16xf32>,
          tpu.vector_store %arg7[%swap3A_401, %swap3A_402, %swap3A_403], %gather3A_352 {strides = array<i32>} : memref<2x32x1024xf32, #tpu.memory_space<vmem>>, vector<16xf32>,
          %gather3A_405 = tpu.memref_slice %arg5[%mul3A_194] : memref<32000xf32, #tpu.memory_space<vmem>> -> memref<1000xf32, #tpu.memory_space<vmem>>
          %gather3A_406 = tpu.vector_load_idx %gather3A_405[%get3A_259] : memref<1000xf32, #tpu.memory_space<vmem>>[vector<16xi32>], vector<16xf32>,
          %swap3A_407 = arith.index_cast %and3A_166 : i32 to index
          %swap3A_408 = arith.index_cast %scan3A_253 : i32 to index
          %swap3A_409 = arith.constant 256 : index
          %swap3A_410 = tpu.vector_load %arg7[%swap3A_407, %swap3A_408, %swap3A_409] {strides = array<i32>} : memref<2x32x1024xf32, #tpu.memory_space<vmem>>, vector<16xf32>,
          tpu.vector_store %arg7[%swap3A_407, %swap3A_408, %swap3A_409], %gather3A_358 {strides = array<i32>} : memref<2x32x1024xf32, #tpu.memory_space<vmem>>, vector<16xf32>,
          %gather3A_411 = tpu.memref_slice %arg5[%mul3A_194] : memref<32000xf32, #tpu.memory_space<vmem>> -> memref<1000xf32, #tpu.memory_space<vmem>>
          %gather3A_412 = tpu.vector_load_idx %gather3A_411[%get3A_264] : memref<1000xf32, #tpu.memory_space<vmem>>[vector<16xi32>], vector<16xf32>,
          %swap3A_413 = arith.index_cast %and3A_166 : i32 to index
          %swap3A_414 = arith.index_cast %scan3A_253 : i32 to index
          %swap3A_415 = arith.constant 272 : index
          %swap3A_416 = tpu.vector_load %arg7[%swap3A_413, %swap3A_414, %swap3A_415] {strides = array<i32>} : memref<2x32x1024xf32, #tpu.memory_space<vmem>>, vector<16xf32>,
          tpu.vector_store %arg7[%swap3A_413, %swap3A_414, %swap3A_415], %gather3A_364 {strides = array<i32>} : memref<2x32x1024xf32, #tpu.memory_space<vmem>>, vector<16xf32>,
          %gather3A_417 = tpu.memref_slice %arg5[%mul3A_194] : memref<32000xf32, #tpu.memory_space<vmem>> -> memref<1000xf32, #tpu.memory_space<vmem>>
          %gather3A_418 = tpu.vector_load_idx %gather3A_417[%get3A_269] : memref<1000xf32, #tpu.memory_space<vmem>>[vector<16xi32>], vector<16xf32>,
          %swap3A_419 = arith.index_cast %and3A_166 : i32 to index
          %swap3A_420 = arith.index_cast %scan3A_253 : i32 to index
          %swap3A_421 = arith.constant 288 : index
          %swap3A_422 = tpu.vector_load %arg7[%swap3A_419, %swap3A_420, %swap3A_421] {strides = array<i32>} : memref<2x32x1024xf32, #tpu.memory_space<vmem>>, vector<16xf32>,
          tpu.vector_store %arg7[%swap3A_419, %swap3A_420, %swap3A_421], %gather3A_370 {strides = array<i32>} : memref<2x32x1024xf32, #tpu.memory_space<vmem>>, vector<16xf32>,
          %gather3A_423 = tpu.memref_slice %arg5[%mul3A_194] : memref<32000xf32, #tpu.memory_space<vmem>> -> memref<1000xf32, #tpu.memory_space<vmem>>
          %gather3A_424 = tpu.vector_load_idx %gather3A_423[%get3A_274] : memref<1000xf32, #tpu.memory_space<vmem>>[vector<16xi32>], vector<16xf32>,
          %swap3A_425 = arith.index_cast %and3A_166 : i32 to index
          %swap3A_426 = arith.index_cast %scan3A_253 : i32 to index
          %swap3A_427 = arith.constant 304 : index
          %swap3A_428 = tpu.vector_load %arg7[%swap3A_425, %swap3A_426, %swap3A_427] {strides = array<i32>} : memref<2x32x1024xf32, #tpu.memory_space<vmem>>, vector<16xf32>,
          tpu.vector_store %arg7[%swap3A_425, %swap3A_426, %swap3A_427], %gather3A_376 {strides = array<i32>} : memref<2x32x1024xf32, #tpu.memory_space<vmem>>, vector<16xf32>,
          %gather3A_429 = tpu.memref_slice %arg5[%mul3A_194] : memref<32000xf32, #tpu.memory_space<vmem>> -> memref<1000xf32, #tpu.memory_space<vmem>>
          %gather3A_430 = tpu.vector_load_idx %gather3A_429[%get3A_279] : memref<1000xf32, #tpu.memory_space<vmem>>[vector<16xi32>], vector<16xf32>,
          %swap3A_431 = arith.index_cast %and3A_166 : i32 to index
          %swap3A_432 = arith.index_cast %scan3A_253 : i32 to index
          %swap3A_433 = arith.constant 320 : index
          %swap3A_434 = tpu.vector_load %arg7[%swap3A_431, %swap3A_432, %swap3A_433] {strides = array<i32>} : memref<2x32x1024xf32, #tpu.memory_space<vmem>>, vector<16xf32>,
          tpu.vector_store %arg7[%swap3A_431, %swap3A_432, %swap3A_433], %gather3A_382 {strides = array<i32>} : memref<2x32x1024xf32, #tpu.memory_space<vmem>>, vector<16xf32>,
          %gather3A_435 = tpu.memref_slice %arg5[%mul3A_194] : memref<32000xf32, #tpu.memory_space<vmem>> -> memref<1000xf32, #tpu.memory_space<vmem>>
          %gather3A_436 = tpu.vector_load_idx %gather3A_435[%get3A_284] : memref<1000xf32, #tpu.memory_space<vmem>>[vector<16xi32>], vector<16xf32>,
          %swap3A_437 = arith.index_cast %and3A_166 : i32 to index
          %swap3A_438 = arith.index_cast %scan3A_253 : i32 to index
          %swap3A_439 = arith.constant 336 : index
          %swap3A_440 = tpu.vector_load %arg7[%swap3A_437, %swap3A_438, %swap3A_439] {strides = array<i32>} : memref<2x32x1024xf32, #tpu.memory_space<vmem>>, vector<16xf32>,
          tpu.vector_store %arg7[%swap3A_437, %swap3A_438, %swap3A_439], %gather3A_388 {strides = array<i32>} : memref<2x32x1024xf32, #tpu.memory_space<vmem>>, vector<16xf32>,
          %gather3A_441 = tpu.memref_slice %arg5[%mul3A_194] : memref<32000xf32, #tpu.memory_space<vmem>> -> memref<1000xf32, #tpu.memory_space<vmem>>
          %gather3A_442 = tpu.vector_load_idx %gather3A_441[%get3A_289] : memref<1000xf32, #tpu.memory_space<vmem>>[vector<16xi32>], vector<16xf32>,
          %swap3A_443 = arith.index_cast %and3A_166 : i32 to index
          %swap3A_444 = arith.index_cast %scan3A_253 : i32 to index
          %swap3A_445 = arith.constant 352 : index
          %swap3A_446 = tpu.vector_load %arg7[%swap3A_443, %swap3A_444, %swap3A_445] {strides = array<i32>} : memref<2x32x1024xf32, #tpu.memory_space<vmem>>, vector<16xf32>,
          tpu.vector_store %arg7[%swap3A_443, %swap3A_444, %swap3A_445], %gather3A_394 {strides = array<i32>} : memref<2x32x1024xf32, #tpu.memory_space<vmem>>, vector<16xf32>,
          %gather3A_447 = tpu.memref_slice %arg5[%mul3A_194] : memref<32000xf32, #tpu.memory_space<vmem>> -> memref<1000xf32, #tpu.memory_space<vmem>>
          %gather3A_448 = tpu.vector_load_idx %gather3A_447[%get3A_294] : memref<1000xf32, #tpu.memory_space<vmem>>[vector<16xi32>], vector<16xf32>,
          %swap3A_449 = arith.index_cast %and3A_166 : i32 to index
          %swap3A_450 = arith.index_cast %scan3A_253 : i32 to index
          %swap3A_451 = arith.constant 368 : index
          %swap3A_452 = tpu.vector_load %arg7[%swap3A_449, %swap3A_450, %swap3A_451] {strides = array<i32>} : memref<2x32x1024xf32, #tpu.memory_space<vmem>>, vector<16xf32>,
          tpu.vector_store %arg7[%swap3A_449, %swap3A_450, %swap3A_451], %gather3A_400 {strides = array<i32>} : memref<2x32x1024xf32, #tpu.memory_space<vmem>>, vector<16xf32>,
          %gather3A_453 = tpu.memref_slice %arg5[%mul3A_201] : memref<32000xf32, #tpu.memory_space<vmem>> -> memref<1000xf32, #tpu.memory_space<vmem>>
          %gather3A_454 = tpu.vector_load_idx %gather3A_453[%get3A_259] : memref<1000xf32, #tpu.memory_space<vmem>>[vector<16xi32>], vector<16xf32>,
          %swap3A_455 = arith.index_cast %and3A_166 : i32 to index
          %swap3A_456 = arith.index_cast %scan3A_253 : i32 to index
          %swap3A_457 = arith.constant 384 : index
          %swap3A_458 = tpu.vector_load %arg7[%swap3A_455, %swap3A_456, %swap3A_457] {strides = array<i32>} : memref<2x32x1024xf32, #tpu.memory_space<vmem>>, vector<16xf32>,
          tpu.vector_store %arg7[%swap3A_455, %swap3A_456, %swap3A_457], %gather3A_406 {strides = array<i32>} : memref<2x32x1024xf32, #tpu.memory_space<vmem>>, vector<16xf32>,
          %gather3A_459 = tpu.memref_slice %arg5[%mul3A_201] : memref<32000xf32, #tpu.memory_space<vmem>> -> memref<1000xf32, #tpu.memory_space<vmem>>
          %gather3A_460 = tpu.vector_load_idx %gather3A_459[%get3A_264] : memref<1000xf32, #tpu.memory_space<vmem>>[vector<16xi32>], vector<16xf32>,
          %swap3A_461 = arith.index_cast %and3A_166 : i32 to index
          %swap3A_462 = arith.index_cast %scan3A_253 : i32 to index
          %swap3A_463 = arith.constant 400 : index
          %swap3A_464 = tpu.vector_load %arg7[%swap3A_461, %swap3A_462, %swap3A_463] {strides = array<i32>} : memref<2x32x1024xf32, #tpu.memory_space<vmem>>, vector<16xf32>,
          tpu.vector_store %arg7[%swap3A_461, %swap3A_462, %swap3A_463], %gather3A_412 {strides = array<i32>} : memref<2x32x1024xf32, #tpu.memory_space<vmem>>, vector<16xf32>,
          %gather3A_465 = tpu.memref_slice %arg5[%mul3A_201] : memref<32000xf32, #tpu.memory_space<vmem>> -> memref<1000xf32, #tpu.memory_space<vmem>>
          %gather3A_466 = tpu.vector_load_idx %gather3A_465[%get3A_269] : memref<1000xf32, #tpu.memory_space<vmem>>[vector<16xi32>], vector<16xf32>,
          %swap3A_467 = arith.index_cast %and3A_166 : i32 to index
          %swap3A_468 = arith.index_cast %scan3A_253 : i32 to index
          %swap3A_469 = arith.constant 416 : index
          %swap3A_470 = tpu.vector_load %arg7[%swap3A_467, %swap3A_468, %swap3A_469] {strides = array<i32>} : memref<2x32x1024xf32, #tpu.memory_space<vmem>>, vector<16xf32>,
          tpu.vector_store %arg7[%swap3A_467, %swap3A_468, %swap3A_469], %gather3A_418 {strides = array<i32>} : memref<2x32x1024xf32, #tpu.memory_space<vmem>>, vector<16xf32>,
          %gather3A_471 = tpu.memref_slice %arg5[%mul3A_201] : memref<32000xf32, #tpu.memory_space<vmem>> -> memref<1000xf32, #tpu.memory_space<vmem>>
          %gather3A_472 = tpu.vector_load_idx %gather3A_471[%get3A_274] : memref<1000xf32, #tpu.memory_space<vmem>>[vector<16xi32>], vector<16xf32>,
          %swap3A_473 = arith.index_cast %and3A_166 : i32 to index
          %swap3A_474 = arith.index_cast %scan3A_253 : i32 to index
          %swap3A_475 = arith.constant 432 : index
          %swap3A_476 = tpu.vector_load %arg7[%swap3A_473, %swap3A_474, %swap3A_475] {strides = array<i32>} : memref<2x32x1024xf32, #tpu.memory_space<vmem>>, vector<16xf32>,
          tpu.vector_store %arg7[%swap3A_473, %swap3A_474, %swap3A_475], %gather3A_424 {strides = array<i32>} : memref<2x32x1024xf32, #tpu.memory_space<vmem>>, vector<16xf32>,
          %gather3A_477 = tpu.memref_slice %arg5[%mul3A_201] : memref<32000xf32, #tpu.memory_space<vmem>> -> memref<1000xf32, #tpu.memory_space<vmem>>
          %gather3A_478 = tpu.vector_load_idx %gather3A_477[%get3A_279] : memref<1000xf32, #tpu.memory_space<vmem>>[vector<16xi32>], vector<16xf32>,
          %swap3A_479 = arith.index_cast %and3A_166 : i32 to index
          %swap3A_480 = arith.index_cast %scan3A_253 : i32 to index
          %swap3A_481 = arith.constant 448 : index
          %swap3A_482 = tpu.vector_load %arg7[%swap3A_479, %swap3A_480, %swap3A_481] {strides = array<i32>} : memref<2x32x1024xf32, #tpu.memory_space<vmem>>, vector<16xf32>,
          tpu.vector_store %arg7[%swap3A_479, %swap3A_480, %swap3A_481], %gather3A_430 {strides = array<i32>} : memref<2x32x1024xf32, #tpu.memory_space<vmem>>, vector<16xf32>,
          %gather3A_483 = tpu.memref_slice %arg5[%mul3A_201] : memref<32000xf32, #tpu.memory_space<vmem>> -> memref<1000xf32, #tpu.memory_space<vmem>>
          %gather3A_484 = tpu.vector_load_idx %gather3A_483[%get3A_284] : memref<1000xf32, #tpu.memory_space<vmem>>[vector<16xi32>], vector<16xf32>,
          %swap3A_485 = arith.index_cast %and3A_166 : i32 to index
          %swap3A_486 = arith.index_cast %scan3A_253 : i32 to index
          %swap3A_487 = arith.constant 464 : index
          %swap3A_488 = tpu.vector_load %arg7[%swap3A_485, %swap3A_486, %swap3A_487] {strides = array<i32>} : memref<2x32x1024xf32, #tpu.memory_space<vmem>>, vector<16xf32>,
          tpu.vector_store %arg7[%swap3A_485, %swap3A_486, %swap3A_487], %gather3A_436 {strides = array<i32>} : memref<2x32x1024xf32, #tpu.memory_space<vmem>>, vector<16xf32>,
          %gather3A_489 = tpu.memref_slice %arg5[%mul3A_201] : memref<32000xf32, #tpu.memory_space<vmem>> -> memref<1000xf32, #tpu.memory_space<vmem>>
          %gather3A_490 = tpu.vector_load_idx %gather3A_489[%get3A_289] : memref<1000xf32, #tpu.memory_space<vmem>>[vector<16xi32>], vector<16xf32>,
          %swap3A_491 = arith.index_cast %and3A_166 : i32 to index
          %swap3A_492 = arith.index_cast %scan3A_253 : i32 to index
          %swap3A_493 = arith.constant 480 : index
          %swap3A_494 = tpu.vector_load %arg7[%swap3A_491, %swap3A_492, %swap3A_493] {strides = array<i32>} : memref<2x32x1024xf32, #tpu.memory_space<vmem>>, vector<16xf32>,
          tpu.vector_store %arg7[%swap3A_491, %swap3A_492, %swap3A_493], %gather3A_442 {strides = array<i32>} : memref<2x32x1024xf32, #tpu.memory_space<vmem>>, vector<16xf32>,
          %gather3A_495 = tpu.memref_slice %arg5[%mul3A_201] : memref<32000xf32, #tpu.memory_space<vmem>> -> memref<1000xf32, #tpu.memory_space<vmem>>
          %gather3A_496 = tpu.vector_load_idx %gather3A_495[%get3A_294] : memref<1000xf32, #tpu.memory_space<vmem>>[vector<16xi32>], vector<16xf32>,
          %swap3A_497 = arith.index_cast %and3A_166 : i32 to index
          %swap3A_498 = arith.index_cast %scan3A_253 : i32 to index
          %swap3A_499 = arith.constant 496 : index
          %swap3A_500 = tpu.vector_load %arg7[%swap3A_497, %swap3A_498, %swap3A_499] {strides = array<i32>} : memref<2x32x1024xf32, #tpu.memory_space<vmem>>, vector<16xf32>,
          tpu.vector_store %arg7[%swap3A_497, %swap3A_498, %swap3A_499], %gather3A_448 {strides = array<i32>} : memref<2x32x1024xf32, #tpu.memory_space<vmem>>, vector<16xf32>,
          %gather3A_501 = tpu.memref_slice %arg5[%mul3A_208] : memref<32000xf32, #tpu.memory_space<vmem>> -> memref<1000xf32, #tpu.memory_space<vmem>>
          %gather3A_502 = tpu.vector_load_idx %gather3A_501[%get3A_259] : memref<1000xf32, #tpu.memory_space<vmem>>[vector<16xi32>], vector<16xf32>,
          %swap3A_503 = arith.index_cast %and3A_166 : i32 to index
          %swap3A_504 = arith.index_cast %scan3A_253 : i32 to index
          %swap3A_505 = arith.constant 512 : index
          %swap3A_506 = tpu.vector_load %arg7[%swap3A_503, %swap3A_504, %swap3A_505] {strides = array<i32>} : memref<2x32x1024xf32, #tpu.memory_space<vmem>>, vector<16xf32>,
          tpu.vector_store %arg7[%swap3A_503, %swap3A_504, %swap3A_505], %gather3A_454 {strides = array<i32>} : memref<2x32x1024xf32, #tpu.memory_space<vmem>>, vector<16xf32>,
          %gather3A_507 = tpu.memref_slice %arg5[%mul3A_208] : memref<32000xf32, #tpu.memory_space<vmem>> -> memref<1000xf32, #tpu.memory_space<vmem>>
          %gather3A_508 = tpu.vector_load_idx %gather3A_507[%get3A_264] : memref<1000xf32, #tpu.memory_space<vmem>>[vector<16xi32>], vector<16xf32>,
          %swap3A_509 = arith.index_cast %and3A_166 : i32 to index
          %swap3A_510 = arith.index_cast %scan3A_253 : i32 to index
          %swap3A_511 = arith.constant 528 : index
          %swap3A_512 = tpu.vector_load %arg7[%swap3A_509, %swap3A_510, %swap3A_511] {strides = array<i32>} : memref<2x32x1024xf32, #tpu.memory_space<vmem>>, vector<16xf32>,
          tpu.vector_store %arg7[%swap3A_509, %swap3A_510, %swap3A_511], %gather3A_460 {strides = array<i32>} : memref<2x32x1024xf32, #tpu.memory_space<vmem>>, vector<16xf32>,
          %gather3A_513 = tpu.memref_slice %arg5[%mul3A_208] : memref<32000xf32, #tpu.memory_space<vmem>> -> memref<1000xf32, #tpu.memory_space<vmem>>
          %gather3A_514 = tpu.vector_load_idx %gather3A_513[%get3A_269] : memref<1000xf32, #tpu.memory_space<vmem>>[vector<16xi32>], vector<16xf32>,
          %swap3A_515 = arith.index_cast %and3A_166 : i32 to index
          %swap3A_516 = arith.index_cast %scan3A_253 : i32 to index
          %swap3A_517 = arith.constant 544 : index
          %swap3A_518 = tpu.vector_load %arg7[%swap3A_515, %swap3A_516, %swap3A_517] {strides = array<i32>} : memref<2x32x1024xf32, #tpu.memory_space<vmem>>, vector<16xf32>,
          tpu.vector_store %arg7[%swap3A_515, %swap3A_516, %swap3A_517], %gather3A_466 {strides = array<i32>} : memref<2x32x1024xf32, #tpu.memory_space<vmem>>, vector<16xf32>,
          %gather3A_519 = tpu.memref_slice %arg5[%mul3A_208] : memref<32000xf32, #tpu.memory_space<vmem>> -> memref<1000xf32, #tpu.memory_space<vmem>>
          %gather3A_520 = tpu.vector_load_idx %gather3A_519[%get3A_274] : memref<1000xf32, #tpu.memory_space<vmem>>[vector<16xi32>], vector<16xf32>,
          %swap3A_521 = arith.index_cast %and3A_166 : i32 to index
          %swap3A_522 = arith.index_cast %scan3A_253 : i32 to index
          %swap3A_523 = arith.constant 560 : index
          %swap3A_524 = tpu.vector_load %arg7[%swap3A_521, %swap3A_522, %swap3A_523] {strides = array<i32>} : memref<2x32x1024xf32, #tpu.memory_space<vmem>>, vector<16xf32>,
          tpu.vector_store %arg7[%swap3A_521, %swap3A_522, %swap3A_523], %gather3A_472 {strides = array<i32>} : memref<2x32x1024xf32, #tpu.memory_space<vmem>>, vector<16xf32>,
          %gather3A_525 = tpu.memref_slice %arg5[%mul3A_208] : memref<32000xf32, #tpu.memory_space<vmem>> -> memref<1000xf32, #tpu.memory_space<vmem>>
          %gather3A_526 = tpu.vector_load_idx %gather3A_525[%get3A_279] : memref<1000xf32, #tpu.memory_space<vmem>>[vector<16xi32>], vector<16xf32>,
          %swap3A_527 = arith.index_cast %and3A_166 : i32 to index
          %swap3A_528 = arith.index_cast %scan3A_253 : i32 to index
          %swap3A_529 = arith.constant 576 : index
          %swap3A_530 = tpu.vector_load %arg7[%swap3A_527, %swap3A_528, %swap3A_529] {strides = array<i32>} : memref<2x32x1024xf32, #tpu.memory_space<vmem>>, vector<16xf32>,
          tpu.vector_store %arg7[%swap3A_527, %swap3A_528, %swap3A_529], %gather3A_478 {strides = array<i32>} : memref<2x32x1024xf32, #tpu.memory_space<vmem>>, vector<16xf32>,
          %gather3A_531 = tpu.memref_slice %arg5[%mul3A_208] : memref<32000xf32, #tpu.memory_space<vmem>> -> memref<1000xf32, #tpu.memory_space<vmem>>
          %gather3A_532 = tpu.vector_load_idx %gather3A_531[%get3A_284] : memref<1000xf32, #tpu.memory_space<vmem>>[vector<16xi32>], vector<16xf32>,
          %swap3A_533 = arith.index_cast %and3A_166 : i32 to index
          %swap3A_534 = arith.index_cast %scan3A_253 : i32 to index
          %swap3A_535 = arith.constant 592 : index
          %swap3A_536 = tpu.vector_load %arg7[%swap3A_533, %swap3A_534, %swap3A_535] {strides = array<i32>} : memref<2x32x1024xf32, #tpu.memory_space<vmem>>, vector<16xf32>,
          tpu.vector_store %arg7[%swap3A_533, %swap3A_534, %swap3A_535], %gather3A_484 {strides = array<i32>} : memref<2x32x1024xf32, #tpu.memory_space<vmem>>, vector<16xf32>,
          %gather3A_537 = tpu.memref_slice %arg5[%mul3A_208] : memref<32000xf32, #tpu.memory_space<vmem>> -> memref<1000xf32, #tpu.memory_space<vmem>>
          %gather3A_538 = tpu.vector_load_idx %gather3A_537[%get3A_289] : memref<1000xf32, #tpu.memory_space<vmem>>[vector<16xi32>], vector<16xf32>,
          %swap3A_539 = arith.index_cast %and3A_166 : i32 to index
          %swap3A_540 = arith.index_cast %scan3A_253 : i32 to index
          %swap3A_541 = arith.constant 608 : index
          %swap3A_542 = tpu.vector_load %arg7[%swap3A_539, %swap3A_540, %swap3A_541] {strides = array<i32>} : memref<2x32x1024xf32, #tpu.memory_space<vmem>>, vector<16xf32>,
          tpu.vector_store %arg7[%swap3A_539, %swap3A_540, %swap3A_541], %gather3A_490 {strides = array<i32>} : memref<2x32x1024xf32, #tpu.memory_space<vmem>>, vector<16xf32>,
          %gather3A_543 = tpu.memref_slice %arg5[%mul3A_208] : memref<32000xf32, #tpu.memory_space<vmem>> -> memref<1000xf32, #tpu.memory_space<vmem>>
          %gather3A_544 = tpu.vector_load_idx %gather3A_543[%get3A_294] : memref<1000xf32, #tpu.memory_space<vmem>>[vector<16xi32>], vector<16xf32>,
          %swap3A_545 = arith.index_cast %and3A_166 : i32 to index
          %swap3A_546 = arith.index_cast %scan3A_253 : i32 to index
          %swap3A_547 = arith.constant 624 : index
          %swap3A_548 = tpu.vector_load %arg7[%swap3A_545, %swap3A_546, %swap3A_547] {strides = array<i32>} : memref<2x32x1024xf32, #tpu.memory_space<vmem>>, vector<16xf32>,
          tpu.vector_store %arg7[%swap3A_545, %swap3A_546, %swap3A_547], %gather3A_496 {strides = array<i32>} : memref<2x32x1024xf32, #tpu.memory_space<vmem>>, vector<16xf32>,
          %gather3A_549 = tpu.memref_slice %arg5[%mul3A_215] : memref<32000xf32, #tpu.memory_space<vmem>> -> memref<1000xf32, #tpu.memory_space<vmem>>
          %gather3A_550 = tpu.vector_load_idx %gather3A_549[%get3A_259] : memref<1000xf32, #tpu.memory_space<vmem>>[vector<16xi32>], vector<16xf32>,
          %swap3A_551 = arith.index_cast %and3A_166 : i32 to index
          %swap3A_552 = arith.index_cast %scan3A_253 : i32 to index
          %swap3A_553 = arith.constant 640 : index
          %swap3A_554 = tpu.vector_load %arg7[%swap3A_551, %swap3A_552, %swap3A_553] {strides = array<i32>} : memref<2x32x1024xf32, #tpu.memory_space<vmem>>, vector<16xf32>,
          tpu.vector_store %arg7[%swap3A_551, %swap3A_552, %swap3A_553], %gather3A_502 {strides = array<i32>} : memref<2x32x1024xf32, #tpu.memory_space<vmem>>, vector<16xf32>,
          %gather3A_555 = tpu.memref_slice %arg5[%mul3A_215] : memref<32000xf32, #tpu.memory_space<vmem>> -> memref<1000xf32, #tpu.memory_space<vmem>>
          %gather3A_556 = tpu.vector_load_idx %gather3A_555[%get3A_264] : memref<1000xf32, #tpu.memory_space<vmem>>[vector<16xi32>], vector<16xf32>,
          %swap3A_557 = arith.index_cast %and3A_166 : i32 to index
          %swap3A_558 = arith.index_cast %scan3A_253 : i32 to index
          %swap3A_559 = arith.constant 656 : index
          %swap3A_560 = tpu.vector_load %arg7[%swap3A_557, %swap3A_558, %swap3A_559] {strides = array<i32>} : memref<2x32x1024xf32, #tpu.memory_space<vmem>>, vector<16xf32>,
          tpu.vector_store %arg7[%swap3A_557, %swap3A_558, %swap3A_559], %gather3A_508 {strides = array<i32>} : memref<2x32x1024xf32, #tpu.memory_space<vmem>>, vector<16xf32>,
          %gather3A_561 = tpu.memref_slice %arg5[%mul3A_215] : memref<32000xf32, #tpu.memory_space<vmem>> -> memref<1000xf32, #tpu.memory_space<vmem>>
          %gather3A_562 = tpu.vector_load_idx %gather3A_561[%get3A_269] : memref<1000xf32, #tpu.memory_space<vmem>>[vector<16xi32>], vector<16xf32>,
          %swap3A_563 = arith.index_cast %and3A_166 : i32 to index
          %swap3A_564 = arith.index_cast %scan3A_253 : i32 to index
          %swap3A_565 = arith.constant 672 : index
          %swap3A_566 = tpu.vector_load %arg7[%swap3A_563, %swap3A_564, %swap3A_565] {strides = array<i32>} : memref<2x32x1024xf32, #tpu.memory_space<vmem>>, vector<16xf32>,
          tpu.vector_store %arg7[%swap3A_563, %swap3A_564, %swap3A_565], %gather3A_514 {strides = array<i32>} : memref<2x32x1024xf32, #tpu.memory_space<vmem>>, vector<16xf32>,
          %gather3A_567 = tpu.memref_slice %arg5[%mul3A_215] : memref<32000xf32, #tpu.memory_space<vmem>> -> memref<1000xf32, #tpu.memory_space<vmem>>
          %gather3A_568 = tpu.vector_load_idx %gather3A_567[%get3A_274] : memref<1000xf32, #tpu.memory_space<vmem>>[vector<16xi32>], vector<16xf32>,
          %swap3A_569 = arith.index_cast %and3A_166 : i32 to index
          %swap3A_570 = arith.index_cast %scan3A_253 : i32 to index
          %swap3A_571 = arith.constant 688 : index
          %swap3A_572 = tpu.vector_load %arg7[%swap3A_569, %swap3A_570, %swap3A_571] {strides = array<i32>} : memref<2x32x1024xf32, #tpu.memory_space<vmem>>, vector<16xf32>,
          tpu.vector_store %arg7[%swap3A_569, %swap3A_570, %swap3A_571], %gather3A_520 {strides = array<i32>} : memref<2x32x1024xf32, #tpu.memory_space<vmem>>, vector<16xf32>,
          %gather3A_573 = tpu.memref_slice %arg5[%mul3A_215] : memref<32000xf32, #tpu.memory_space<vmem>> -> memref<1000xf32, #tpu.memory_space<vmem>>
          %gather3A_574 = tpu.vector_load_idx %gather3A_573[%get3A_279] : memref<1000xf32, #tpu.memory_space<vmem>>[vector<16xi32>], vector<16xf32>,
          %swap3A_575 = arith.index_cast %and3A_166 : i32 to index
          %swap3A_576 = arith.index_cast %scan3A_253 : i32 to index
          %swap3A_577 = arith.constant 704 : index
          %swap3A_578 = tpu.vector_load %arg7[%swap3A_575, %swap3A_576, %swap3A_577] {strides = array<i32>} : memref<2x32x1024xf32, #tpu.memory_space<vmem>>, vector<16xf32>,
          tpu.vector_store %arg7[%swap3A_575, %swap3A_576, %swap3A_577], %gather3A_526 {strides = array<i32>} : memref<2x32x1024xf32, #tpu.memory_space<vmem>>, vector<16xf32>,
          %gather3A_579 = tpu.memref_slice %arg5[%mul3A_215] : memref<32000xf32, #tpu.memory_space<vmem>> -> memref<1000xf32, #tpu.memory_space<vmem>>
          %gather3A_580 = tpu.vector_load_idx %gather3A_579[%get3A_284] : memref<1000xf32, #tpu.memory_space<vmem>>[vector<16xi32>], vector<16xf32>,
          %swap3A_581 = arith.index_cast %and3A_166 : i32 to index
          %swap3A_582 = arith.index_cast %scan3A_253 : i32 to index
          %swap3A_583 = arith.constant 720 : index
          %swap3A_584 = tpu.vector_load %arg7[%swap3A_581, %swap3A_582, %swap3A_583] {strides = array<i32>} : memref<2x32x1024xf32, #tpu.memory_space<vmem>>, vector<16xf32>,
          tpu.vector_store %arg7[%swap3A_581, %swap3A_582, %swap3A_583], %gather3A_532 {strides = array<i32>} : memref<2x32x1024xf32, #tpu.memory_space<vmem>>, vector<16xf32>,
          %gather3A_585 = tpu.memref_slice %arg5[%mul3A_215] : memref<32000xf32, #tpu.memory_space<vmem>> -> memref<1000xf32, #tpu.memory_space<vmem>>
          %gather3A_586 = tpu.vector_load_idx %gather3A_585[%get3A_289] : memref<1000xf32, #tpu.memory_space<vmem>>[vector<16xi32>], vector<16xf32>,
          %swap3A_587 = arith.index_cast %and3A_166 : i32 to index
          %swap3A_588 = arith.index_cast %scan3A_253 : i32 to index
          %swap3A_589 = arith.constant 736 : index
          %swap3A_590 = tpu.vector_load %arg7[%swap3A_587, %swap3A_588, %swap3A_589] {strides = array<i32>} : memref<2x32x1024xf32, #tpu.memory_space<vmem>>, vector<16xf32>,
          tpu.vector_store %arg7[%swap3A_587, %swap3A_588, %swap3A_589], %gather3A_538 {strides = array<i32>} : memref<2x32x1024xf32, #tpu.memory_space<vmem>>, vector<16xf32>,
          %gather3A_591 = tpu.memref_slice %arg5[%mul3A_215] : memref<32000xf32, #tpu.memory_space<vmem>> -> memref<1000xf32, #tpu.memory_space<vmem>>
          %gather3A_592 = tpu.vector_load_idx %gather3A_591[%get3A_294] : memref<1000xf32, #tpu.memory_space<vmem>>[vector<16xi32>], vector<16xf32>,
          %swap3A_593 = arith.index_cast %and3A_166 : i32 to index
          %swap3A_594 = arith.index_cast %scan3A_253 : i32 to index
          %swap3A_595 = arith.constant 752 : index
          %swap3A_596 = tpu.vector_load %arg7[%swap3A_593, %swap3A_594, %swap3A_595] {strides = array<i32>} : memref<2x32x1024xf32, #tpu.memory_space<vmem>>, vector<16xf32>,
          tpu.vector_store %arg7[%swap3A_593, %swap3A_594, %swap3A_595], %gather3A_544 {strides = array<i32>} : memref<2x32x1024xf32, #tpu.memory_space<vmem>>, vector<16xf32>,
          %gather3A_597 = tpu.memref_slice %arg5[%mul3A_222] : memref<32000xf32, #tpu.memory_space<vmem>> -> memref<1000xf32, #tpu.memory_space<vmem>>
          %gather3A_598 = tpu.vector_load_idx %gather3A_597[%get3A_259] : memref<1000xf32, #tpu.memory_space<vmem>>[vector<16xi32>], vector<16xf32>,
          %swap3A_599 = arith.index_cast %and3A_166 : i32 to index
          %swap3A_600 = arith.index_cast %scan3A_253 : i32 to index
          %swap3A_601 = arith.constant 768 : index
          %swap3A_602 = tpu.vector_load %arg7[%swap3A_599, %swap3A_600, %swap3A_601] {strides = array<i32>} : memref<2x32x1024xf32, #tpu.memory_space<vmem>>, vector<16xf32>,
          tpu.vector_store %arg7[%swap3A_599, %swap3A_600, %swap3A_601], %gather3A_550 {strides = array<i32>} : memref<2x32x1024xf32, #tpu.memory_space<vmem>>, vector<16xf32>,
          %gather3A_603 = tpu.memref_slice %arg5[%mul3A_222] : memref<32000xf32, #tpu.memory_space<vmem>> -> memref<1000xf32, #tpu.memory_space<vmem>>
          %gather3A_604 = tpu.vector_load_idx %gather3A_603[%get3A_264] : memref<1000xf32, #tpu.memory_space<vmem>>[vector<16xi32>], vector<16xf32>,
          %swap3A_605 = arith.index_cast %and3A_166 : i32 to index
          %swap3A_606 = arith.index_cast %scan3A_253 : i32 to index
          %swap3A_607 = arith.constant 784 : index
          %swap3A_608 = tpu.vector_load %arg7[%swap3A_605, %swap3A_606, %swap3A_607] {strides = array<i32>} : memref<2x32x1024xf32, #tpu.memory_space<vmem>>, vector<16xf32>,
          tpu.vector_store %arg7[%swap3A_605, %swap3A_606, %swap3A_607], %gather3A_556 {strides = array<i32>} : memref<2x32x1024xf32, #tpu.memory_space<vmem>>, vector<16xf32>,
          %gather3A_609 = tpu.memref_slice %arg5[%mul3A_222] : memref<32000xf32, #tpu.memory_space<vmem>> -> memref<1000xf32, #tpu.memory_space<vmem>>
          %gather3A_610 = tpu.vector_load_idx %gather3A_609[%get3A_269] : memref<1000xf32, #tpu.memory_space<vmem>>[vector<16xi32>], vector<16xf32>,
          %swap3A_611 = arith.index_cast %and3A_166 : i32 to index
          %swap3A_612 = arith.index_cast %scan3A_253 : i32 to index
          %swap3A_613 = arith.constant 800 : index
          %swap3A_614 = tpu.vector_load %arg7[%swap3A_611, %swap3A_612, %swap3A_613] {strides = array<i32>} : memref<2x32x1024xf32, #tpu.memory_space<vmem>>, vector<16xf32>,
          tpu.vector_store %arg7[%swap3A_611, %swap3A_612, %swap3A_613], %gather3A_562 {strides = array<i32>} : memref<2x32x1024xf32, #tpu.memory_space<vmem>>, vector<16xf32>,
          %gather3A_615 = tpu.memref_slice %arg5[%mul3A_222] : memref<32000xf32, #tpu.memory_space<vmem>> -> memref<1000xf32, #tpu.memory_space<vmem>>
          %gather3A_616 = tpu.vector_load_idx %gather3A_615[%get3A_274] : memref<1000xf32, #tpu.memory_space<vmem>>[vector<16xi32>], vector<16xf32>,
          %swap3A_617 = arith.index_cast %and3A_166 : i32 to index
          %swap3A_618 = arith.index_cast %scan3A_253 : i32 to index
          %swap3A_619 = arith.constant 816 : index
          %swap3A_620 = tpu.vector_load %arg7[%swap3A_617, %swap3A_618, %swap3A_619] {strides = array<i32>} : memref<2x32x1024xf32, #tpu.memory_space<vmem>>, vector<16xf32>,
          tpu.vector_store %arg7[%swap3A_617, %swap3A_618, %swap3A_619], %gather3A_568 {strides = array<i32>} : memref<2x32x1024xf32, #tpu.memory_space<vmem>>, vector<16xf32>,
          %gather3A_621 = tpu.memref_slice %arg5[%mul3A_222] : memref<32000xf32, #tpu.memory_space<vmem>> -> memref<1000xf32, #tpu.memory_space<vmem>>
          %gather3A_622 = tpu.vector_load_idx %gather3A_621[%get3A_279] : memref<1000xf32, #tpu.memory_space<vmem>>[vector<16xi32>], vector<16xf32>,
          %swap3A_623 = arith.index_cast %and3A_166 : i32 to index
          %swap3A_624 = arith.index_cast %scan3A_253 : i32 to index
          %swap3A_625 = arith.constant 832 : index
          %swap3A_626 = tpu.vector_load %arg7[%swap3A_623, %swap3A_624, %swap3A_625] {strides = array<i32>} : memref<2x32x1024xf32, #tpu.memory_space<vmem>>, vector<16xf32>,
          tpu.vector_store %arg7[%swap3A_623, %swap3A_624, %swap3A_625], %gather3A_574 {strides = array<i32>} : memref<2x32x1024xf32, #tpu.memory_space<vmem>>, vector<16xf32>,
          %gather3A_627 = tpu.memref_slice %arg5[%mul3A_222] : memref<32000xf32, #tpu.memory_space<vmem>> -> memref<1000xf32, #tpu.memory_space<vmem>>
          %gather3A_628 = tpu.vector_load_idx %gather3A_627[%get3A_284] : memref<1000xf32, #tpu.memory_space<vmem>>[vector<16xi32>], vector<16xf32>,
          %swap3A_629 = arith.index_cast %and3A_166 : i32 to index
          %swap3A_630 = arith.index_cast %scan3A_253 : i32 to index
          %swap3A_631 = arith.constant 848 : index
          %swap3A_632 = tpu.vector_load %arg7[%swap3A_629, %swap3A_630, %swap3A_631] {strides = array<i32>} : memref<2x32x1024xf32, #tpu.memory_space<vmem>>, vector<16xf32>,
          tpu.vector_store %arg7[%swap3A_629, %swap3A_630, %swap3A_631], %gather3A_580 {strides = array<i32>} : memref<2x32x1024xf32, #tpu.memory_space<vmem>>, vector<16xf32>,
          %gather3A_633 = tpu.memref_slice %arg5[%mul3A_222] : memref<32000xf32, #tpu.memory_space<vmem>> -> memref<1000xf32, #tpu.memory_space<vmem>>
          %gather3A_634 = tpu.vector_load_idx %gather3A_633[%get3A_289] : memref<1000xf32, #tpu.memory_space<vmem>>[vector<16xi32>], vector<16xf32>,
          %swap3A_635 = arith.index_cast %and3A_166 : i32 to index
          %swap3A_636 = arith.index_cast %scan3A_253 : i32 to index
          %swap3A_637 = arith.constant 864 : index
          %swap3A_638 = tpu.vector_load %arg7[%swap3A_635, %swap3A_636, %swap3A_637] {strides = array<i32>} : memref<2x32x1024xf32, #tpu.memory_space<vmem>>, vector<16xf32>,
          tpu.vector_store %arg7[%swap3A_635, %swap3A_636, %swap3A_637], %gather3A_586 {strides = array<i32>} : memref<2x32x1024xf32, #tpu.memory_space<vmem>>, vector<16xf32>,
          %gather3A_639 = tpu.memref_slice %arg5[%mul3A_222] : memref<32000xf32, #tpu.memory_space<vmem>> -> memref<1000xf32, #tpu.memory_space<vmem>>
          %gather3A_640 = tpu.vector_load_idx %gather3A_639[%get3A_294] : memref<1000xf32, #tpu.memory_space<vmem>>[vector<16xi32>], vector<16xf32>,
          %swap3A_641 = arith.index_cast %and3A_166 : i32 to index
          %swap3A_642 = arith.index_cast %scan3A_253 : i32 to index
          %swap3A_643 = arith.constant 880 : index
          %swap3A_644 = tpu.vector_load %arg7[%swap3A_641, %swap3A_642, %swap3A_643] {strides = array<i32>} : memref<2x32x1024xf32, #tpu.memory_space<vmem>>, vector<16xf32>,
          tpu.vector_store %arg7[%swap3A_641, %swap3A_642, %swap3A_643], %gather3A_592 {strides = array<i32>} : memref<2x32x1024xf32, #tpu.memory_space<vmem>>, vector<16xf32>,
          %swap3A_645 = arith.index_cast %and3A_166 : i32 to index
          %swap3A_646 = arith.index_cast %scan3A_253 : i32 to index
          %swap3A_647 = arith.constant 896 : index
          %swap3A_648 = tpu.vector_load %arg7[%swap3A_645, %swap3A_646, %swap3A_647] {strides = array<i32>} : memref<2x32x1024xf32, #tpu.memory_space<vmem>>, vector<16xf32>,
          tpu.vector_store %arg7[%swap3A_645, %swap3A_646, %swap3A_647], %gather3A_598 {strides = array<i32>} : memref<2x32x1024xf32, #tpu.memory_space<vmem>>, vector<16xf32>,
          %swap3A_649 = arith.index_cast %and3A_166 : i32 to index
          %swap3A_650 = arith.index_cast %scan3A_253 : i32 to index
          %swap3A_651 = arith.constant 912 : index
          %swap3A_652 = tpu.vector_load %arg7[%swap3A_649, %swap3A_650, %swap3A_651] {strides = array<i32>} : memref<2x32x1024xf32, #tpu.memory_space<vmem>>, vector<16xf32>,
          tpu.vector_store %arg7[%swap3A_649, %swap3A_650, %swap3A_651], %gather3A_604 {strides = array<i32>} : memref<2x32x1024xf32, #tpu.memory_space<vmem>>, vector<16xf32>,
          %swap3A_653 = arith.index_cast %and3A_166 : i32 to index
          %swap3A_654 = arith.index_cast %scan3A_253 : i32 to index
          %swap3A_655 = arith.constant 928 : index
          %swap3A_656 = tpu.vector_load %arg7[%swap3A_653, %swap3A_654, %swap3A_655] {strides = array<i32>} : memref<2x32x1024xf32, #tpu.memory_space<vmem>>, vector<16xf32>,
          tpu.vector_store %arg7[%swap3A_653, %swap3A_654, %swap3A_655], %gather3A_610 {strides = array<i32>} : memref<2x32x1024xf32, #tpu.memory_space<vmem>>, vector<16xf32>,
          %swap3A_657 = arith.index_cast %and3A_166 : i32 to index
          %swap3A_658 = arith.index_cast %scan3A_253 : i32 to index
          %swap3A_659 = arith.constant 944 : index
          %swap3A_660 = tpu.vector_load %arg7[%swap3A_657, %swap3A_658, %swap3A_659] {strides = array<i32>} : memref<2x32x1024xf32, #tpu.memory_space<vmem>>, vector<16xf32>,
          tpu.vector_store %arg7[%swap3A_657, %swap3A_658, %swap3A_659], %gather3A_616 {strides = array<i32>} : memref<2x32x1024xf32, #tpu.memory_space<vmem>>, vector<16xf32>,
          %swap3A_661 = arith.index_cast %and3A_166 : i32 to index
          %swap3A_662 = arith.index_cast %scan3A_253 : i32 to index
          %swap3A_663 = arith.constant 960 : index
          %swap3A_664 = tpu.vector_load %arg7[%swap3A_661, %swap3A_662, %swap3A_663] {strides = array<i32>} : memref<2x32x1024xf32, #tpu.memory_space<vmem>>, vector<16xf32>,
          tpu.vector_store %arg7[%swap3A_661, %swap3A_662, %swap3A_663], %gather3A_622 {strides = array<i32>} : memref<2x32x1024xf32, #tpu.memory_space<vmem>>, vector<16xf32>,
          %swap3A_665 = arith.index_cast %and3A_166 : i32 to index
          %swap3A_666 = arith.index_cast %scan3A_253 : i32 to index
          %swap3A_667 = arith.constant 976 : index
          %swap3A_668 = tpu.vector_load %arg7[%swap3A_665, %swap3A_666, %swap3A_667] {strides = array<i32>} : memref<2x32x1024xf32, #tpu.memory_space<vmem>>, vector<16xf32>,
          tpu.vector_store %arg7[%swap3A_665, %swap3A_666, %swap3A_667], %gather3A_628 {strides = array<i32>} : memref<2x32x1024xf32, #tpu.memory_space<vmem>>, vector<16xf32>,
          %swap3A_669 = arith.index_cast %and3A_166 : i32 to index
          %swap3A_670 = arith.index_cast %scan3A_253 : i32 to index
          %swap3A_671 = arith.constant 992 : index
          %swap3A_672 = tpu.vector_load %arg7[%swap3A_669, %swap3A_670, %swap3A_671] {strides = array<i32>} : memref<2x32x1024xf32, #tpu.memory_space<vmem>>, vector<16xf32>,
          tpu.vector_store %arg7[%swap3A_669, %swap3A_670, %swap3A_671], %gather3A_634 {strides = array<i32>} : memref<2x32x1024xf32, #tpu.memory_space<vmem>>, vector<16xf32>,
          %swap3A_673 = arith.index_cast %and3A_166 : i32 to index
          %swap3A_674 = arith.index_cast %scan3A_253 : i32 to index
          %swap3A_675 = arith.constant 1008 : index
          %swap3A_676 = tpu.vector_load %arg7[%swap3A_673, %swap3A_674, %swap3A_675] {strides = array<i32>} : memref<2x32x1024xf32, #tpu.memory_space<vmem>>, vector<16xf32>,
          tpu.vector_store %arg7[%swap3A_673, %swap3A_674, %swap3A_675], %gather3A_640 {strides = array<i32>} : memref<2x32x1024xf32, #tpu.memory_space<vmem>>, vector<16xf32>,
          %scan3A_677 = arith.constant 1 : i32
          %scan3A_678 = arith.addi %scan3A_253, %scan3A_677 : i32
          %mul3A_679 = arith.constant 128 : i32
          %mul3A_680 = arith.muli %scan3A_678, %mul3A_679 : i32
          %add3A_681 = arith.constant 0 : i32
          %add3A_682 = arith.addi %mul3A_680, %add3A_681 : i32
          %get3A_683 = arith.index_cast %and3A_226 : i32 to index
          %get3A_684 = arith.index_cast %add3A_682 : i32 to index
          %get3A_685 = tpu.vector_load %arg6[%get3A_683, %get3A_684] {strides = array<i32>} : memref<2x4096xi32, #tpu.memory_space<vmem>>, vector<16xi32>,
          %add3A_686 = arith.constant 16 : i32
          %add3A_687 = arith.addi %mul3A_680, %add3A_686 : i32
          %get3A_688 = arith.index_cast %and3A_226 : i32 to index
          %get3A_689 = arith.index_cast %add3A_687 : i32 to index
          %get3A_690 = tpu.vector_load %arg6[%get3A_688, %get3A_689] {strides = array<i32>} : memref<2x4096xi32, #tpu.memory_space<vmem>>, vector<16xi32>,
          %add3A_691 = arith.constant 32 : i32
          %add3A_692 = arith.addi %mul3A_680, %add3A_691 : i32
          %get3A_693 = arith.index_cast %and3A_226 : i32 to index
          %get3A_694 = arith.index_cast %add3A_692 : i32 to index
          %get3A_695 = tpu.vector_load %arg6[%get3A_693, %get3A_694] {strides = array<i32>} : memref<2x4096xi32, #tpu.memory_space<vmem>>, vector<16xi32>,
          %add3A_696 = arith.constant 48 : i32
          %add3A_697 = arith.addi %mul3A_680, %add3A_696 : i32
          %get3A_698 = arith.index_cast %and3A_226 : i32 to index
          %get3A_699 = arith.index_cast %add3A_697 : i32 to index
          %get3A_700 = tpu.vector_load %arg6[%get3A_698, %get3A_699] {strides = array<i32>} : memref<2x4096xi32, #tpu.memory_space<vmem>>, vector<16xi32>,
          %add3A_701 = arith.constant 64 : i32
          %add3A_702 = arith.addi %mul3A_680, %add3A_701 : i32
          %get3A_703 = arith.index_cast %and3A_226 : i32 to index
          %get3A_704 = arith.index_cast %add3A_702 : i32 to index
          %get3A_705 = tpu.vector_load %arg6[%get3A_703, %get3A_704] {strides = array<i32>} : memref<2x4096xi32, #tpu.memory_space<vmem>>, vector<16xi32>,
          %add3A_706 = arith.constant 80 : i32
          %add3A_707 = arith.addi %mul3A_680, %add3A_706 : i32
          %get3A_708 = arith.index_cast %and3A_226 : i32 to index
          %get3A_709 = arith.index_cast %add3A_707 : i32 to index
          %get3A_710 = tpu.vector_load %arg6[%get3A_708, %get3A_709] {strides = array<i32>} : memref<2x4096xi32, #tpu.memory_space<vmem>>, vector<16xi32>,
          %add3A_711 = arith.constant 96 : i32
          %add3A_712 = arith.addi %mul3A_680, %add3A_711 : i32
          %get3A_713 = arith.index_cast %and3A_226 : i32 to index
          %get3A_714 = arith.index_cast %add3A_712 : i32 to index
          %get3A_715 = tpu.vector_load %arg6[%get3A_713, %get3A_714] {strides = array<i32>} : memref<2x4096xi32, #tpu.memory_space<vmem>>, vector<16xi32>,
          %add3A_716 = arith.constant 112 : i32
          %add3A_717 = arith.addi %mul3A_680, %add3A_716 : i32
          %get3A_718 = arith.index_cast %and3A_226 : i32 to index
          %get3A_719 = arith.index_cast %add3A_717 : i32 to index
          %get3A_720 = tpu.vector_load %arg6[%get3A_718, %get3A_719] {strides = array<i32>} : memref<2x4096xi32, #tpu.memory_space<vmem>>, vector<16xi32>,
          %gather3A_721 = tpu.memref_slice %arg5[%mul3A_173] : memref<32000xf32, #tpu.memory_space<vmem>> -> memref<1000xf32, #tpu.memory_space<vmem>>
          %gather3A_722 = tpu.vector_load_idx %gather3A_721[%get3A_685] : memref<1000xf32, #tpu.memory_space<vmem>>[vector<16xi32>], vector<16xf32>,
          %gather3A_723 = tpu.memref_slice %arg5[%mul3A_173] : memref<32000xf32, #tpu.memory_space<vmem>> -> memref<1000xf32, #tpu.memory_space<vmem>>
          %gather3A_724 = tpu.vector_load_idx %gather3A_723[%get3A_690] : memref<1000xf32, #tpu.memory_space<vmem>>[vector<16xi32>], vector<16xf32>,
          %gather3A_725 = tpu.memref_slice %arg5[%mul3A_173] : memref<32000xf32, #tpu.memory_space<vmem>> -> memref<1000xf32, #tpu.memory_space<vmem>>
          %gather3A_726 = tpu.vector_load_idx %gather3A_725[%get3A_695] : memref<1000xf32, #tpu.memory_space<vmem>>[vector<16xi32>], vector<16xf32>,
          %gather3A_727 = tpu.memref_slice %arg5[%mul3A_173] : memref<32000xf32, #tpu.memory_space<vmem>> -> memref<1000xf32, #tpu.memory_space<vmem>>
          %gather3A_728 = tpu.vector_load_idx %gather3A_727[%get3A_700] : memref<1000xf32, #tpu.memory_space<vmem>>[vector<16xi32>], vector<16xf32>,
          %gather3A_729 = tpu.memref_slice %arg5[%mul3A_173] : memref<32000xf32, #tpu.memory_space<vmem>> -> memref<1000xf32, #tpu.memory_space<vmem>>
          %gather3A_730 = tpu.vector_load_idx %gather3A_729[%get3A_705] : memref<1000xf32, #tpu.memory_space<vmem>>[vector<16xi32>], vector<16xf32>,
          %gather3A_731 = tpu.memref_slice %arg5[%mul3A_173] : memref<32000xf32, #tpu.memory_space<vmem>> -> memref<1000xf32, #tpu.memory_space<vmem>>
          %gather3A_732 = tpu.vector_load_idx %gather3A_731[%get3A_710] : memref<1000xf32, #tpu.memory_space<vmem>>[vector<16xi32>], vector<16xf32>,
          %gather3A_733 = tpu.memref_slice %arg5[%mul3A_173] : memref<32000xf32, #tpu.memory_space<vmem>> -> memref<1000xf32, #tpu.memory_space<vmem>>
          %gather3A_734 = tpu.vector_load_idx %gather3A_733[%get3A_715] : memref<1000xf32, #tpu.memory_space<vmem>>[vector<16xi32>], vector<16xf32>,
          %gather3A_735 = tpu.memref_slice %arg5[%mul3A_173] : memref<32000xf32, #tpu.memory_space<vmem>> -> memref<1000xf32, #tpu.memory_space<vmem>>
          %gather3A_736 = tpu.vector_load_idx %gather3A_735[%get3A_720] : memref<1000xf32, #tpu.memory_space<vmem>>[vector<16xi32>], vector<16xf32>,
          %gather3A_737 = tpu.memref_slice %arg5[%mul3A_180] : memref<32000xf32, #tpu.memory_space<vmem>> -> memref<1000xf32, #tpu.memory_space<vmem>>
          %gather3A_738 = tpu.vector_load_idx %gather3A_737[%get3A_685] : memref<1000xf32, #tpu.memory_space<vmem>>[vector<16xi32>], vector<16xf32>,
          %swap3A_739 = arith.index_cast %and3A_166 : i32 to index
          %swap3A_740 = arith.index_cast %scan3A_678 : i32 to index
          %swap3A_741 = arith.constant 0 : index
          %swap3A_742 = tpu.vector_load %arg7[%swap3A_739, %swap3A_740, %swap3A_741] {strides = array<i32>} : memref<2x32x1024xf32, #tpu.memory_space<vmem>>, vector<16xf32>,
          tpu.vector_store %arg7[%swap3A_739, %swap3A_740, %swap3A_741], %gather3A_722 {strides = array<i32>} : memref<2x32x1024xf32, #tpu.memory_space<vmem>>, vector<16xf32>,
          %gather3A_743 = tpu.memref_slice %arg5[%mul3A_180] : memref<32000xf32, #tpu.memory_space<vmem>> -> memref<1000xf32, #tpu.memory_space<vmem>>
          %gather3A_744 = tpu.vector_load_idx %gather3A_743[%get3A_690] : memref<1000xf32, #tpu.memory_space<vmem>>[vector<16xi32>], vector<16xf32>,
          %swap3A_745 = arith.index_cast %and3A_166 : i32 to index
          %swap3A_746 = arith.index_cast %scan3A_678 : i32 to index
          %swap3A_747 = arith.constant 16 : index
          %swap3A_748 = tpu.vector_load %arg7[%swap3A_745, %swap3A_746, %swap3A_747] {strides = array<i32>} : memref<2x32x1024xf32, #tpu.memory_space<vmem>>, vector<16xf32>,
          tpu.vector_store %arg7[%swap3A_745, %swap3A_746, %swap3A_747], %gather3A_724 {strides = array<i32>} : memref<2x32x1024xf32, #tpu.memory_space<vmem>>, vector<16xf32>,
          %gather3A_749 = tpu.memref_slice %arg5[%mul3A_180] : memref<32000xf32, #tpu.memory_space<vmem>> -> memref<1000xf32, #tpu.memory_space<vmem>>
          %gather3A_750 = tpu.vector_load_idx %gather3A_749[%get3A_695] : memref<1000xf32, #tpu.memory_space<vmem>>[vector<16xi32>], vector<16xf32>,
          %swap3A_751 = arith.index_cast %and3A_166 : i32 to index
          %swap3A_752 = arith.index_cast %scan3A_678 : i32 to index
          %swap3A_753 = arith.constant 32 : index
          %swap3A_754 = tpu.vector_load %arg7[%swap3A_751, %swap3A_752, %swap3A_753] {strides = array<i32>} : memref<2x32x1024xf32, #tpu.memory_space<vmem>>, vector<16xf32>,
          tpu.vector_store %arg7[%swap3A_751, %swap3A_752, %swap3A_753], %gather3A_726 {strides = array<i32>} : memref<2x32x1024xf32, #tpu.memory_space<vmem>>, vector<16xf32>,
          %gather3A_755 = tpu.memref_slice %arg5[%mul3A_180] : memref<32000xf32, #tpu.memory_space<vmem>> -> memref<1000xf32, #tpu.memory_space<vmem>>
          %gather3A_756 = tpu.vector_load_idx %gather3A_755[%get3A_700] : memref<1000xf32, #tpu.memory_space<vmem>>[vector<16xi32>], vector<16xf32>,
          %swap3A_757 = arith.index_cast %and3A_166 : i32 to index
          %swap3A_758 = arith.index_cast %scan3A_678 : i32 to index
          %swap3A_759 = arith.constant 48 : index
          %swap3A_760 = tpu.vector_load %arg7[%swap3A_757, %swap3A_758, %swap3A_759] {strides = array<i32>} : memref<2x32x1024xf32, #tpu.memory_space<vmem>>, vector<16xf32>,
          tpu.vector_store %arg7[%swap3A_757, %swap3A_758, %swap3A_759], %gather3A_728 {strides = array<i32>} : memref<2x32x1024xf32, #tpu.memory_space<vmem>>, vector<16xf32>,
          %gather3A_761 = tpu.memref_slice %arg5[%mul3A_180] : memref<32000xf32, #tpu.memory_space<vmem>> -> memref<1000xf32, #tpu.memory_space<vmem>>
          %gather3A_762 = tpu.vector_load_idx %gather3A_761[%get3A_705] : memref<1000xf32, #tpu.memory_space<vmem>>[vector<16xi32>], vector<16xf32>,
          %swap3A_763 = arith.index_cast %and3A_166 : i32 to index
          %swap3A_764 = arith.index_cast %scan3A_678 : i32 to index
          %swap3A_765 = arith.constant 64 : index
          %swap3A_766 = tpu.vector_load %arg7[%swap3A_763, %swap3A_764, %swap3A_765] {strides = array<i32>} : memref<2x32x1024xf32, #tpu.memory_space<vmem>>, vector<16xf32>,
          tpu.vector_store %arg7[%swap3A_763, %swap3A_764, %swap3A_765], %gather3A_730 {strides = array<i32>} : memref<2x32x1024xf32, #tpu.memory_space<vmem>>, vector<16xf32>,
          %gather3A_767 = tpu.memref_slice %arg5[%mul3A_180] : memref<32000xf32, #tpu.memory_space<vmem>> -> memref<1000xf32, #tpu.memory_space<vmem>>
          %gather3A_768 = tpu.vector_load_idx %gather3A_767[%get3A_710] : memref<1000xf32, #tpu.memory_space<vmem>>[vector<16xi32>], vector<16xf32>,
          %swap3A_769 = arith.index_cast %and3A_166 : i32 to index
          %swap3A_770 = arith.index_cast %scan3A_678 : i32 to index
          %swap3A_771 = arith.constant 80 : index
          %swap3A_772 = tpu.vector_load %arg7[%swap3A_769, %swap3A_770, %swap3A_771] {strides = array<i32>} : memref<2x32x1024xf32, #tpu.memory_space<vmem>>, vector<16xf32>,
          tpu.vector_store %arg7[%swap3A_769, %swap3A_770, %swap3A_771], %gather3A_732 {strides = array<i32>} : memref<2x32x1024xf32, #tpu.memory_space<vmem>>, vector<16xf32>,
          %gather3A_773 = tpu.memref_slice %arg5[%mul3A_180] : memref<32000xf32, #tpu.memory_space<vmem>> -> memref<1000xf32, #tpu.memory_space<vmem>>
          %gather3A_774 = tpu.vector_load_idx %gather3A_773[%get3A_715] : memref<1000xf32, #tpu.memory_space<vmem>>[vector<16xi32>], vector<16xf32>,
          %swap3A_775 = arith.index_cast %and3A_166 : i32 to index
          %swap3A_776 = arith.index_cast %scan3A_678 : i32 to index
          %swap3A_777 = arith.constant 96 : index
          %swap3A_778 = tpu.vector_load %arg7[%swap3A_775, %swap3A_776, %swap3A_777] {strides = array<i32>} : memref<2x32x1024xf32, #tpu.memory_space<vmem>>, vector<16xf32>,
          tpu.vector_store %arg7[%swap3A_775, %swap3A_776, %swap3A_777], %gather3A_734 {strides = array<i32>} : memref<2x32x1024xf32, #tpu.memory_space<vmem>>, vector<16xf32>,
          %gather3A_779 = tpu.memref_slice %arg5[%mul3A_180] : memref<32000xf32, #tpu.memory_space<vmem>> -> memref<1000xf32, #tpu.memory_space<vmem>>
          %gather3A_780 = tpu.vector_load_idx %gather3A_779[%get3A_720] : memref<1000xf32, #tpu.memory_space<vmem>>[vector<16xi32>], vector<16xf32>,
          %swap3A_781 = arith.index_cast %and3A_166 : i32 to index
          %swap3A_782 = arith.index_cast %scan3A_678 : i32 to index
          %swap3A_783 = arith.constant 112 : index
          %swap3A_784 = tpu.vector_load %arg7[%swap3A_781, %swap3A_782, %swap3A_783] {strides = array<i32>} : memref<2x32x1024xf32, #tpu.memory_space<vmem>>, vector<16xf32>,
          tpu.vector_store %arg7[%swap3A_781, %swap3A_782, %swap3A_783], %gather3A_736 {strides = array<i32>} : memref<2x32x1024xf32, #tpu.memory_space<vmem>>, vector<16xf32>,
          %gather3A_785 = tpu.memref_slice %arg5[%mul3A_187] : memref<32000xf32, #tpu.memory_space<vmem>> -> memref<1000xf32, #tpu.memory_space<vmem>>
          %gather3A_786 = tpu.vector_load_idx %gather3A_785[%get3A_685] : memref<1000xf32, #tpu.memory_space<vmem>>[vector<16xi32>], vector<16xf32>,
          %swap3A_787 = arith.index_cast %and3A_166 : i32 to index
          %swap3A_788 = arith.index_cast %scan3A_678 : i32 to index
          %swap3A_789 = arith.constant 128 : index
          %swap3A_790 = tpu.vector_load %arg7[%swap3A_787, %swap3A_788, %swap3A_789] {strides = array<i32>} : memref<2x32x1024xf32, #tpu.memory_space<vmem>>, vector<16xf32>,
          tpu.vector_store %arg7[%swap3A_787, %swap3A_788, %swap3A_789], %gather3A_738 {strides = array<i32>} : memref<2x32x1024xf32, #tpu.memory_space<vmem>>, vector<16xf32>,
          %gather3A_791 = tpu.memref_slice %arg5[%mul3A_187] : memref<32000xf32, #tpu.memory_space<vmem>> -> memref<1000xf32, #tpu.memory_space<vmem>>
          %gather3A_792 = tpu.vector_load_idx %gather3A_791[%get3A_690] : memref<1000xf32, #tpu.memory_space<vmem>>[vector<16xi32>], vector<16xf32>,
          %swap3A_793 = arith.index_cast %and3A_166 : i32 to index
          %swap3A_794 = arith.index_cast %scan3A_678 : i32 to index
          %swap3A_795 = arith.constant 144 : index
          %swap3A_796 = tpu.vector_load %arg7[%swap3A_793, %swap3A_794, %swap3A_795] {strides = array<i32>} : memref<2x32x1024xf32, #tpu.memory_space<vmem>>, vector<16xf32>,
          tpu.vector_store %arg7[%swap3A_793, %swap3A_794, %swap3A_795], %gather3A_744 {strides = array<i32>} : memref<2x32x1024xf32, #tpu.memory_space<vmem>>, vector<16xf32>,
          %gather3A_797 = tpu.memref_slice %arg5[%mul3A_187] : memref<32000xf32, #tpu.memory_space<vmem>> -> memref<1000xf32, #tpu.memory_space<vmem>>
          %gather3A_798 = tpu.vector_load_idx %gather3A_797[%get3A_695] : memref<1000xf32, #tpu.memory_space<vmem>>[vector<16xi32>], vector<16xf32>,
          %swap3A_799 = arith.index_cast %and3A_166 : i32 to index
          %swap3A_800 = arith.index_cast %scan3A_678 : i32 to index
          %swap3A_801 = arith.constant 160 : index
          %swap3A_802 = tpu.vector_load %arg7[%swap3A_799, %swap3A_800, %swap3A_801] {strides = array<i32>} : memref<2x32x1024xf32, #tpu.memory_space<vmem>>, vector<16xf32>,
          tpu.vector_store %arg7[%swap3A_799, %swap3A_800, %swap3A_801], %gather3A_750 {strides = array<i32>} : memref<2x32x1024xf32, #tpu.memory_space<vmem>>, vector<16xf32>,
          %gather3A_803 = tpu.memref_slice %arg5[%mul3A_187] : memref<32000xf32, #tpu.memory_space<vmem>> -> memref<1000xf32, #tpu.memory_space<vmem>>
          %gather3A_804 = tpu.vector_load_idx %gather3A_803[%get3A_700] : memref<1000xf32, #tpu.memory_space<vmem>>[vector<16xi32>], vector<16xf32>,
          %swap3A_805 = arith.index_cast %and3A_166 : i32 to index
          %swap3A_806 = arith.index_cast %scan3A_678 : i32 to index
          %swap3A_807 = arith.constant 176 : index
          %swap3A_808 = tpu.vector_load %arg7[%swap3A_805, %swap3A_806, %swap3A_807] {strides = array<i32>} : memref<2x32x1024xf32, #tpu.memory_space<vmem>>, vector<16xf32>,
          tpu.vector_store %arg7[%swap3A_805, %swap3A_806, %swap3A_807], %gather3A_756 {strides = array<i32>} : memref<2x32x1024xf32, #tpu.memory_space<vmem>>, vector<16xf32>,
          %gather3A_809 = tpu.memref_slice %arg5[%mul3A_187] : memref<32000xf32, #tpu.memory_space<vmem>> -> memref<1000xf32, #tpu.memory_space<vmem>>
          %gather3A_810 = tpu.vector_load_idx %gather3A_809[%get3A_705] : memref<1000xf32, #tpu.memory_space<vmem>>[vector<16xi32>], vector<16xf32>,
          %swap3A_811 = arith.index_cast %and3A_166 : i32 to index
          %swap3A_812 = arith.index_cast %scan3A_678 : i32 to index
          %swap3A_813 = arith.constant 192 : index
          %swap3A_814 = tpu.vector_load %arg7[%swap3A_811, %swap3A_812, %swap3A_813] {strides = array<i32>} : memref<2x32x1024xf32, #tpu.memory_space<vmem>>, vector<16xf32>,
          tpu.vector_store %arg7[%swap3A_811, %swap3A_812, %swap3A_813], %gather3A_762 {strides = array<i32>} : memref<2x32x1024xf32, #tpu.memory_space<vmem>>, vector<16xf32>,
          %gather3A_815 = tpu.memref_slice %arg5[%mul3A_187] : memref<32000xf32, #tpu.memory_space<vmem>> -> memref<1000xf32, #tpu.memory_space<vmem>>
          %gather3A_816 = tpu.vector_load_idx %gather3A_815[%get3A_710] : memref<1000xf32, #tpu.memory_space<vmem>>[vector<16xi32>], vector<16xf32>,
          %swap3A_817 = arith.index_cast %and3A_166 : i32 to index
          %swap3A_818 = arith.index_cast %scan3A_678 : i32 to index
          %swap3A_819 = arith.constant 208 : index
          %swap3A_820 = tpu.vector_load %arg7[%swap3A_817, %swap3A_818, %swap3A_819] {strides = array<i32>} : memref<2x32x1024xf32, #tpu.memory_space<vmem>>, vector<16xf32>,
          tpu.vector_store %arg7[%swap3A_817, %swap3A_818, %swap3A_819], %gather3A_768 {strides = array<i32>} : memref<2x32x1024xf32, #tpu.memory_space<vmem>>, vector<16xf32>,
          %gather3A_821 = tpu.memref_slice %arg5[%mul3A_187] : memref<32000xf32, #tpu.memory_space<vmem>> -> memref<1000xf32, #tpu.memory_space<vmem>>
          %gather3A_822 = tpu.vector_load_idx %gather3A_821[%get3A_715] : memref<1000xf32, #tpu.memory_space<vmem>>[vector<16xi32>], vector<16xf32>,
          %swap3A_823 = arith.index_cast %and3A_166 : i32 to index
          %swap3A_824 = arith.index_cast %scan3A_678 : i32 to index
          %swap3A_825 = arith.constant 224 : index
          %swap3A_826 = tpu.vector_load %arg7[%swap3A_823, %swap3A_824, %swap3A_825] {strides = array<i32>} : memref<2x32x1024xf32, #tpu.memory_space<vmem>>, vector<16xf32>,
          tpu.vector_store %arg7[%swap3A_823, %swap3A_824, %swap3A_825], %gather3A_774 {strides = array<i32>} : memref<2x32x1024xf32, #tpu.memory_space<vmem>>, vector<16xf32>,
          %gather3A_827 = tpu.memref_slice %arg5[%mul3A_187] : memref<32000xf32, #tpu.memory_space<vmem>> -> memref<1000xf32, #tpu.memory_space<vmem>>
          %gather3A_828 = tpu.vector_load_idx %gather3A_827[%get3A_720] : memref<1000xf32, #tpu.memory_space<vmem>>[vector<16xi32>], vector<16xf32>,
          %swap3A_829 = arith.index_cast %and3A_166 : i32 to index
          %swap3A_830 = arith.index_cast %scan3A_678 : i32 to index
          %swap3A_831 = arith.constant 240 : index
          %swap3A_832 = tpu.vector_load %arg7[%swap3A_829, %swap3A_830, %swap3A_831] {strides = array<i32>} : memref<2x32x1024xf32, #tpu.memory_space<vmem>>, vector<16xf32>,
          tpu.vector_store %arg7[%swap3A_829, %swap3A_830, %swap3A_831], %gather3A_780 {strides = array<i32>} : memref<2x32x1024xf32, #tpu.memory_space<vmem>>, vector<16xf32>,
          %gather3A_833 = tpu.memref_slice %arg5[%mul3A_194] : memref<32000xf32, #tpu.memory_space<vmem>> -> memref<1000xf32, #tpu.memory_space<vmem>>
          %gather3A_834 = tpu.vector_load_idx %gather3A_833[%get3A_685] : memref<1000xf32, #tpu.memory_space<vmem>>[vector<16xi32>], vector<16xf32>,
          %swap3A_835 = arith.index_cast %and3A_166 : i32 to index
          %swap3A_836 = arith.index_cast %scan3A_678 : i32 to index
          %swap3A_837 = arith.constant 256 : index
          %swap3A_838 = tpu.vector_load %arg7[%swap3A_835, %swap3A_836, %swap3A_837] {strides = array<i32>} : memref<2x32x1024xf32, #tpu.memory_space<vmem>>, vector<16xf32>,
          tpu.vector_store %arg7[%swap3A_835, %swap3A_836, %swap3A_837], %gather3A_786 {strides = array<i32>} : memref<2x32x1024xf32, #tpu.memory_space<vmem>>, vector<16xf32>,
          %gather3A_839 = tpu.memref_slice %arg5[%mul3A_194] : memref<32000xf32, #tpu.memory_space<vmem>> -> memref<1000xf32, #tpu.memory_space<vmem>>
          %gather3A_840 = tpu.vector_load_idx %gather3A_839[%get3A_690] : memref<1000xf32, #tpu.memory_space<vmem>>[vector<16xi32>], vector<16xf32>,
          %swap3A_841 = arith.index_cast %and3A_166 : i32 to index
          %swap3A_842 = arith.index_cast %scan3A_678 : i32 to index
          %swap3A_843 = arith.constant 272 : index
          %swap3A_844 = tpu.vector_load %arg7[%swap3A_841, %swap3A_842, %swap3A_843] {strides = array<i32>} : memref<2x32x1024xf32, #tpu.memory_space<vmem>>, vector<16xf32>,
          tpu.vector_store %arg7[%swap3A_841, %swap3A_842, %swap3A_843], %gather3A_792 {strides = array<i32>} : memref<2x32x1024xf32, #tpu.memory_space<vmem>>, vector<16xf32>,
          %gather3A_845 = tpu.memref_slice %arg5[%mul3A_194] : memref<32000xf32, #tpu.memory_space<vmem>> -> memref<1000xf32, #tpu.memory_space<vmem>>
          %gather3A_846 = tpu.vector_load_idx %gather3A_845[%get3A_695] : memref<1000xf32, #tpu.memory_space<vmem>>[vector<16xi32>], vector<16xf32>,
          %swap3A_847 = arith.index_cast %and3A_166 : i32 to index
          %swap3A_848 = arith.index_cast %scan3A_678 : i32 to index
          %swap3A_849 = arith.constant 288 : index
          %swap3A_850 = tpu.vector_load %arg7[%swap3A_847, %swap3A_848, %swap3A_849] {strides = array<i32>} : memref<2x32x1024xf32, #tpu.memory_space<vmem>>, vector<16xf32>,
          tpu.vector_store %arg7[%swap3A_847, %swap3A_848, %swap3A_849], %gather3A_798 {strides = array<i32>} : memref<2x32x1024xf32, #tpu.memory_space<vmem>>, vector<16xf32>,
          %gather3A_851 = tpu.memref_slice %arg5[%mul3A_194] : memref<32000xf32, #tpu.memory_space<vmem>> -> memref<1000xf32, #tpu.memory_space<vmem>>
          %gather3A_852 = tpu.vector_load_idx %gather3A_851[%get3A_700] : memref<1000xf32, #tpu.memory_space<vmem>>[vector<16xi32>], vector<16xf32>,
          %swap3A_853 = arith.index_cast %and3A_166 : i32 to index
          %swap3A_854 = arith.index_cast %scan3A_678 : i32 to index
          %swap3A_855 = arith.constant 304 : index
          %swap3A_856 = tpu.vector_load %arg7[%swap3A_853, %swap3A_854, %swap3A_855] {strides = array<i32>} : memref<2x32x1024xf32, #tpu.memory_space<vmem>>, vector<16xf32>,
          tpu.vector_store %arg7[%swap3A_853, %swap3A_854, %swap3A_855], %gather3A_804 {strides = array<i32>} : memref<2x32x1024xf32, #tpu.memory_space<vmem>>, vector<16xf32>,
          %gather3A_857 = tpu.memref_slice %arg5[%mul3A_194] : memref<32000xf32, #tpu.memory_space<vmem>> -> memref<1000xf32, #tpu.memory_space<vmem>>
          %gather3A_858 = tpu.vector_load_idx %gather3A_857[%get3A_705] : memref<1000xf32, #tpu.memory_space<vmem>>[vector<16xi32>], vector<16xf32>,
          %swap3A_859 = arith.index_cast %and3A_166 : i32 to index
          %swap3A_860 = arith.index_cast %scan3A_678 : i32 to index
          %swap3A_861 = arith.constant 320 : index
          %swap3A_862 = tpu.vector_load %arg7[%swap3A_859, %swap3A_860, %swap3A_861] {strides = array<i32>} : memref<2x32x1024xf32, #tpu.memory_space<vmem>>, vector<16xf32>,
          tpu.vector_store %arg7[%swap3A_859, %swap3A_860, %swap3A_861], %gather3A_810 {strides = array<i32>} : memref<2x32x1024xf32, #tpu.memory_space<vmem>>, vector<16xf32>,
          %gather3A_863 = tpu.memref_slice %arg5[%mul3A_194] : memref<32000xf32, #tpu.memory_space<vmem>> -> memref<1000xf32, #tpu.memory_space<vmem>>
          %gather3A_864 = tpu.vector_load_idx %gather3A_863[%get3A_710] : memref<1000xf32, #tpu.memory_space<vmem>>[vector<16xi32>], vector<16xf32>,
          %swap3A_865 = arith.index_cast %and3A_166 : i32 to index
          %swap3A_866 = arith.index_cast %scan3A_678 : i32 to index
          %swap3A_867 = arith.constant 336 : index
          %swap3A_868 = tpu.vector_load %arg7[%swap3A_865, %swap3A_866, %swap3A_867] {strides = array<i32>} : memref<2x32x1024xf32, #tpu.memory_space<vmem>>, vector<16xf32>,
          tpu.vector_store %arg7[%swap3A_865, %swap3A_866, %swap3A_867], %gather3A_816 {strides = array<i32>} : memref<2x32x1024xf32, #tpu.memory_space<vmem>>, vector<16xf32>,
          %gather3A_869 = tpu.memref_slice %arg5[%mul3A_194] : memref<32000xf32, #tpu.memory_space<vmem>> -> memref<1000xf32, #tpu.memory_space<vmem>>
          %gather3A_870 = tpu.vector_load_idx %gather3A_869[%get3A_715] : memref<1000xf32, #tpu.memory_space<vmem>>[vector<16xi32>], vector<16xf32>,
          %swap3A_871 = arith.index_cast %and3A_166 : i32 to index
          %swap3A_872 = arith.index_cast %scan3A_678 : i32 to index
          %swap3A_873 = arith.constant 352 : index
          %swap3A_874 = tpu.vector_load %arg7[%swap3A_871, %swap3A_872, %swap3A_873] {strides = array<i32>} : memref<2x32x1024xf32, #tpu.memory_space<vmem>>, vector<16xf32>,
          tpu.vector_store %arg7[%swap3A_871, %swap3A_872, %swap3A_873], %gather3A_822 {strides = array<i32>} : memref<2x32x1024xf32, #tpu.memory_space<vmem>>, vector<16xf32>,
          %gather3A_875 = tpu.memref_slice %arg5[%mul3A_194] : memref<32000xf32, #tpu.memory_space<vmem>> -> memref<1000xf32, #tpu.memory_space<vmem>>
          %gather3A_876 = tpu.vector_load_idx %gather3A_875[%get3A_720] : memref<1000xf32, #tpu.memory_space<vmem>>[vector<16xi32>], vector<16xf32>,
          %swap3A_877 = arith.index_cast %and3A_166 : i32 to index
          %swap3A_878 = arith.index_cast %scan3A_678 : i32 to index
          %swap3A_879 = arith.constant 368 : index
          %swap3A_880 = tpu.vector_load %arg7[%swap3A_877, %swap3A_878, %swap3A_879] {strides = array<i32>} : memref<2x32x1024xf32, #tpu.memory_space<vmem>>, vector<16xf32>,
          tpu.vector_store %arg7[%swap3A_877, %swap3A_878, %swap3A_879], %gather3A_828 {strides = array<i32>} : memref<2x32x1024xf32, #tpu.memory_space<vmem>>, vector<16xf32>,
          %gather3A_881 = tpu.memref_slice %arg5[%mul3A_201] : memref<32000xf32, #tpu.memory_space<vmem>> -> memref<1000xf32, #tpu.memory_space<vmem>>
          %gather3A_882 = tpu.vector_load_idx %gather3A_881[%get3A_685] : memref<1000xf32, #tpu.memory_space<vmem>>[vector<16xi32>], vector<16xf32>,
          %swap3A_883 = arith.index_cast %and3A_166 : i32 to index
          %swap3A_884 = arith.index_cast %scan3A_678 : i32 to index
          %swap3A_885 = arith.constant 384 : index
          %swap3A_886 = tpu.vector_load %arg7[%swap3A_883, %swap3A_884, %swap3A_885] {strides = array<i32>} : memref<2x32x1024xf32, #tpu.memory_space<vmem>>, vector<16xf32>,
          tpu.vector_store %arg7[%swap3A_883, %swap3A_884, %swap3A_885], %gather3A_834 {strides = array<i32>} : memref<2x32x1024xf32, #tpu.memory_space<vmem>>, vector<16xf32>,
          %gather3A_887 = tpu.memref_slice %arg5[%mul3A_201] : memref<32000xf32, #tpu.memory_space<vmem>> -> memref<1000xf32, #tpu.memory_space<vmem>>
          %gather3A_888 = tpu.vector_load_idx %gather3A_887[%get3A_690] : memref<1000xf32, #tpu.memory_space<vmem>>[vector<16xi32>], vector<16xf32>,
          %swap3A_889 = arith.index_cast %and3A_166 : i32 to index
          %swap3A_890 = arith.index_cast %scan3A_678 : i32 to index
          %swap3A_891 = arith.constant 400 : index
          %swap3A_892 = tpu.vector_load %arg7[%swap3A_889, %swap3A_890, %swap3A_891] {strides = array<i32>} : memref<2x32x1024xf32, #tpu.memory_space<vmem>>, vector<16xf32>,
          tpu.vector_store %arg7[%swap3A_889, %swap3A_890, %swap3A_891], %gather3A_840 {strides = array<i32>} : memref<2x32x1024xf32, #tpu.memory_space<vmem>>, vector<16xf32>,
          %gather3A_893 = tpu.memref_slice %arg5[%mul3A_201] : memref<32000xf32, #tpu.memory_space<vmem>> -> memref<1000xf32, #tpu.memory_space<vmem>>
          %gather3A_894 = tpu.vector_load_idx %gather3A_893[%get3A_695] : memref<1000xf32, #tpu.memory_space<vmem>>[vector<16xi32>], vector<16xf32>,
          %swap3A_895 = arith.index_cast %and3A_166 : i32 to index
          %swap3A_896 = arith.index_cast %scan3A_678 : i32 to index
          %swap3A_897 = arith.constant 416 : index
          %swap3A_898 = tpu.vector_load %arg7[%swap3A_895, %swap3A_896, %swap3A_897] {strides = array<i32>} : memref<2x32x1024xf32, #tpu.memory_space<vmem>>, vector<16xf32>,
          tpu.vector_store %arg7[%swap3A_895, %swap3A_896, %swap3A_897], %gather3A_846 {strides = array<i32>} : memref<2x32x1024xf32, #tpu.memory_space<vmem>>, vector<16xf32>,
          %gather3A_899 = tpu.memref_slice %arg5[%mul3A_201] : memref<32000xf32, #tpu.memory_space<vmem>> -> memref<1000xf32, #tpu.memory_space<vmem>>
          %gather3A_900 = tpu.vector_load_idx %gather3A_899[%get3A_700] : memref<1000xf32, #tpu.memory_space<vmem>>[vector<16xi32>], vector<16xf32>,
          %swap3A_901 = arith.index_cast %and3A_166 : i32 to index
          %swap3A_902 = arith.index_cast %scan3A_678 : i32 to index
          %swap3A_903 = arith.constant 432 : index
          %swap3A_904 = tpu.vector_load %arg7[%swap3A_901, %swap3A_902, %swap3A_903] {strides = array<i32>} : memref<2x32x1024xf32, #tpu.memory_space<vmem>>, vector<16xf32>,
          tpu.vector_store %arg7[%swap3A_901, %swap3A_902, %swap3A_903], %gather3A_852 {strides = array<i32>} : memref<2x32x1024xf32, #tpu.memory_space<vmem>>, vector<16xf32>,
          %gather3A_905 = tpu.memref_slice %arg5[%mul3A_201] : memref<32000xf32, #tpu.memory_space<vmem>> -> memref<1000xf32, #tpu.memory_space<vmem>>
          %gather3A_906 = tpu.vector_load_idx %gather3A_905[%get3A_705] : memref<1000xf32, #tpu.memory_space<vmem>>[vector<16xi32>], vector<16xf32>,
          %swap3A_907 = arith.index_cast %and3A_166 : i32 to index
          %swap3A_908 = arith.index_cast %scan3A_678 : i32 to index
          %swap3A_909 = arith.constant 448 : index
          %swap3A_910 = tpu.vector_load %arg7[%swap3A_907, %swap3A_908, %swap3A_909] {strides = array<i32>} : memref<2x32x1024xf32, #tpu.memory_space<vmem>>, vector<16xf32>,
          tpu.vector_store %arg7[%swap3A_907, %swap3A_908, %swap3A_909], %gather3A_858 {strides = array<i32>} : memref<2x32x1024xf32, #tpu.memory_space<vmem>>, vector<16xf32>,
          %gather3A_911 = tpu.memref_slice %arg5[%mul3A_201] : memref<32000xf32, #tpu.memory_space<vmem>> -> memref<1000xf32, #tpu.memory_space<vmem>>
          %gather3A_912 = tpu.vector_load_idx %gather3A_911[%get3A_710] : memref<1000xf32, #tpu.memory_space<vmem>>[vector<16xi32>], vector<16xf32>,
          %swap3A_913 = arith.index_cast %and3A_166 : i32 to index
          %swap3A_914 = arith.index_cast %scan3A_678 : i32 to index
          %swap3A_915 = arith.constant 464 : index
          %swap3A_916 = tpu.vector_load %arg7[%swap3A_913, %swap3A_914, %swap3A_915] {strides = array<i32>} : memref<2x32x1024xf32, #tpu.memory_space<vmem>>, vector<16xf32>,
          tpu.vector_store %arg7[%swap3A_913, %swap3A_914, %swap3A_915], %gather3A_864 {strides = array<i32>} : memref<2x32x1024xf32, #tpu.memory_space<vmem>>, vector<16xf32>,
          %gather3A_917 = tpu.memref_slice %arg5[%mul3A_201] : memref<32000xf32, #tpu.memory_space<vmem>> -> memref<1000xf32, #tpu.memory_space<vmem>>
          %gather3A_918 = tpu.vector_load_idx %gather3A_917[%get3A_715] : memref<1000xf32, #tpu.memory_space<vmem>>[vector<16xi32>], vector<16xf32>,
          %swap3A_919 = arith.index_cast %and3A_166 : i32 to index
          %swap3A_920 = arith.index_cast %scan3A_678 : i32 to index
          %swap3A_921 = arith.constant 480 : index
          %swap3A_922 = tpu.vector_load %arg7[%swap3A_919, %swap3A_920, %swap3A_921] {strides = array<i32>} : memref<2x32x1024xf32, #tpu.memory_space<vmem>>, vector<16xf32>,
          tpu.vector_store %arg7[%swap3A_919, %swap3A_920, %swap3A_921], %gather3A_870 {strides = array<i32>} : memref<2x32x1024xf32, #tpu.memory_space<vmem>>, vector<16xf32>,
          %gather3A_923 = tpu.memref_slice %arg5[%mul3A_201] : memref<32000xf32, #tpu.memory_space<vmem>> -> memref<1000xf32, #tpu.memory_space<vmem>>
          %gather3A_924 = tpu.vector_load_idx %gather3A_923[%get3A_720] : memref<1000xf32, #tpu.memory_space<vmem>>[vector<16xi32>], vector<16xf32>,
          %swap3A_925 = arith.index_cast %and3A_166 : i32 to index
          %swap3A_926 = arith.index_cast %scan3A_678 : i32 to index
          %swap3A_927 = arith.constant 496 : index
          %swap3A_928 = tpu.vector_load %arg7[%swap3A_925, %swap3A_926, %swap3A_927] {strides = array<i32>} : memref<2x32x1024xf32, #tpu.memory_space<vmem>>, vector<16xf32>,
          tpu.vector_store %arg7[%swap3A_925, %swap3A_926, %swap3A_927], %gather3A_876 {strides = array<i32>} : memref<2x32x1024xf32, #tpu.memory_space<vmem>>, vector<16xf32>,
          %gather3A_929 = tpu.memref_slice %arg5[%mul3A_208] : memref<32000xf32, #tpu.memory_space<vmem>> -> memref<1000xf32, #tpu.memory_space<vmem>>
          %gather3A_930 = tpu.vector_load_idx %gather3A_929[%get3A_685] : memref<1000xf32, #tpu.memory_space<vmem>>[vector<16xi32>], vector<16xf32>,
          %swap3A_931 = arith.index_cast %and3A_166 : i32 to index
          %swap3A_932 = arith.index_cast %scan3A_678 : i32 to index
          %swap3A_933 = arith.constant 512 : index
          %swap3A_934 = tpu.vector_load %arg7[%swap3A_931, %swap3A_932, %swap3A_933] {strides = array<i32>} : memref<2x32x1024xf32, #tpu.memory_space<vmem>>, vector<16xf32>,
          tpu.vector_store %arg7[%swap3A_931, %swap3A_932, %swap3A_933], %gather3A_882 {strides = array<i32>} : memref<2x32x1024xf32, #tpu.memory_space<vmem>>, vector<16xf32>,
          %gather3A_935 = tpu.memref_slice %arg5[%mul3A_208] : memref<32000xf32, #tpu.memory_space<vmem>> -> memref<1000xf32, #tpu.memory_space<vmem>>
          %gather3A_936 = tpu.vector_load_idx %gather3A_935[%get3A_690] : memref<1000xf32, #tpu.memory_space<vmem>>[vector<16xi32>], vector<16xf32>,
          %swap3A_937 = arith.index_cast %and3A_166 : i32 to index
          %swap3A_938 = arith.index_cast %scan3A_678 : i32 to index
          %swap3A_939 = arith.constant 528 : index
          %swap3A_940 = tpu.vector_load %arg7[%swap3A_937, %swap3A_938, %swap3A_939] {strides = array<i32>} : memref<2x32x1024xf32, #tpu.memory_space<vmem>>, vector<16xf32>,
          tpu.vector_store %arg7[%swap3A_937, %swap3A_938, %swap3A_939], %gather3A_888 {strides = array<i32>} : memref<2x32x1024xf32, #tpu.memory_space<vmem>>, vector<16xf32>,
          %gather3A_941 = tpu.memref_slice %arg5[%mul3A_208] : memref<32000xf32, #tpu.memory_space<vmem>> -> memref<1000xf32, #tpu.memory_space<vmem>>
          %gather3A_942 = tpu.vector_load_idx %gather3A_941[%get3A_695] : memref<1000xf32, #tpu.memory_space<vmem>>[vector<16xi32>], vector<16xf32>,
          %swap3A_943 = arith.index_cast %and3A_166 : i32 to index
          %swap3A_944 = arith.index_cast %scan3A_678 : i32 to index
          %swap3A_945 = arith.constant 544 : index
          %swap3A_946 = tpu.vector_load %arg7[%swap3A_943, %swap3A_944, %swap3A_945] {strides = array<i32>} : memref<2x32x1024xf32, #tpu.memory_space<vmem>>, vector<16xf32>,
          tpu.vector_store %arg7[%swap3A_943, %swap3A_944, %swap3A_945], %gather3A_894 {strides = array<i32>} : memref<2x32x1024xf32, #tpu.memory_space<vmem>>, vector<16xf32>,
          %gather3A_947 = tpu.memref_slice %arg5[%mul3A_208] : memref<32000xf32, #tpu.memory_space<vmem>> -> memref<1000xf32, #tpu.memory_space<vmem>>
          %gather3A_948 = tpu.vector_load_idx %gather3A_947[%get3A_700] : memref<1000xf32, #tpu.memory_space<vmem>>[vector<16xi32>], vector<16xf32>,
          %swap3A_949 = arith.index_cast %and3A_166 : i32 to index
          %swap3A_950 = arith.index_cast %scan3A_678 : i32 to index
          %swap3A_951 = arith.constant 560 : index
          %swap3A_952 = tpu.vector_load %arg7[%swap3A_949, %swap3A_950, %swap3A_951] {strides = array<i32>} : memref<2x32x1024xf32, #tpu.memory_space<vmem>>, vector<16xf32>,
          tpu.vector_store %arg7[%swap3A_949, %swap3A_950, %swap3A_951], %gather3A_900 {strides = array<i32>} : memref<2x32x1024xf32, #tpu.memory_space<vmem>>, vector<16xf32>,
          %gather3A_953 = tpu.memref_slice %arg5[%mul3A_208] : memref<32000xf32, #tpu.memory_space<vmem>> -> memref<1000xf32, #tpu.memory_space<vmem>>
          %gather3A_954 = tpu.vector_load_idx %gather3A_953[%get3A_705] : memref<1000xf32, #tpu.memory_space<vmem>>[vector<16xi32>], vector<16xf32>,
          %swap3A_955 = arith.index_cast %and3A_166 : i32 to index
          %swap3A_956 = arith.index_cast %scan3A_678 : i32 to index
          %swap3A_957 = arith.constant 576 : index
          %swap3A_958 = tpu.vector_load %arg7[%swap3A_955, %swap3A_956, %swap3A_957] {strides = array<i32>} : memref<2x32x1024xf32, #tpu.memory_space<vmem>>, vector<16xf32>,
          tpu.vector_store %arg7[%swap3A_955, %swap3A_956, %swap3A_957], %gather3A_906 {strides = array<i32>} : memref<2x32x1024xf32, #tpu.memory_space<vmem>>, vector<16xf32>,
          %gather3A_959 = tpu.memref_slice %arg5[%mul3A_208] : memref<32000xf32, #tpu.memory_space<vmem>> -> memref<1000xf32, #tpu.memory_space<vmem>>
          %gather3A_960 = tpu.vector_load_idx %gather3A_959[%get3A_710] : memref<1000xf32, #tpu.memory_space<vmem>>[vector<16xi32>], vector<16xf32>,
          %swap3A_961 = arith.index_cast %and3A_166 : i32 to index
          %swap3A_962 = arith.index_cast %scan3A_678 : i32 to index
          %swap3A_963 = arith.constant 592 : index
          %swap3A_964 = tpu.vector_load %arg7[%swap3A_961, %swap3A_962, %swap3A_963] {strides = array<i32>} : memref<2x32x1024xf32, #tpu.memory_space<vmem>>, vector<16xf32>,
          tpu.vector_store %arg7[%swap3A_961, %swap3A_962, %swap3A_963], %gather3A_912 {strides = array<i32>} : memref<2x32x1024xf32, #tpu.memory_space<vmem>>, vector<16xf32>,
          %gather3A_965 = tpu.memref_slice %arg5[%mul3A_208] : memref<32000xf32, #tpu.memory_space<vmem>> -> memref<1000xf32, #tpu.memory_space<vmem>>
          %gather3A_966 = tpu.vector_load_idx %gather3A_965[%get3A_715] : memref<1000xf32, #tpu.memory_space<vmem>>[vector<16xi32>], vector<16xf32>,
          %swap3A_967 = arith.index_cast %and3A_166 : i32 to index
          %swap3A_968 = arith.index_cast %scan3A_678 : i32 to index
          %swap3A_969 = arith.constant 608 : index
          %swap3A_970 = tpu.vector_load %arg7[%swap3A_967, %swap3A_968, %swap3A_969] {strides = array<i32>} : memref<2x32x1024xf32, #tpu.memory_space<vmem>>, vector<16xf32>,
          tpu.vector_store %arg7[%swap3A_967, %swap3A_968, %swap3A_969], %gather3A_918 {strides = array<i32>} : memref<2x32x1024xf32, #tpu.memory_space<vmem>>, vector<16xf32>,
          %gather3A_971 = tpu.memref_slice %arg5[%mul3A_208] : memref<32000xf32, #tpu.memory_space<vmem>> -> memref<1000xf32, #tpu.memory_space<vmem>>
          %gather3A_972 = tpu.vector_load_idx %gather3A_971[%get3A_720] : memref<1000xf32, #tpu.memory_space<vmem>>[vector<16xi32>], vector<16xf32>,
          %swap3A_973 = arith.index_cast %and3A_166 : i32 to index
          %swap3A_974 = arith.index_cast %scan3A_678 : i32 to index
          %swap3A_975 = arith.constant 624 : index
          %swap3A_976 = tpu.vector_load %arg7[%swap3A_973, %swap3A_974, %swap3A_975] {strides = array<i32>} : memref<2x32x1024xf32, #tpu.memory_space<vmem>>, vector<16xf32>,
          tpu.vector_store %arg7[%swap3A_973, %swap3A_974, %swap3A_975], %gather3A_924 {strides = array<i32>} : memref<2x32x1024xf32, #tpu.memory_space<vmem>>, vector<16xf32>,
          %gather3A_977 = tpu.memref_slice %arg5[%mul3A_215] : memref<32000xf32, #tpu.memory_space<vmem>> -> memref<1000xf32, #tpu.memory_space<vmem>>
          %gather3A_978 = tpu.vector_load_idx %gather3A_977[%get3A_685] : memref<1000xf32, #tpu.memory_space<vmem>>[vector<16xi32>], vector<16xf32>,
          %swap3A_979 = arith.index_cast %and3A_166 : i32 to index
          %swap3A_980 = arith.index_cast %scan3A_678 : i32 to index
          %swap3A_981 = arith.constant 640 : index
          %swap3A_982 = tpu.vector_load %arg7[%swap3A_979, %swap3A_980, %swap3A_981] {strides = array<i32>} : memref<2x32x1024xf32, #tpu.memory_space<vmem>>, vector<16xf32>,
          tpu.vector_store %arg7[%swap3A_979, %swap3A_980, %swap3A_981], %gather3A_930 {strides = array<i32>} : memref<2x32x1024xf32, #tpu.memory_space<vmem>>, vector<16xf32>,
          %gather3A_983 = tpu.memref_slice %arg5[%mul3A_215] : memref<32000xf32, #tpu.memory_space<vmem>> -> memref<1000xf32, #tpu.memory_space<vmem>>
          %gather3A_984 = tpu.vector_load_idx %gather3A_983[%get3A_690] : memref<1000xf32, #tpu.memory_space<vmem>>[vector<16xi32>], vector<16xf32>,
          %swap3A_985 = arith.index_cast %and3A_166 : i32 to index
          %swap3A_986 = arith.index_cast %scan3A_678 : i32 to index
          %swap3A_987 = arith.constant 656 : index
          %swap3A_988 = tpu.vector_load %arg7[%swap3A_985, %swap3A_986, %swap3A_987] {strides = array<i32>} : memref<2x32x1024xf32, #tpu.memory_space<vmem>>, vector<16xf32>,
          tpu.vector_store %arg7[%swap3A_985, %swap3A_986, %swap3A_987], %gather3A_936 {strides = array<i32>} : memref<2x32x1024xf32, #tpu.memory_space<vmem>>, vector<16xf32>,
          %gather3A_989 = tpu.memref_slice %arg5[%mul3A_215] : memref<32000xf32, #tpu.memory_space<vmem>> -> memref<1000xf32, #tpu.memory_space<vmem>>
          %gather3A_990 = tpu.vector_load_idx %gather3A_989[%get3A_695] : memref<1000xf32, #tpu.memory_space<vmem>>[vector<16xi32>], vector<16xf32>,
          %swap3A_991 = arith.index_cast %and3A_166 : i32 to index
          %swap3A_992 = arith.index_cast %scan3A_678 : i32 to index
          %swap3A_993 = arith.constant 672 : index
          %swap3A_994 = tpu.vector_load %arg7[%swap3A_991, %swap3A_992, %swap3A_993] {strides = array<i32>} : memref<2x32x1024xf32, #tpu.memory_space<vmem>>, vector<16xf32>,
          tpu.vector_store %arg7[%swap3A_991, %swap3A_992, %swap3A_993], %gather3A_942 {strides = array<i32>} : memref<2x32x1024xf32, #tpu.memory_space<vmem>>, vector<16xf32>,
          %gather3A_995 = tpu.memref_slice %arg5[%mul3A_215] : memref<32000xf32, #tpu.memory_space<vmem>> -> memref<1000xf32, #tpu.memory_space<vmem>>
          %gather3A_996 = tpu.vector_load_idx %gather3A_995[%get3A_700] : memref<1000xf32, #tpu.memory_space<vmem>>[vector<16xi32>], vector<16xf32>,
          %swap3A_997 = arith.index_cast %and3A_166 : i32 to index
          %swap3A_998 = arith.index_cast %scan3A_678 : i32 to index
          %swap3A_999 = arith.constant 688 : index
          %swap3A_1000 = tpu.vector_load %arg7[%swap3A_997, %swap3A_998, %swap3A_999] {strides = array<i32>} : memref<2x32x1024xf32, #tpu.memory_space<vmem>>, vector<16xf32>,
          tpu.vector_store %arg7[%swap3A_997, %swap3A_998, %swap3A_999], %gather3A_948 {strides = array<i32>} : memref<2x32x1024xf32, #tpu.memory_space<vmem>>, vector<16xf32>,
          %gather3A_1001 = tpu.memref_slice %arg5[%mul3A_215] : memref<32000xf32, #tpu.memory_space<vmem>> -> memref<1000xf32, #tpu.memory_space<vmem>>
          %gather3A_1002 = tpu.vector_load_idx %gather3A_1001[%get3A_705] : memref<1000xf32, #tpu.memory_space<vmem>>[vector<16xi32>], vector<16xf32>,
          %swap3A_1003 = arith.index_cast %and3A_166 : i32 to index
          %swap3A_1004 = arith.index_cast %scan3A_678 : i32 to index
          %swap3A_1005 = arith.constant 704 : index
          %swap3A_1006 = tpu.vector_load %arg7[%swap3A_1003, %swap3A_1004, %swap3A_1005] {strides = array<i32>} : memref<2x32x1024xf32, #tpu.memory_space<vmem>>, vector<16xf32>,
          tpu.vector_store %arg7[%swap3A_1003, %swap3A_1004, %swap3A_1005], %gather3A_954 {strides = array<i32>} : memref<2x32x1024xf32, #tpu.memory_space<vmem>>, vector<16xf32>,
          %gather3A_1007 = tpu.memref_slice %arg5[%mul3A_215] : memref<32000xf32, #tpu.memory_space<vmem>> -> memref<1000xf32, #tpu.memory_space<vmem>>
          %gather3A_1008 = tpu.vector_load_idx %gather3A_1007[%get3A_710] : memref<1000xf32, #tpu.memory_space<vmem>>[vector<16xi32>], vector<16xf32>,
          %swap3A_1009 = arith.index_cast %and3A_166 : i32 to index
          %swap3A_1010 = arith.index_cast %scan3A_678 : i32 to index
          %swap3A_1011 = arith.constant 720 : index
          %swap3A_1012 = tpu.vector_load %arg7[%swap3A_1009, %swap3A_1010, %swap3A_1011] {strides = array<i32>} : memref<2x32x1024xf32, #tpu.memory_space<vmem>>, vector<16xf32>,
          tpu.vector_store %arg7[%swap3A_1009, %swap3A_1010, %swap3A_1011], %gather3A_960 {strides = array<i32>} : memref<2x32x1024xf32, #tpu.memory_space<vmem>>, vector<16xf32>,
          %gather3A_1013 = tpu.memref_slice %arg5[%mul3A_215] : memref<32000xf32, #tpu.memory_space<vmem>> -> memref<1000xf32, #tpu.memory_space<vmem>>
          %gather3A_1014 = tpu.vector_load_idx %gather3A_1013[%get3A_715] : memref<1000xf32, #tpu.memory_space<vmem>>[vector<16xi32>], vector<16xf32>,
          %swap3A_1015 = arith.index_cast %and3A_166 : i32 to index
          %swap3A_1016 = arith.index_cast %scan3A_678 : i32 to index
          %swap3A_1017 = arith.constant 736 : index
          %swap3A_1018 = tpu.vector_load %arg7[%swap3A_1015, %swap3A_1016, %swap3A_1017] {strides = array<i32>} : memref<2x32x1024xf32, #tpu.memory_space<vmem>>, vector<16xf32>,
          tpu.vector_store %arg7[%swap3A_1015, %swap3A_1016, %swap3A_1017], %gather3A_966 {strides = array<i32>} : memref<2x32x1024xf32, #tpu.memory_space<vmem>>, vector<16xf32>,
          %gather3A_1019 = tpu.memref_slice %arg5[%mul3A_215] : memref<32000xf32, #tpu.memory_space<vmem>> -> memref<1000xf32, #tpu.memory_space<vmem>>
          %gather3A_1020 = tpu.vector_load_idx %gather3A_1019[%get3A_720] : memref<1000xf32, #tpu.memory_space<vmem>>[vector<16xi32>], vector<16xf32>,
          %swap3A_1021 = arith.index_cast %and3A_166 : i32 to index
          %swap3A_1022 = arith.index_cast %scan3A_678 : i32 to index
          %swap3A_1023 = arith.constant 752 : index
          %swap3A_1024 = tpu.vector_load %arg7[%swap3A_1021, %swap3A_1022, %swap3A_1023] {strides = array<i32>} : memref<2x32x1024xf32, #tpu.memory_space<vmem>>, vector<16xf32>,
          tpu.vector_store %arg7[%swap3A_1021, %swap3A_1022, %swap3A_1023], %gather3A_972 {strides = array<i32>} : memref<2x32x1024xf32, #tpu.memory_space<vmem>>, vector<16xf32>,
          %gather3A_1025 = tpu.memref_slice %arg5[%mul3A_222] : memref<32000xf32, #tpu.memory_space<vmem>> -> memref<1000xf32, #tpu.memory_space<vmem>>
          %gather3A_1026 = tpu.vector_load_idx %gather3A_1025[%get3A_685] : memref<1000xf32, #tpu.memory_space<vmem>>[vector<16xi32>], vector<16xf32>,
          %swap3A_1027 = arith.index_cast %and3A_166 : i32 to index
          %swap3A_1028 = arith.index_cast %scan3A_678 : i32 to index
          %swap3A_1029 = arith.constant 768 : index
          %swap3A_1030 = tpu.vector_load %arg7[%swap3A_1027, %swap3A_1028, %swap3A_1029] {strides = array<i32>} : memref<2x32x1024xf32, #tpu.memory_space<vmem>>, vector<16xf32>,
          tpu.vector_store %arg7[%swap3A_1027, %swap3A_1028, %swap3A_1029], %gather3A_978 {strides = array<i32>} : memref<2x32x1024xf32, #tpu.memory_space<vmem>>, vector<16xf32>,
          %gather3A_1031 = tpu.memref_slice %arg5[%mul3A_222] : memref<32000xf32, #tpu.memory_space<vmem>> -> memref<1000xf32, #tpu.memory_space<vmem>>
          %gather3A_1032 = tpu.vector_load_idx %gather3A_1031[%get3A_690] : memref<1000xf32, #tpu.memory_space<vmem>>[vector<16xi32>], vector<16xf32>,
          %swap3A_1033 = arith.index_cast %and3A_166 : i32 to index
          %swap3A_1034 = arith.index_cast %scan3A_678 : i32 to index
          %swap3A_1035 = arith.constant 784 : index
          %swap3A_1036 = tpu.vector_load %arg7[%swap3A_1033, %swap3A_1034, %swap3A_1035] {strides = array<i32>} : memref<2x32x1024xf32, #tpu.memory_space<vmem>>, vector<16xf32>,
          tpu.vector_store %arg7[%swap3A_1033, %swap3A_1034, %swap3A_1035], %gather3A_984 {strides = array<i32>} : memref<2x32x1024xf32, #tpu.memory_space<vmem>>, vector<16xf32>,
          %gather3A_1037 = tpu.memref_slice %arg5[%mul3A_222] : memref<32000xf32, #tpu.memory_space<vmem>> -> memref<1000xf32, #tpu.memory_space<vmem>>
          %gather3A_1038 = tpu.vector_load_idx %gather3A_1037[%get3A_695] : memref<1000xf32, #tpu.memory_space<vmem>>[vector<16xi32>], vector<16xf32>,
          %swap3A_1039 = arith.index_cast %and3A_166 : i32 to index
          %swap3A_1040 = arith.index_cast %scan3A_678 : i32 to index
          %swap3A_1041 = arith.constant 800 : index
          %swap3A_1042 = tpu.vector_load %arg7[%swap3A_1039, %swap3A_1040, %swap3A_1041] {strides = array<i32>} : memref<2x32x1024xf32, #tpu.memory_space<vmem>>, vector<16xf32>,
          tpu.vector_store %arg7[%swap3A_1039, %swap3A_1040, %swap3A_1041], %gather3A_990 {strides = array<i32>} : memref<2x32x1024xf32, #tpu.memory_space<vmem>>, vector<16xf32>,
          %gather3A_1043 = tpu.memref_slice %arg5[%mul3A_222] : memref<32000xf32, #tpu.memory_space<vmem>> -> memref<1000xf32, #tpu.memory_space<vmem>>
          %gather3A_1044 = tpu.vector_load_idx %gather3A_1043[%get3A_700] : memref<1000xf32, #tpu.memory_space<vmem>>[vector<16xi32>], vector<16xf32>,
          %swap3A_1045 = arith.index_cast %and3A_166 : i32 to index
          %swap3A_1046 = arith.index_cast %scan3A_678 : i32 to index
          %swap3A_1047 = arith.constant 816 : index
          %swap3A_1048 = tpu.vector_load %arg7[%swap3A_1045, %swap3A_1046, %swap3A_1047] {strides = array<i32>} : memref<2x32x1024xf32, #tpu.memory_space<vmem>>, vector<16xf32>,
          tpu.vector_store %arg7[%swap3A_1045, %swap3A_1046, %swap3A_1047], %gather3A_996 {strides = array<i32>} : memref<2x32x1024xf32, #tpu.memory_space<vmem>>, vector<16xf32>,
          %gather3A_1049 = tpu.memref_slice %arg5[%mul3A_222] : memref<32000xf32, #tpu.memory_space<vmem>> -> memref<1000xf32, #tpu.memory_space<vmem>>
          %gather3A_1050 = tpu.vector_load_idx %gather3A_1049[%get3A_705] : memref<1000xf32, #tpu.memory_space<vmem>>[vector<16xi32>], vector<16xf32>,
          %swap3A_1051 = arith.index_cast %and3A_166 : i32 to index
          %swap3A_1052 = arith.index_cast %scan3A_678 : i32 to index
          %swap3A_1053 = arith.constant 832 : index
          %swap3A_1054 = tpu.vector_load %arg7[%swap3A_1051, %swap3A_1052, %swap3A_1053] {strides = array<i32>} : memref<2x32x1024xf32, #tpu.memory_space<vmem>>, vector<16xf32>,
          tpu.vector_store %arg7[%swap3A_1051, %swap3A_1052, %swap3A_1053], %gather3A_1002 {strides = array<i32>} : memref<2x32x1024xf32, #tpu.memory_space<vmem>>, vector<16xf32>,
          %gather3A_1055 = tpu.memref_slice %arg5[%mul3A_222] : memref<32000xf32, #tpu.memory_space<vmem>> -> memref<1000xf32, #tpu.memory_space<vmem>>
          %gather3A_1056 = tpu.vector_load_idx %gather3A_1055[%get3A_710] : memref<1000xf32, #tpu.memory_space<vmem>>[vector<16xi32>], vector<16xf32>,
          %swap3A_1057 = arith.index_cast %and3A_166 : i32 to index
          %swap3A_1058 = arith.index_cast %scan3A_678 : i32 to index
          %swap3A_1059 = arith.constant 848 : index
          %swap3A_1060 = tpu.vector_load %arg7[%swap3A_1057, %swap3A_1058, %swap3A_1059] {strides = array<i32>} : memref<2x32x1024xf32, #tpu.memory_space<vmem>>, vector<16xf32>,
          tpu.vector_store %arg7[%swap3A_1057, %swap3A_1058, %swap3A_1059], %gather3A_1008 {strides = array<i32>} : memref<2x32x1024xf32, #tpu.memory_space<vmem>>, vector<16xf32>,
          %gather3A_1061 = tpu.memref_slice %arg5[%mul3A_222] : memref<32000xf32, #tpu.memory_space<vmem>> -> memref<1000xf32, #tpu.memory_space<vmem>>
          %gather3A_1062 = tpu.vector_load_idx %gather3A_1061[%get3A_715] : memref<1000xf32, #tpu.memory_space<vmem>>[vector<16xi32>], vector<16xf32>,
          %swap3A_1063 = arith.index_cast %and3A_166 : i32 to index
          %swap3A_1064 = arith.index_cast %scan3A_678 : i32 to index
          %swap3A_1065 = arith.constant 864 : index
          %swap3A_1066 = tpu.vector_load %arg7[%swap3A_1063, %swap3A_1064, %swap3A_1065] {strides = array<i32>} : memref<2x32x1024xf32, #tpu.memory_space<vmem>>, vector<16xf32>,
          tpu.vector_store %arg7[%swap3A_1063, %swap3A_1064, %swap3A_1065], %gather3A_1014 {strides = array<i32>} : memref<2x32x1024xf32, #tpu.memory_space<vmem>>, vector<16xf32>,
          %gather3A_1067 = tpu.memref_slice %arg5[%mul3A_222] : memref<32000xf32, #tpu.memory_space<vmem>> -> memref<1000xf32, #tpu.memory_space<vmem>>
          %gather3A_1068 = tpu.vector_load_idx %gather3A_1067[%get3A_720] : memref<1000xf32, #tpu.memory_space<vmem>>[vector<16xi32>], vector<16xf32>,
          %swap3A_1069 = arith.index_cast %and3A_166 : i32 to index
          %swap3A_1070 = arith.index_cast %scan3A_678 : i32 to index
          %swap3A_1071 = arith.constant 880 : index
          %swap3A_1072 = tpu.vector_load %arg7[%swap3A_1069, %swap3A_1070, %swap3A_1071] {strides = array<i32>} : memref<2x32x1024xf32, #tpu.memory_space<vmem>>, vector<16xf32>,
          tpu.vector_store %arg7[%swap3A_1069, %swap3A_1070, %swap3A_1071], %gather3A_1020 {strides = array<i32>} : memref<2x32x1024xf32, #tpu.memory_space<vmem>>, vector<16xf32>,
          %swap3A_1073 = arith.index_cast %and3A_166 : i32 to index
          %swap3A_1074 = arith.index_cast %scan3A_678 : i32 to index
          %swap3A_1075 = arith.constant 896 : index
          %swap3A_1076 = tpu.vector_load %arg7[%swap3A_1073, %swap3A_1074, %swap3A_1075] {strides = array<i32>} : memref<2x32x1024xf32, #tpu.memory_space<vmem>>, vector<16xf32>,
          tpu.vector_store %arg7[%swap3A_1073, %swap3A_1074, %swap3A_1075], %gather3A_1026 {strides = array<i32>} : memref<2x32x1024xf32, #tpu.memory_space<vmem>>, vector<16xf32>,
          %swap3A_1077 = arith.index_cast %and3A_166 : i32 to index
          %swap3A_1078 = arith.index_cast %scan3A_678 : i32 to index
          %swap3A_1079 = arith.constant 912 : index
          %swap3A_1080 = tpu.vector_load %arg7[%swap3A_1077, %swap3A_1078, %swap3A_1079] {strides = array<i32>} : memref<2x32x1024xf32, #tpu.memory_space<vmem>>, vector<16xf32>,
          tpu.vector_store %arg7[%swap3A_1077, %swap3A_1078, %swap3A_1079], %gather3A_1032 {strides = array<i32>} : memref<2x32x1024xf32, #tpu.memory_space<vmem>>, vector<16xf32>,
          %swap3A_1081 = arith.index_cast %and3A_166 : i32 to index
          %swap3A_1082 = arith.index_cast %scan3A_678 : i32 to index
          %swap3A_1083 = arith.constant 928 : index
          %swap3A_1084 = tpu.vector_load %arg7[%swap3A_1081, %swap3A_1082, %swap3A_1083] {strides = array<i32>} : memref<2x32x1024xf32, #tpu.memory_space<vmem>>, vector<16xf32>,
          tpu.vector_store %arg7[%swap3A_1081, %swap3A_1082, %swap3A_1083], %gather3A_1038 {strides = array<i32>} : memref<2x32x1024xf32, #tpu.memory_space<vmem>>, vector<16xf32>,
          %swap3A_1085 = arith.index_cast %and3A_166 : i32 to index
          %swap3A_1086 = arith.index_cast %scan3A_678 : i32 to index
          %swap3A_1087 = arith.constant 944 : index
          %swap3A_1088 = tpu.vector_load %arg7[%swap3A_1085, %swap3A_1086, %swap3A_1087] {strides = array<i32>} : memref<2x32x1024xf32, #tpu.memory_space<vmem>>, vector<16xf32>,
          tpu.vector_store %arg7[%swap3A_1085, %swap3A_1086, %swap3A_1087], %gather3A_1044 {strides = array<i32>} : memref<2x32x1024xf32, #tpu.memory_space<vmem>>, vector<16xf32>,
          %swap3A_1089 = arith.index_cast %and3A_166 : i32 to index
          %swap3A_1090 = arith.index_cast %scan3A_678 : i32 to index
          %swap3A_1091 = arith.constant 960 : index
          %swap3A_1092 = tpu.vector_load %arg7[%swap3A_1089, %swap3A_1090, %swap3A_1091] {strides = array<i32>} : memref<2x32x1024xf32, #tpu.memory_space<vmem>>, vector<16xf32>,
          tpu.vector_store %arg7[%swap3A_1089, %swap3A_1090, %swap3A_1091], %gather3A_1050 {strides = array<i32>} : memref<2x32x1024xf32, #tpu.memory_space<vmem>>, vector<16xf32>,
          %swap3A_1093 = arith.index_cast %and3A_166 : i32 to index
          %swap3A_1094 = arith.index_cast %scan3A_678 : i32 to index
          %swap3A_1095 = arith.constant 976 : index
          %swap3A_1096 = tpu.vector_load %arg7[%swap3A_1093, %swap3A_1094, %swap3A_1095] {strides = array<i32>} : memref<2x32x1024xf32, #tpu.memory_space<vmem>>, vector<16xf32>,
          tpu.vector_store %arg7[%swap3A_1093, %swap3A_1094, %swap3A_1095], %gather3A_1056 {strides = array<i32>} : memref<2x32x1024xf32, #tpu.memory_space<vmem>>, vector<16xf32>,
          %swap3A_1097 = arith.index_cast %and3A_166 : i32 to index
          %swap3A_1098 = arith.index_cast %scan3A_678 : i32 to index
          %swap3A_1099 = arith.constant 992 : index
          %swap3A_1100 = tpu.vector_load %arg7[%swap3A_1097, %swap3A_1098, %swap3A_1099] {strides = array<i32>} : memref<2x32x1024xf32, #tpu.memory_space<vmem>>, vector<16xf32>,
          tpu.vector_store %arg7[%swap3A_1097, %swap3A_1098, %swap3A_1099], %gather3A_1062 {strides = array<i32>} : memref<2x32x1024xf32, #tpu.memory_space<vmem>>, vector<16xf32>,
          %swap3A_1101 = arith.index_cast %and3A_166 : i32 to index
          %swap3A_1102 = arith.index_cast %scan3A_678 : i32 to index
          %swap3A_1103 = arith.constant 1008 : index
          %swap3A_1104 = tpu.vector_load %arg7[%swap3A_1101, %swap3A_1102, %swap3A_1103] {strides = array<i32>} : memref<2x32x1024xf32, #tpu.memory_space<vmem>>, vector<16xf32>,
          tpu.vector_store %arg7[%swap3A_1101, %swap3A_1102, %swap3A_1103], %gather3A_1068 {strides = array<i32>} : memref<2x32x1024xf32, #tpu.memory_space<vmem>>, vector<16xf32>,
          %scan3A_1105 = arith.constant 2 : i32
          %scan3A_1106 = arith.addi %scan3A_253, %scan3A_1105 : i32
          %mul3A_1107 = arith.constant 128 : i32
          %mul3A_1108 = arith.muli %scan3A_1106, %mul3A_1107 : i32
          %add3A_1109 = arith.constant 0 : i32
          %add3A_1110 = arith.addi %mul3A_1108, %add3A_1109 : i32
          %get3A_1111 = arith.index_cast %and3A_226 : i32 to index
          %get3A_1112 = arith.index_cast %add3A_1110 : i32 to index
          %get3A_1113 = tpu.vector_load %arg6[%get3A_1111, %get3A_1112] {strides = array<i32>} : memref<2x4096xi32, #tpu.memory_space<vmem>>, vector<16xi32>,
          %add3A_1114 = arith.constant 16 : i32
          %add3A_1115 = arith.addi %mul3A_1108, %add3A_1114 : i32
          %get3A_1116 = arith.index_cast %and3A_226 : i32 to index
          %get3A_1117 = arith.index_cast %add3A_1115 : i32 to index
          %get3A_1118 = tpu.vector_load %arg6[%get3A_1116, %get3A_1117] {strides = array<i32>} : memref<2x4096xi32, #tpu.memory_space<vmem>>, vector<16xi32>,
          %add3A_1119 = arith.constant 32 : i32
          %add3A_1120 = arith.addi %mul3A_1108, %add3A_1119 : i32
          %get3A_1121 = arith.index_cast %and3A_226 : i32 to index
          %get3A_1122 = arith.index_cast %add3A_1120 : i32 to index
          %get3A_1123 = tpu.vector_load %arg6[%get3A_1121, %get3A_1122] {strides = array<i32>} : memref<2x4096xi32, #tpu.memory_space<vmem>>, vector<16xi32>,
          %add3A_1124 = arith.constant 48 : i32
          %add3A_1125 = arith.addi %mul3A_1108, %add3A_1124 : i32
          %get3A_1126 = arith.index_cast %and3A_226 : i32 to index
          %get3A_1127 = arith.index_cast %add3A_1125 : i32 to index
          %get3A_1128 = tpu.vector_load %arg6[%get3A_1126, %get3A_1127] {strides = array<i32>} : memref<2x4096xi32, #tpu.memory_space<vmem>>, vector<16xi32>,
          %add3A_1129 = arith.constant 64 : i32
          %add3A_1130 = arith.addi %mul3A_1108, %add3A_1129 : i32
          %get3A_1131 = arith.index_cast %and3A_226 : i32 to index
          %get3A_1132 = arith.index_cast %add3A_1130 : i32 to index
          %get3A_1133 = tpu.vector_load %arg6[%get3A_1131, %get3A_1132] {strides = array<i32>} : memref<2x4096xi32, #tpu.memory_space<vmem>>, vector<16xi32>,
          %add3A_1134 = arith.constant 80 : i32
          %add3A_1135 = arith.addi %mul3A_1108, %add3A_1134 : i32
          %get3A_1136 = arith.index_cast %and3A_226 : i32 to index
          %get3A_1137 = arith.index_cast %add3A_1135 : i32 to index
          %get3A_1138 = tpu.vector_load %arg6[%get3A_1136, %get3A_1137] {strides = array<i32>} : memref<2x4096xi32, #tpu.memory_space<vmem>>, vector<16xi32>,
          %add3A_1139 = arith.constant 96 : i32
          %add3A_1140 = arith.addi %mul3A_1108, %add3A_1139 : i32
          %get3A_1141 = arith.index_cast %and3A_226 : i32 to index
          %get3A_1142 = arith.index_cast %add3A_1140 : i32 to index
          %get3A_1143 = tpu.vector_load %arg6[%get3A_1141, %get3A_1142] {strides = array<i32>} : memref<2x4096xi32, #tpu.memory_space<vmem>>, vector<16xi32>,
          %add3A_1144 = arith.constant 112 : i32
          %add3A_1145 = arith.addi %mul3A_1108, %add3A_1144 : i32
          %get3A_1146 = arith.index_cast %and3A_226 : i32 to index
          %get3A_1147 = arith.index_cast %add3A_1145 : i32 to index
          %get3A_1148 = tpu.vector_load %arg6[%get3A_1146, %get3A_1147] {strides = array<i32>} : memref<2x4096xi32, #tpu.memory_space<vmem>>, vector<16xi32>,
          %gather3A_1149 = tpu.memref_slice %arg5[%mul3A_173] : memref<32000xf32, #tpu.memory_space<vmem>> -> memref<1000xf32, #tpu.memory_space<vmem>>
          %gather3A_1150 = tpu.vector_load_idx %gather3A_1149[%get3A_1113] : memref<1000xf32, #tpu.memory_space<vmem>>[vector<16xi32>], vector<16xf32>,
          %gather3A_1151 = tpu.memref_slice %arg5[%mul3A_173] : memref<32000xf32, #tpu.memory_space<vmem>> -> memref<1000xf32, #tpu.memory_space<vmem>>
          %gather3A_1152 = tpu.vector_load_idx %gather3A_1151[%get3A_1118] : memref<1000xf32, #tpu.memory_space<vmem>>[vector<16xi32>], vector<16xf32>,
          %gather3A_1153 = tpu.memref_slice %arg5[%mul3A_173] : memref<32000xf32, #tpu.memory_space<vmem>> -> memref<1000xf32, #tpu.memory_space<vmem>>
          %gather3A_1154 = tpu.vector_load_idx %gather3A_1153[%get3A_1123] : memref<1000xf32, #tpu.memory_space<vmem>>[vector<16xi32>], vector<16xf32>,
          %gather3A_1155 = tpu.memref_slice %arg5[%mul3A_173] : memref<32000xf32, #tpu.memory_space<vmem>> -> memref<1000xf32, #tpu.memory_space<vmem>>
          %gather3A_1156 = tpu.vector_load_idx %gather3A_1155[%get3A_1128] : memref<1000xf32, #tpu.memory_space<vmem>>[vector<16xi32>], vector<16xf32>,
          %gather3A_1157 = tpu.memref_slice %arg5[%mul3A_173] : memref<32000xf32, #tpu.memory_space<vmem>> -> memref<1000xf32, #tpu.memory_space<vmem>>
          %gather3A_1158 = tpu.vector_load_idx %gather3A_1157[%get3A_1133] : memref<1000xf32, #tpu.memory_space<vmem>>[vector<16xi32>], vector<16xf32>,
          %gather3A_1159 = tpu.memref_slice %arg5[%mul3A_173] : memref<32000xf32, #tpu.memory_space<vmem>> -> memref<1000xf32, #tpu.memory_space<vmem>>
          %gather3A_1160 = tpu.vector_load_idx %gather3A_1159[%get3A_1138] : memref<1000xf32, #tpu.memory_space<vmem>>[vector<16xi32>], vector<16xf32>,
          %gather3A_1161 = tpu.memref_slice %arg5[%mul3A_173] : memref<32000xf32, #tpu.memory_space<vmem>> -> memref<1000xf32, #tpu.memory_space<vmem>>
          %gather3A_1162 = tpu.vector_load_idx %gather3A_1161[%get3A_1143] : memref<1000xf32, #tpu.memory_space<vmem>>[vector<16xi32>], vector<16xf32>,
          %gather3A_1163 = tpu.memref_slice %arg5[%mul3A_173] : memref<32000xf32, #tpu.memory_space<vmem>> -> memref<1000xf32, #tpu.memory_space<vmem>>
          %gather3A_1164 = tpu.vector_load_idx %gather3A_1163[%get3A_1148] : memref<1000xf32, #tpu.memory_space<vmem>>[vector<16xi32>], vector<16xf32>,
          %gather3A_1165 = tpu.memref_slice %arg5[%mul3A_180] : memref<32000xf32, #tpu.memory_space<vmem>> -> memref<1000xf32, #tpu.memory_space<vmem>>
          %gather3A_1166 = tpu.vector_load_idx %gather3A_1165[%get3A_1113] : memref<1000xf32, #tpu.memory_space<vmem>>[vector<16xi32>], vector<16xf32>,
          %swap3A_1167 = arith.index_cast %and3A_166 : i32 to index
          %swap3A_1168 = arith.index_cast %scan3A_1106 : i32 to index
          %swap3A_1169 = arith.constant 0 : index
          %swap3A_1170 = tpu.vector_load %arg7[%swap3A_1167, %swap3A_1168, %swap3A_1169] {strides = array<i32>} : memref<2x32x1024xf32, #tpu.memory_space<vmem>>, vector<16xf32>,
          tpu.vector_store %arg7[%swap3A_1167, %swap3A_1168, %swap3A_1169], %gather3A_1150 {strides = array<i32>} : memref<2x32x1024xf32, #tpu.memory_space<vmem>>, vector<16xf32>,
          %gather3A_1171 = tpu.memref_slice %arg5[%mul3A_180] : memref<32000xf32, #tpu.memory_space<vmem>> -> memref<1000xf32, #tpu.memory_space<vmem>>
          %gather3A_1172 = tpu.vector_load_idx %gather3A_1171[%get3A_1118] : memref<1000xf32, #tpu.memory_space<vmem>>[vector<16xi32>], vector<16xf32>,
          %swap3A_1173 = arith.index_cast %and3A_166 : i32 to index
          %swap3A_1174 = arith.index_cast %scan3A_1106 : i32 to index
          %swap3A_1175 = arith.constant 16 : index
          %swap3A_1176 = tpu.vector_load %arg7[%swap3A_1173, %swap3A_1174, %swap3A_1175] {strides = array<i32>} : memref<2x32x1024xf32, #tpu.memory_space<vmem>>, vector<16xf32>,
          tpu.vector_store %arg7[%swap3A_1173, %swap3A_1174, %swap3A_1175], %gather3A_1152 {strides = array<i32>} : memref<2x32x1024xf32, #tpu.memory_space<vmem>>, vector<16xf32>,
          %gather3A_1177 = tpu.memref_slice %arg5[%mul3A_180] : memref<32000xf32, #tpu.memory_space<vmem>> -> memref<1000xf32, #tpu.memory_space<vmem>>
          %gather3A_1178 = tpu.vector_load_idx %gather3A_1177[%get3A_1123] : memref<1000xf32, #tpu.memory_space<vmem>>[vector<16xi32>], vector<16xf32>,
          %swap3A_1179 = arith.index_cast %and3A_166 : i32 to index
          %swap3A_1180 = arith.index_cast %scan3A_1106 : i32 to index
          %swap3A_1181 = arith.constant 32 : index
          %swap3A_1182 = tpu.vector_load %arg7[%swap3A_1179, %swap3A_1180, %swap3A_1181] {strides = array<i32>} : memref<2x32x1024xf32, #tpu.memory_space<vmem>>, vector<16xf32>,
          tpu.vector_store %arg7[%swap3A_1179, %swap3A_1180, %swap3A_1181], %gather3A_1154 {strides = array<i32>} : memref<2x32x1024xf32, #tpu.memory_space<vmem>>, vector<16xf32>,
          %gather3A_1183 = tpu.memref_slice %arg5[%mul3A_180] : memref<32000xf32, #tpu.memory_space<vmem>> -> memref<1000xf32, #tpu.memory_space<vmem>>
          %gather3A_1184 = tpu.vector_load_idx %gather3A_1183[%get3A_1128] : memref<1000xf32, #tpu.memory_space<vmem>>[vector<16xi32>], vector<16xf32>,
          %swap3A_1185 = arith.index_cast %and3A_166 : i32 to index
          %swap3A_1186 = arith.index_cast %scan3A_1106 : i32 to index
          %swap3A_1187 = arith.constant 48 : index
          %swap3A_1188 = tpu.vector_load %arg7[%swap3A_1185, %swap3A_1186, %swap3A_1187] {strides = array<i32>} : memref<2x32x1024xf32, #tpu.memory_space<vmem>>, vector<16xf32>,
          tpu.vector_store %arg7[%swap3A_1185, %swap3A_1186, %swap3A_1187], %gather3A_1156 {strides = array<i32>} : memref<2x32x1024xf32, #tpu.memory_space<vmem>>, vector<16xf32>,
          %gather3A_1189 = tpu.memref_slice %arg5[%mul3A_180] : memref<32000xf32, #tpu.memory_space<vmem>> -> memref<1000xf32, #tpu.memory_space<vmem>>
          %gather3A_1190 = tpu.vector_load_idx %gather3A_1189[%get3A_1133] : memref<1000xf32, #tpu.memory_space<vmem>>[vector<16xi32>], vector<16xf32>,
          %swap3A_1191 = arith.index_cast %and3A_166 : i32 to index
          %swap3A_1192 = arith.index_cast %scan3A_1106 : i32 to index
          %swap3A_1193 = arith.constant 64 : index
          %swap3A_1194 = tpu.vector_load %arg7[%swap3A_1191, %swap3A_1192, %swap3A_1193] {strides = array<i32>} : memref<2x32x1024xf32, #tpu.memory_space<vmem>>, vector<16xf32>,
          tpu.vector_store %arg7[%swap3A_1191, %swap3A_1192, %swap3A_1193], %gather3A_1158 {strides = array<i32>} : memref<2x32x1024xf32, #tpu.memory_space<vmem>>, vector<16xf32>,
          %gather3A_1195 = tpu.memref_slice %arg5[%mul3A_180] : memref<32000xf32, #tpu.memory_space<vmem>> -> memref<1000xf32, #tpu.memory_space<vmem>>
          %gather3A_1196 = tpu.vector_load_idx %gather3A_1195[%get3A_1138] : memref<1000xf32, #tpu.memory_space<vmem>>[vector<16xi32>], vector<16xf32>,
          %swap3A_1197 = arith.index_cast %and3A_166 : i32 to index
          %swap3A_1198 = arith.index_cast %scan3A_1106 : i32 to index
          %swap3A_1199 = arith.constant 80 : index
          %swap3A_1200 = tpu.vector_load %arg7[%swap3A_1197, %swap3A_1198, %swap3A_1199] {strides = array<i32>} : memref<2x32x1024xf32, #tpu.memory_space<vmem>>, vector<16xf32>,
          tpu.vector_store %arg7[%swap3A_1197, %swap3A_1198, %swap3A_1199], %gather3A_1160 {strides = array<i32>} : memref<2x32x1024xf32, #tpu.memory_space<vmem>>, vector<16xf32>,
          %gather3A_1201 = tpu.memref_slice %arg5[%mul3A_180] : memref<32000xf32, #tpu.memory_space<vmem>> -> memref<1000xf32, #tpu.memory_space<vmem>>
          %gather3A_1202 = tpu.vector_load_idx %gather3A_1201[%get3A_1143] : memref<1000xf32, #tpu.memory_space<vmem>>[vector<16xi32>], vector<16xf32>,
          %swap3A_1203 = arith.index_cast %and3A_166 : i32 to index
          %swap3A_1204 = arith.index_cast %scan3A_1106 : i32 to index
          %swap3A_1205 = arith.constant 96 : index
          %swap3A_1206 = tpu.vector_load %arg7[%swap3A_1203, %swap3A_1204, %swap3A_1205] {strides = array<i32>} : memref<2x32x1024xf32, #tpu.memory_space<vmem>>, vector<16xf32>,
          tpu.vector_store %arg7[%swap3A_1203, %swap3A_1204, %swap3A_1205], %gather3A_1162 {strides = array<i32>} : memref<2x32x1024xf32, #tpu.memory_space<vmem>>, vector<16xf32>,
          %gather3A_1207 = tpu.memref_slice %arg5[%mul3A_180] : memref<32000xf32, #tpu.memory_space<vmem>> -> memref<1000xf32, #tpu.memory_space<vmem>>
          %gather3A_1208 = tpu.vector_load_idx %gather3A_1207[%get3A_1148] : memref<1000xf32, #tpu.memory_space<vmem>>[vector<16xi32>], vector<16xf32>,
          %swap3A_1209 = arith.index_cast %and3A_166 : i32 to index
          %swap3A_1210 = arith.index_cast %scan3A_1106 : i32 to index
          %swap3A_1211 = arith.constant 112 : index
          %swap3A_1212 = tpu.vector_load %arg7[%swap3A_1209, %swap3A_1210, %swap3A_1211] {strides = array<i32>} : memref<2x32x1024xf32, #tpu.memory_space<vmem>>, vector<16xf32>,
          tpu.vector_store %arg7[%swap3A_1209, %swap3A_1210, %swap3A_1211], %gather3A_1164 {strides = array<i32>} : memref<2x32x1024xf32, #tpu.memory_space<vmem>>, vector<16xf32>,
          %gather3A_1213 = tpu.memref_slice %arg5[%mul3A_187] : memref<32000xf32, #tpu.memory_space<vmem>> -> memref<1000xf32, #tpu.memory_space<vmem>>
          %gather3A_1214 = tpu.vector_load_idx %gather3A_1213[%get3A_1113] : memref<1000xf32, #tpu.memory_space<vmem>>[vector<16xi32>], vector<16xf32>,
          %swap3A_1215 = arith.index_cast %and3A_166 : i32 to index
          %swap3A_1216 = arith.index_cast %scan3A_1106 : i32 to index
          %swap3A_1217 = arith.constant 128 : index
          %swap3A_1218 = tpu.vector_load %arg7[%swap3A_1215, %swap3A_1216, %swap3A_1217] {strides = array<i32>} : memref<2x32x1024xf32, #tpu.memory_space<vmem>>, vector<16xf32>,
          tpu.vector_store %arg7[%swap3A_1215, %swap3A_1216, %swap3A_1217], %gather3A_1166 {strides = array<i32>} : memref<2x32x1024xf32, #tpu.memory_space<vmem>>, vector<16xf32>,
          %gather3A_1219 = tpu.memref_slice %arg5[%mul3A_187] : memref<32000xf32, #tpu.memory_space<vmem>> -> memref<1000xf32, #tpu.memory_space<vmem>>
          %gather3A_1220 = tpu.vector_load_idx %gather3A_1219[%get3A_1118] : memref<1000xf32, #tpu.memory_space<vmem>>[vector<16xi32>], vector<16xf32>,
          %swap3A_1221 = arith.index_cast %and3A_166 : i32 to index
          %swap3A_1222 = arith.index_cast %scan3A_1106 : i32 to index
          %swap3A_1223 = arith.constant 144 : index
          %swap3A_1224 = tpu.vector_load %arg7[%swap3A_1221, %swap3A_1222, %swap3A_1223] {strides = array<i32>} : memref<2x32x1024xf32, #tpu.memory_space<vmem>>, vector<16xf32>,
          tpu.vector_store %arg7[%swap3A_1221, %swap3A_1222, %swap3A_1223], %gather3A_1172 {strides = array<i32>} : memref<2x32x1024xf32, #tpu.memory_space<vmem>>, vector<16xf32>,
          %gather3A_1225 = tpu.memref_slice %arg5[%mul3A_187] : memref<32000xf32, #tpu.memory_space<vmem>> -> memref<1000xf32, #tpu.memory_space<vmem>>
          %gather3A_1226 = tpu.vector_load_idx %gather3A_1225[%get3A_1123] : memref<1000xf32, #tpu.memory_space<vmem>>[vector<16xi32>], vector<16xf32>,
          %swap3A_1227 = arith.index_cast %and3A_166 : i32 to index
          %swap3A_1228 = arith.index_cast %scan3A_1106 : i32 to index
          %swap3A_1229 = arith.constant 160 : index
          %swap3A_1230 = tpu.vector_load %arg7[%swap3A_1227, %swap3A_1228, %swap3A_1229] {strides = array<i32>} : memref<2x32x1024xf32, #tpu.memory_space<vmem>>, vector<16xf32>,
          tpu.vector_store %arg7[%swap3A_1227, %swap3A_1228, %swap3A_1229], %gather3A_1178 {strides = array<i32>} : memref<2x32x1024xf32, #tpu.memory_space<vmem>>, vector<16xf32>,
          %gather3A_1231 = tpu.memref_slice %arg5[%mul3A_187] : memref<32000xf32, #tpu.memory_space<vmem>> -> memref<1000xf32, #tpu.memory_space<vmem>>
          %gather3A_1232 = tpu.vector_load_idx %gather3A_1231[%get3A_1128] : memref<1000xf32, #tpu.memory_space<vmem>>[vector<16xi32>], vector<16xf32>,
          %swap3A_1233 = arith.index_cast %and3A_166 : i32 to index
          %swap3A_1234 = arith.index_cast %scan3A_1106 : i32 to index
          %swap3A_1235 = arith.constant 176 : index
          %swap3A_1236 = tpu.vector_load %arg7[%swap3A_1233, %swap3A_1234, %swap3A_1235] {strides = array<i32>} : memref<2x32x1024xf32, #tpu.memory_space<vmem>>, vector<16xf32>,
          tpu.vector_store %arg7[%swap3A_1233, %swap3A_1234, %swap3A_1235], %gather3A_1184 {strides = array<i32>} : memref<2x32x1024xf32, #tpu.memory_space<vmem>>, vector<16xf32>,
          %gather3A_1237 = tpu.memref_slice %arg5[%mul3A_187] : memref<32000xf32, #tpu.memory_space<vmem>> -> memref<1000xf32, #tpu.memory_space<vmem>>
          %gather3A_1238 = tpu.vector_load_idx %gather3A_1237[%get3A_1133] : memref<1000xf32, #tpu.memory_space<vmem>>[vector<16xi32>], vector<16xf32>,
          %swap3A_1239 = arith.index_cast %and3A_166 : i32 to index
          %swap3A_1240 = arith.index_cast %scan3A_1106 : i32 to index
          %swap3A_1241 = arith.constant 192 : index
          %swap3A_1242 = tpu.vector_load %arg7[%swap3A_1239, %swap3A_1240, %swap3A_1241] {strides = array<i32>} : memref<2x32x1024xf32, #tpu.memory_space<vmem>>, vector<16xf32>,
          tpu.vector_store %arg7[%swap3A_1239, %swap3A_1240, %swap3A_1241], %gather3A_1190 {strides = array<i32>} : memref<2x32x1024xf32, #tpu.memory_space<vmem>>, vector<16xf32>,
          %gather3A_1243 = tpu.memref_slice %arg5[%mul3A_187] : memref<32000xf32, #tpu.memory_space<vmem>> -> memref<1000xf32, #tpu.memory_space<vmem>>
          %gather3A_1244 = tpu.vector_load_idx %gather3A_1243[%get3A_1138] : memref<1000xf32, #tpu.memory_space<vmem>>[vector<16xi32>], vector<16xf32>,
          %swap3A_1245 = arith.index_cast %and3A_166 : i32 to index
          %swap3A_1246 = arith.index_cast %scan3A_1106 : i32 to index
          %swap3A_1247 = arith.constant 208 : index
          %swap3A_1248 = tpu.vector_load %arg7[%swap3A_1245, %swap3A_1246, %swap3A_1247] {strides = array<i32>} : memref<2x32x1024xf32, #tpu.memory_space<vmem>>, vector<16xf32>,
          tpu.vector_store %arg7[%swap3A_1245, %swap3A_1246, %swap3A_1247], %gather3A_1196 {strides = array<i32>} : memref<2x32x1024xf32, #tpu.memory_space<vmem>>, vector<16xf32>,
          %gather3A_1249 = tpu.memref_slice %arg5[%mul3A_187] : memref<32000xf32, #tpu.memory_space<vmem>> -> memref<1000xf32, #tpu.memory_space<vmem>>
          %gather3A_1250 = tpu.vector_load_idx %gather3A_1249[%get3A_1143] : memref<1000xf32, #tpu.memory_space<vmem>>[vector<16xi32>], vector<16xf32>,
          %swap3A_1251 = arith.index_cast %and3A_166 : i32 to index
          %swap3A_1252 = arith.index_cast %scan3A_1106 : i32 to index
          %swap3A_1253 = arith.constant 224 : index
          %swap3A_1254 = tpu.vector_load %arg7[%swap3A_1251, %swap3A_1252, %swap3A_1253] {strides = array<i32>} : memref<2x32x1024xf32, #tpu.memory_space<vmem>>, vector<16xf32>,
          tpu.vector_store %arg7[%swap3A_1251, %swap3A_1252, %swap3A_1253], %gather3A_1202 {strides = array<i32>} : memref<2x32x1024xf32, #tpu.memory_space<vmem>>, vector<16xf32>,
          %gather3A_1255 = tpu.memref_slice %arg5[%mul3A_187] : memref<32000xf32, #tpu.memory_space<vmem>> -> memref<1000xf32, #tpu.memory_space<vmem>>
          %gather3A_1256 = tpu.vector_load_idx %gather3A_1255[%get3A_1148] : memref<1000xf32, #tpu.memory_space<vmem>>[vector<16xi32>], vector<16xf32>,
          %swap3A_1257 = arith.index_cast %and3A_166 : i32 to index
          %swap3A_1258 = arith.index_cast %scan3A_1106 : i32 to index
          %swap3A_1259 = arith.constant 240 : index
          %swap3A_1260 = tpu.vector_load %arg7[%swap3A_1257, %swap3A_1258, %swap3A_1259] {strides = array<i32>} : memref<2x32x1024xf32, #tpu.memory_space<vmem>>, vector<16xf32>,
          tpu.vector_store %arg7[%swap3A_1257, %swap3A_1258, %swap3A_1259], %gather3A_1208 {strides = array<i32>} : memref<2x32x1024xf32, #tpu.memory_space<vmem>>, vector<16xf32>,
          %gather3A_1261 = tpu.memref_slice %arg5[%mul3A_194] : memref<32000xf32, #tpu.memory_space<vmem>> -> memref<1000xf32, #tpu.memory_space<vmem>>
          %gather3A_1262 = tpu.vector_load_idx %gather3A_1261[%get3A_1113] : memref<1000xf32, #tpu.memory_space<vmem>>[vector<16xi32>], vector<16xf32>,
          %swap3A_1263 = arith.index_cast %and3A_166 : i32 to index
          %swap3A_1264 = arith.index_cast %scan3A_1106 : i32 to index
          %swap3A_1265 = arith.constant 256 : index
          %swap3A_1266 = tpu.vector_load %arg7[%swap3A_1263, %swap3A_1264, %swap3A_1265] {strides = array<i32>} : memref<2x32x1024xf32, #tpu.memory_space<vmem>>, vector<16xf32>,
          tpu.vector_store %arg7[%swap3A_1263, %swap3A_1264, %swap3A_1265], %gather3A_1214 {strides = array<i32>} : memref<2x32x1024xf32, #tpu.memory_space<vmem>>, vector<16xf32>,
          %gather3A_1267 = tpu.memref_slice %arg5[%mul3A_194] : memref<32000xf32, #tpu.memory_space<vmem>> -> memref<1000xf32, #tpu.memory_space<vmem>>
          %gather3A_1268 = tpu.vector_load_idx %gather3A_1267[%get3A_1118] : memref<1000xf32, #tpu.memory_space<vmem>>[vector<16xi32>], vector<16xf32>,
          %swap3A_1269 = arith.index_cast %and3A_166 : i32 to index
          %swap3A_1270 = arith.index_cast %scan3A_1106 : i32 to index
          %swap3A_1271 = arith.constant 272 : index
          %swap3A_1272 = tpu.vector_load %arg7[%swap3A_1269, %swap3A_1270, %swap3A_1271] {strides = array<i32>} : memref<2x32x1024xf32, #tpu.memory_space<vmem>>, vector<16xf32>,
          tpu.vector_store %arg7[%swap3A_1269, %swap3A_1270, %swap3A_1271], %gather3A_1220 {strides = array<i32>} : memref<2x32x1024xf32, #tpu.memory_space<vmem>>, vector<16xf32>,
          %gather3A_1273 = tpu.memref_slice %arg5[%mul3A_194] : memref<32000xf32, #tpu.memory_space<vmem>> -> memref<1000xf32, #tpu.memory_space<vmem>>
          %gather3A_1274 = tpu.vector_load_idx %gather3A_1273[%get3A_1123] : memref<1000xf32, #tpu.memory_space<vmem>>[vector<16xi32>], vector<16xf32>,
          %swap3A_1275 = arith.index_cast %and3A_166 : i32 to index
          %swap3A_1276 = arith.index_cast %scan3A_1106 : i32 to index
          %swap3A_1277 = arith.constant 288 : index
          %swap3A_1278 = tpu.vector_load %arg7[%swap3A_1275, %swap3A_1276, %swap3A_1277] {strides = array<i32>} : memref<2x32x1024xf32, #tpu.memory_space<vmem>>, vector<16xf32>,
          tpu.vector_store %arg7[%swap3A_1275, %swap3A_1276, %swap3A_1277], %gather3A_1226 {strides = array<i32>} : memref<2x32x1024xf32, #tpu.memory_space<vmem>>, vector<16xf32>,
          %gather3A_1279 = tpu.memref_slice %arg5[%mul3A_194] : memref<32000xf32, #tpu.memory_space<vmem>> -> memref<1000xf32, #tpu.memory_space<vmem>>
          %gather3A_1280 = tpu.vector_load_idx %gather3A_1279[%get3A_1128] : memref<1000xf32, #tpu.memory_space<vmem>>[vector<16xi32>], vector<16xf32>,
          %swap3A_1281 = arith.index_cast %and3A_166 : i32 to index
          %swap3A_1282 = arith.index_cast %scan3A_1106 : i32 to index
          %swap3A_1283 = arith.constant 304 : index
          %swap3A_1284 = tpu.vector_load %arg7[%swap3A_1281, %swap3A_1282, %swap3A_1283] {strides = array<i32>} : memref<2x32x1024xf32, #tpu.memory_space<vmem>>, vector<16xf32>,
          tpu.vector_store %arg7[%swap3A_1281, %swap3A_1282, %swap3A_1283], %gather3A_1232 {strides = array<i32>} : memref<2x32x1024xf32, #tpu.memory_space<vmem>>, vector<16xf32>,
          %gather3A_1285 = tpu.memref_slice %arg5[%mul3A_194] : memref<32000xf32, #tpu.memory_space<vmem>> -> memref<1000xf32, #tpu.memory_space<vmem>>
          %gather3A_1286 = tpu.vector_load_idx %gather3A_1285[%get3A_1133] : memref<1000xf32, #tpu.memory_space<vmem>>[vector<16xi32>], vector<16xf32>,
          %swap3A_1287 = arith.index_cast %and3A_166 : i32 to index
          %swap3A_1288 = arith.index_cast %scan3A_1106 : i32 to index
          %swap3A_1289 = arith.constant 320 : index
          %swap3A_1290 = tpu.vector_load %arg7[%swap3A_1287, %swap3A_1288, %swap3A_1289] {strides = array<i32>} : memref<2x32x1024xf32, #tpu.memory_space<vmem>>, vector<16xf32>,
          tpu.vector_store %arg7[%swap3A_1287, %swap3A_1288, %swap3A_1289], %gather3A_1238 {strides = array<i32>} : memref<2x32x1024xf32, #tpu.memory_space<vmem>>, vector<16xf32>,
          %gather3A_1291 = tpu.memref_slice %arg5[%mul3A_194] : memref<32000xf32, #tpu.memory_space<vmem>> -> memref<1000xf32, #tpu.memory_space<vmem>>
          %gather3A_1292 = tpu.vector_load_idx %gather3A_1291[%get3A_1138] : memref<1000xf32, #tpu.memory_space<vmem>>[vector<16xi32>], vector<16xf32>,
          %swap3A_1293 = arith.index_cast %and3A_166 : i32 to index
          %swap3A_1294 = arith.index_cast %scan3A_1106 : i32 to index
          %swap3A_1295 = arith.constant 336 : index
          %swap3A_1296 = tpu.vector_load %arg7[%swap3A_1293, %swap3A_1294, %swap3A_1295] {strides = array<i32>} : memref<2x32x1024xf32, #tpu.memory_space<vmem>>, vector<16xf32>,
          tpu.vector_store %arg7[%swap3A_1293, %swap3A_1294, %swap3A_1295], %gather3A_1244 {strides = array<i32>} : memref<2x32x1024xf32, #tpu.memory_space<vmem>>, vector<16xf32>,
          %gather3A_1297 = tpu.memref_slice %arg5[%mul3A_194] : memref<32000xf32, #tpu.memory_space<vmem>> -> memref<1000xf32, #tpu.memory_space<vmem>>
          %gather3A_1298 = tpu.vector_load_idx %gather3A_1297[%get3A_1143] : memref<1000xf32, #tpu.memory_space<vmem>>[vector<16xi32>], vector<16xf32>,
          %swap3A_1299 = arith.index_cast %and3A_166 : i32 to index
          %swap3A_1300 = arith.index_cast %scan3A_1106 : i32 to index
          %swap3A_1301 = arith.constant 352 : index
          %swap3A_1302 = tpu.vector_load %arg7[%swap3A_1299, %swap3A_1300, %swap3A_1301] {strides = array<i32>} : memref<2x32x1024xf32, #tpu.memory_space<vmem>>, vector<16xf32>,
          tpu.vector_store %arg7[%swap3A_1299, %swap3A_1300, %swap3A_1301], %gather3A_1250 {strides = array<i32>} : memref<2x32x1024xf32, #tpu.memory_space<vmem>>, vector<16xf32>,
          %gather3A_1303 = tpu.memref_slice %arg5[%mul3A_194] : memref<32000xf32, #tpu.memory_space<vmem>> -> memref<1000xf32, #tpu.memory_space<vmem>>
          %gather3A_1304 = tpu.vector_load_idx %gather3A_1303[%get3A_1148] : memref<1000xf32, #tpu.memory_space<vmem>>[vector<16xi32>], vector<16xf32>,
          %swap3A_1305 = arith.index_cast %and3A_166 : i32 to index
          %swap3A_1306 = arith.index_cast %scan3A_1106 : i32 to index
          %swap3A_1307 = arith.constant 368 : index
          %swap3A_1308 = tpu.vector_load %arg7[%swap3A_1305, %swap3A_1306, %swap3A_1307] {strides = array<i32>} : memref<2x32x1024xf32, #tpu.memory_space<vmem>>, vector<16xf32>,
          tpu.vector_store %arg7[%swap3A_1305, %swap3A_1306, %swap3A_1307], %gather3A_1256 {strides = array<i32>} : memref<2x32x1024xf32, #tpu.memory_space<vmem>>, vector<16xf32>,
          %gather3A_1309 = tpu.memref_slice %arg5[%mul3A_201] : memref<32000xf32, #tpu.memory_space<vmem>> -> memref<1000xf32, #tpu.memory_space<vmem>>
          %gather3A_1310 = tpu.vector_load_idx %gather3A_1309[%get3A_1113] : memref<1000xf32, #tpu.memory_space<vmem>>[vector<16xi32>], vector<16xf32>,
          %swap3A_1311 = arith.index_cast %and3A_166 : i32 to index
          %swap3A_1312 = arith.index_cast %scan3A_1106 : i32 to index
          %swap3A_1313 = arith.constant 384 : index
          %swap3A_1314 = tpu.vector_load %arg7[%swap3A_1311, %swap3A_1312, %swap3A_1313] {strides = array<i32>} : memref<2x32x1024xf32, #tpu.memory_space<vmem>>, vector<16xf32>,
          tpu.vector_store %arg7[%swap3A_1311, %swap3A_1312, %swap3A_1313], %gather3A_1262 {strides = array<i32>} : memref<2x32x1024xf32, #tpu.memory_space<vmem>>, vector<16xf32>,
          %gather3A_1315 = tpu.memref_slice %arg5[%mul3A_201] : memref<32000xf32, #tpu.memory_space<vmem>> -> memref<1000xf32, #tpu.memory_space<vmem>>
          %gather3A_1316 = tpu.vector_load_idx %gather3A_1315[%get3A_1118] : memref<1000xf32, #tpu.memory_space<vmem>>[vector<16xi32>], vector<16xf32>,
          %swap3A_1317 = arith.index_cast %and3A_166 : i32 to index
          %swap3A_1318 = arith.index_cast %scan3A_1106 : i32 to index
          %swap3A_1319 = arith.constant 400 : index
          %swap3A_1320 = tpu.vector_load %arg7[%swap3A_1317, %swap3A_1318, %swap3A_1319] {strides = array<i32>} : memref<2x32x1024xf32, #tpu.memory_space<vmem>>, vector<16xf32>,
          tpu.vector_store %arg7[%swap3A_1317, %swap3A_1318, %swap3A_1319], %gather3A_1268 {strides = array<i32>} : memref<2x32x1024xf32, #tpu.memory_space<vmem>>, vector<16xf32>,
          %gather3A_1321 = tpu.memref_slice %arg5[%mul3A_201] : memref<32000xf32, #tpu.memory_space<vmem>> -> memref<1000xf32, #tpu.memory_space<vmem>>
          %gather3A_1322 = tpu.vector_load_idx %gather3A_1321[%get3A_1123] : memref<1000xf32, #tpu.memory_space<vmem>>[vector<16xi32>], vector<16xf32>,
          %swap3A_1323 = arith.index_cast %and3A_166 : i32 to index
          %swap3A_1324 = arith.index_cast %scan3A_1106 : i32 to index
          %swap3A_1325 = arith.constant 416 : index
          %swap3A_1326 = tpu.vector_load %arg7[%swap3A_1323, %swap3A_1324, %swap3A_1325] {strides = array<i32>} : memref<2x32x1024xf32, #tpu.memory_space<vmem>>, vector<16xf32>,
          tpu.vector_store %arg7[%swap3A_1323, %swap3A_1324, %swap3A_1325], %gather3A_1274 {strides = array<i32>} : memref<2x32x1024xf32, #tpu.memory_space<vmem>>, vector<16xf32>,
          %gather3A_1327 = tpu.memref_slice %arg5[%mul3A_201] : memref<32000xf32, #tpu.memory_space<vmem>> -> memref<1000xf32, #tpu.memory_space<vmem>>
          %gather3A_1328 = tpu.vector_load_idx %gather3A_1327[%get3A_1128] : memref<1000xf32, #tpu.memory_space<vmem>>[vector<16xi32>], vector<16xf32>,
          %swap3A_1329 = arith.index_cast %and3A_166 : i32 to index
          %swap3A_1330 = arith.index_cast %scan3A_1106 : i32 to index
          %swap3A_1331 = arith.constant 432 : index
          %swap3A_1332 = tpu.vector_load %arg7[%swap3A_1329, %swap3A_1330, %swap3A_1331] {strides = array<i32>} : memref<2x32x1024xf32, #tpu.memory_space<vmem>>, vector<16xf32>,
          tpu.vector_store %arg7[%swap3A_1329, %swap3A_1330, %swap3A_1331], %gather3A_1280 {strides = array<i32>} : memref<2x32x1024xf32, #tpu.memory_space<vmem>>, vector<16xf32>,
          %gather3A_1333 = tpu.memref_slice %arg5[%mul3A_201] : memref<32000xf32, #tpu.memory_space<vmem>> -> memref<1000xf32, #tpu.memory_space<vmem>>
          %gather3A_1334 = tpu.vector_load_idx %gather3A_1333[%get3A_1133] : memref<1000xf32, #tpu.memory_space<vmem>>[vector<16xi32>], vector<16xf32>,
          %swap3A_1335 = arith.index_cast %and3A_166 : i32 to index
          %swap3A_1336 = arith.index_cast %scan3A_1106 : i32 to index
          %swap3A_1337 = arith.constant 448 : index
          %swap3A_1338 = tpu.vector_load %arg7[%swap3A_1335, %swap3A_1336, %swap3A_1337] {strides = array<i32>} : memref<2x32x1024xf32, #tpu.memory_space<vmem>>, vector<16xf32>,
          tpu.vector_store %arg7[%swap3A_1335, %swap3A_1336, %swap3A_1337], %gather3A_1286 {strides = array<i32>} : memref<2x32x1024xf32, #tpu.memory_space<vmem>>, vector<16xf32>,
          %gather3A_1339 = tpu.memref_slice %arg5[%mul3A_201] : memref<32000xf32, #tpu.memory_space<vmem>> -> memref<1000xf32, #tpu.memory_space<vmem>>
          %gather3A_1340 = tpu.vector_load_idx %gather3A_1339[%get3A_1138] : memref<1000xf32, #tpu.memory_space<vmem>>[vector<16xi32>], vector<16xf32>,
          %swap3A_1341 = arith.index_cast %and3A_166 : i32 to index
          %swap3A_1342 = arith.index_cast %scan3A_1106 : i32 to index
          %swap3A_1343 = arith.constant 464 : index
          %swap3A_1344 = tpu.vector_load %arg7[%swap3A_1341, %swap3A_1342, %swap3A_1343] {strides = array<i32>} : memref<2x32x1024xf32, #tpu.memory_space<vmem>>, vector<16xf32>,
          tpu.vector_store %arg7[%swap3A_1341, %swap3A_1342, %swap3A_1343], %gather3A_1292 {strides = array<i32>} : memref<2x32x1024xf32, #tpu.memory_space<vmem>>, vector<16xf32>,
          %gather3A_1345 = tpu.memref_slice %arg5[%mul3A_201] : memref<32000xf32, #tpu.memory_space<vmem>> -> memref<1000xf32, #tpu.memory_space<vmem>>
          %gather3A_1346 = tpu.vector_load_idx %gather3A_1345[%get3A_1143] : memref<1000xf32, #tpu.memory_space<vmem>>[vector<16xi32>], vector<16xf32>,
          %swap3A_1347 = arith.index_cast %and3A_166 : i32 to index
          %swap3A_1348 = arith.index_cast %scan3A_1106 : i32 to index
          %swap3A_1349 = arith.constant 480 : index
          %swap3A_1350 = tpu.vector_load %arg7[%swap3A_1347, %swap3A_1348, %swap3A_1349] {strides = array<i32>} : memref<2x32x1024xf32, #tpu.memory_space<vmem>>, vector<16xf32>,
          tpu.vector_store %arg7[%swap3A_1347, %swap3A_1348, %swap3A_1349], %gather3A_1298 {strides = array<i32>} : memref<2x32x1024xf32, #tpu.memory_space<vmem>>, vector<16xf32>,
          %gather3A_1351 = tpu.memref_slice %arg5[%mul3A_201] : memref<32000xf32, #tpu.memory_space<vmem>> -> memref<1000xf32, #tpu.memory_space<vmem>>
          %gather3A_1352 = tpu.vector_load_idx %gather3A_1351[%get3A_1148] : memref<1000xf32, #tpu.memory_space<vmem>>[vector<16xi32>], vector<16xf32>,
          %swap3A_1353 = arith.index_cast %and3A_166 : i32 to index
          %swap3A_1354 = arith.index_cast %scan3A_1106 : i32 to index
          %swap3A_1355 = arith.constant 496 : index
          %swap3A_1356 = tpu.vector_load %arg7[%swap3A_1353, %swap3A_1354, %swap3A_1355] {strides = array<i32>} : memref<2x32x1024xf32, #tpu.memory_space<vmem>>, vector<16xf32>,
          tpu.vector_store %arg7[%swap3A_1353, %swap3A_1354, %swap3A_1355], %gather3A_1304 {strides = array<i32>} : memref<2x32x1024xf32, #tpu.memory_space<vmem>>, vector<16xf32>,
          %gather3A_1357 = tpu.memref_slice %arg5[%mul3A_208] : memref<32000xf32, #tpu.memory_space<vmem>> -> memref<1000xf32, #tpu.memory_space<vmem>>
          %gather3A_1358 = tpu.vector_load_idx %gather3A_1357[%get3A_1113] : memref<1000xf32, #tpu.memory_space<vmem>>[vector<16xi32>], vector<16xf32>,
          %swap3A_1359 = arith.index_cast %and3A_166 : i32 to index
          %swap3A_1360 = arith.index_cast %scan3A_1106 : i32 to index
          %swap3A_1361 = arith.constant 512 : index
          %swap3A_1362 = tpu.vector_load %arg7[%swap3A_1359, %swap3A_1360, %swap3A_1361] {strides = array<i32>} : memref<2x32x1024xf32, #tpu.memory_space<vmem>>, vector<16xf32>,
          tpu.vector_store %arg7[%swap3A_1359, %swap3A_1360, %swap3A_1361], %gather3A_1310 {strides = array<i32>} : memref<2x32x1024xf32, #tpu.memory_space<vmem>>, vector<16xf32>,
          %gather3A_1363 = tpu.memref_slice %arg5[%mul3A_208] : memref<32000xf32, #tpu.memory_space<vmem>> -> memref<1000xf32, #tpu.memory_space<vmem>>
          %gather3A_1364 = tpu.vector_load_idx %gather3A_1363[%get3A_1118] : memref<1000xf32, #tpu.memory_space<vmem>>[vector<16xi32>], vector<16xf32>,
          %swap3A_1365 = arith.index_cast %and3A_166 : i32 to index
          %swap3A_1366 = arith.index_cast %scan3A_1106 : i32 to index
          %swap3A_1367 = arith.constant 528 : index
          %swap3A_1368 = tpu.vector_load %arg7[%swap3A_1365, %swap3A_1366, %swap3A_1367] {strides = array<i32>} : memref<2x32x1024xf32, #tpu.memory_space<vmem>>, vector<16xf32>,
          tpu.vector_store %arg7[%swap3A_1365, %swap3A_1366, %swap3A_1367], %gather3A_1316 {strides = array<i32>} : memref<2x32x1024xf32, #tpu.memory_space<vmem>>, vector<16xf32>,
          %gather3A_1369 = tpu.memref_slice %arg5[%mul3A_208] : memref<32000xf32, #tpu.memory_space<vmem>> -> memref<1000xf32, #tpu.memory_space<vmem>>
          %gather3A_1370 = tpu.vector_load_idx %gather3A_1369[%get3A_1123] : memref<1000xf32, #tpu.memory_space<vmem>>[vector<16xi32>], vector<16xf32>,
          %swap3A_1371 = arith.index_cast %and3A_166 : i32 to index
          %swap3A_1372 = arith.index_cast %scan3A_1106 : i32 to index
          %swap3A_1373 = arith.constant 544 : index
          %swap3A_1374 = tpu.vector_load %arg7[%swap3A_1371, %swap3A_1372, %swap3A_1373] {strides = array<i32>} : memref<2x32x1024xf32, #tpu.memory_space<vmem>>, vector<16xf32>,
          tpu.vector_store %arg7[%swap3A_1371, %swap3A_1372, %swap3A_1373], %gather3A_1322 {strides = array<i32>} : memref<2x32x1024xf32, #tpu.memory_space<vmem>>, vector<16xf32>,
          %gather3A_1375 = tpu.memref_slice %arg5[%mul3A_208] : memref<32000xf32, #tpu.memory_space<vmem>> -> memref<1000xf32, #tpu.memory_space<vmem>>
          %gather3A_1376 = tpu.vector_load_idx %gather3A_1375[%get3A_1128] : memref<1000xf32, #tpu.memory_space<vmem>>[vector<16xi32>], vector<16xf32>,
          %swap3A_1377 = arith.index_cast %and3A_166 : i32 to index
          %swap3A_1378 = arith.index_cast %scan3A_1106 : i32 to index
          %swap3A_1379 = arith.constant 560 : index
          %swap3A_1380 = tpu.vector_load %arg7[%swap3A_1377, %swap3A_1378, %swap3A_1379] {strides = array<i32>} : memref<2x32x1024xf32, #tpu.memory_space<vmem>>, vector<16xf32>,
          tpu.vector_store %arg7[%swap3A_1377, %swap3A_1378, %swap3A_1379], %gather3A_1328 {strides = array<i32>} : memref<2x32x1024xf32, #tpu.memory_space<vmem>>, vector<16xf32>,
          %gather3A_1381 = tpu.memref_slice %arg5[%mul3A_208] : memref<32000xf32, #tpu.memory_space<vmem>> -> memref<1000xf32, #tpu.memory_space<vmem>>
          %gather3A_1382 = tpu.vector_load_idx %gather3A_1381[%get3A_1133] : memref<1000xf32, #tpu.memory_space<vmem>>[vector<16xi32>], vector<16xf32>,
          %swap3A_1383 = arith.index_cast %and3A_166 : i32 to index
          %swap3A_1384 = arith.index_cast %scan3A_1106 : i32 to index
          %swap3A_1385 = arith.constant 576 : index
          %swap3A_1386 = tpu.vector_load %arg7[%swap3A_1383, %swap3A_1384, %swap3A_1385] {strides = array<i32>} : memref<2x32x1024xf32, #tpu.memory_space<vmem>>, vector<16xf32>,
          tpu.vector_store %arg7[%swap3A_1383, %swap3A_1384, %swap3A_1385], %gather3A_1334 {strides = array<i32>} : memref<2x32x1024xf32, #tpu.memory_space<vmem>>, vector<16xf32>,
          %gather3A_1387 = tpu.memref_slice %arg5[%mul3A_208] : memref<32000xf32, #tpu.memory_space<vmem>> -> memref<1000xf32, #tpu.memory_space<vmem>>
          %gather3A_1388 = tpu.vector_load_idx %gather3A_1387[%get3A_1138] : memref<1000xf32, #tpu.memory_space<vmem>>[vector<16xi32>], vector<16xf32>,
          %swap3A_1389 = arith.index_cast %and3A_166 : i32 to index
          %swap3A_1390 = arith.index_cast %scan3A_1106 : i32 to index
          %swap3A_1391 = arith.constant 592 : index
          %swap3A_1392 = tpu.vector_load %arg7[%swap3A_1389, %swap3A_1390, %swap3A_1391] {strides = array<i32>} : memref<2x32x1024xf32, #tpu.memory_space<vmem>>, vector<16xf32>,
          tpu.vector_store %arg7[%swap3A_1389, %swap3A_1390, %swap3A_1391], %gather3A_1340 {strides = array<i32>} : memref<2x32x1024xf32, #tpu.memory_space<vmem>>, vector<16xf32>,
          %gather3A_1393 = tpu.memref_slice %arg5[%mul3A_208] : memref<32000xf32, #tpu.memory_space<vmem>> -> memref<1000xf32, #tpu.memory_space<vmem>>
          %gather3A_1394 = tpu.vector_load_idx %gather3A_1393[%get3A_1143] : memref<1000xf32, #tpu.memory_space<vmem>>[vector<16xi32>], vector<16xf32>,
          %swap3A_1395 = arith.index_cast %and3A_166 : i32 to index
          %swap3A_1396 = arith.index_cast %scan3A_1106 : i32 to index
          %swap3A_1397 = arith.constant 608 : index
          %swap3A_1398 = tpu.vector_load %arg7[%swap3A_1395, %swap3A_1396, %swap3A_1397] {strides = array<i32>} : memref<2x32x1024xf32, #tpu.memory_space<vmem>>, vector<16xf32>,
          tpu.vector_store %arg7[%swap3A_1395, %swap3A_1396, %swap3A_1397], %gather3A_1346 {strides = array<i32>} : memref<2x32x1024xf32, #tpu.memory_space<vmem>>, vector<16xf32>,
          %gather3A_1399 = tpu.memref_slice %arg5[%mul3A_208] : memref<32000xf32, #tpu.memory_space<vmem>> -> memref<1000xf32, #tpu.memory_space<vmem>>
          %gather3A_1400 = tpu.vector_load_idx %gather3A_1399[%get3A_1148] : memref<1000xf32, #tpu.memory_space<vmem>>[vector<16xi32>], vector<16xf32>,
          %swap3A_1401 = arith.index_cast %and3A_166 : i32 to index
          %swap3A_1402 = arith.index_cast %scan3A_1106 : i32 to index
          %swap3A_1403 = arith.constant 624 : index
          %swap3A_1404 = tpu.vector_load %arg7[%swap3A_1401, %swap3A_1402, %swap3A_1403] {strides = array<i32>} : memref<2x32x1024xf32, #tpu.memory_space<vmem>>, vector<16xf32>,
          tpu.vector_store %arg7[%swap3A_1401, %swap3A_1402, %swap3A_1403], %gather3A_1352 {strides = array<i32>} : memref<2x32x1024xf32, #tpu.memory_space<vmem>>, vector<16xf32>,
          %gather3A_1405 = tpu.memref_slice %arg5[%mul3A_215] : memref<32000xf32, #tpu.memory_space<vmem>> -> memref<1000xf32, #tpu.memory_space<vmem>>
          %gather3A_1406 = tpu.vector_load_idx %gather3A_1405[%get3A_1113] : memref<1000xf32, #tpu.memory_space<vmem>>[vector<16xi32>], vector<16xf32>,
          %swap3A_1407 = arith.index_cast %and3A_166 : i32 to index
          %swap3A_1408 = arith.index_cast %scan3A_1106 : i32 to index
          %swap3A_1409 = arith.constant 640 : index
          %swap3A_1410 = tpu.vector_load %arg7[%swap3A_1407, %swap3A_1408, %swap3A_1409] {strides = array<i32>} : memref<2x32x1024xf32, #tpu.memory_space<vmem>>, vector<16xf32>,
          tpu.vector_store %arg7[%swap3A_1407, %swap3A_1408, %swap3A_1409], %gather3A_1358 {strides = array<i32>} : memref<2x32x1024xf32, #tpu.memory_space<vmem>>, vector<16xf32>,
          %gather3A_1411 = tpu.memref_slice %arg5[%mul3A_215] : memref<32000xf32, #tpu.memory_space<vmem>> -> memref<1000xf32, #tpu.memory_space<vmem>>
          %gather3A_1412 = tpu.vector_load_idx %gather3A_1411[%get3A_1118] : memref<1000xf32, #tpu.memory_space<vmem>>[vector<16xi32>], vector<16xf32>,
          %swap3A_1413 = arith.index_cast %and3A_166 : i32 to index
          %swap3A_1414 = arith.index_cast %scan3A_1106 : i32 to index
          %swap3A_1415 = arith.constant 656 : index
          %swap3A_1416 = tpu.vector_load %arg7[%swap3A_1413, %swap3A_1414, %swap3A_1415] {strides = array<i32>} : memref<2x32x1024xf32, #tpu.memory_space<vmem>>, vector<16xf32>,
          tpu.vector_store %arg7[%swap3A_1413, %swap3A_1414, %swap3A_1415], %gather3A_1364 {strides = array<i32>} : memref<2x32x1024xf32, #tpu.memory_space<vmem>>, vector<16xf32>,
          %gather3A_1417 = tpu.memref_slice %arg5[%mul3A_215] : memref<32000xf32, #tpu.memory_space<vmem>> -> memref<1000xf32, #tpu.memory_space<vmem>>
          %gather3A_1418 = tpu.vector_load_idx %gather3A_1417[%get3A_1123] : memref<1000xf32, #tpu.memory_space<vmem>>[vector<16xi32>], vector<16xf32>,
          %swap3A_1419 = arith.index_cast %and3A_166 : i32 to index
          %swap3A_1420 = arith.index_cast %scan3A_1106 : i32 to index
          %swap3A_1421 = arith.constant 672 : index
          %swap3A_1422 = tpu.vector_load %arg7[%swap3A_1419, %swap3A_1420, %swap3A_1421] {strides = array<i32>} : memref<2x32x1024xf32, #tpu.memory_space<vmem>>, vector<16xf32>,
          tpu.vector_store %arg7[%swap3A_1419, %swap3A_1420, %swap3A_1421], %gather3A_1370 {strides = array<i32>} : memref<2x32x1024xf32, #tpu.memory_space<vmem>>, vector<16xf32>,
          %gather3A_1423 = tpu.memref_slice %arg5[%mul3A_215] : memref<32000xf32, #tpu.memory_space<vmem>> -> memref<1000xf32, #tpu.memory_space<vmem>>
          %gather3A_1424 = tpu.vector_load_idx %gather3A_1423[%get3A_1128] : memref<1000xf32, #tpu.memory_space<vmem>>[vector<16xi32>], vector<16xf32>,
          %swap3A_1425 = arith.index_cast %and3A_166 : i32 to index
          %swap3A_1426 = arith.index_cast %scan3A_1106 : i32 to index
          %swap3A_1427 = arith.constant 688 : index
          %swap3A_1428 = tpu.vector_load %arg7[%swap3A_1425, %swap3A_1426, %swap3A_1427] {strides = array<i32>} : memref<2x32x1024xf32, #tpu.memory_space<vmem>>, vector<16xf32>,
          tpu.vector_store %arg7[%swap3A_1425, %swap3A_1426, %swap3A_1427], %gather3A_1376 {strides = array<i32>} : memref<2x32x1024xf32, #tpu.memory_space<vmem>>, vector<16xf32>,
          %gather3A_1429 = tpu.memref_slice %arg5[%mul3A_215] : memref<32000xf32, #tpu.memory_space<vmem>> -> memref<1000xf32, #tpu.memory_space<vmem>>
          %gather3A_1430 = tpu.vector_load_idx %gather3A_1429[%get3A_1133] : memref<1000xf32, #tpu.memory_space<vmem>>[vector<16xi32>], vector<16xf32>,
          %swap3A_1431 = arith.index_cast %and3A_166 : i32 to index
          %swap3A_1432 = arith.index_cast %scan3A_1106 : i32 to index
          %swap3A_1433 = arith.constant 704 : index
          %swap3A_1434 = tpu.vector_load %arg7[%swap3A_1431, %swap3A_1432, %swap3A_1433] {strides = array<i32>} : memref<2x32x1024xf32, #tpu.memory_space<vmem>>, vector<16xf32>,
          tpu.vector_store %arg7[%swap3A_1431, %swap3A_1432, %swap3A_1433], %gather3A_1382 {strides = array<i32>} : memref<2x32x1024xf32, #tpu.memory_space<vmem>>, vector<16xf32>,
          %gather3A_1435 = tpu.memref_slice %arg5[%mul3A_215] : memref<32000xf32, #tpu.memory_space<vmem>> -> memref<1000xf32, #tpu.memory_space<vmem>>
          %gather3A_1436 = tpu.vector_load_idx %gather3A_1435[%get3A_1138] : memref<1000xf32, #tpu.memory_space<vmem>>[vector<16xi32>], vector<16xf32>,
          %swap3A_1437 = arith.index_cast %and3A_166 : i32 to index
          %swap3A_1438 = arith.index_cast %scan3A_1106 : i32 to index
          %swap3A_1439 = arith.constant 720 : index
          %swap3A_1440 = tpu.vector_load %arg7[%swap3A_1437, %swap3A_1438, %swap3A_1439] {strides = array<i32>} : memref<2x32x1024xf32, #tpu.memory_space<vmem>>, vector<16xf32>,
          tpu.vector_store %arg7[%swap3A_1437, %swap3A_1438, %swap3A_1439], %gather3A_1388 {strides = array<i32>} : memref<2x32x1024xf32, #tpu.memory_space<vmem>>, vector<16xf32>,
          %gather3A_1441 = tpu.memref_slice %arg5[%mul3A_215] : memref<32000xf32, #tpu.memory_space<vmem>> -> memref<1000xf32, #tpu.memory_space<vmem>>
          %gather3A_1442 = tpu.vector_load_idx %gather3A_1441[%get3A_1143] : memref<1000xf32, #tpu.memory_space<vmem>>[vector<16xi32>], vector<16xf32>,
          %swap3A_1443 = arith.index_cast %and3A_166 : i32 to index
          %swap3A_1444 = arith.index_cast %scan3A_1106 : i32 to index
          %swap3A_1445 = arith.constant 736 : index
          %swap3A_1446 = tpu.vector_load %arg7[%swap3A_1443, %swap3A_1444, %swap3A_1445] {strides = array<i32>} : memref<2x32x1024xf32, #tpu.memory_space<vmem>>, vector<16xf32>,
          tpu.vector_store %arg7[%swap3A_1443, %swap3A_1444, %swap3A_1445], %gather3A_1394 {strides = array<i32>} : memref<2x32x1024xf32, #tpu.memory_space<vmem>>, vector<16xf32>,
          %gather3A_1447 = tpu.memref_slice %arg5[%mul3A_215] : memref<32000xf32, #tpu.memory_space<vmem>> -> memref<1000xf32, #tpu.memory_space<vmem>>
          %gather3A_1448 = tpu.vector_load_idx %gather3A_1447[%get3A_1148] : memref<1000xf32, #tpu.memory_space<vmem>>[vector<16xi32>], vector<16xf32>,
          %swap3A_1449 = arith.index_cast %and3A_166 : i32 to index
          %swap3A_1450 = arith.index_cast %scan3A_1106 : i32 to index
          %swap3A_1451 = arith.constant 752 : index
          %swap3A_1452 = tpu.vector_load %arg7[%swap3A_1449, %swap3A_1450, %swap3A_1451] {strides = array<i32>} : memref<2x32x1024xf32, #tpu.memory_space<vmem>>, vector<16xf32>,
          tpu.vector_store %arg7[%swap3A_1449, %swap3A_1450, %swap3A_1451], %gather3A_1400 {strides = array<i32>} : memref<2x32x1024xf32, #tpu.memory_space<vmem>>, vector<16xf32>,
          %gather3A_1453 = tpu.memref_slice %arg5[%mul3A_222] : memref<32000xf32, #tpu.memory_space<vmem>> -> memref<1000xf32, #tpu.memory_space<vmem>>
          %gather3A_1454 = tpu.vector_load_idx %gather3A_1453[%get3A_1113] : memref<1000xf32, #tpu.memory_space<vmem>>[vector<16xi32>], vector<16xf32>,
          %swap3A_1455 = arith.index_cast %and3A_166 : i32 to index
          %swap3A_1456 = arith.index_cast %scan3A_1106 : i32 to index
          %swap3A_1457 = arith.constant 768 : index
          %swap3A_1458 = tpu.vector_load %arg7[%swap3A_1455, %swap3A_1456, %swap3A_1457] {strides = array<i32>} : memref<2x32x1024xf32, #tpu.memory_space<vmem>>, vector<16xf32>,
          tpu.vector_store %arg7[%swap3A_1455, %swap3A_1456, %swap3A_1457], %gather3A_1406 {strides = array<i32>} : memref<2x32x1024xf32, #tpu.memory_space<vmem>>, vector<16xf32>,
          %gather3A_1459 = tpu.memref_slice %arg5[%mul3A_222] : memref<32000xf32, #tpu.memory_space<vmem>> -> memref<1000xf32, #tpu.memory_space<vmem>>
          %gather3A_1460 = tpu.vector_load_idx %gather3A_1459[%get3A_1118] : memref<1000xf32, #tpu.memory_space<vmem>>[vector<16xi32>], vector<16xf32>,
          %swap3A_1461 = arith.index_cast %and3A_166 : i32 to index
          %swap3A_1462 = arith.index_cast %scan3A_1106 : i32 to index
          %swap3A_1463 = arith.constant 784 : index
          %swap3A_1464 = tpu.vector_load %arg7[%swap3A_1461, %swap3A_1462, %swap3A_1463] {strides = array<i32>} : memref<2x32x1024xf32, #tpu.memory_space<vmem>>, vector<16xf32>,
          tpu.vector_store %arg7[%swap3A_1461, %swap3A_1462, %swap3A_1463], %gather3A_1412 {strides = array<i32>} : memref<2x32x1024xf32, #tpu.memory_space<vmem>>, vector<16xf32>,
          %gather3A_1465 = tpu.memref_slice %arg5[%mul3A_222] : memref<32000xf32, #tpu.memory_space<vmem>> -> memref<1000xf32, #tpu.memory_space<vmem>>
          %gather3A_1466 = tpu.vector_load_idx %gather3A_1465[%get3A_1123] : memref<1000xf32, #tpu.memory_space<vmem>>[vector<16xi32>], vector<16xf32>,
          %swap3A_1467 = arith.index_cast %and3A_166 : i32 to index
          %swap3A_1468 = arith.index_cast %scan3A_1106 : i32 to index
          %swap3A_1469 = arith.constant 800 : index
          %swap3A_1470 = tpu.vector_load %arg7[%swap3A_1467, %swap3A_1468, %swap3A_1469] {strides = array<i32>} : memref<2x32x1024xf32, #tpu.memory_space<vmem>>, vector<16xf32>,
          tpu.vector_store %arg7[%swap3A_1467, %swap3A_1468, %swap3A_1469], %gather3A_1418 {strides = array<i32>} : memref<2x32x1024xf32, #tpu.memory_space<vmem>>, vector<16xf32>,
          %gather3A_1471 = tpu.memref_slice %arg5[%mul3A_222] : memref<32000xf32, #tpu.memory_space<vmem>> -> memref<1000xf32, #tpu.memory_space<vmem>>
          %gather3A_1472 = tpu.vector_load_idx %gather3A_1471[%get3A_1128] : memref<1000xf32, #tpu.memory_space<vmem>>[vector<16xi32>], vector<16xf32>,
          %swap3A_1473 = arith.index_cast %and3A_166 : i32 to index
          %swap3A_1474 = arith.index_cast %scan3A_1106 : i32 to index
          %swap3A_1475 = arith.constant 816 : index
          %swap3A_1476 = tpu.vector_load %arg7[%swap3A_1473, %swap3A_1474, %swap3A_1475] {strides = array<i32>} : memref<2x32x1024xf32, #tpu.memory_space<vmem>>, vector<16xf32>,
          tpu.vector_store %arg7[%swap3A_1473, %swap3A_1474, %swap3A_1475], %gather3A_1424 {strides = array<i32>} : memref<2x32x1024xf32, #tpu.memory_space<vmem>>, vector<16xf32>,
          %gather3A_1477 = tpu.memref_slice %arg5[%mul3A_222] : memref<32000xf32, #tpu.memory_space<vmem>> -> memref<1000xf32, #tpu.memory_space<vmem>>
          %gather3A_1478 = tpu.vector_load_idx %gather3A_1477[%get3A_1133] : memref<1000xf32, #tpu.memory_space<vmem>>[vector<16xi32>], vector<16xf32>,
          %swap3A_1479 = arith.index_cast %and3A_166 : i32 to index
          %swap3A_1480 = arith.index_cast %scan3A_1106 : i32 to index
          %swap3A_1481 = arith.constant 832 : index
          %swap3A_1482 = tpu.vector_load %arg7[%swap3A_1479, %swap3A_1480, %swap3A_1481] {strides = array<i32>} : memref<2x32x1024xf32, #tpu.memory_space<vmem>>, vector<16xf32>,
          tpu.vector_store %arg7[%swap3A_1479, %swap3A_1480, %swap3A_1481], %gather3A_1430 {strides = array<i32>} : memref<2x32x1024xf32, #tpu.memory_space<vmem>>, vector<16xf32>,
          %gather3A_1483 = tpu.memref_slice %arg5[%mul3A_222] : memref<32000xf32, #tpu.memory_space<vmem>> -> memref<1000xf32, #tpu.memory_space<vmem>>
          %gather3A_1484 = tpu.vector_load_idx %gather3A_1483[%get3A_1138] : memref<1000xf32, #tpu.memory_space<vmem>>[vector<16xi32>], vector<16xf32>,
          %swap3A_1485 = arith.index_cast %and3A_166 : i32 to index
          %swap3A_1486 = arith.index_cast %scan3A_1106 : i32 to index
          %swap3A_1487 = arith.constant 848 : index
          %swap3A_1488 = tpu.vector_load %arg7[%swap3A_1485, %swap3A_1486, %swap3A_1487] {strides = array<i32>} : memref<2x32x1024xf32, #tpu.memory_space<vmem>>, vector<16xf32>,
          tpu.vector_store %arg7[%swap3A_1485, %swap3A_1486, %swap3A_1487], %gather3A_1436 {strides = array<i32>} : memref<2x32x1024xf32, #tpu.memory_space<vmem>>, vector<16xf32>,
          %gather3A_1489 = tpu.memref_slice %arg5[%mul3A_222] : memref<32000xf32, #tpu.memory_space<vmem>> -> memref<1000xf32, #tpu.memory_space<vmem>>
          %gather3A_1490 = tpu.vector_load_idx %gather3A_1489[%get3A_1143] : memref<1000xf32, #tpu.memory_space<vmem>>[vector<16xi32>], vector<16xf32>,
          %swap3A_1491 = arith.index_cast %and3A_166 : i32 to index
          %swap3A_1492 = arith.index_cast %scan3A_1106 : i32 to index
          %swap3A_1493 = arith.constant 864 : index
          %swap3A_1494 = tpu.vector_load %arg7[%swap3A_1491, %swap3A_1492, %swap3A_1493] {strides = array<i32>} : memref<2x32x1024xf32, #tpu.memory_space<vmem>>, vector<16xf32>,
          tpu.vector_store %arg7[%swap3A_1491, %swap3A_1492, %swap3A_1493], %gather3A_1442 {strides = array<i32>} : memref<2x32x1024xf32, #tpu.memory_space<vmem>>, vector<16xf32>,
          %gather3A_1495 = tpu.memref_slice %arg5[%mul3A_222] : memref<32000xf32, #tpu.memory_space<vmem>> -> memref<1000xf32, #tpu.memory_space<vmem>>
          %gather3A_1496 = tpu.vector_load_idx %gather3A_1495[%get3A_1148] : memref<1000xf32, #tpu.memory_space<vmem>>[vector<16xi32>], vector<16xf32>,
          %swap3A_1497 = arith.index_cast %and3A_166 : i32 to index
          %swap3A_1498 = arith.index_cast %scan3A_1106 : i32 to index
          %swap3A_1499 = arith.constant 880 : index
          %swap3A_1500 = tpu.vector_load %arg7[%swap3A_1497, %swap3A_1498, %swap3A_1499] {strides = array<i32>} : memref<2x32x1024xf32, #tpu.memory_space<vmem>>, vector<16xf32>,
          tpu.vector_store %arg7[%swap3A_1497, %swap3A_1498, %swap3A_1499], %gather3A_1448 {strides = array<i32>} : memref<2x32x1024xf32, #tpu.memory_space<vmem>>, vector<16xf32>,
          %swap3A_1501 = arith.index_cast %and3A_166 : i32 to index
          %swap3A_1502 = arith.index_cast %scan3A_1106 : i32 to index
          %swap3A_1503 = arith.constant 896 : index
          %swap3A_1504 = tpu.vector_load %arg7[%swap3A_1501, %swap3A_1502, %swap3A_1503] {strides = array<i32>} : memref<2x32x1024xf32, #tpu.memory_space<vmem>>, vector<16xf32>,
          tpu.vector_store %arg7[%swap3A_1501, %swap3A_1502, %swap3A_1503], %gather3A_1454 {strides = array<i32>} : memref<2x32x1024xf32, #tpu.memory_space<vmem>>, vector<16xf32>,
          %swap3A_1505 = arith.index_cast %and3A_166 : i32 to index
          %swap3A_1506 = arith.index_cast %scan3A_1106 : i32 to index
          %swap3A_1507 = arith.constant 912 : index
          %swap3A_1508 = tpu.vector_load %arg7[%swap3A_1505, %swap3A_1506, %swap3A_1507] {strides = array<i32>} : memref<2x32x1024xf32, #tpu.memory_space<vmem>>, vector<16xf32>,
          tpu.vector_store %arg7[%swap3A_1505, %swap3A_1506, %swap3A_1507], %gather3A_1460 {strides = array<i32>} : memref<2x32x1024xf32, #tpu.memory_space<vmem>>, vector<16xf32>,
          %swap3A_1509 = arith.index_cast %and3A_166 : i32 to index
          %swap3A_1510 = arith.index_cast %scan3A_1106 : i32 to index
          %swap3A_1511 = arith.constant 928 : index
          %swap3A_1512 = tpu.vector_load %arg7[%swap3A_1509, %swap3A_1510, %swap3A_1511] {strides = array<i32>} : memref<2x32x1024xf32, #tpu.memory_space<vmem>>, vector<16xf32>,
          tpu.vector_store %arg7[%swap3A_1509, %swap3A_1510, %swap3A_1511], %gather3A_1466 {strides = array<i32>} : memref<2x32x1024xf32, #tpu.memory_space<vmem>>, vector<16xf32>,
          %swap3A_1513 = arith.index_cast %and3A_166 : i32 to index
          %swap3A_1514 = arith.index_cast %scan3A_1106 : i32 to index
          %swap3A_1515 = arith.constant 944 : index
          %swap3A_1516 = tpu.vector_load %arg7[%swap3A_1513, %swap3A_1514, %swap3A_1515] {strides = array<i32>} : memref<2x32x1024xf32, #tpu.memory_space<vmem>>, vector<16xf32>,
          tpu.vector_store %arg7[%swap3A_1513, %swap3A_1514, %swap3A_1515], %gather3A_1472 {strides = array<i32>} : memref<2x32x1024xf32, #tpu.memory_space<vmem>>, vector<16xf32>,
          %swap3A_1517 = arith.index_cast %and3A_166 : i32 to index
          %swap3A_1518 = arith.index_cast %scan3A_1106 : i32 to index
          %swap3A_1519 = arith.constant 960 : index
          %swap3A_1520 = tpu.vector_load %arg7[%swap3A_1517, %swap3A_1518, %swap3A_1519] {strides = array<i32>} : memref<2x32x1024xf32, #tpu.memory_space<vmem>>, vector<16xf32>,
          tpu.vector_store %arg7[%swap3A_1517, %swap3A_1518, %swap3A_1519], %gather3A_1478 {strides = array<i32>} : memref<2x32x1024xf32, #tpu.memory_space<vmem>>, vector<16xf32>,
          %swap3A_1521 = arith.index_cast %and3A_166 : i32 to index
          %swap3A_1522 = arith.index_cast %scan3A_1106 : i32 to index
          %swap3A_1523 = arith.constant 976 : index
          %swap3A_1524 = tpu.vector_load %arg7[%swap3A_1521, %swap3A_1522, %swap3A_1523] {strides = array<i32>} : memref<2x32x1024xf32, #tpu.memory_space<vmem>>, vector<16xf32>,
          tpu.vector_store %arg7[%swap3A_1521, %swap3A_1522, %swap3A_1523], %gather3A_1484 {strides = array<i32>} : memref<2x32x1024xf32, #tpu.memory_space<vmem>>, vector<16xf32>,
          %swap3A_1525 = arith.index_cast %and3A_166 : i32 to index
          %swap3A_1526 = arith.index_cast %scan3A_1106 : i32 to index
          %swap3A_1527 = arith.constant 992 : index
          %swap3A_1528 = tpu.vector_load %arg7[%swap3A_1525, %swap3A_1526, %swap3A_1527] {strides = array<i32>} : memref<2x32x1024xf32, #tpu.memory_space<vmem>>, vector<16xf32>,
          tpu.vector_store %arg7[%swap3A_1525, %swap3A_1526, %swap3A_1527], %gather3A_1490 {strides = array<i32>} : memref<2x32x1024xf32, #tpu.memory_space<vmem>>, vector<16xf32>,
          %swap3A_1529 = arith.index_cast %and3A_166 : i32 to index
          %swap3A_1530 = arith.index_cast %scan3A_1106 : i32 to index
          %swap3A_1531 = arith.constant 1008 : index
          %swap3A_1532 = tpu.vector_load %arg7[%swap3A_1529, %swap3A_1530, %swap3A_1531] {strides = array<i32>} : memref<2x32x1024xf32, #tpu.memory_space<vmem>>, vector<16xf32>,
          tpu.vector_store %arg7[%swap3A_1529, %swap3A_1530, %swap3A_1531], %gather3A_1496 {strides = array<i32>} : memref<2x32x1024xf32, #tpu.memory_space<vmem>>, vector<16xf32>,
          %scan3A_1533 = arith.constant 3 : i32
          %scan3A_1534 = arith.addi %scan3A_253, %scan3A_1533 : i32
          %mul3A_1535 = arith.constant 128 : i32
          %mul3A_1536 = arith.muli %scan3A_1534, %mul3A_1535 : i32
          %add3A_1537 = arith.constant 0 : i32
          %add3A_1538 = arith.addi %mul3A_1536, %add3A_1537 : i32
          %get3A_1539 = arith.index_cast %and3A_226 : i32 to index
          %get3A_1540 = arith.index_cast %add3A_1538 : i32 to index
          %get3A_1541 = tpu.vector_load %arg6[%get3A_1539, %get3A_1540] {strides = array<i32>} : memref<2x4096xi32, #tpu.memory_space<vmem>>, vector<16xi32>,
          %add3A_1542 = arith.constant 16 : i32
          %add3A_1543 = arith.addi %mul3A_1536, %add3A_1542 : i32
          %get3A_1544 = arith.index_cast %and3A_226 : i32 to index
          %get3A_1545 = arith.index_cast %add3A_1543 : i32 to index
          %get3A_1546 = tpu.vector_load %arg6[%get3A_1544, %get3A_1545] {strides = array<i32>} : memref<2x4096xi32, #tpu.memory_space<vmem>>, vector<16xi32>,
          %add3A_1547 = arith.constant 32 : i32
          %add3A_1548 = arith.addi %mul3A_1536, %add3A_1547 : i32
          %get3A_1549 = arith.index_cast %and3A_226 : i32 to index
          %get3A_1550 = arith.index_cast %add3A_1548 : i32 to index
          %get3A_1551 = tpu.vector_load %arg6[%get3A_1549, %get3A_1550] {strides = array<i32>} : memref<2x4096xi32, #tpu.memory_space<vmem>>, vector<16xi32>,
          %add3A_1552 = arith.constant 48 : i32
          %add3A_1553 = arith.addi %mul3A_1536, %add3A_1552 : i32
          %get3A_1554 = arith.index_cast %and3A_226 : i32 to index
          %get3A_1555 = arith.index_cast %add3A_1553 : i32 to index
          %get3A_1556 = tpu.vector_load %arg6[%get3A_1554, %get3A_1555] {strides = array<i32>} : memref<2x4096xi32, #tpu.memory_space<vmem>>, vector<16xi32>,
          %add3A_1557 = arith.constant 64 : i32
          %add3A_1558 = arith.addi %mul3A_1536, %add3A_1557 : i32
          %get3A_1559 = arith.index_cast %and3A_226 : i32 to index
          %get3A_1560 = arith.index_cast %add3A_1558 : i32 to index
          %get3A_1561 = tpu.vector_load %arg6[%get3A_1559, %get3A_1560] {strides = array<i32>} : memref<2x4096xi32, #tpu.memory_space<vmem>>, vector<16xi32>,
          %add3A_1562 = arith.constant 80 : i32
          %add3A_1563 = arith.addi %mul3A_1536, %add3A_1562 : i32
          %get3A_1564 = arith.index_cast %and3A_226 : i32 to index
          %get3A_1565 = arith.index_cast %add3A_1563 : i32 to index
          %get3A_1566 = tpu.vector_load %arg6[%get3A_1564, %get3A_1565] {strides = array<i32>} : memref<2x4096xi32, #tpu.memory_space<vmem>>, vector<16xi32>,
          %add3A_1567 = arith.constant 96 : i32
          %add3A_1568 = arith.addi %mul3A_1536, %add3A_1567 : i32
          %get3A_1569 = arith.index_cast %and3A_226 : i32 to index
          %get3A_1570 = arith.index_cast %add3A_1568 : i32 to index
          %get3A_1571 = tpu.vector_load %arg6[%get3A_1569, %get3A_1570] {strides = array<i32>} : memref<2x4096xi32, #tpu.memory_space<vmem>>, vector<16xi32>,
          %add3A_1572 = arith.constant 112 : i32
          %add3A_1573 = arith.addi %mul3A_1536, %add3A_1572 : i32
          %get3A_1574 = arith.index_cast %and3A_226 : i32 to index
          %get3A_1575 = arith.index_cast %add3A_1573 : i32 to index
          %get3A_1576 = tpu.vector_load %arg6[%get3A_1574, %get3A_1575] {strides = array<i32>} : memref<2x4096xi32, #tpu.memory_space<vmem>>, vector<16xi32>,
          %gather3A_1577 = tpu.memref_slice %arg5[%mul3A_173] : memref<32000xf32, #tpu.memory_space<vmem>> -> memref<1000xf32, #tpu.memory_space<vmem>>
          %gather3A_1578 = tpu.vector_load_idx %gather3A_1577[%get3A_1541] : memref<1000xf32, #tpu.memory_space<vmem>>[vector<16xi32>], vector<16xf32>,
          %gather3A_1579 = tpu.memref_slice %arg5[%mul3A_173] : memref<32000xf32, #tpu.memory_space<vmem>> -> memref<1000xf32, #tpu.memory_space<vmem>>
          %gather3A_1580 = tpu.vector_load_idx %gather3A_1579[%get3A_1546] : memref<1000xf32, #tpu.memory_space<vmem>>[vector<16xi32>], vector<16xf32>,
          %gather3A_1581 = tpu.memref_slice %arg5[%mul3A_173] : memref<32000xf32, #tpu.memory_space<vmem>> -> memref<1000xf32, #tpu.memory_space<vmem>>
          %gather3A_1582 = tpu.vector_load_idx %gather3A_1581[%get3A_1551] : memref<1000xf32, #tpu.memory_space<vmem>>[vector<16xi32>], vector<16xf32>,
          %gather3A_1583 = tpu.memref_slice %arg5[%mul3A_173] : memref<32000xf32, #tpu.memory_space<vmem>> -> memref<1000xf32, #tpu.memory_space<vmem>>
          %gather3A_1584 = tpu.vector_load_idx %gather3A_1583[%get3A_1556] : memref<1000xf32, #tpu.memory_space<vmem>>[vector<16xi32>], vector<16xf32>,
          %gather3A_1585 = tpu.memref_slice %arg5[%mul3A_173] : memref<32000xf32, #tpu.memory_space<vmem>> -> memref<1000xf32, #tpu.memory_space<vmem>>
          %gather3A_1586 = tpu.vector_load_idx %gather3A_1585[%get3A_1561] : memref<1000xf32, #tpu.memory_space<vmem>>[vector<16xi32>], vector<16xf32>,
          %gather3A_1587 = tpu.memref_slice %arg5[%mul3A_173] : memref<32000xf32, #tpu.memory_space<vmem>> -> memref<1000xf32, #tpu.memory_space<vmem>>
          %gather3A_1588 = tpu.vector_load_idx %gather3A_1587[%get3A_1566] : memref<1000xf32, #tpu.memory_space<vmem>>[vector<16xi32>], vector<16xf32>,
          %gather3A_1589 = tpu.memref_slice %arg5[%mul3A_173] : memref<32000xf32, #tpu.memory_space<vmem>> -> memref<1000xf32, #tpu.memory_space<vmem>>
          %gather3A_1590 = tpu.vector_load_idx %gather3A_1589[%get3A_1571] : memref<1000xf32, #tpu.memory_space<vmem>>[vector<16xi32>], vector<16xf32>,
          %gather3A_1591 = tpu.memref_slice %arg5[%mul3A_173] : memref<32000xf32, #tpu.memory_space<vmem>> -> memref<1000xf32, #tpu.memory_space<vmem>>
          %gather3A_1592 = tpu.vector_load_idx %gather3A_1591[%get3A_1576] : memref<1000xf32, #tpu.memory_space<vmem>>[vector<16xi32>], vector<16xf32>,
          %gather3A_1593 = tpu.memref_slice %arg5[%mul3A_180] : memref<32000xf32, #tpu.memory_space<vmem>> -> memref<1000xf32, #tpu.memory_space<vmem>>
          %gather3A_1594 = tpu.vector_load_idx %gather3A_1593[%get3A_1541] : memref<1000xf32, #tpu.memory_space<vmem>>[vector<16xi32>], vector<16xf32>,
          %swap3A_1595 = arith.index_cast %and3A_166 : i32 to index
          %swap3A_1596 = arith.index_cast %scan3A_1534 : i32 to index
          %swap3A_1597 = arith.constant 0 : index
          %swap3A_1598 = tpu.vector_load %arg7[%swap3A_1595, %swap3A_1596, %swap3A_1597] {strides = array<i32>} : memref<2x32x1024xf32, #tpu.memory_space<vmem>>, vector<16xf32>,
          tpu.vector_store %arg7[%swap3A_1595, %swap3A_1596, %swap3A_1597], %gather3A_1578 {strides = array<i32>} : memref<2x32x1024xf32, #tpu.memory_space<vmem>>, vector<16xf32>,
          %gather3A_1599 = tpu.memref_slice %arg5[%mul3A_180] : memref<32000xf32, #tpu.memory_space<vmem>> -> memref<1000xf32, #tpu.memory_space<vmem>>
          %gather3A_1600 = tpu.vector_load_idx %gather3A_1599[%get3A_1546] : memref<1000xf32, #tpu.memory_space<vmem>>[vector<16xi32>], vector<16xf32>,
          %swap3A_1601 = arith.index_cast %and3A_166 : i32 to index
          %swap3A_1602 = arith.index_cast %scan3A_1534 : i32 to index
          %swap3A_1603 = arith.constant 16 : index
          %swap3A_1604 = tpu.vector_load %arg7[%swap3A_1601, %swap3A_1602, %swap3A_1603] {strides = array<i32>} : memref<2x32x1024xf32, #tpu.memory_space<vmem>>, vector<16xf32>,
          tpu.vector_store %arg7[%swap3A_1601, %swap3A_1602, %swap3A_1603], %gather3A_1580 {strides = array<i32>} : memref<2x32x1024xf32, #tpu.memory_space<vmem>>, vector<16xf32>,
          %gather3A_1605 = tpu.memref_slice %arg5[%mul3A_180] : memref<32000xf32, #tpu.memory_space<vmem>> -> memref<1000xf32, #tpu.memory_space<vmem>>
          %gather3A_1606 = tpu.vector_load_idx %gather3A_1605[%get3A_1551] : memref<1000xf32, #tpu.memory_space<vmem>>[vector<16xi32>], vector<16xf32>,
          %swap3A_1607 = arith.index_cast %and3A_166 : i32 to index
          %swap3A_1608 = arith.index_cast %scan3A_1534 : i32 to index
          %swap3A_1609 = arith.constant 32 : index
          %swap3A_1610 = tpu.vector_load %arg7[%swap3A_1607, %swap3A_1608, %swap3A_1609] {strides = array<i32>} : memref<2x32x1024xf32, #tpu.memory_space<vmem>>, vector<16xf32>,
          tpu.vector_store %arg7[%swap3A_1607, %swap3A_1608, %swap3A_1609], %gather3A_1582 {strides = array<i32>} : memref<2x32x1024xf32, #tpu.memory_space<vmem>>, vector<16xf32>,
          %gather3A_1611 = tpu.memref_slice %arg5[%mul3A_180] : memref<32000xf32, #tpu.memory_space<vmem>> -> memref<1000xf32, #tpu.memory_space<vmem>>
          %gather3A_1612 = tpu.vector_load_idx %gather3A_1611[%get3A_1556] : memref<1000xf32, #tpu.memory_space<vmem>>[vector<16xi32>], vector<16xf32>,
          %swap3A_1613 = arith.index_cast %and3A_166 : i32 to index
          %swap3A_1614 = arith.index_cast %scan3A_1534 : i32 to index
          %swap3A_1615 = arith.constant 48 : index
          %swap3A_1616 = tpu.vector_load %arg7[%swap3A_1613, %swap3A_1614, %swap3A_1615] {strides = array<i32>} : memref<2x32x1024xf32, #tpu.memory_space<vmem>>, vector<16xf32>,
          tpu.vector_store %arg7[%swap3A_1613, %swap3A_1614, %swap3A_1615], %gather3A_1584 {strides = array<i32>} : memref<2x32x1024xf32, #tpu.memory_space<vmem>>, vector<16xf32>,
          %gather3A_1617 = tpu.memref_slice %arg5[%mul3A_180] : memref<32000xf32, #tpu.memory_space<vmem>> -> memref<1000xf32, #tpu.memory_space<vmem>>
          %gather3A_1618 = tpu.vector_load_idx %gather3A_1617[%get3A_1561] : memref<1000xf32, #tpu.memory_space<vmem>>[vector<16xi32>], vector<16xf32>,
          %swap3A_1619 = arith.index_cast %and3A_166 : i32 to index
          %swap3A_1620 = arith.index_cast %scan3A_1534 : i32 to index
          %swap3A_1621 = arith.constant 64 : index
          %swap3A_1622 = tpu.vector_load %arg7[%swap3A_1619, %swap3A_1620, %swap3A_1621] {strides = array<i32>} : memref<2x32x1024xf32, #tpu.memory_space<vmem>>, vector<16xf32>,
          tpu.vector_store %arg7[%swap3A_1619, %swap3A_1620, %swap3A_1621], %gather3A_1586 {strides = array<i32>} : memref<2x32x1024xf32, #tpu.memory_space<vmem>>, vector<16xf32>,
          %gather3A_1623 = tpu.memref_slice %arg5[%mul3A_180] : memref<32000xf32, #tpu.memory_space<vmem>> -> memref<1000xf32, #tpu.memory_space<vmem>>
          %gather3A_1624 = tpu.vector_load_idx %gather3A_1623[%get3A_1566] : memref<1000xf32, #tpu.memory_space<vmem>>[vector<16xi32>], vector<16xf32>,
          %swap3A_1625 = arith.index_cast %and3A_166 : i32 to index
          %swap3A_1626 = arith.index_cast %scan3A_1534 : i32 to index
          %swap3A_1627 = arith.constant 80 : index
          %swap3A_1628 = tpu.vector_load %arg7[%swap3A_1625, %swap3A_1626, %swap3A_1627] {strides = array<i32>} : memref<2x32x1024xf32, #tpu.memory_space<vmem>>, vector<16xf32>,
          tpu.vector_store %arg7[%swap3A_1625, %swap3A_1626, %swap3A_1627], %gather3A_1588 {strides = array<i32>} : memref<2x32x1024xf32, #tpu.memory_space<vmem>>, vector<16xf32>,
          %gather3A_1629 = tpu.memref_slice %arg5[%mul3A_180] : memref<32000xf32, #tpu.memory_space<vmem>> -> memref<1000xf32, #tpu.memory_space<vmem>>
          %gather3A_1630 = tpu.vector_load_idx %gather3A_1629[%get3A_1571] : memref<1000xf32, #tpu.memory_space<vmem>>[vector<16xi32>], vector<16xf32>,
          %swap3A_1631 = arith.index_cast %and3A_166 : i32 to index
          %swap3A_1632 = arith.index_cast %scan3A_1534 : i32 to index
          %swap3A_1633 = arith.constant 96 : index
          %swap3A_1634 = tpu.vector_load %arg7[%swap3A_1631, %swap3A_1632, %swap3A_1633] {strides = array<i32>} : memref<2x32x1024xf32, #tpu.memory_space<vmem>>, vector<16xf32>,
          tpu.vector_store %arg7[%swap3A_1631, %swap3A_1632, %swap3A_1633], %gather3A_1590 {strides = array<i32>} : memref<2x32x1024xf32, #tpu.memory_space<vmem>>, vector<16xf32>,
          %gather3A_1635 = tpu.memref_slice %arg5[%mul3A_180] : memref<32000xf32, #tpu.memory_space<vmem>> -> memref<1000xf32, #tpu.memory_space<vmem>>
          %gather3A_1636 = tpu.vector_load_idx %gather3A_1635[%get3A_1576] : memref<1000xf32, #tpu.memory_space<vmem>>[vector<16xi32>], vector<16xf32>,
          %swap3A_1637 = arith.index_cast %and3A_166 : i32 to index
          %swap3A_1638 = arith.index_cast %scan3A_1534 : i32 to index
          %swap3A_1639 = arith.constant 112 : index
          %swap3A_1640 = tpu.vector_load %arg7[%swap3A_1637, %swap3A_1638, %swap3A_1639] {strides = array<i32>} : memref<2x32x1024xf32, #tpu.memory_space<vmem>>, vector<16xf32>,
          tpu.vector_store %arg7[%swap3A_1637, %swap3A_1638, %swap3A_1639], %gather3A_1592 {strides = array<i32>} : memref<2x32x1024xf32, #tpu.memory_space<vmem>>, vector<16xf32>,
          %gather3A_1641 = tpu.memref_slice %arg5[%mul3A_187] : memref<32000xf32, #tpu.memory_space<vmem>> -> memref<1000xf32, #tpu.memory_space<vmem>>
          %gather3A_1642 = tpu.vector_load_idx %gather3A_1641[%get3A_1541] : memref<1000xf32, #tpu.memory_space<vmem>>[vector<16xi32>], vector<16xf32>,
          %swap3A_1643 = arith.index_cast %and3A_166 : i32 to index
          %swap3A_1644 = arith.index_cast %scan3A_1534 : i32 to index
          %swap3A_1645 = arith.constant 128 : index
          %swap3A_1646 = tpu.vector_load %arg7[%swap3A_1643, %swap3A_1644, %swap3A_1645] {strides = array<i32>} : memref<2x32x1024xf32, #tpu.memory_space<vmem>>, vector<16xf32>,
          tpu.vector_store %arg7[%swap3A_1643, %swap3A_1644, %swap3A_1645], %gather3A_1594 {strides = array<i32>} : memref<2x32x1024xf32, #tpu.memory_space<vmem>>, vector<16xf32>,
          %gather3A_1647 = tpu.memref_slice %arg5[%mul3A_187] : memref<32000xf32, #tpu.memory_space<vmem>> -> memref<1000xf32, #tpu.memory_space<vmem>>
          %gather3A_1648 = tpu.vector_load_idx %gather3A_1647[%get3A_1546] : memref<1000xf32, #tpu.memory_space<vmem>>[vector<16xi32>], vector<16xf32>,
          %swap3A_1649 = arith.index_cast %and3A_166 : i32 to index
          %swap3A_1650 = arith.index_cast %scan3A_1534 : i32 to index
          %swap3A_1651 = arith.constant 144 : index
          %swap3A_1652 = tpu.vector_load %arg7[%swap3A_1649, %swap3A_1650, %swap3A_1651] {strides = array<i32>} : memref<2x32x1024xf32, #tpu.memory_space<vmem>>, vector<16xf32>,
          tpu.vector_store %arg7[%swap3A_1649, %swap3A_1650, %swap3A_1651], %gather3A_1600 {strides = array<i32>} : memref<2x32x1024xf32, #tpu.memory_space<vmem>>, vector<16xf32>,
          %gather3A_1653 = tpu.memref_slice %arg5[%mul3A_187] : memref<32000xf32, #tpu.memory_space<vmem>> -> memref<1000xf32, #tpu.memory_space<vmem>>
          %gather3A_1654 = tpu.vector_load_idx %gather3A_1653[%get3A_1551] : memref<1000xf32, #tpu.memory_space<vmem>>[vector<16xi32>], vector<16xf32>,
          %swap3A_1655 = arith.index_cast %and3A_166 : i32 to index
          %swap3A_1656 = arith.index_cast %scan3A_1534 : i32 to index
          %swap3A_1657 = arith.constant 160 : index
          %swap3A_1658 = tpu.vector_load %arg7[%swap3A_1655, %swap3A_1656, %swap3A_1657] {strides = array<i32>} : memref<2x32x1024xf32, #tpu.memory_space<vmem>>, vector<16xf32>,
          tpu.vector_store %arg7[%swap3A_1655, %swap3A_1656, %swap3A_1657], %gather3A_1606 {strides = array<i32>} : memref<2x32x1024xf32, #tpu.memory_space<vmem>>, vector<16xf32>,
          %gather3A_1659 = tpu.memref_slice %arg5[%mul3A_187] : memref<32000xf32, #tpu.memory_space<vmem>> -> memref<1000xf32, #tpu.memory_space<vmem>>
          %gather3A_1660 = tpu.vector_load_idx %gather3A_1659[%get3A_1556] : memref<1000xf32, #tpu.memory_space<vmem>>[vector<16xi32>], vector<16xf32>,
          %swap3A_1661 = arith.index_cast %and3A_166 : i32 to index
          %swap3A_1662 = arith.index_cast %scan3A_1534 : i32 to index
          %swap3A_1663 = arith.constant 176 : index
          %swap3A_1664 = tpu.vector_load %arg7[%swap3A_1661, %swap3A_1662, %swap3A_1663] {strides = array<i32>} : memref<2x32x1024xf32, #tpu.memory_space<vmem>>, vector<16xf32>,
          tpu.vector_store %arg7[%swap3A_1661, %swap3A_1662, %swap3A_1663], %gather3A_1612 {strides = array<i32>} : memref<2x32x1024xf32, #tpu.memory_space<vmem>>, vector<16xf32>,
          %gather3A_1665 = tpu.memref_slice %arg5[%mul3A_187] : memref<32000xf32, #tpu.memory_space<vmem>> -> memref<1000xf32, #tpu.memory_space<vmem>>
          %gather3A_1666 = tpu.vector_load_idx %gather3A_1665[%get3A_1561] : memref<1000xf32, #tpu.memory_space<vmem>>[vector<16xi32>], vector<16xf32>,
          %swap3A_1667 = arith.index_cast %and3A_166 : i32 to index
          %swap3A_1668 = arith.index_cast %scan3A_1534 : i32 to index
          %swap3A_1669 = arith.constant 192 : index
          %swap3A_1670 = tpu.vector_load %arg7[%swap3A_1667, %swap3A_1668, %swap3A_1669] {strides = array<i32>} : memref<2x32x1024xf32, #tpu.memory_space<vmem>>, vector<16xf32>,
          tpu.vector_store %arg7[%swap3A_1667, %swap3A_1668, %swap3A_1669], %gather3A_1618 {strides = array<i32>} : memref<2x32x1024xf32, #tpu.memory_space<vmem>>, vector<16xf32>,
          %gather3A_1671 = tpu.memref_slice %arg5[%mul3A_187] : memref<32000xf32, #tpu.memory_space<vmem>> -> memref<1000xf32, #tpu.memory_space<vmem>>
          %gather3A_1672 = tpu.vector_load_idx %gather3A_1671[%get3A_1566] : memref<1000xf32, #tpu.memory_space<vmem>>[vector<16xi32>], vector<16xf32>,
          %swap3A_1673 = arith.index_cast %and3A_166 : i32 to index
          %swap3A_1674 = arith.index_cast %scan3A_1534 : i32 to index
          %swap3A_1675 = arith.constant 208 : index
          %swap3A_1676 = tpu.vector_load %arg7[%swap3A_1673, %swap3A_1674, %swap3A_1675] {strides = array<i32>} : memref<2x32x1024xf32, #tpu.memory_space<vmem>>, vector<16xf32>,
          tpu.vector_store %arg7[%swap3A_1673, %swap3A_1674, %swap3A_1675], %gather3A_1624 {strides = array<i32>} : memref<2x32x1024xf32, #tpu.memory_space<vmem>>, vector<16xf32>,
          %gather3A_1677 = tpu.memref_slice %arg5[%mul3A_187] : memref<32000xf32, #tpu.memory_space<vmem>> -> memref<1000xf32, #tpu.memory_space<vmem>>
          %gather3A_1678 = tpu.vector_load_idx %gather3A_1677[%get3A_1571] : memref<1000xf32, #tpu.memory_space<vmem>>[vector<16xi32>], vector<16xf32>,
          %swap3A_1679 = arith.index_cast %and3A_166 : i32 to index
          %swap3A_1680 = arith.index_cast %scan3A_1534 : i32 to index
          %swap3A_1681 = arith.constant 224 : index
          %swap3A_1682 = tpu.vector_load %arg7[%swap3A_1679, %swap3A_1680, %swap3A_1681] {strides = array<i32>} : memref<2x32x1024xf32, #tpu.memory_space<vmem>>, vector<16xf32>,
          tpu.vector_store %arg7[%swap3A_1679, %swap3A_1680, %swap3A_1681], %gather3A_1630 {strides = array<i32>} : memref<2x32x1024xf32, #tpu.memory_space<vmem>>, vector<16xf32>,
          %gather3A_1683 = tpu.memref_slice %arg5[%mul3A_187] : memref<32000xf32, #tpu.memory_space<vmem>> -> memref<1000xf32, #tpu.memory_space<vmem>>
          %gather3A_1684 = tpu.vector_load_idx %gather3A_1683[%get3A_1576] : memref<1000xf32, #tpu.memory_space<vmem>>[vector<16xi32>], vector<16xf32>,
          %swap3A_1685 = arith.index_cast %and3A_166 : i32 to index
          %swap3A_1686 = arith.index_cast %scan3A_1534 : i32 to index
          %swap3A_1687 = arith.constant 240 : index
          %swap3A_1688 = tpu.vector_load %arg7[%swap3A_1685, %swap3A_1686, %swap3A_1687] {strides = array<i32>} : memref<2x32x1024xf32, #tpu.memory_space<vmem>>, vector<16xf32>,
          tpu.vector_store %arg7[%swap3A_1685, %swap3A_1686, %swap3A_1687], %gather3A_1636 {strides = array<i32>} : memref<2x32x1024xf32, #tpu.memory_space<vmem>>, vector<16xf32>,
          %gather3A_1689 = tpu.memref_slice %arg5[%mul3A_194] : memref<32000xf32, #tpu.memory_space<vmem>> -> memref<1000xf32, #tpu.memory_space<vmem>>
          %gather3A_1690 = tpu.vector_load_idx %gather3A_1689[%get3A_1541] : memref<1000xf32, #tpu.memory_space<vmem>>[vector<16xi32>], vector<16xf32>,
          %swap3A_1691 = arith.index_cast %and3A_166 : i32 to index
          %swap3A_1692 = arith.index_cast %scan3A_1534 : i32 to index
          %swap3A_1693 = arith.constant 256 : index
          %swap3A_1694 = tpu.vector_load %arg7[%swap3A_1691, %swap3A_1692, %swap3A_1693] {strides = array<i32>} : memref<2x32x1024xf32, #tpu.memory_space<vmem>>, vector<16xf32>,
          tpu.vector_store %arg7[%swap3A_1691, %swap3A_1692, %swap3A_1693], %gather3A_1642 {strides = array<i32>} : memref<2x32x1024xf32, #tpu.memory_space<vmem>>, vector<16xf32>,
          %gather3A_1695 = tpu.memref_slice %arg5[%mul3A_194] : memref<32000xf32, #tpu.memory_space<vmem>> -> memref<1000xf32, #tpu.memory_space<vmem>>
          %gather3A_1696 = tpu.vector_load_idx %gather3A_1695[%get3A_1546] : memref<1000xf32, #tpu.memory_space<vmem>>[vector<16xi32>], vector<16xf32>,
          %swap3A_1697 = arith.index_cast %and3A_166 : i32 to index
          %swap3A_1698 = arith.index_cast %scan3A_1534 : i32 to index
          %swap3A_1699 = arith.constant 272 : index
          %swap3A_1700 = tpu.vector_load %arg7[%swap3A_1697, %swap3A_1698, %swap3A_1699] {strides = array<i32>} : memref<2x32x1024xf32, #tpu.memory_space<vmem>>, vector<16xf32>,
          tpu.vector_store %arg7[%swap3A_1697, %swap3A_1698, %swap3A_1699], %gather3A_1648 {strides = array<i32>} : memref<2x32x1024xf32, #tpu.memory_space<vmem>>, vector<16xf32>,
          %gather3A_1701 = tpu.memref_slice %arg5[%mul3A_194] : memref<32000xf32, #tpu.memory_space<vmem>> -> memref<1000xf32, #tpu.memory_space<vmem>>
          %gather3A_1702 = tpu.vector_load_idx %gather3A_1701[%get3A_1551] : memref<1000xf32, #tpu.memory_space<vmem>>[vector<16xi32>], vector<16xf32>,
          %swap3A_1703 = arith.index_cast %and3A_166 : i32 to index
          %swap3A_1704 = arith.index_cast %scan3A_1534 : i32 to index
          %swap3A_1705 = arith.constant 288 : index
          %swap3A_1706 = tpu.vector_load %arg7[%swap3A_1703, %swap3A_1704, %swap3A_1705] {strides = array<i32>} : memref<2x32x1024xf32, #tpu.memory_space<vmem>>, vector<16xf32>,
          tpu.vector_store %arg7[%swap3A_1703, %swap3A_1704, %swap3A_1705], %gather3A_1654 {strides = array<i32>} : memref<2x32x1024xf32, #tpu.memory_space<vmem>>, vector<16xf32>,
          %gather3A_1707 = tpu.memref_slice %arg5[%mul3A_194] : memref<32000xf32, #tpu.memory_space<vmem>> -> memref<1000xf32, #tpu.memory_space<vmem>>
          %gather3A_1708 = tpu.vector_load_idx %gather3A_1707[%get3A_1556] : memref<1000xf32, #tpu.memory_space<vmem>>[vector<16xi32>], vector<16xf32>,
          %swap3A_1709 = arith.index_cast %and3A_166 : i32 to index
          %swap3A_1710 = arith.index_cast %scan3A_1534 : i32 to index
          %swap3A_1711 = arith.constant 304 : index
          %swap3A_1712 = tpu.vector_load %arg7[%swap3A_1709, %swap3A_1710, %swap3A_1711] {strides = array<i32>} : memref<2x32x1024xf32, #tpu.memory_space<vmem>>, vector<16xf32>,
          tpu.vector_store %arg7[%swap3A_1709, %swap3A_1710, %swap3A_1711], %gather3A_1660 {strides = array<i32>} : memref<2x32x1024xf32, #tpu.memory_space<vmem>>, vector<16xf32>,
          %gather3A_1713 = tpu.memref_slice %arg5[%mul3A_194] : memref<32000xf32, #tpu.memory_space<vmem>> -> memref<1000xf32, #tpu.memory_space<vmem>>
          %gather3A_1714 = tpu.vector_load_idx %gather3A_1713[%get3A_1561] : memref<1000xf32, #tpu.memory_space<vmem>>[vector<16xi32>], vector<16xf32>,
          %swap3A_1715 = arith.index_cast %and3A_166 : i32 to index
          %swap3A_1716 = arith.index_cast %scan3A_1534 : i32 to index
          %swap3A_1717 = arith.constant 320 : index
          %swap3A_1718 = tpu.vector_load %arg7[%swap3A_1715, %swap3A_1716, %swap3A_1717] {strides = array<i32>} : memref<2x32x1024xf32, #tpu.memory_space<vmem>>, vector<16xf32>,
          tpu.vector_store %arg7[%swap3A_1715, %swap3A_1716, %swap3A_1717], %gather3A_1666 {strides = array<i32>} : memref<2x32x1024xf32, #tpu.memory_space<vmem>>, vector<16xf32>,
          %gather3A_1719 = tpu.memref_slice %arg5[%mul3A_194] : memref<32000xf32, #tpu.memory_space<vmem>> -> memref<1000xf32, #tpu.memory_space<vmem>>
          %gather3A_1720 = tpu.vector_load_idx %gather3A_1719[%get3A_1566] : memref<1000xf32, #tpu.memory_space<vmem>>[vector<16xi32>], vector<16xf32>,
          %swap3A_1721 = arith.index_cast %and3A_166 : i32 to index
          %swap3A_1722 = arith.index_cast %scan3A_1534 : i32 to index
          %swap3A_1723 = arith.constant 336 : index
          %swap3A_1724 = tpu.vector_load %arg7[%swap3A_1721, %swap3A_1722, %swap3A_1723] {strides = array<i32>} : memref<2x32x1024xf32, #tpu.memory_space<vmem>>, vector<16xf32>,
          tpu.vector_store %arg7[%swap3A_1721, %swap3A_1722, %swap3A_1723], %gather3A_1672 {strides = array<i32>} : memref<2x32x1024xf32, #tpu.memory_space<vmem>>, vector<16xf32>,
          %gather3A_1725 = tpu.memref_slice %arg5[%mul3A_194] : memref<32000xf32, #tpu.memory_space<vmem>> -> memref<1000xf32, #tpu.memory_space<vmem>>
          %gather3A_1726 = tpu.vector_load_idx %gather3A_1725[%get3A_1571] : memref<1000xf32, #tpu.memory_space<vmem>>[vector<16xi32>], vector<16xf32>,
          %swap3A_1727 = arith.index_cast %and3A_166 : i32 to index
          %swap3A_1728 = arith.index_cast %scan3A_1534 : i32 to index
          %swap3A_1729 = arith.constant 352 : index
          %swap3A_1730 = tpu.vector_load %arg7[%swap3A_1727, %swap3A_1728, %swap3A_1729] {strides = array<i32>} : memref<2x32x1024xf32, #tpu.memory_space<vmem>>, vector<16xf32>,
          tpu.vector_store %arg7[%swap3A_1727, %swap3A_1728, %swap3A_1729], %gather3A_1678 {strides = array<i32>} : memref<2x32x1024xf32, #tpu.memory_space<vmem>>, vector<16xf32>,
          %gather3A_1731 = tpu.memref_slice %arg5[%mul3A_194] : memref<32000xf32, #tpu.memory_space<vmem>> -> memref<1000xf32, #tpu.memory_space<vmem>>
          %gather3A_1732 = tpu.vector_load_idx %gather3A_1731[%get3A_1576] : memref<1000xf32, #tpu.memory_space<vmem>>[vector<16xi32>], vector<16xf32>,
          %swap3A_1733 = arith.index_cast %and3A_166 : i32 to index
          %swap3A_1734 = arith.index_cast %scan3A_1534 : i32 to index
          %swap3A_1735 = arith.constant 368 : index
          %swap3A_1736 = tpu.vector_load %arg7[%swap3A_1733, %swap3A_1734, %swap3A_1735] {strides = array<i32>} : memref<2x32x1024xf32, #tpu.memory_space<vmem>>, vector<16xf32>,
          tpu.vector_store %arg7[%swap3A_1733, %swap3A_1734, %swap3A_1735], %gather3A_1684 {strides = array<i32>} : memref<2x32x1024xf32, #tpu.memory_space<vmem>>, vector<16xf32>,
          %gather3A_1737 = tpu.memref_slice %arg5[%mul3A_201] : memref<32000xf32, #tpu.memory_space<vmem>> -> memref<1000xf32, #tpu.memory_space<vmem>>
          %gather3A_1738 = tpu.vector_load_idx %gather3A_1737[%get3A_1541] : memref<1000xf32, #tpu.memory_space<vmem>>[vector<16xi32>], vector<16xf32>,
          %swap3A_1739 = arith.index_cast %and3A_166 : i32 to index
          %swap3A_1740 = arith.index_cast %scan3A_1534 : i32 to index
          %swap3A_1741 = arith.constant 384 : index
          %swap3A_1742 = tpu.vector_load %arg7[%swap3A_1739, %swap3A_1740, %swap3A_1741] {strides = array<i32>} : memref<2x32x1024xf32, #tpu.memory_space<vmem>>, vector<16xf32>,
          tpu.vector_store %arg7[%swap3A_1739, %swap3A_1740, %swap3A_1741], %gather3A_1690 {strides = array<i32>} : memref<2x32x1024xf32, #tpu.memory_space<vmem>>, vector<16xf32>,
          %gather3A_1743 = tpu.memref_slice %arg5[%mul3A_201] : memref<32000xf32, #tpu.memory_space<vmem>> -> memref<1000xf32, #tpu.memory_space<vmem>>
          %gather3A_1744 = tpu.vector_load_idx %gather3A_1743[%get3A_1546] : memref<1000xf32, #tpu.memory_space<vmem>>[vector<16xi32>], vector<16xf32>,
          %swap3A_1745 = arith.index_cast %and3A_166 : i32 to index
          %swap3A_1746 = arith.index_cast %scan3A_1534 : i32 to index
          %swap3A_1747 = arith.constant 400 : index
          %swap3A_1748 = tpu.vector_load %arg7[%swap3A_1745, %swap3A_1746, %swap3A_1747] {strides = array<i32>} : memref<2x32x1024xf32, #tpu.memory_space<vmem>>, vector<16xf32>,
          tpu.vector_store %arg7[%swap3A_1745, %swap3A_1746, %swap3A_1747], %gather3A_1696 {strides = array<i32>} : memref<2x32x1024xf32, #tpu.memory_space<vmem>>, vector<16xf32>,
          %gather3A_1749 = tpu.memref_slice %arg5[%mul3A_201] : memref<32000xf32, #tpu.memory_space<vmem>> -> memref<1000xf32, #tpu.memory_space<vmem>>
          %gather3A_1750 = tpu.vector_load_idx %gather3A_1749[%get3A_1551] : memref<1000xf32, #tpu.memory_space<vmem>>[vector<16xi32>], vector<16xf32>,
          %swap3A_1751 = arith.index_cast %and3A_166 : i32 to index
          %swap3A_1752 = arith.index_cast %scan3A_1534 : i32 to index
          %swap3A_1753 = arith.constant 416 : index
          %swap3A_1754 = tpu.vector_load %arg7[%swap3A_1751, %swap3A_1752, %swap3A_1753] {strides = array<i32>} : memref<2x32x1024xf32, #tpu.memory_space<vmem>>, vector<16xf32>,
          tpu.vector_store %arg7[%swap3A_1751, %swap3A_1752, %swap3A_1753], %gather3A_1702 {strides = array<i32>} : memref<2x32x1024xf32, #tpu.memory_space<vmem>>, vector<16xf32>,
          %gather3A_1755 = tpu.memref_slice %arg5[%mul3A_201] : memref<32000xf32, #tpu.memory_space<vmem>> -> memref<1000xf32, #tpu.memory_space<vmem>>
          %gather3A_1756 = tpu.vector_load_idx %gather3A_1755[%get3A_1556] : memref<1000xf32, #tpu.memory_space<vmem>>[vector<16xi32>], vector<16xf32>,
          %swap3A_1757 = arith.index_cast %and3A_166 : i32 to index
          %swap3A_1758 = arith.index_cast %scan3A_1534 : i32 to index
          %swap3A_1759 = arith.constant 432 : index
          %swap3A_1760 = tpu.vector_load %arg7[%swap3A_1757, %swap3A_1758, %swap3A_1759] {strides = array<i32>} : memref<2x32x1024xf32, #tpu.memory_space<vmem>>, vector<16xf32>,
          tpu.vector_store %arg7[%swap3A_1757, %swap3A_1758, %swap3A_1759], %gather3A_1708 {strides = array<i32>} : memref<2x32x1024xf32, #tpu.memory_space<vmem>>, vector<16xf32>,
          %gather3A_1761 = tpu.memref_slice %arg5[%mul3A_201] : memref<32000xf32, #tpu.memory_space<vmem>> -> memref<1000xf32, #tpu.memory_space<vmem>>
          %gather3A_1762 = tpu.vector_load_idx %gather3A_1761[%get3A_1561] : memref<1000xf32, #tpu.memory_space<vmem>>[vector<16xi32>], vector<16xf32>,
          %swap3A_1763 = arith.index_cast %and3A_166 : i32 to index
          %swap3A_1764 = arith.index_cast %scan3A_1534 : i32 to index
          %swap3A_1765 = arith.constant 448 : index
          %swap3A_1766 = tpu.vector_load %arg7[%swap3A_1763, %swap3A_1764, %swap3A_1765] {strides = array<i32>} : memref<2x32x1024xf32, #tpu.memory_space<vmem>>, vector<16xf32>,
          tpu.vector_store %arg7[%swap3A_1763, %swap3A_1764, %swap3A_1765], %gather3A_1714 {strides = array<i32>} : memref<2x32x1024xf32, #tpu.memory_space<vmem>>, vector<16xf32>,
          %gather3A_1767 = tpu.memref_slice %arg5[%mul3A_201] : memref<32000xf32, #tpu.memory_space<vmem>> -> memref<1000xf32, #tpu.memory_space<vmem>>
          %gather3A_1768 = tpu.vector_load_idx %gather3A_1767[%get3A_1566] : memref<1000xf32, #tpu.memory_space<vmem>>[vector<16xi32>], vector<16xf32>,
          %swap3A_1769 = arith.index_cast %and3A_166 : i32 to index
          %swap3A_1770 = arith.index_cast %scan3A_1534 : i32 to index
          %swap3A_1771 = arith.constant 464 : index
          %swap3A_1772 = tpu.vector_load %arg7[%swap3A_1769, %swap3A_1770, %swap3A_1771] {strides = array<i32>} : memref<2x32x1024xf32, #tpu.memory_space<vmem>>, vector<16xf32>,
          tpu.vector_store %arg7[%swap3A_1769, %swap3A_1770, %swap3A_1771], %gather3A_1720 {strides = array<i32>} : memref<2x32x1024xf32, #tpu.memory_space<vmem>>, vector<16xf32>,
          %gather3A_1773 = tpu.memref_slice %arg5[%mul3A_201] : memref<32000xf32, #tpu.memory_space<vmem>> -> memref<1000xf32, #tpu.memory_space<vmem>>
          %gather3A_1774 = tpu.vector_load_idx %gather3A_1773[%get3A_1571] : memref<1000xf32, #tpu.memory_space<vmem>>[vector<16xi32>], vector<16xf32>,
          %swap3A_1775 = arith.index_cast %and3A_166 : i32 to index
          %swap3A_1776 = arith.index_cast %scan3A_1534 : i32 to index
          %swap3A_1777 = arith.constant 480 : index
          %swap3A_1778 = tpu.vector_load %arg7[%swap3A_1775, %swap3A_1776, %swap3A_1777] {strides = array<i32>} : memref<2x32x1024xf32, #tpu.memory_space<vmem>>, vector<16xf32>,
          tpu.vector_store %arg7[%swap3A_1775, %swap3A_1776, %swap3A_1777], %gather3A_1726 {strides = array<i32>} : memref<2x32x1024xf32, #tpu.memory_space<vmem>>, vector<16xf32>,
          %gather3A_1779 = tpu.memref_slice %arg5[%mul3A_201] : memref<32000xf32, #tpu.memory_space<vmem>> -> memref<1000xf32, #tpu.memory_space<vmem>>
          %gather3A_1780 = tpu.vector_load_idx %gather3A_1779[%get3A_1576] : memref<1000xf32, #tpu.memory_space<vmem>>[vector<16xi32>], vector<16xf32>,
          %swap3A_1781 = arith.index_cast %and3A_166 : i32 to index
          %swap3A_1782 = arith.index_cast %scan3A_1534 : i32 to index
          %swap3A_1783 = arith.constant 496 : index
          %swap3A_1784 = tpu.vector_load %arg7[%swap3A_1781, %swap3A_1782, %swap3A_1783] {strides = array<i32>} : memref<2x32x1024xf32, #tpu.memory_space<vmem>>, vector<16xf32>,
          tpu.vector_store %arg7[%swap3A_1781, %swap3A_1782, %swap3A_1783], %gather3A_1732 {strides = array<i32>} : memref<2x32x1024xf32, #tpu.memory_space<vmem>>, vector<16xf32>,
          %gather3A_1785 = tpu.memref_slice %arg5[%mul3A_208] : memref<32000xf32, #tpu.memory_space<vmem>> -> memref<1000xf32, #tpu.memory_space<vmem>>
          %gather3A_1786 = tpu.vector_load_idx %gather3A_1785[%get3A_1541] : memref<1000xf32, #tpu.memory_space<vmem>>[vector<16xi32>], vector<16xf32>,
          %swap3A_1787 = arith.index_cast %and3A_166 : i32 to index
          %swap3A_1788 = arith.index_cast %scan3A_1534 : i32 to index
          %swap3A_1789 = arith.constant 512 : index
          %swap3A_1790 = tpu.vector_load %arg7[%swap3A_1787, %swap3A_1788, %swap3A_1789] {strides = array<i32>} : memref<2x32x1024xf32, #tpu.memory_space<vmem>>, vector<16xf32>,
          tpu.vector_store %arg7[%swap3A_1787, %swap3A_1788, %swap3A_1789], %gather3A_1738 {strides = array<i32>} : memref<2x32x1024xf32, #tpu.memory_space<vmem>>, vector<16xf32>,
          %gather3A_1791 = tpu.memref_slice %arg5[%mul3A_208] : memref<32000xf32, #tpu.memory_space<vmem>> -> memref<1000xf32, #tpu.memory_space<vmem>>
          %gather3A_1792 = tpu.vector_load_idx %gather3A_1791[%get3A_1546] : memref<1000xf32, #tpu.memory_space<vmem>>[vector<16xi32>], vector<16xf32>,
          %swap3A_1793 = arith.index_cast %and3A_166 : i32 to index
          %swap3A_1794 = arith.index_cast %scan3A_1534 : i32 to index
          %swap3A_1795 = arith.constant 528 : index
          %swap3A_1796 = tpu.vector_load %arg7[%swap3A_1793, %swap3A_1794, %swap3A_1795] {strides = array<i32>} : memref<2x32x1024xf32, #tpu.memory_space<vmem>>, vector<16xf32>,
          tpu.vector_store %arg7[%swap3A_1793, %swap3A_1794, %swap3A_1795], %gather3A_1744 {strides = array<i32>} : memref<2x32x1024xf32, #tpu.memory_space<vmem>>, vector<16xf32>,
          %gather3A_1797 = tpu.memref_slice %arg5[%mul3A_208] : memref<32000xf32, #tpu.memory_space<vmem>> -> memref<1000xf32, #tpu.memory_space<vmem>>
          %gather3A_1798 = tpu.vector_load_idx %gather3A_1797[%get3A_1551] : memref<1000xf32, #tpu.memory_space<vmem>>[vector<16xi32>], vector<16xf32>,
          %swap3A_1799 = arith.index_cast %and3A_166 : i32 to index
          %swap3A_1800 = arith.index_cast %scan3A_1534 : i32 to index
          %swap3A_1801 = arith.constant 544 : index
          %swap3A_1802 = tpu.vector_load %arg7[%swap3A_1799, %swap3A_1800, %swap3A_1801] {strides = array<i32>} : memref<2x32x1024xf32, #tpu.memory_space<vmem>>, vector<16xf32>,
          tpu.vector_store %arg7[%swap3A_1799, %swap3A_1800, %swap3A_1801], %gather3A_1750 {strides = array<i32>} : memref<2x32x1024xf32, #tpu.memory_space<vmem>>, vector<16xf32>,
          %gather3A_1803 = tpu.memref_slice %arg5[%mul3A_208] : memref<32000xf32, #tpu.memory_space<vmem>> -> memref<1000xf32, #tpu.memory_space<vmem>>
          %gather3A_1804 = tpu.vector_load_idx %gather3A_1803[%get3A_1556] : memref<1000xf32, #tpu.memory_space<vmem>>[vector<16xi32>], vector<16xf32>,
          %swap3A_1805 = arith.index_cast %and3A_166 : i32 to index
          %swap3A_1806 = arith.index_cast %scan3A_1534 : i32 to index
          %swap3A_1807 = arith.constant 560 : index
          %swap3A_1808 = tpu.vector_load %arg7[%swap3A_1805, %swap3A_1806, %swap3A_1807] {strides = array<i32>} : memref<2x32x1024xf32, #tpu.memory_space<vmem>>, vector<16xf32>,
          tpu.vector_store %arg7[%swap3A_1805, %swap3A_1806, %swap3A_1807], %gather3A_1756 {strides = array<i32>} : memref<2x32x1024xf32, #tpu.memory_space<vmem>>, vector<16xf32>,
          %gather3A_1809 = tpu.memref_slice %arg5[%mul3A_208] : memref<32000xf32, #tpu.memory_space<vmem>> -> memref<1000xf32, #tpu.memory_space<vmem>>
          %gather3A_1810 = tpu.vector_load_idx %gather3A_1809[%get3A_1561] : memref<1000xf32, #tpu.memory_space<vmem>>[vector<16xi32>], vector<16xf32>,
          %swap3A_1811 = arith.index_cast %and3A_166 : i32 to index
          %swap3A_1812 = arith.index_cast %scan3A_1534 : i32 to index
          %swap3A_1813 = arith.constant 576 : index
          %swap3A_1814 = tpu.vector_load %arg7[%swap3A_1811, %swap3A_1812, %swap3A_1813] {strides = array<i32>} : memref<2x32x1024xf32, #tpu.memory_space<vmem>>, vector<16xf32>,
          tpu.vector_store %arg7[%swap3A_1811, %swap3A_1812, %swap3A_1813], %gather3A_1762 {strides = array<i32>} : memref<2x32x1024xf32, #tpu.memory_space<vmem>>, vector<16xf32>,
          %gather3A_1815 = tpu.memref_slice %arg5[%mul3A_208] : memref<32000xf32, #tpu.memory_space<vmem>> -> memref<1000xf32, #tpu.memory_space<vmem>>
          %gather3A_1816 = tpu.vector_load_idx %gather3A_1815[%get3A_1566] : memref<1000xf32, #tpu.memory_space<vmem>>[vector<16xi32>], vector<16xf32>,
          %swap3A_1817 = arith.index_cast %and3A_166 : i32 to index
          %swap3A_1818 = arith.index_cast %scan3A_1534 : i32 to index
          %swap3A_1819 = arith.constant 592 : index
          %swap3A_1820 = tpu.vector_load %arg7[%swap3A_1817, %swap3A_1818, %swap3A_1819] {strides = array<i32>} : memref<2x32x1024xf32, #tpu.memory_space<vmem>>, vector<16xf32>,
          tpu.vector_store %arg7[%swap3A_1817, %swap3A_1818, %swap3A_1819], %gather3A_1768 {strides = array<i32>} : memref<2x32x1024xf32, #tpu.memory_space<vmem>>, vector<16xf32>,
          %gather3A_1821 = tpu.memref_slice %arg5[%mul3A_208] : memref<32000xf32, #tpu.memory_space<vmem>> -> memref<1000xf32, #tpu.memory_space<vmem>>
          %gather3A_1822 = tpu.vector_load_idx %gather3A_1821[%get3A_1571] : memref<1000xf32, #tpu.memory_space<vmem>>[vector<16xi32>], vector<16xf32>,
          %swap3A_1823 = arith.index_cast %and3A_166 : i32 to index
          %swap3A_1824 = arith.index_cast %scan3A_1534 : i32 to index
          %swap3A_1825 = arith.constant 608 : index
          %swap3A_1826 = tpu.vector_load %arg7[%swap3A_1823, %swap3A_1824, %swap3A_1825] {strides = array<i32>} : memref<2x32x1024xf32, #tpu.memory_space<vmem>>, vector<16xf32>,
          tpu.vector_store %arg7[%swap3A_1823, %swap3A_1824, %swap3A_1825], %gather3A_1774 {strides = array<i32>} : memref<2x32x1024xf32, #tpu.memory_space<vmem>>, vector<16xf32>,
          %gather3A_1827 = tpu.memref_slice %arg5[%mul3A_208] : memref<32000xf32, #tpu.memory_space<vmem>> -> memref<1000xf32, #tpu.memory_space<vmem>>
          %gather3A_1828 = tpu.vector_load_idx %gather3A_1827[%get3A_1576] : memref<1000xf32, #tpu.memory_space<vmem>>[vector<16xi32>], vector<16xf32>,
          %swap3A_1829 = arith.index_cast %and3A_166 : i32 to index
          %swap3A_1830 = arith.index_cast %scan3A_1534 : i32 to index
          %swap3A_1831 = arith.constant 624 : index
          %swap3A_1832 = tpu.vector_load %arg7[%swap3A_1829, %swap3A_1830, %swap3A_1831] {strides = array<i32>} : memref<2x32x1024xf32, #tpu.memory_space<vmem>>, vector<16xf32>,
          tpu.vector_store %arg7[%swap3A_1829, %swap3A_1830, %swap3A_1831], %gather3A_1780 {strides = array<i32>} : memref<2x32x1024xf32, #tpu.memory_space<vmem>>, vector<16xf32>,
          %gather3A_1833 = tpu.memref_slice %arg5[%mul3A_215] : memref<32000xf32, #tpu.memory_space<vmem>> -> memref<1000xf32, #tpu.memory_space<vmem>>
          %gather3A_1834 = tpu.vector_load_idx %gather3A_1833[%get3A_1541] : memref<1000xf32, #tpu.memory_space<vmem>>[vector<16xi32>], vector<16xf32>,
          %swap3A_1835 = arith.index_cast %and3A_166 : i32 to index
          %swap3A_1836 = arith.index_cast %scan3A_1534 : i32 to index
          %swap3A_1837 = arith.constant 640 : index
          %swap3A_1838 = tpu.vector_load %arg7[%swap3A_1835, %swap3A_1836, %swap3A_1837] {strides = array<i32>} : memref<2x32x1024xf32, #tpu.memory_space<vmem>>, vector<16xf32>,
          tpu.vector_store %arg7[%swap3A_1835, %swap3A_1836, %swap3A_1837], %gather3A_1786 {strides = array<i32>} : memref<2x32x1024xf32, #tpu.memory_space<vmem>>, vector<16xf32>,
          %gather3A_1839 = tpu.memref_slice %arg5[%mul3A_215] : memref<32000xf32, #tpu.memory_space<vmem>> -> memref<1000xf32, #tpu.memory_space<vmem>>
          %gather3A_1840 = tpu.vector_load_idx %gather3A_1839[%get3A_1546] : memref<1000xf32, #tpu.memory_space<vmem>>[vector<16xi32>], vector<16xf32>,
          %swap3A_1841 = arith.index_cast %and3A_166 : i32 to index
          %swap3A_1842 = arith.index_cast %scan3A_1534 : i32 to index
          %swap3A_1843 = arith.constant 656 : index
          %swap3A_1844 = tpu.vector_load %arg7[%swap3A_1841, %swap3A_1842, %swap3A_1843] {strides = array<i32>} : memref<2x32x1024xf32, #tpu.memory_space<vmem>>, vector<16xf32>,
          tpu.vector_store %arg7[%swap3A_1841, %swap3A_1842, %swap3A_1843], %gather3A_1792 {strides = array<i32>} : memref<2x32x1024xf32, #tpu.memory_space<vmem>>, vector<16xf32>,
          %gather3A_1845 = tpu.memref_slice %arg5[%mul3A_215] : memref<32000xf32, #tpu.memory_space<vmem>> -> memref<1000xf32, #tpu.memory_space<vmem>>
          %gather3A_1846 = tpu.vector_load_idx %gather3A_1845[%get3A_1551] : memref<1000xf32, #tpu.memory_space<vmem>>[vector<16xi32>], vector<16xf32>,
          %swap3A_1847 = arith.index_cast %and3A_166 : i32 to index
          %swap3A_1848 = arith.index_cast %scan3A_1534 : i32 to index
          %swap3A_1849 = arith.constant 672 : index
          %swap3A_1850 = tpu.vector_load %arg7[%swap3A_1847, %swap3A_1848, %swap3A_1849] {strides = array<i32>} : memref<2x32x1024xf32, #tpu.memory_space<vmem>>, vector<16xf32>,
          tpu.vector_store %arg7[%swap3A_1847, %swap3A_1848, %swap3A_1849], %gather3A_1798 {strides = array<i32>} : memref<2x32x1024xf32, #tpu.memory_space<vmem>>, vector<16xf32>,
          %gather3A_1851 = tpu.memref_slice %arg5[%mul3A_215] : memref<32000xf32, #tpu.memory_space<vmem>> -> memref<1000xf32, #tpu.memory_space<vmem>>
          %gather3A_1852 = tpu.vector_load_idx %gather3A_1851[%get3A_1556] : memref<1000xf32, #tpu.memory_space<vmem>>[vector<16xi32>], vector<16xf32>,
          %swap3A_1853 = arith.index_cast %and3A_166 : i32 to index
          %swap3A_1854 = arith.index_cast %scan3A_1534 : i32 to index
          %swap3A_1855 = arith.constant 688 : index
          %swap3A_1856 = tpu.vector_load %arg7[%swap3A_1853, %swap3A_1854, %swap3A_1855] {strides = array<i32>} : memref<2x32x1024xf32, #tpu.memory_space<vmem>>, vector<16xf32>,
          tpu.vector_store %arg7[%swap3A_1853, %swap3A_1854, %swap3A_1855], %gather3A_1804 {strides = array<i32>} : memref<2x32x1024xf32, #tpu.memory_space<vmem>>, vector<16xf32>,
          %gather3A_1857 = tpu.memref_slice %arg5[%mul3A_215] : memref<32000xf32, #tpu.memory_space<vmem>> -> memref<1000xf32, #tpu.memory_space<vmem>>
          %gather3A_1858 = tpu.vector_load_idx %gather3A_1857[%get3A_1561] : memref<1000xf32, #tpu.memory_space<vmem>>[vector<16xi32>], vector<16xf32>,
          %swap3A_1859 = arith.index_cast %and3A_166 : i32 to index
          %swap3A_1860 = arith.index_cast %scan3A_1534 : i32 to index
          %swap3A_1861 = arith.constant 704 : index
          %swap3A_1862 = tpu.vector_load %arg7[%swap3A_1859, %swap3A_1860, %swap3A_1861] {strides = array<i32>} : memref<2x32x1024xf32, #tpu.memory_space<vmem>>, vector<16xf32>,
          tpu.vector_store %arg7[%swap3A_1859, %swap3A_1860, %swap3A_1861], %gather3A_1810 {strides = array<i32>} : memref<2x32x1024xf32, #tpu.memory_space<vmem>>, vector<16xf32>,
          %gather3A_1863 = tpu.memref_slice %arg5[%mul3A_215] : memref<32000xf32, #tpu.memory_space<vmem>> -> memref<1000xf32, #tpu.memory_space<vmem>>
          %gather3A_1864 = tpu.vector_load_idx %gather3A_1863[%get3A_1566] : memref<1000xf32, #tpu.memory_space<vmem>>[vector<16xi32>], vector<16xf32>,
          %swap3A_1865 = arith.index_cast %and3A_166 : i32 to index
          %swap3A_1866 = arith.index_cast %scan3A_1534 : i32 to index
          %swap3A_1867 = arith.constant 720 : index
          %swap3A_1868 = tpu.vector_load %arg7[%swap3A_1865, %swap3A_1866, %swap3A_1867] {strides = array<i32>} : memref<2x32x1024xf32, #tpu.memory_space<vmem>>, vector<16xf32>,
          tpu.vector_store %arg7[%swap3A_1865, %swap3A_1866, %swap3A_1867], %gather3A_1816 {strides = array<i32>} : memref<2x32x1024xf32, #tpu.memory_space<vmem>>, vector<16xf32>,
          %gather3A_1869 = tpu.memref_slice %arg5[%mul3A_215] : memref<32000xf32, #tpu.memory_space<vmem>> -> memref<1000xf32, #tpu.memory_space<vmem>>
          %gather3A_1870 = tpu.vector_load_idx %gather3A_1869[%get3A_1571] : memref<1000xf32, #tpu.memory_space<vmem>>[vector<16xi32>], vector<16xf32>,
          %swap3A_1871 = arith.index_cast %and3A_166 : i32 to index
          %swap3A_1872 = arith.index_cast %scan3A_1534 : i32 to index
          %swap3A_1873 = arith.constant 736 : index
          %swap3A_1874 = tpu.vector_load %arg7[%swap3A_1871, %swap3A_1872, %swap3A_1873] {strides = array<i32>} : memref<2x32x1024xf32, #tpu.memory_space<vmem>>, vector<16xf32>,
          tpu.vector_store %arg7[%swap3A_1871, %swap3A_1872, %swap3A_1873], %gather3A_1822 {strides = array<i32>} : memref<2x32x1024xf32, #tpu.memory_space<vmem>>, vector<16xf32>,
          %gather3A_1875 = tpu.memref_slice %arg5[%mul3A_215] : memref<32000xf32, #tpu.memory_space<vmem>> -> memref<1000xf32, #tpu.memory_space<vmem>>
          %gather3A_1876 = tpu.vector_load_idx %gather3A_1875[%get3A_1576] : memref<1000xf32, #tpu.memory_space<vmem>>[vector<16xi32>], vector<16xf32>,
          %swap3A_1877 = arith.index_cast %and3A_166 : i32 to index
          %swap3A_1878 = arith.index_cast %scan3A_1534 : i32 to index
          %swap3A_1879 = arith.constant 752 : index
          %swap3A_1880 = tpu.vector_load %arg7[%swap3A_1877, %swap3A_1878, %swap3A_1879] {strides = array<i32>} : memref<2x32x1024xf32, #tpu.memory_space<vmem>>, vector<16xf32>,
          tpu.vector_store %arg7[%swap3A_1877, %swap3A_1878, %swap3A_1879], %gather3A_1828 {strides = array<i32>} : memref<2x32x1024xf32, #tpu.memory_space<vmem>>, vector<16xf32>,
          %gather3A_1881 = tpu.memref_slice %arg5[%mul3A_222] : memref<32000xf32, #tpu.memory_space<vmem>> -> memref<1000xf32, #tpu.memory_space<vmem>>
          %gather3A_1882 = tpu.vector_load_idx %gather3A_1881[%get3A_1541] : memref<1000xf32, #tpu.memory_space<vmem>>[vector<16xi32>], vector<16xf32>,
          %swap3A_1883 = arith.index_cast %and3A_166 : i32 to index
          %swap3A_1884 = arith.index_cast %scan3A_1534 : i32 to index
          %swap3A_1885 = arith.constant 768 : index
          %swap3A_1886 = tpu.vector_load %arg7[%swap3A_1883, %swap3A_1884, %swap3A_1885] {strides = array<i32>} : memref<2x32x1024xf32, #tpu.memory_space<vmem>>, vector<16xf32>,
          tpu.vector_store %arg7[%swap3A_1883, %swap3A_1884, %swap3A_1885], %gather3A_1834 {strides = array<i32>} : memref<2x32x1024xf32, #tpu.memory_space<vmem>>, vector<16xf32>,
          %gather3A_1887 = tpu.memref_slice %arg5[%mul3A_222] : memref<32000xf32, #tpu.memory_space<vmem>> -> memref<1000xf32, #tpu.memory_space<vmem>>
          %gather3A_1888 = tpu.vector_load_idx %gather3A_1887[%get3A_1546] : memref<1000xf32, #tpu.memory_space<vmem>>[vector<16xi32>], vector<16xf32>,
          %swap3A_1889 = arith.index_cast %and3A_166 : i32 to index
          %swap3A_1890 = arith.index_cast %scan3A_1534 : i32 to index
          %swap3A_1891 = arith.constant 784 : index
          %swap3A_1892 = tpu.vector_load %arg7[%swap3A_1889, %swap3A_1890, %swap3A_1891] {strides = array<i32>} : memref<2x32x1024xf32, #tpu.memory_space<vmem>>, vector<16xf32>,
          tpu.vector_store %arg7[%swap3A_1889, %swap3A_1890, %swap3A_1891], %gather3A_1840 {strides = array<i32>} : memref<2x32x1024xf32, #tpu.memory_space<vmem>>, vector<16xf32>,
          %gather3A_1893 = tpu.memref_slice %arg5[%mul3A_222] : memref<32000xf32, #tpu.memory_space<vmem>> -> memref<1000xf32, #tpu.memory_space<vmem>>
          %gather3A_1894 = tpu.vector_load_idx %gather3A_1893[%get3A_1551] : memref<1000xf32, #tpu.memory_space<vmem>>[vector<16xi32>], vector<16xf32>,
          %swap3A_1895 = arith.index_cast %and3A_166 : i32 to index
          %swap3A_1896 = arith.index_cast %scan3A_1534 : i32 to index
          %swap3A_1897 = arith.constant 800 : index
          %swap3A_1898 = tpu.vector_load %arg7[%swap3A_1895, %swap3A_1896, %swap3A_1897] {strides = array<i32>} : memref<2x32x1024xf32, #tpu.memory_space<vmem>>, vector<16xf32>,
          tpu.vector_store %arg7[%swap3A_1895, %swap3A_1896, %swap3A_1897], %gather3A_1846 {strides = array<i32>} : memref<2x32x1024xf32, #tpu.memory_space<vmem>>, vector<16xf32>,
          %gather3A_1899 = tpu.memref_slice %arg5[%mul3A_222] : memref<32000xf32, #tpu.memory_space<vmem>> -> memref<1000xf32, #tpu.memory_space<vmem>>
          %gather3A_1900 = tpu.vector_load_idx %gather3A_1899[%get3A_1556] : memref<1000xf32, #tpu.memory_space<vmem>>[vector<16xi32>], vector<16xf32>,
          %swap3A_1901 = arith.index_cast %and3A_166 : i32 to index
          %swap3A_1902 = arith.index_cast %scan3A_1534 : i32 to index
          %swap3A_1903 = arith.constant 816 : index
          %swap3A_1904 = tpu.vector_load %arg7[%swap3A_1901, %swap3A_1902, %swap3A_1903] {strides = array<i32>} : memref<2x32x1024xf32, #tpu.memory_space<vmem>>, vector<16xf32>,
          tpu.vector_store %arg7[%swap3A_1901, %swap3A_1902, %swap3A_1903], %gather3A_1852 {strides = array<i32>} : memref<2x32x1024xf32, #tpu.memory_space<vmem>>, vector<16xf32>,
          %gather3A_1905 = tpu.memref_slice %arg5[%mul3A_222] : memref<32000xf32, #tpu.memory_space<vmem>> -> memref<1000xf32, #tpu.memory_space<vmem>>
          %gather3A_1906 = tpu.vector_load_idx %gather3A_1905[%get3A_1561] : memref<1000xf32, #tpu.memory_space<vmem>>[vector<16xi32>], vector<16xf32>,
          %swap3A_1907 = arith.index_cast %and3A_166 : i32 to index
          %swap3A_1908 = arith.index_cast %scan3A_1534 : i32 to index
          %swap3A_1909 = arith.constant 832 : index
          %swap3A_1910 = tpu.vector_load %arg7[%swap3A_1907, %swap3A_1908, %swap3A_1909] {strides = array<i32>} : memref<2x32x1024xf32, #tpu.memory_space<vmem>>, vector<16xf32>,
          tpu.vector_store %arg7[%swap3A_1907, %swap3A_1908, %swap3A_1909], %gather3A_1858 {strides = array<i32>} : memref<2x32x1024xf32, #tpu.memory_space<vmem>>, vector<16xf32>,
          %gather3A_1911 = tpu.memref_slice %arg5[%mul3A_222] : memref<32000xf32, #tpu.memory_space<vmem>> -> memref<1000xf32, #tpu.memory_space<vmem>>
          %gather3A_1912 = tpu.vector_load_idx %gather3A_1911[%get3A_1566] : memref<1000xf32, #tpu.memory_space<vmem>>[vector<16xi32>], vector<16xf32>,
          %swap3A_1913 = arith.index_cast %and3A_166 : i32 to index
          %swap3A_1914 = arith.index_cast %scan3A_1534 : i32 to index
          %swap3A_1915 = arith.constant 848 : index
          %swap3A_1916 = tpu.vector_load %arg7[%swap3A_1913, %swap3A_1914, %swap3A_1915] {strides = array<i32>} : memref<2x32x1024xf32, #tpu.memory_space<vmem>>, vector<16xf32>,
          tpu.vector_store %arg7[%swap3A_1913, %swap3A_1914, %swap3A_1915], %gather3A_1864 {strides = array<i32>} : memref<2x32x1024xf32, #tpu.memory_space<vmem>>, vector<16xf32>,
          %gather3A_1917 = tpu.memref_slice %arg5[%mul3A_222] : memref<32000xf32, #tpu.memory_space<vmem>> -> memref<1000xf32, #tpu.memory_space<vmem>>
          %gather3A_1918 = tpu.vector_load_idx %gather3A_1917[%get3A_1571] : memref<1000xf32, #tpu.memory_space<vmem>>[vector<16xi32>], vector<16xf32>,
          %swap3A_1919 = arith.index_cast %and3A_166 : i32 to index
          %swap3A_1920 = arith.index_cast %scan3A_1534 : i32 to index
          %swap3A_1921 = arith.constant 864 : index
          %swap3A_1922 = tpu.vector_load %arg7[%swap3A_1919, %swap3A_1920, %swap3A_1921] {strides = array<i32>} : memref<2x32x1024xf32, #tpu.memory_space<vmem>>, vector<16xf32>,
          tpu.vector_store %arg7[%swap3A_1919, %swap3A_1920, %swap3A_1921], %gather3A_1870 {strides = array<i32>} : memref<2x32x1024xf32, #tpu.memory_space<vmem>>, vector<16xf32>,
          %gather3A_1923 = tpu.memref_slice %arg5[%mul3A_222] : memref<32000xf32, #tpu.memory_space<vmem>> -> memref<1000xf32, #tpu.memory_space<vmem>>
          %gather3A_1924 = tpu.vector_load_idx %gather3A_1923[%get3A_1576] : memref<1000xf32, #tpu.memory_space<vmem>>[vector<16xi32>], vector<16xf32>,
          %swap3A_1925 = arith.index_cast %and3A_166 : i32 to index
          %swap3A_1926 = arith.index_cast %scan3A_1534 : i32 to index
          %swap3A_1927 = arith.constant 880 : index
          %swap3A_1928 = tpu.vector_load %arg7[%swap3A_1925, %swap3A_1926, %swap3A_1927] {strides = array<i32>} : memref<2x32x1024xf32, #tpu.memory_space<vmem>>, vector<16xf32>,
          tpu.vector_store %arg7[%swap3A_1925, %swap3A_1926, %swap3A_1927], %gather3A_1876 {strides = array<i32>} : memref<2x32x1024xf32, #tpu.memory_space<vmem>>, vector<16xf32>,
          %swap3A_1929 = arith.index_cast %and3A_166 : i32 to index
          %swap3A_1930 = arith.index_cast %scan3A_1534 : i32 to index
          %swap3A_1931 = arith.constant 896 : index
          %swap3A_1932 = tpu.vector_load %arg7[%swap3A_1929, %swap3A_1930, %swap3A_1931] {strides = array<i32>} : memref<2x32x1024xf32, #tpu.memory_space<vmem>>, vector<16xf32>,
          tpu.vector_store %arg7[%swap3A_1929, %swap3A_1930, %swap3A_1931], %gather3A_1882 {strides = array<i32>} : memref<2x32x1024xf32, #tpu.memory_space<vmem>>, vector<16xf32>,
          %swap3A_1933 = arith.index_cast %and3A_166 : i32 to index
          %swap3A_1934 = arith.index_cast %scan3A_1534 : i32 to index
          %swap3A_1935 = arith.constant 912 : index
          %swap3A_1936 = tpu.vector_load %arg7[%swap3A_1933, %swap3A_1934, %swap3A_1935] {strides = array<i32>} : memref<2x32x1024xf32, #tpu.memory_space<vmem>>, vector<16xf32>,
          tpu.vector_store %arg7[%swap3A_1933, %swap3A_1934, %swap3A_1935], %gather3A_1888 {strides = array<i32>} : memref<2x32x1024xf32, #tpu.memory_space<vmem>>, vector<16xf32>,
          %swap3A_1937 = arith.index_cast %and3A_166 : i32 to index
          %swap3A_1938 = arith.index_cast %scan3A_1534 : i32 to index
          %swap3A_1939 = arith.constant 928 : index
          %swap3A_1940 = tpu.vector_load %arg7[%swap3A_1937, %swap3A_1938, %swap3A_1939] {strides = array<i32>} : memref<2x32x1024xf32, #tpu.memory_space<vmem>>, vector<16xf32>,
          tpu.vector_store %arg7[%swap3A_1937, %swap3A_1938, %swap3A_1939], %gather3A_1894 {strides = array<i32>} : memref<2x32x1024xf32, #tpu.memory_space<vmem>>, vector<16xf32>,
          %swap3A_1941 = arith.index_cast %and3A_166 : i32 to index
          %swap3A_1942 = arith.index_cast %scan3A_1534 : i32 to index
          %swap3A_1943 = arith.constant 944 : index
          %swap3A_1944 = tpu.vector_load %arg7[%swap3A_1941, %swap3A_1942, %swap3A_1943] {strides = array<i32>} : memref<2x32x1024xf32, #tpu.memory_space<vmem>>, vector<16xf32>,
          tpu.vector_store %arg7[%swap3A_1941, %swap3A_1942, %swap3A_1943], %gather3A_1900 {strides = array<i32>} : memref<2x32x1024xf32, #tpu.memory_space<vmem>>, vector<16xf32>,
          %swap3A_1945 = arith.index_cast %and3A_166 : i32 to index
          %swap3A_1946 = arith.index_cast %scan3A_1534 : i32 to index
          %swap3A_1947 = arith.constant 960 : index
          %swap3A_1948 = tpu.vector_load %arg7[%swap3A_1945, %swap3A_1946, %swap3A_1947] {strides = array<i32>} : memref<2x32x1024xf32, #tpu.memory_space<vmem>>, vector<16xf32>,
          tpu.vector_store %arg7[%swap3A_1945, %swap3A_1946, %swap3A_1947], %gather3A_1906 {strides = array<i32>} : memref<2x32x1024xf32, #tpu.memory_space<vmem>>, vector<16xf32>,
          %swap3A_1949 = arith.index_cast %and3A_166 : i32 to index
          %swap3A_1950 = arith.index_cast %scan3A_1534 : i32 to index
          %swap3A_1951 = arith.constant 976 : index
          %swap3A_1952 = tpu.vector_load %arg7[%swap3A_1949, %swap3A_1950, %swap3A_1951] {strides = array<i32>} : memref<2x32x1024xf32, #tpu.memory_space<vmem>>, vector<16xf32>,
          tpu.vector_store %arg7[%swap3A_1949, %swap3A_1950, %swap3A_1951], %gather3A_1912 {strides = array<i32>} : memref<2x32x1024xf32, #tpu.memory_space<vmem>>, vector<16xf32>,
          %swap3A_1953 = arith.index_cast %and3A_166 : i32 to index
          %swap3A_1954 = arith.index_cast %scan3A_1534 : i32 to index
          %swap3A_1955 = arith.constant 992 : index
          %swap3A_1956 = tpu.vector_load %arg7[%swap3A_1953, %swap3A_1954, %swap3A_1955] {strides = array<i32>} : memref<2x32x1024xf32, #tpu.memory_space<vmem>>, vector<16xf32>,
          tpu.vector_store %arg7[%swap3A_1953, %swap3A_1954, %swap3A_1955], %gather3A_1918 {strides = array<i32>} : memref<2x32x1024xf32, #tpu.memory_space<vmem>>, vector<16xf32>,
          %swap3A_1957 = arith.index_cast %and3A_166 : i32 to index
          %swap3A_1958 = arith.index_cast %scan3A_1534 : i32 to index
          %swap3A_1959 = arith.constant 1008 : index
          %swap3A_1960 = tpu.vector_load %arg7[%swap3A_1957, %swap3A_1958, %swap3A_1959] {strides = array<i32>} : memref<2x32x1024xf32, #tpu.memory_space<vmem>>, vector<16xf32>,
          tpu.vector_store %arg7[%swap3A_1957, %swap3A_1958, %swap3A_1959], %gather3A_1924 {strides = array<i32>} : memref<2x32x1024xf32, #tpu.memory_space<vmem>>, vector<16xf32>,
        }
        %scan3A_231 = arith.constant 32 : i32
        %mul3A_232 = arith.constant 125 : i32
        %mul3A_233 = arith.muli %scan3A_119, %mul3A_232 : i32
        %add3A_234 = arith.addi %mul3A_233, %while3A_163 : i32
        %mul3A_235 = arith.constant 32 : i32
        %mul3A_236 = arith.muli %add3A_234, %mul3A_235 : i32
        %dma_start3A_237 = arith.constant 0 : i32
        %dma_start3A_238 = arith.constant 0 : i32
        %dma_start3A_239 = tpu.memref_slice %arg7[%and3A_166, %dma_start3A_237, %dma_start3A_238] : memref<2x32x1024xf32, #tpu.memory_space<vmem>> -> memref<1x32x1024xf32, #tpu.memory_space<vmem>>
        %dma_start3A_240 = tpu.memref_squeeze %dma_start3A_239 : memref<1x32x1024xf32, #tpu.memory_space<vmem>> -> memref<32x1024xf32, #tpu.memory_space<vmem>>
        %dma_start3A_241 = arith.constant 0 : i32
        %dma_start3A_242 = tpu.memref_slice %arg4[%mul3A_236, %dma_start3A_241] : memref<80000x1024xf32, #tpu.memory_space<hbm>> -> memref<32x1024xf32, #tpu.memory_space<hbm>>
        %dma_start3A_243 = tpu.memref_slice %arg9[%and3A_166] : memref<2x!tpu.dma_semaphore, #tpu.memory_space<semaphore_mem>> -> memref<1x!tpu.dma_semaphore, #tpu.memory_space<semaphore_mem>>
        %dma_start3A_244 = tpu.memref_squeeze %dma_start3A_243 : memref<1x!tpu.dma_semaphore, #tpu.memory_space<semaphore_mem>> -> memref<!tpu.dma_semaphore, #tpu.memory_space<semaphore_mem>>
        %dma_start3A_245 = arith.constant 0 : i32
        %dma_start3A_246 = tpu.memref_slice %arg4[%mul3A_236, %dma_start3A_245] : memref<80000x1024xf32, #tpu.memory_space<hbm>> -> memref<32x1024xf32, #tpu.memory_space<hbm>>
        %dma_start3A_247 = arith.constant 0 : i32
        %dma_start3A_248 = arith.constant 0 : i32
        %dma_start3A_249 = tpu.memref_slice %arg7[%and3A_166, %dma_start3A_247, %dma_start3A_248] : memref<2x32x1024xf32, #tpu.memory_space<vmem>> -> memref<1x32x1024xf32, #tpu.memory_space<vmem>>
        %dma_start3A_250 = tpu.memref_squeeze %dma_start3A_249 : memref<1x32x1024xf32, #tpu.memory_space<vmem>> -> memref<32x1024xf32, #tpu.memory_space<vmem>>
        tpu.enqueue_dma source(%dma_start3A_250 : memref<32x1024xf32, #tpu.memory_space<vmem>>) target(%dma_start3A_246 : memref<32x1024xf32, #tpu.memory_space<hbm>>) target_semaphore(%dma_start3A_244 : memref<!tpu.dma_semaphore, #tpu.memory_space<semaphore_mem>>)
        %add3A_251 = arith.constant 1 : i32
        %add3A_252 = arith.addi %while3A_164, %add3A_251 : i32
        scf.yield %add3A_252 : i32
      }
      %while3A_161 = arith.constant 1 : i32
      %while3A_162 = scf.for %while3A_163 = %while3A_158 to %while3A_154 step %while3A_161 iter_args(%while3A_164 = %while3A_160) -> (i32)  : i32 {
        %and3A_165 = arith.constant 1 : i32
        %and3A_166 = arith.andi %while3A_164, %and3A_165 : i32
        %sub3A_167 = arith.subi %while3A_163, %select_n3A : i32
        %mul3A_168 = arith.constant 8 : i32
        %mul3A_169 = arith.muli %sub3A_167, %mul3A_168 : i32
        %add3A_170 = arith.constant 0 : i32
        %add3A_171 = arith.addi %mul3A_169, %add3A_170 : i32
        %mul3A_172 = arith.constant 1000 : i32
        %mul3A_173 = arith.muli %add3A_171, %mul3A_172 : i32
        %sub3A_174 = arith.subi %while3A_163, %select_n3A : i32
        %mul3A_175 = arith.constant 8 : i32
        %mul3A_176 = arith.muli %sub3A_174, %mul3A_175 : i32
        %add3A_177 = arith.constant 1 : i32
        %add3A_178 = arith.addi %mul3A_176, %add3A_177 : i32
        %mul3A_179 = arith.constant 1000 : i32
        %mul3A_180 = arith.muli %add3A_178, %mul3A_179 : i32
        %sub3A_181 = arith.subi %while3A_163, %select_n3A : i32
        %mul3A_182 = arith.constant 8 : i32
        %mul3A_183 = arith.muli %sub3A_181, %mul3A_182 : i32
        %add3A_184 = arith.constant 2 : i32
        %add3A_185 = arith.addi %mul3A_183, %add3A_184 : i32
        %mul3A_186 = arith.constant 1000 : i32
        %mul3A_187 = arith.muli %add3A_185, %mul3A_186 : i32
        %sub3A_188 = arith.subi %while3A_163, %select_n3A : i32
        %mul3A_189 = arith.constant 8 : i32
        %mul3A_190 = arith.muli %sub3A_188, %mul3A_189 : i32
        %add3A_191 = arith.constant 3 : i32
        %add3A_192 = arith.addi %mul3A_190, %add3A_191 : i32
        %mul3A_193 = arith.constant 1000 : i32
        %mul3A_194 = arith.muli %add3A_192, %mul3A_193 : i32
        %sub3A_195 = arith.subi %while3A_163, %select_n3A : i32
        %mul3A_196 = arith.constant 8 : i32
        %mul3A_197 = arith.muli %sub3A_195, %mul3A_196 : i32
        %add3A_198 = arith.constant 4 : i32
        %add3A_199 = arith.addi %mul3A_197, %add3A_198 : i32
        %mul3A_200 = arith.constant 1000 : i32
        %mul3A_201 = arith.muli %add3A_199, %mul3A_200 : i32
        %sub3A_202 = arith.subi %while3A_163, %select_n3A : i32
        %mul3A_203 = arith.constant 8 : i32
        %mul3A_204 = arith.muli %sub3A_202, %mul3A_203 : i32
        %add3A_205 = arith.constant 5 : i32
        %add3A_206 = arith.addi %mul3A_204, %add3A_205 : i32
        %mul3A_207 = arith.constant 1000 : i32
        %mul3A_208 = arith.muli %add3A_206, %mul3A_207 : i32
        %sub3A_209 = arith.subi %while3A_163, %select_n3A : i32
        %mul3A_210 = arith.constant 8 : i32
        %mul3A_211 = arith.muli %sub3A_209, %mul3A_210 : i32
        %add3A_212 = arith.constant 6 : i32
        %add3A_213 = arith.addi %mul3A_211, %add3A_212 : i32
        %mul3A_214 = arith.constant 1000 : i32
        %mul3A_215 = arith.muli %add3A_213, %mul3A_214 : i32
        %sub3A_216 = arith.subi %while3A_163, %select_n3A : i32
        %mul3A_217 = arith.constant 8 : i32
        %mul3A_218 = arith.muli %sub3A_216, %mul3A_217 : i32
        %add3A_219 = arith.constant 7 : i32
        %add3A_220 = arith.addi %mul3A_218, %add3A_219 : i32
        %mul3A_221 = arith.constant 1000 : i32
        %mul3A_222 = arith.muli %add3A_220, %mul3A_221 : i32
        %ge3A = arith.constant 2 : i32
        %ge3A_223 = arith.cmpi sge, %while3A_164, %ge3A : i32
        %convert_element_type3A = arith.extui %ge3A_223 : i1 to i32
        %cond3A = arith.constant 0 : i32
        %cond3A_224 = arith.cmpi ne, %convert_element_type3A, %cond3A : i32
        scf.if %cond3A_224 {
          %dma_wait3A_253 = arith.constant 0 : i32
          %dma_wait3A_254 = arith.constant 0 : i32
          %dma_wait3A_255 = tpu.memref_slice %arg7[%and3A_166, %dma_wait3A_253, %dma_wait3A_254] : memref<2x32x1024xf32, #tpu.memory_space<vmem>> -> memref<1x32x1024xf32, #tpu.memory_space<vmem>>
          %dma_wait3A_256 = tpu.memref_squeeze %dma_wait3A_255 : memref<1x32x1024xf32, #tpu.memory_space<vmem>> -> memref<32x1024xf32, #tpu.memory_space<vmem>>
          %dma_wait3A_257 = arith.constant 0 : i32
          %dma_wait3A_258 = arith.constant 0 : i32
          %dma_wait3A_259 = tpu.memref_slice %arg4[%dma_wait3A_257, %dma_wait3A_258] : memref<80000x1024xf32, #tpu.memory_space<hbm>> -> memref<32x1024xf32, #tpu.memory_space<hbm>>
          %dma_wait3A_260 = tpu.memref_slice %arg9[%and3A_166] : memref<2x!tpu.dma_semaphore, #tpu.memory_space<semaphore_mem>> -> memref<1x!tpu.dma_semaphore, #tpu.memory_space<semaphore_mem>>
          %dma_wait3A_261 = tpu.memref_squeeze %dma_wait3A_260 : memref<1x!tpu.dma_semaphore, #tpu.memory_space<semaphore_mem>> -> memref<!tpu.dma_semaphore, #tpu.memory_space<semaphore_mem>>
          %dma_wait3A_262 = arith.constant 0 : i32
          %dma_wait3A_263 = arith.constant 0 : i32
          %dma_wait3A_264 = tpu.memref_slice %arg4[%dma_wait3A_262, %dma_wait3A_263] : memref<80000x1024xf32, #tpu.memory_space<hbm>> -> memref<32x1024xf32, #tpu.memory_space<hbm>>
          %dma_wait3A_265 = arith.constant 0 : i32
          %dma_wait3A_266 = arith.constant 0 : i32
          %dma_wait3A_267 = tpu.memref_slice %arg7[%and3A_166, %dma_wait3A_265, %dma_wait3A_266] : memref<2x32x1024xf32, #tpu.memory_space<vmem>> -> memref<1x32x1024xf32, #tpu.memory_space<vmem>>
          %dma_wait3A_268 = tpu.memref_squeeze %dma_wait3A_267 : memref<1x32x1024xf32, #tpu.memory_space<vmem>> -> memref<32x1024xf32, #tpu.memory_space<vmem>>
          tpu.wait_dma2 semaphore(%dma_wait3A_261 : memref<!tpu.dma_semaphore, #tpu.memory_space<semaphore_mem>>) src(%dma_wait3A_268 : memref<32x1024xf32, #tpu.memory_space<vmem>>) dst(%dma_wait3A_264 : memref<32x1024xf32, #tpu.memory_space<hbm>>)
        } else {
        }
        %and3A_225 = arith.constant 1 : i32
        %and3A_226 = arith.andi %scan3A_119, %and3A_225 : i32
        %scan3A_227 = arith.constant 0 : i32
        %scan3A_228 = arith.constant 32 : i32
        %scan3A_229 = arith.addi %scan3A_227, %scan3A_228 : i32
        %scan3A_230 = arith.constant 4 : i32
        scf.for %scan3A_253 = %scan3A_227 to %scan3A_229 step %scan3A_230  : i32 {
          %mul3A_254 = arith.constant 128 : i32
          %mul3A_255 = arith.muli %scan3A_253, %mul3A_254 : i32
          %add3A_256 = arith.constant 0 : i32
          %add3A_257 = arith.addi %mul3A_255, %add3A_256 : i32
          %get3A = arith.index_cast %and3A_226 : i32 to index
          %get3A_258 = arith.index_cast %add3A_257 : i32 to index
          %get3A_259 = tpu.vector_load %arg6[%get3A, %get3A_258] {strides = array<i32>} : memref<2x4096xi32, #tpu.memory_space<vmem>>, vector<16xi32>,
          %add3A_260 = arith.constant 16 : i32
          %add3A_261 = arith.addi %mul3A_255, %add3A_260 : i32
          %get3A_262 = arith.index_cast %and3A_226 : i32 to index
          %get3A_263 = arith.index_cast %add3A_261 : i32 to index
          %get3A_264 = tpu.vector_load %arg6[%get3A_262, %get3A_263] {strides = array<i32>} : memref<2x4096xi32, #tpu.memory_space<vmem>>, vector<16xi32>,
          %add3A_265 = arith.constant 32 : i32
          %add3A_266 = arith.addi %mul3A_255, %add3A_265 : i32
          %get3A_267 = arith.index_cast %and3A_226 : i32 to index
          %get3A_268 = arith.index_cast %add3A_266 : i32 to index
          %get3A_269 = tpu.vector_load %arg6[%get3A_267, %get3A_268] {strides = array<i32>} : memref<2x4096xi32, #tpu.memory_space<vmem>>, vector<16xi32>,
          %add3A_270 = arith.constant 48 : i32
          %add3A_271 = arith.addi %mul3A_255, %add3A_270 : i32
          %get3A_272 = arith.index_cast %and3A_226 : i32 to index
          %get3A_273 = arith.index_cast %add3A_271 : i32 to index
          %get3A_274 = tpu.vector_load %arg6[%get3A_272, %get3A_273] {strides = array<i32>} : memref<2x4096xi32, #tpu.memory_space<vmem>>, vector<16xi32>,
          %add3A_275 = arith.constant 64 : i32
          %add3A_276 = arith.addi %mul3A_255, %add3A_275 : i32
          %get3A_277 = arith.index_cast %and3A_226 : i32 to index
          %get3A_278 = arith.index_cast %add3A_276 : i32 to index
          %get3A_279 = tpu.vector_load %arg6[%get3A_277, %get3A_278] {strides = array<i32>} : memref<2x4096xi32, #tpu.memory_space<vmem>>, vector<16xi32>,
          %add3A_280 = arith.constant 80 : i32
          %add3A_281 = arith.addi %mul3A_255, %add3A_280 : i32
          %get3A_282 = arith.index_cast %and3A_226 : i32 to index
          %get3A_283 = arith.index_cast %add3A_281 : i32 to index
          %get3A_284 = tpu.vector_load %arg6[%get3A_282, %get3A_283] {strides = array<i32>} : memref<2x4096xi32, #tpu.memory_space<vmem>>, vector<16xi32>,
          %add3A_285 = arith.constant 96 : i32
          %add3A_286 = arith.addi %mul3A_255, %add3A_285 : i32
          %get3A_287 = arith.index_cast %and3A_226 : i32 to index
          %get3A_288 = arith.index_cast %add3A_286 : i32 to index
          %get3A_289 = tpu.vector_load %arg6[%get3A_287, %get3A_288] {strides = array<i32>} : memref<2x4096xi32, #tpu.memory_space<vmem>>, vector<16xi32>,
          %add3A_290 = arith.constant 112 : i32
          %add3A_291 = arith.addi %mul3A_255, %add3A_290 : i32
          %get3A_292 = arith.index_cast %and3A_226 : i32 to index
          %get3A_293 = arith.index_cast %add3A_291 : i32 to index
          %get3A_294 = tpu.vector_load %arg6[%get3A_292, %get3A_293] {strides = array<i32>} : memref<2x4096xi32, #tpu.memory_space<vmem>>, vector<16xi32>,
          %gather3A = tpu.memref_slice %arg5[%mul3A_173] : memref<32000xf32, #tpu.memory_space<vmem>> -> memref<1000xf32, #tpu.memory_space<vmem>>
          %gather3A_295 = tpu.vector_load_idx %gather3A[%get3A_259] : memref<1000xf32, #tpu.memory_space<vmem>>[vector<16xi32>], vector<16xf32>,
          %gather3A_296 = tpu.memref_slice %arg5[%mul3A_173] : memref<32000xf32, #tpu.memory_space<vmem>> -> memref<1000xf32, #tpu.memory_space<vmem>>
          %gather3A_297 = tpu.vector_load_idx %gather3A_296[%get3A_264] : memref<1000xf32, #tpu.memory_space<vmem>>[vector<16xi32>], vector<16xf32>,
          %gather3A_298 = tpu.memref_slice %arg5[%mul3A_173] : memref<32000xf32, #tpu.memory_space<vmem>> -> memref<1000xf32, #tpu.memory_space<vmem>>
          %gather3A_299 = tpu.vector_load_idx %gather3A_298[%get3A_269] : memref<1000xf32, #tpu.memory_space<vmem>>[vector<16xi32>], vector<16xf32>,
          %gather3A_300 = tpu.memref_slice %arg5[%mul3A_173] : memref<32000xf32, #tpu.memory_space<vmem>> -> memref<1000xf32, #tpu.memory_space<vmem>>
          %gather3A_301 = tpu.vector_load_idx %gather3A_300[%get3A_274] : memref<1000xf32, #tpu.memory_space<vmem>>[vector<16xi32>], vector<16xf32>,
          %gather3A_302 = tpu.memref_slice %arg5[%mul3A_173] : memref<32000xf32, #tpu.memory_space<vmem>> -> memref<1000xf32, #tpu.memory_space<vmem>>
          %gather3A_303 = tpu.vector_load_idx %gather3A_302[%get3A_279] : memref<1000xf32, #tpu.memory_space<vmem>>[vector<16xi32>], vector<16xf32>,
          %gather3A_304 = tpu.memref_slice %arg5[%mul3A_173] : memref<32000xf32, #tpu.memory_space<vmem>> -> memref<1000xf32, #tpu.memory_space<vmem>>
          %gather3A_305 = tpu.vector_load_idx %gather3A_304[%get3A_284] : memref<1000xf32, #tpu.memory_space<vmem>>[vector<16xi32>], vector<16xf32>,
          %gather3A_306 = tpu.memref_slice %arg5[%mul3A_173] : memref<32000xf32, #tpu.memory_space<vmem>> -> memref<1000xf32, #tpu.memory_space<vmem>>
          %gather3A_307 = tpu.vector_load_idx %gather3A_306[%get3A_289] : memref<1000xf32, #tpu.memory_space<vmem>>[vector<16xi32>], vector<16xf32>,
          %gather3A_308 = tpu.memref_slice %arg5[%mul3A_173] : memref<32000xf32, #tpu.memory_space<vmem>> -> memref<1000xf32, #tpu.memory_space<vmem>>
          %gather3A_309 = tpu.vector_load_idx %gather3A_308[%get3A_294] : memref<1000xf32, #tpu.memory_space<vmem>>[vector<16xi32>], vector<16xf32>,
          %gather3A_310 = tpu.memref_slice %arg5[%mul3A_180] : memref<32000xf32, #tpu.memory_space<vmem>> -> memref<1000xf32, #tpu.memory_space<vmem>>
          %gather3A_311 = tpu.vector_load_idx %gather3A_310[%get3A_259] : memref<1000xf32, #tpu.memory_space<vmem>>[vector<16xi32>], vector<16xf32>,
          %swap3A = arith.index_cast %and3A_166 : i32 to index
          %swap3A_312 = arith.index_cast %scan3A_253 : i32 to index
          %swap3A_313 = arith.constant 0 : index
          %swap3A_314 = tpu.vector_load %arg7[%swap3A, %swap3A_312, %swap3A_313] {strides = array<i32>} : memref<2x32x1024xf32, #tpu.memory_space<vmem>>, vector<16xf32>,
          tpu.vector_store %arg7[%swap3A, %swap3A_312, %swap3A_313], %gather3A_295 {strides = array<i32>} : memref<2x32x1024xf32, #tpu.memory_space<vmem>>, vector<16xf32>,
          %gather3A_315 = tpu.memref_slice %arg5[%mul3A_180] : memref<32000xf32, #tpu.memory_space<vmem>> -> memref<1000xf32, #tpu.memory_space<vmem>>
          %gather3A_316 = tpu.vector_load_idx %gather3A_315[%get3A_264] : memref<1000xf32, #tpu.memory_space<vmem>>[vector<16xi32>], vector<16xf32>,
          %swap3A_317 = arith.index_cast %and3A_166 : i32 to index
          %swap3A_318 = arith.index_cast %scan3A_253 : i32 to index
          %swap3A_319 = arith.constant 16 : index
          %swap3A_320 = tpu.vector_load %arg7[%swap3A_317, %swap3A_318, %swap3A_319] {strides = array<i32>} : memref<2x32x1024xf32, #tpu.memory_space<vmem>>, vector<16xf32>,
          tpu.vector_store %arg7[%swap3A_317, %swap3A_318, %swap3A_319], %gather3A_297 {strides = array<i32>} : memref<2x32x1024xf32, #tpu.memory_space<vmem>>, vector<16xf32>,
          %gather3A_321 = tpu.memref_slice %arg5[%mul3A_180] : memref<32000xf32, #tpu.memory_space<vmem>> -> memref<1000xf32, #tpu.memory_space<vmem>>
          %gather3A_322 = tpu.vector_load_idx %gather3A_321[%get3A_269] : memref<1000xf32, #tpu.memory_space<vmem>>[vector<16xi32>], vector<16xf32>,
          %swap3A_323 = arith.index_cast %and3A_166 : i32 to index
          %swap3A_324 = arith.index_cast %scan3A_253 : i32 to index
          %swap3A_325 = arith.constant 32 : index
          %swap3A_326 = tpu.vector_load %arg7[%swap3A_323, %swap3A_324, %swap3A_325] {strides = array<i32>} : memref<2x32x1024xf32, #tpu.memory_space<vmem>>, vector<16xf32>,
          tpu.vector_store %arg7[%swap3A_323, %swap3A_324, %swap3A_325], %gather3A_299 {strides = array<i32>} : memref<2x32x1024xf32, #tpu.memory_space<vmem>>, vector<16xf32>,
          %gather3A_327 = tpu.memref_slice %arg5[%mul3A_180] : memref<32000xf32, #tpu.memory_space<vmem>> -> memref<1000xf32, #tpu.memory_space<vmem>>
          %gather3A_328 = tpu.vector_load_idx %gather3A_327[%get3A_274] : memref<1000xf32, #tpu.memory_space<vmem>>[vector<16xi32>], vector<16xf32>,
          %swap3A_329 = arith.index_cast %and3A_166 : i32 to index
          %swap3A_330 = arith.index_cast %scan3A_253 : i32 to index
          %swap3A_331 = arith.constant 48 : index
          %swap3A_332 = tpu.vector_load %arg7[%swap3A_329, %swap3A_330, %swap3A_331] {strides = array<i32>} : memref<2x32x1024xf32, #tpu.memory_space<vmem>>, vector<16xf32>,
          tpu.vector_store %arg7[%swap3A_329, %swap3A_330, %swap3A_331], %gather3A_301 {strides = array<i32>} : memref<2x32x1024xf32, #tpu.memory_space<vmem>>, vector<16xf32>,
          %gather3A_333 = tpu.memref_slice %arg5[%mul3A_180] : memref<32000xf32, #tpu.memory_space<vmem>> -> memref<1000xf32, #tpu.memory_space<vmem>>
          %gather3A_334 = tpu.vector_load_idx %gather3A_333[%get3A_279] : memref<1000xf32, #tpu.memory_space<vmem>>[vector<16xi32>], vector<16xf32>,
          %swap3A_335 = arith.index_cast %and3A_166 : i32 to index
          %swap3A_336 = arith.index_cast %scan3A_253 : i32 to index
          %swap3A_337 = arith.constant 64 : index
          %swap3A_338 = tpu.vector_load %arg7[%swap3A_335, %swap3A_336, %swap3A_337] {strides = array<i32>} : memref<2x32x1024xf32, #tpu.memory_space<vmem>>, vector<16xf32>,
          tpu.vector_store %arg7[%swap3A_335, %swap3A_336, %swap3A_337], %gather3A_303 {strides = array<i32>} : memref<2x32x1024xf32, #tpu.memory_space<vmem>>, vector<16xf32>,
          %gather3A_339 = tpu.memref_slice %arg5[%mul3A_180] : memref<32000xf32, #tpu.memory_space<vmem>> -> memref<1000xf32, #tpu.memory_space<vmem>>
          %gather3A_340 = tpu.vector_load_idx %gather3A_339[%get3A_284] : memref<1000xf32, #tpu.memory_space<vmem>>[vector<16xi32>], vector<16xf32>,
          %swap3A_341 = arith.index_cast %and3A_166 : i32 to index
          %swap3A_342 = arith.index_cast %scan3A_253 : i32 to index
          %swap3A_343 = arith.constant 80 : index
          %swap3A_344 = tpu.vector_load %arg7[%swap3A_341, %swap3A_342, %swap3A_343] {strides = array<i32>} : memref<2x32x1024xf32, #tpu.memory_space<vmem>>, vector<16xf32>,
          tpu.vector_store %arg7[%swap3A_341, %swap3A_342, %swap3A_343], %gather3A_305 {strides = array<i32>} : memref<2x32x1024xf32, #tpu.memory_space<vmem>>, vector<16xf32>,
          %gather3A_345 = tpu.memref_slice %arg5[%mul3A_180] : memref<32000xf32, #tpu.memory_space<vmem>> -> memref<1000xf32, #tpu.memory_space<vmem>>
          %gather3A_346 = tpu.vector_load_idx %gather3A_345[%get3A_289] : memref<1000xf32, #tpu.memory_space<vmem>>[vector<16xi32>], vector<16xf32>,
          %swap3A_347 = arith.index_cast %and3A_166 : i32 to index
          %swap3A_348 = arith.index_cast %scan3A_253 : i32 to index
          %swap3A_349 = arith.constant 96 : index
          %swap3A_350 = tpu.vector_load %arg7[%swap3A_347, %swap3A_348, %swap3A_349] {strides = array<i32>} : memref<2x32x1024xf32, #tpu.memory_space<vmem>>, vector<16xf32>,
          tpu.vector_store %arg7[%swap3A_347, %swap3A_348, %swap3A_349], %gather3A_307 {strides = array<i32>} : memref<2x32x1024xf32, #tpu.memory_space<vmem>>, vector<16xf32>,
          %gather3A_351 = tpu.memref_slice %arg5[%mul3A_180] : memref<32000xf32, #tpu.memory_space<vmem>> -> memref<1000xf32, #tpu.memory_space<vmem>>
          %gather3A_352 = tpu.vector_load_idx %gather3A_351[%get3A_294] : memref<1000xf32, #tpu.memory_space<vmem>>[vector<16xi32>], vector<16xf32>,
          %swap3A_353 = arith.index_cast %and3A_166 : i32 to index
          %swap3A_354 = arith.index_cast %scan3A_253 : i32 to index
          %swap3A_355 = arith.constant 112 : index
          %swap3A_356 = tpu.vector_load %arg7[%swap3A_353, %swap3A_354, %swap3A_355] {strides = array<i32>} : memref<2x32x1024xf32, #tpu.memory_space<vmem>>, vector<16xf32>,
          tpu.vector_store %arg7[%swap3A_353, %swap3A_354, %swap3A_355], %gather3A_309 {strides = array<i32>} : memref<2x32x1024xf32, #tpu.memory_space<vmem>>, vector<16xf32>,
          %gather3A_357 = tpu.memref_slice %arg5[%mul3A_187] : memref<32000xf32, #tpu.memory_space<vmem>> -> memref<1000xf32, #tpu.memory_space<vmem>>
          %gather3A_358 = tpu.vector_load_idx %gather3A_357[%get3A_259] : memref<1000xf32, #tpu.memory_space<vmem>>[vector<16xi32>], vector<16xf32>,
          %swap3A_359 = arith.index_cast %and3A_166 : i32 to index
          %swap3A_360 = arith.index_cast %scan3A_253 : i32 to index
          %swap3A_361 = arith.constant 128 : index
          %swap3A_362 = tpu.vector_load %arg7[%swap3A_359, %swap3A_360, %swap3A_361] {strides = array<i32>} : memref<2x32x1024xf32, #tpu.memory_space<vmem>>, vector<16xf32>,
          tpu.vector_store %arg7[%swap3A_359, %swap3A_360, %swap3A_361], %gather3A_311 {strides = array<i32>} : memref<2x32x1024xf32, #tpu.memory_space<vmem>>, vector<16xf32>,
          %gather3A_363 = tpu.memref_slice %arg5[%mul3A_187] : memref<32000xf32, #tpu.memory_space<vmem>> -> memref<1000xf32, #tpu.memory_space<vmem>>
          %gather3A_364 = tpu.vector_load_idx %gather3A_363[%get3A_264] : memref<1000xf32, #tpu.memory_space<vmem>>[vector<16xi32>], vector<16xf32>,
          %swap3A_365 = arith.index_cast %and3A_166 : i32 to index
          %swap3A_366 = arith.index_cast %scan3A_253 : i32 to index
          %swap3A_367 = arith.constant 144 : index
          %swap3A_368 = tpu.vector_load %arg7[%swap3A_365, %swap3A_366, %swap3A_367] {strides = array<i32>} : memref<2x32x1024xf32, #tpu.memory_space<vmem>>, vector<16xf32>,
          tpu.vector_store %arg7[%swap3A_365, %swap3A_366, %swap3A_367], %gather3A_316 {strides = array<i32>} : memref<2x32x1024xf32, #tpu.memory_space<vmem>>, vector<16xf32>,
          %gather3A_369 = tpu.memref_slice %arg5[%mul3A_187] : memref<32000xf32, #tpu.memory_space<vmem>> -> memref<1000xf32, #tpu.memory_space<vmem>>
          %gather3A_370 = tpu.vector_load_idx %gather3A_369[%get3A_269] : memref<1000xf32, #tpu.memory_space<vmem>>[vector<16xi32>], vector<16xf32>,
          %swap3A_371 = arith.index_cast %and3A_166 : i32 to index
          %swap3A_372 = arith.index_cast %scan3A_253 : i32 to index
          %swap3A_373 = arith.constant 160 : index
          %swap3A_374 = tpu.vector_load %arg7[%swap3A_371, %swap3A_372, %swap3A_373] {strides = array<i32>} : memref<2x32x1024xf32, #tpu.memory_space<vmem>>, vector<16xf32>,
          tpu.vector_store %arg7[%swap3A_371, %swap3A_372, %swap3A_373], %gather3A_322 {strides = array<i32>} : memref<2x32x1024xf32, #tpu.memory_space<vmem>>, vector<16xf32>,
          %gather3A_375 = tpu.memref_slice %arg5[%mul3A_187] : memref<32000xf32, #tpu.memory_space<vmem>> -> memref<1000xf32, #tpu.memory_space<vmem>>
          %gather3A_376 = tpu.vector_load_idx %gather3A_375[%get3A_274] : memref<1000xf32, #tpu.memory_space<vmem>>[vector<16xi32>], vector<16xf32>,
          %swap3A_377 = arith.index_cast %and3A_166 : i32 to index
          %swap3A_378 = arith.index_cast %scan3A_253 : i32 to index
          %swap3A_379 = arith.constant 176 : index
          %swap3A_380 = tpu.vector_load %arg7[%swap3A_377, %swap3A_378, %swap3A_379] {strides = array<i32>} : memref<2x32x1024xf32, #tpu.memory_space<vmem>>, vector<16xf32>,
          tpu.vector_store %arg7[%swap3A_377, %swap3A_378, %swap3A_379], %gather3A_328 {strides = array<i32>} : memref<2x32x1024xf32, #tpu.memory_space<vmem>>, vector<16xf32>,
          %gather3A_381 = tpu.memref_slice %arg5[%mul3A_187] : memref<32000xf32, #tpu.memory_space<vmem>> -> memref<1000xf32, #tpu.memory_space<vmem>>
          %gather3A_382 = tpu.vector_load_idx %gather3A_381[%get3A_279] : memref<1000xf32, #tpu.memory_space<vmem>>[vector<16xi32>], vector<16xf32>,
          %swap3A_383 = arith.index_cast %and3A_166 : i32 to index
          %swap3A_384 = arith.index_cast %scan3A_253 : i32 to index
          %swap3A_385 = arith.constant 192 : index
          %swap3A_386 = tpu.vector_load %arg7[%swap3A_383, %swap3A_384, %swap3A_385] {strides = array<i32>} : memref<2x32x1024xf32, #tpu.memory_space<vmem>>, vector<16xf32>,
          tpu.vector_store %arg7[%swap3A_383, %swap3A_384, %swap3A_385], %gather3A_334 {strides = array<i32>} : memref<2x32x1024xf32, #tpu.memory_space<vmem>>, vector<16xf32>,
          %gather3A_387 = tpu.memref_slice %arg5[%mul3A_187] : memref<32000xf32, #tpu.memory_space<vmem>> -> memref<1000xf32, #tpu.memory_space<vmem>>
          %gather3A_388 = tpu.vector_load_idx %gather3A_387[%get3A_284] : memref<1000xf32, #tpu.memory_space<vmem>>[vector<16xi32>], vector<16xf32>,
          %swap3A_389 = arith.index_cast %and3A_166 : i32 to index
          %swap3A_390 = arith.index_cast %scan3A_253 : i32 to index
          %swap3A_391 = arith.constant 208 : index
          %swap3A_392 = tpu.vector_load %arg7[%swap3A_389, %swap3A_390, %swap3A_391] {strides = array<i32>} : memref<2x32x1024xf32, #tpu.memory_space<vmem>>, vector<16xf32>,
          tpu.vector_store %arg7[%swap3A_389, %swap3A_390, %swap3A_391], %gather3A_340 {strides = array<i32>} : memref<2x32x1024xf32, #tpu.memory_space<vmem>>, vector<16xf32>,
          %gather3A_393 = tpu.memref_slice %arg5[%mul3A_187] : memref<32000xf32, #tpu.memory_space<vmem>> -> memref<1000xf32, #tpu.memory_space<vmem>>
          %gather3A_394 = tpu.vector_load_idx %gather3A_393[%get3A_289] : memref<1000xf32, #tpu.memory_space<vmem>>[vector<16xi32>], vector<16xf32>,
          %swap3A_395 = arith.index_cast %and3A_166 : i32 to index
          %swap3A_396 = arith.index_cast %scan3A_253 : i32 to index
          %swap3A_397 = arith.constant 224 : index
          %swap3A_398 = tpu.vector_load %arg7[%swap3A_395, %swap3A_396, %swap3A_397] {strides = array<i32>} : memref<2x32x1024xf32, #tpu.memory_space<vmem>>, vector<16xf32>,
          tpu.vector_store %arg7[%swap3A_395, %swap3A_396, %swap3A_397], %gather3A_346 {strides = array<i32>} : memref<2x32x1024xf32, #tpu.memory_space<vmem>>, vector<16xf32>,
          %gather3A_399 = tpu.memref_slice %arg5[%mul3A_187] : memref<32000xf32, #tpu.memory_space<vmem>> -> memref<1000xf32, #tpu.memory_space<vmem>>
          %gather3A_400 = tpu.vector_load_idx %gather3A_399[%get3A_294] : memref<1000xf32, #tpu.memory_space<vmem>>[vector<16xi32>], vector<16xf32>,
          %swap3A_401 = arith.index_cast %and3A_166 : i32 to index
          %swap3A_402 = arith.index_cast %scan3A_253 : i32 to index
          %swap3A_403 = arith.constant 240 : index
          %swap3A_404 = tpu.vector_load %arg7[%swap3A_401, %swap3A_402, %swap3A_403] {strides = array<i32>} : memref<2x32x1024xf32, #tpu.memory_space<vmem>>, vector<16xf32>,
          tpu.vector_store %arg7[%swap3A_401, %swap3A_402, %swap3A_403], %gather3A_352 {strides = array<i32>} : memref<2x32x1024xf32, #tpu.memory_space<vmem>>, vector<16xf32>,
          %gather3A_405 = tpu.memref_slice %arg5[%mul3A_194] : memref<32000xf32, #tpu.memory_space<vmem>> -> memref<1000xf32, #tpu.memory_space<vmem>>
          %gather3A_406 = tpu.vector_load_idx %gather3A_405[%get3A_259] : memref<1000xf32, #tpu.memory_space<vmem>>[vector<16xi32>], vector<16xf32>,
          %swap3A_407 = arith.index_cast %and3A_166 : i32 to index
          %swap3A_408 = arith.index_cast %scan3A_253 : i32 to index
          %swap3A_409 = arith.constant 256 : index
          %swap3A_410 = tpu.vector_load %arg7[%swap3A_407, %swap3A_408, %swap3A_409] {strides = array<i32>} : memref<2x32x1024xf32, #tpu.memory_space<vmem>>, vector<16xf32>,
          tpu.vector_store %arg7[%swap3A_407, %swap3A_408, %swap3A_409], %gather3A_358 {strides = array<i32>} : memref<2x32x1024xf32, #tpu.memory_space<vmem>>, vector<16xf32>,
          %gather3A_411 = tpu.memref_slice %arg5[%mul3A_194] : memref<32000xf32, #tpu.memory_space<vmem>> -> memref<1000xf32, #tpu.memory_space<vmem>>
          %gather3A_412 = tpu.vector_load_idx %gather3A_411[%get3A_264] : memref<1000xf32, #tpu.memory_space<vmem>>[vector<16xi32>], vector<16xf32>,
          %swap3A_413 = arith.index_cast %and3A_166 : i32 to index
          %swap3A_414 = arith.index_cast %scan3A_253 : i32 to index
          %swap3A_415 = arith.constant 272 : index
          %swap3A_416 = tpu.vector_load %arg7[%swap3A_413, %swap3A_414, %swap3A_415] {strides = array<i32>} : memref<2x32x1024xf32, #tpu.memory_space<vmem>>, vector<16xf32>,
          tpu.vector_store %arg7[%swap3A_413, %swap3A_414, %swap3A_415], %gather3A_364 {strides = array<i32>} : memref<2x32x1024xf32, #tpu.memory_space<vmem>>, vector<16xf32>,
          %gather3A_417 = tpu.memref_slice %arg5[%mul3A_194] : memref<32000xf32, #tpu.memory_space<vmem>> -> memref<1000xf32, #tpu.memory_space<vmem>>
          %gather3A_418 = tpu.vector_load_idx %gather3A_417[%get3A_269] : memref<1000xf32, #tpu.memory_space<vmem>>[vector<16xi32>], vector<16xf32>,
          %swap3A_419 = arith.index_cast %and3A_166 : i32 to index
          %swap3A_420 = arith.index_cast %scan3A_253 : i32 to index
          %swap3A_421 = arith.constant 288 : index
          %swap3A_422 = tpu.vector_load %arg7[%swap3A_419, %swap3A_420, %swap3A_421] {strides = array<i32>} : memref<2x32x1024xf32, #tpu.memory_space<vmem>>, vector<16xf32>,
          tpu.vector_store %arg7[%swap3A_419, %swap3A_420, %swap3A_421], %gather3A_370 {strides = array<i32>} : memref<2x32x1024xf32, #tpu.memory_space<vmem>>, vector<16xf32>,
          %gather3A_423 = tpu.memref_slice %arg5[%mul3A_194] : memref<32000xf32, #tpu.memory_space<vmem>> -> memref<1000xf32, #tpu.memory_space<vmem>>
          %gather3A_424 = tpu.vector_load_idx %gather3A_423[%get3A_274] : memref<1000xf32, #tpu.memory_space<vmem>>[vector<16xi32>], vector<16xf32>,
          %swap3A_425 = arith.index_cast %and3A_166 : i32 to index
          %swap3A_426 = arith.index_cast %scan3A_253 : i32 to index
          %swap3A_427 = arith.constant 304 : index
          %swap3A_428 = tpu.vector_load %arg7[%swap3A_425, %swap3A_426, %swap3A_427] {strides = array<i32>} : memref<2x32x1024xf32, #tpu.memory_space<vmem>>, vector<16xf32>,
          tpu.vector_store %arg7[%swap3A_425, %swap3A_426, %swap3A_427], %gather3A_376 {strides = array<i32>} : memref<2x32x1024xf32, #tpu.memory_space<vmem>>, vector<16xf32>,
          %gather3A_429 = tpu.memref_slice %arg5[%mul3A_194] : memref<32000xf32, #tpu.memory_space<vmem>> -> memref<1000xf32, #tpu.memory_space<vmem>>
          %gather3A_430 = tpu.vector_load_idx %gather3A_429[%get3A_279] : memref<1000xf32, #tpu.memory_space<vmem>>[vector<16xi32>], vector<16xf32>,
          %swap3A_431 = arith.index_cast %and3A_166 : i32 to index
          %swap3A_432 = arith.index_cast %scan3A_253 : i32 to index
          %swap3A_433 = arith.constant 320 : index
          %swap3A_434 = tpu.vector_load %arg7[%swap3A_431, %swap3A_432, %swap3A_433] {strides = array<i32>} : memref<2x32x1024xf32, #tpu.memory_space<vmem>>, vector<16xf32>,
          tpu.vector_store %arg7[%swap3A_431, %swap3A_432, %swap3A_433], %gather3A_382 {strides = array<i32>} : memref<2x32x1024xf32, #tpu.memory_space<vmem>>, vector<16xf32>,
          %gather3A_435 = tpu.memref_slice %arg5[%mul3A_194] : memref<32000xf32, #tpu.memory_space<vmem>> -> memref<1000xf32, #tpu.memory_space<vmem>>
          %gather3A_436 = tpu.vector_load_idx %gather3A_435[%get3A_284] : memref<1000xf32, #tpu.memory_space<vmem>>[vector<16xi32>], vector<16xf32>,
          %swap3A_437 = arith.index_cast %and3A_166 : i32 to index
          %swap3A_438 = arith.index_cast %scan3A_253 : i32 to index
          %swap3A_439 = arith.constant 336 : index
          %swap3A_440 = tpu.vector_load %arg7[%swap3A_437, %swap3A_438, %swap3A_439] {strides = array<i32>} : memref<2x32x1024xf32, #tpu.memory_space<vmem>>, vector<16xf32>,
          tpu.vector_store %arg7[%swap3A_437, %swap3A_438, %swap3A_439], %gather3A_388 {strides = array<i32>} : memref<2x32x1024xf32, #tpu.memory_space<vmem>>, vector<16xf32>,
          %gather3A_441 = tpu.memref_slice %arg5[%mul3A_194] : memref<32000xf32, #tpu.memory_space<vmem>> -> memref<1000xf32, #tpu.memory_space<vmem>>
          %gather3A_442 = tpu.vector_load_idx %gather3A_441[%get3A_289] : memref<1000xf32, #tpu.memory_space<vmem>>[vector<16xi32>], vector<16xf32>,
          %swap3A_443 = arith.index_cast %and3A_166 : i32 to index
          %swap3A_444 = arith.index_cast %scan3A_253 : i32 to index
          %swap3A_445 = arith.constant 352 : index
          %swap3A_446 = tpu.vector_load %arg7[%swap3A_443, %swap3A_444, %swap3A_445] {strides = array<i32>} : memref<2x32x1024xf32, #tpu.memory_space<vmem>>, vector<16xf32>,
          tpu.vector_store %arg7[%swap3A_443, %swap3A_444, %swap3A_445], %gather3A_394 {strides = array<i32>} : memref<2x32x1024xf32, #tpu.memory_space<vmem>>, vector<16xf32>,
          %gather3A_447 = tpu.memref_slice %arg5[%mul3A_194] : memref<32000xf32, #tpu.memory_space<vmem>> -> memref<1000xf32, #tpu.memory_space<vmem>>
          %gather3A_448 = tpu.vector_load_idx %gather3A_447[%get3A_294] : memref<1000xf32, #tpu.memory_space<vmem>>[vector<16xi32>], vector<16xf32>,
          %swap3A_449 = arith.index_cast %and3A_166 : i32 to index
          %swap3A_450 = arith.index_cast %scan3A_253 : i32 to index
          %swap3A_451 = arith.constant 368 : index
          %swap3A_452 = tpu.vector_load %arg7[%swap3A_449, %swap3A_450, %swap3A_451] {strides = array<i32>} : memref<2x32x1024xf32, #tpu.memory_space<vmem>>, vector<16xf32>,
          tpu.vector_store %arg7[%swap3A_449, %swap3A_450, %swap3A_451], %gather3A_400 {strides = array<i32>} : memref<2x32x1024xf32, #tpu.memory_space<vmem>>, vector<16xf32>,
          %gather3A_453 = tpu.memref_slice %arg5[%mul3A_201] : memref<32000xf32, #tpu.memory_space<vmem>> -> memref<1000xf32, #tpu.memory_space<vmem>>
          %gather3A_454 = tpu.vector_load_idx %gather3A_453[%get3A_259] : memref<1000xf32, #tpu.memory_space<vmem>>[vector<16xi32>], vector<16xf32>,
          %swap3A_455 = arith.index_cast %and3A_166 : i32 to index
          %swap3A_456 = arith.index_cast %scan3A_253 : i32 to index
          %swap3A_457 = arith.constant 384 : index
          %swap3A_458 = tpu.vector_load %arg7[%swap3A_455, %swap3A_456, %swap3A_457] {strides = array<i32>} : memref<2x32x1024xf32, #tpu.memory_space<vmem>>, vector<16xf32>,
          tpu.vector_store %arg7[%swap3A_455, %swap3A_456, %swap3A_457], %gather3A_406 {strides = array<i32>} : memref<2x32x1024xf32, #tpu.memory_space<vmem>>, vector<16xf32>,
          %gather3A_459 = tpu.memref_slice %arg5[%mul3A_201] : memref<32000xf32, #tpu.memory_space<vmem>> -> memref<1000xf32, #tpu.memory_space<vmem>>
          %gather3A_460 = tpu.vector_load_idx %gather3A_459[%get3A_264] : memref<1000xf32, #tpu.memory_space<vmem>>[vector<16xi32>], vector<16xf32>,
          %swap3A_461 = arith.index_cast %and3A_166 : i32 to index
          %swap3A_462 = arith.index_cast %scan3A_253 : i32 to index
          %swap3A_463 = arith.constant 400 : index
          %swap3A_464 = tpu.vector_load %arg7[%swap3A_461, %swap3A_462, %swap3A_463] {strides = array<i32>} : memref<2x32x1024xf32, #tpu.memory_space<vmem>>, vector<16xf32>,
          tpu.vector_store %arg7[%swap3A_461, %swap3A_462, %swap3A_463], %gather3A_412 {strides = array<i32>} : memref<2x32x1024xf32, #tpu.memory_space<vmem>>, vector<16xf32>,
          %gather3A_465 = tpu.memref_slice %arg5[%mul3A_201] : memref<32000xf32, #tpu.memory_space<vmem>> -> memref<1000xf32, #tpu.memory_space<vmem>>
          %gather3A_466 = tpu.vector_load_idx %gather3A_465[%get3A_269] : memref<1000xf32, #tpu.memory_space<vmem>>[vector<16xi32>], vector<16xf32>,
          %swap3A_467 = arith.index_cast %and3A_166 : i32 to index
          %swap3A_468 = arith.index_cast %scan3A_253 : i32 to index
          %swap3A_469 = arith.constant 416 : index
          %swap3A_470 = tpu.vector_load %arg7[%swap3A_467, %swap3A_468, %swap3A_469] {strides = array<i32>} : memref<2x32x1024xf32, #tpu.memory_space<vmem>>, vector<16xf32>,
          tpu.vector_store %arg7[%swap3A_467, %swap3A_468, %swap3A_469], %gather3A_418 {strides = array<i32>} : memref<2x32x1024xf32, #tpu.memory_space<vmem>>, vector<16xf32>,
          %gather3A_471 = tpu.memref_slice %arg5[%mul3A_201] : memref<32000xf32, #tpu.memory_space<vmem>> -> memref<1000xf32, #tpu.memory_space<vmem>>
          %gather3A_472 = tpu.vector_load_idx %gather3A_471[%get3A_274] : memref<1000xf32, #tpu.memory_space<vmem>>[vector<16xi32>], vector<16xf32>,
          %swap3A_473 = arith.index_cast %and3A_166 : i32 to index
          %swap3A_474 = arith.index_cast %scan3A_253 : i32 to index
          %swap3A_475 = arith.constant 432 : index
          %swap3A_476 = tpu.vector_load %arg7[%swap3A_473, %swap3A_474, %swap3A_475] {strides = array<i32>} : memref<2x32x1024xf32, #tpu.memory_space<vmem>>, vector<16xf32>,
          tpu.vector_store %arg7[%swap3A_473, %swap3A_474, %swap3A_475], %gather3A_424 {strides = array<i32>} : memref<2x32x1024xf32, #tpu.memory_space<vmem>>, vector<16xf32>,
          %gather3A_477 = tpu.memref_slice %arg5[%mul3A_201] : memref<32000xf32, #tpu.memory_space<vmem>> -> memref<1000xf32, #tpu.memory_space<vmem>>
          %gather3A_478 = tpu.vector_load_idx %gather3A_477[%get3A_279] : memref<1000xf32, #tpu.memory_space<vmem>>[vector<16xi32>], vector<16xf32>,
          %swap3A_479 = arith.index_cast %and3A_166 : i32 to index
          %swap3A_480 = arith.index_cast %scan3A_253 : i32 to index
          %swap3A_481 = arith.constant 448 : index
          %swap3A_482 = tpu.vector_load %arg7[%swap3A_479, %swap3A_480, %swap3A_481] {strides = array<i32>} : memref<2x32x1024xf32, #tpu.memory_space<vmem>>, vector<16xf32>,
          tpu.vector_store %arg7[%swap3A_479, %swap3A_480, %swap3A_481], %gather3A_430 {strides = array<i32>} : memref<2x32x1024xf32, #tpu.memory_space<vmem>>, vector<16xf32>,
          %gather3A_483 = tpu.memref_slice %arg5[%mul3A_201] : memref<32000xf32, #tpu.memory_space<vmem>> -> memref<1000xf32, #tpu.memory_space<vmem>>
          %gather3A_484 = tpu.vector_load_idx %gather3A_483[%get3A_284] : memref<1000xf32, #tpu.memory_space<vmem>>[vector<16xi32>], vector<16xf32>,
          %swap3A_485 = arith.index_cast %and3A_166 : i32 to index
          %swap3A_486 = arith.index_cast %scan3A_253 : i32 to index
          %swap3A_487 = arith.constant 464 : index
          %swap3A_488 = tpu.vector_load %arg7[%swap3A_485, %swap3A_486, %swap3A_487] {strides = array<i32>} : memref<2x32x1024xf32, #tpu.memory_space<vmem>>, vector<16xf32>,
          tpu.vector_store %arg7[%swap3A_485, %swap3A_486, %swap3A_487], %gather3A_436 {strides = array<i32>} : memref<2x32x1024xf32, #tpu.memory_space<vmem>>, vector<16xf32>,
          %gather3A_489 = tpu.memref_slice %arg5[%mul3A_201] : memref<32000xf32, #tpu.memory_space<vmem>> -> memref<1000xf32, #tpu.memory_space<vmem>>
          %gather3A_490 = tpu.vector_load_idx %gather3A_489[%get3A_289] : memref<1000xf32, #tpu.memory_space<vmem>>[vector<16xi32>], vector<16xf32>,
          %swap3A_491 = arith.index_cast %and3A_166 : i32 to index
          %swap3A_492 = arith.index_cast %scan3A_253 : i32 to index
          %swap3A_493 = arith.constant 480 : index
          %swap3A_494 = tpu.vector_load %arg7[%swap3A_491, %swap3A_492, %swap3A_493] {strides = array<i32>} : memref<2x32x1024xf32, #tpu.memory_space<vmem>>, vector<16xf32>,
          tpu.vector_store %arg7[%swap3A_491, %swap3A_492, %swap3A_493], %gather3A_442 {strides = array<i32>} : memref<2x32x1024xf32, #tpu.memory_space<vmem>>, vector<16xf32>,
          %gather3A_495 = tpu.memref_slice %arg5[%mul3A_201] : memref<32000xf32, #tpu.memory_space<vmem>> -> memref<1000xf32, #tpu.memory_space<vmem>>
          %gather3A_496 = tpu.vector_load_idx %gather3A_495[%get3A_294] : memref<1000xf32, #tpu.memory_space<vmem>>[vector<16xi32>], vector<16xf32>,
          %swap3A_497 = arith.index_cast %and3A_166 : i32 to index
          %swap3A_498 = arith.index_cast %scan3A_253 : i32 to index
          %swap3A_499 = arith.constant 496 : index
          %swap3A_500 = tpu.vector_load %arg7[%swap3A_497, %swap3A_498, %swap3A_499] {strides = array<i32>} : memref<2x32x1024xf32, #tpu.memory_space<vmem>>, vector<16xf32>,
          tpu.vector_store %arg7[%swap3A_497, %swap3A_498, %swap3A_499], %gather3A_448 {strides = array<i32>} : memref<2x32x1024xf32, #tpu.memory_space<vmem>>, vector<16xf32>,
          %gather3A_501 = tpu.memref_slice %arg5[%mul3A_208] : memref<32000xf32, #tpu.memory_space<vmem>> -> memref<1000xf32, #tpu.memory_space<vmem>>
          %gather3A_502 = tpu.vector_load_idx %gather3A_501[%get3A_259] : memref<1000xf32, #tpu.memory_space<vmem>>[vector<16xi32>], vector<16xf32>,
          %swap3A_503 = arith.index_cast %and3A_166 : i32 to index
          %swap3A_504 = arith.index_cast %scan3A_253 : i32 to index
          %swap3A_505 = arith.constant 512 : index
          %swap3A_506 = tpu.vector_load %arg7[%swap3A_503, %swap3A_504, %swap3A_505] {strides = array<i32>} : memref<2x32x1024xf32, #tpu.memory_space<vmem>>, vector<16xf32>,
          tpu.vector_store %arg7[%swap3A_503, %swap3A_504, %swap3A_505], %gather3A_454 {strides = array<i32>} : memref<2x32x1024xf32, #tpu.memory_space<vmem>>, vector<16xf32>,
          %gather3A_507 = tpu.memref_slice %arg5[%mul3A_208] : memref<32000xf32, #tpu.memory_space<vmem>> -> memref<1000xf32, #tpu.memory_space<vmem>>
          %gather3A_508 = tpu.vector_load_idx %gather3A_507[%get3A_264] : memref<1000xf32, #tpu.memory_space<vmem>>[vector<16xi32>], vector<16xf32>,
          %swap3A_509 = arith.index_cast %and3A_166 : i32 to index
          %swap3A_510 = arith.index_cast %scan3A_253 : i32 to index
          %swap3A_511 = arith.constant 528 : index
          %swap3A_512 = tpu.vector_load %arg7[%swap3A_509, %swap3A_510, %swap3A_511] {strides = array<i32>} : memref<2x32x1024xf32, #tpu.memory_space<vmem>>, vector<16xf32>,
          tpu.vector_store %arg7[%swap3A_509, %swap3A_510, %swap3A_511], %gather3A_460 {strides = array<i32>} : memref<2x32x1024xf32, #tpu.memory_space<vmem>>, vector<16xf32>,
          %gather3A_513 = tpu.memref_slice %arg5[%mul3A_208] : memref<32000xf32, #tpu.memory_space<vmem>> -> memref<1000xf32, #tpu.memory_space<vmem>>
          %gather3A_514 = tpu.vector_load_idx %gather3A_513[%get3A_269] : memref<1000xf32, #tpu.memory_space<vmem>>[vector<16xi32>], vector<16xf32>,
          %swap3A_515 = arith.index_cast %and3A_166 : i32 to index
          %swap3A_516 = arith.index_cast %scan3A_253 : i32 to index
          %swap3A_517 = arith.constant 544 : index
          %swap3A_518 = tpu.vector_load %arg7[%swap3A_515, %swap3A_516, %swap3A_517] {strides = array<i32>} : memref<2x32x1024xf32, #tpu.memory_space<vmem>>, vector<16xf32>,
          tpu.vector_store %arg7[%swap3A_515, %swap3A_516, %swap3A_517], %gather3A_466 {strides = array<i32>} : memref<2x32x1024xf32, #tpu.memory_space<vmem>>, vector<16xf32>,
          %gather3A_519 = tpu.memref_slice %arg5[%mul3A_208] : memref<32000xf32, #tpu.memory_space<vmem>> -> memref<1000xf32, #tpu.memory_space<vmem>>
          %gather3A_520 = tpu.vector_load_idx %gather3A_519[%get3A_274] : memref<1000xf32, #tpu.memory_space<vmem>>[vector<16xi32>], vector<16xf32>,
          %swap3A_521 = arith.index_cast %and3A_166 : i32 to index
          %swap3A_522 = arith.index_cast %scan3A_253 : i32 to index
          %swap3A_523 = arith.constant 560 : index
          %swap3A_524 = tpu.vector_load %arg7[%swap3A_521, %swap3A_522, %swap3A_523] {strides = array<i32>} : memref<2x32x1024xf32, #tpu.memory_space<vmem>>, vector<16xf32>,
          tpu.vector_store %arg7[%swap3A_521, %swap3A_522, %swap3A_523], %gather3A_472 {strides = array<i32>} : memref<2x32x1024xf32, #tpu.memory_space<vmem>>, vector<16xf32>,
          %gather3A_525 = tpu.memref_slice %arg5[%mul3A_208] : memref<32000xf32, #tpu.memory_space<vmem>> -> memref<1000xf32, #tpu.memory_space<vmem>>
          %gather3A_526 = tpu.vector_load_idx %gather3A_525[%get3A_279] : memref<1000xf32, #tpu.memory_space<vmem>>[vector<16xi32>], vector<16xf32>,
          %swap3A_527 = arith.index_cast %and3A_166 : i32 to index
          %swap3A_528 = arith.index_cast %scan3A_253 : i32 to index
          %swap3A_529 = arith.constant 576 : index
          %swap3A_530 = tpu.vector_load %arg7[%swap3A_527, %swap3A_528, %swap3A_529] {strides = array<i32>} : memref<2x32x1024xf32, #tpu.memory_space<vmem>>, vector<16xf32>,
          tpu.vector_store %arg7[%swap3A_527, %swap3A_528, %swap3A_529], %gather3A_478 {strides = array<i32>} : memref<2x32x1024xf32, #tpu.memory_space<vmem>>, vector<16xf32>,
          %gather3A_531 = tpu.memref_slice %arg5[%mul3A_208] : memref<32000xf32, #tpu.memory_space<vmem>> -> memref<1000xf32, #tpu.memory_space<vmem>>
          %gather3A_532 = tpu.vector_load_idx %gather3A_531[%get3A_284] : memref<1000xf32, #tpu.memory_space<vmem>>[vector<16xi32>], vector<16xf32>,
          %swap3A_533 = arith.index_cast %and3A_166 : i32 to index
          %swap3A_534 = arith.index_cast %scan3A_253 : i32 to index
          %swap3A_535 = arith.constant 592 : index
          %swap3A_536 = tpu.vector_load %arg7[%swap3A_533, %swap3A_534, %swap3A_535] {strides = array<i32>} : memref<2x32x1024xf32, #tpu.memory_space<vmem>>, vector<16xf32>,
          tpu.vector_store %arg7[%swap3A_533, %swap3A_534, %swap3A_535], %gather3A_484 {strides = array<i32>} : memref<2x32x1024xf32, #tpu.memory_space<vmem>>, vector<16xf32>,
          %gather3A_537 = tpu.memref_slice %arg5[%mul3A_208] : memref<32000xf32, #tpu.memory_space<vmem>> -> memref<1000xf32, #tpu.memory_space<vmem>>
          %gather3A_538 = tpu.vector_load_idx %gather3A_537[%get3A_289] : memref<1000xf32, #tpu.memory_space<vmem>>[vector<16xi32>], vector<16xf32>,
          %swap3A_539 = arith.index_cast %and3A_166 : i32 to index
          %swap3A_540 = arith.index_cast %scan3A_253 : i32 to index
          %swap3A_541 = arith.constant 608 : index
          %swap3A_542 = tpu.vector_load %arg7[%swap3A_539, %swap3A_540, %swap3A_541] {strides = array<i32>} : memref<2x32x1024xf32, #tpu.memory_space<vmem>>, vector<16xf32>,
          tpu.vector_store %arg7[%swap3A_539, %swap3A_540, %swap3A_541], %gather3A_490 {strides = array<i32>} : memref<2x32x1024xf32, #tpu.memory_space<vmem>>, vector<16xf32>,
          %gather3A_543 = tpu.memref_slice %arg5[%mul3A_208] : memref<32000xf32, #tpu.memory_space<vmem>> -> memref<1000xf32, #tpu.memory_space<vmem>>
          %gather3A_544 = tpu.vector_load_idx %gather3A_543[%get3A_294] : memref<1000xf32, #tpu.memory_space<vmem>>[vector<16xi32>], vector<16xf32>,
          %swap3A_545 = arith.index_cast %and3A_166 : i32 to index
          %swap3A_546 = arith.index_cast %scan3A_253 : i32 to index
          %swap3A_547 = arith.constant 624 : index
          %swap3A_548 = tpu.vector_load %arg7[%swap3A_545, %swap3A_546, %swap3A_547] {strides = array<i32>} : memref<2x32x1024xf32, #tpu.memory_space<vmem>>, vector<16xf32>,
          tpu.vector_store %arg7[%swap3A_545, %swap3A_546, %swap3A_547], %gather3A_496 {strides = array<i32>} : memref<2x32x1024xf32, #tpu.memory_space<vmem>>, vector<16xf32>,
          %gather3A_549 = tpu.memref_slice %arg5[%mul3A_215] : memref<32000xf32, #tpu.memory_space<vmem>> -> memref<1000xf32, #tpu.memory_space<vmem>>
          %gather3A_550 = tpu.vector_load_idx %gather3A_549[%get3A_259] : memref<1000xf32, #tpu.memory_space<vmem>>[vector<16xi32>], vector<16xf32>,
          %swap3A_551 = arith.index_cast %and3A_166 : i32 to index
          %swap3A_552 = arith.index_cast %scan3A_253 : i32 to index
          %swap3A_553 = arith.constant 640 : index
          %swap3A_554 = tpu.vector_load %arg7[%swap3A_551, %swap3A_552, %swap3A_553] {strides = array<i32>} : memref<2x32x1024xf32, #tpu.memory_space<vmem>>, vector<16xf32>,
          tpu.vector_store %arg7[%swap3A_551, %swap3A_552, %swap3A_553], %gather3A_502 {strides = array<i32>} : memref<2x32x1024xf32, #tpu.memory_space<vmem>>, vector<16xf32>,
          %gather3A_555 = tpu.memref_slice %arg5[%mul3A_215] : memref<32000xf32, #tpu.memory_space<vmem>> -> memref<1000xf32, #tpu.memory_space<vmem>>
          %gather3A_556 = tpu.vector_load_idx %gather3A_555[%get3A_264] : memref<1000xf32, #tpu.memory_space<vmem>>[vector<16xi32>], vector<16xf32>,
          %swap3A_557 = arith.index_cast %and3A_166 : i32 to index
          %swap3A_558 = arith.index_cast %scan3A_253 : i32 to index
          %swap3A_559 = arith.constant 656 : index
          %swap3A_560 = tpu.vector_load %arg7[%swap3A_557, %swap3A_558, %swap3A_559] {strides = array<i32>} : memref<2x32x1024xf32, #tpu.memory_space<vmem>>, vector<16xf32>,
          tpu.vector_store %arg7[%swap3A_557, %swap3A_558, %swap3A_559], %gather3A_508 {strides = array<i32>} : memref<2x32x1024xf32, #tpu.memory_space<vmem>>, vector<16xf32>,
          %gather3A_561 = tpu.memref_slice %arg5[%mul3A_215] : memref<32000xf32, #tpu.memory_space<vmem>> -> memref<1000xf32, #tpu.memory_space<vmem>>
          %gather3A_562 = tpu.vector_load_idx %gather3A_561[%get3A_269] : memref<1000xf32, #tpu.memory_space<vmem>>[vector<16xi32>], vector<16xf32>,
          %swap3A_563 = arith.index_cast %and3A_166 : i32 to index
          %swap3A_564 = arith.index_cast %scan3A_253 : i32 to index
          %swap3A_565 = arith.constant 672 : index
          %swap3A_566 = tpu.vector_load %arg7[%swap3A_563, %swap3A_564, %swap3A_565] {strides = array<i32>} : memref<2x32x1024xf32, #tpu.memory_space<vmem>>, vector<16xf32>,
          tpu.vector_store %arg7[%swap3A_563, %swap3A_564, %swap3A_565], %gather3A_514 {strides = array<i32>} : memref<2x32x1024xf32, #tpu.memory_space<vmem>>, vector<16xf32>,
          %gather3A_567 = tpu.memref_slice %arg5[%mul3A_215] : memref<32000xf32, #tpu.memory_space<vmem>> -> memref<1000xf32, #tpu.memory_space<vmem>>
          %gather3A_568 = tpu.vector_load_idx %gather3A_567[%get3A_274] : memref<1000xf32, #tpu.memory_space<vmem>>[vector<16xi32>], vector<16xf32>,
          %swap3A_569 = arith.index_cast %and3A_166 : i32 to index
          %swap3A_570 = arith.index_cast %scan3A_253 : i32 to index
          %swap3A_571 = arith.constant 688 : index
          %swap3A_572 = tpu.vector_load %arg7[%swap3A_569, %swap3A_570, %swap3A_571] {strides = array<i32>} : memref<2x32x1024xf32, #tpu.memory_space<vmem>>, vector<16xf32>,
          tpu.vector_store %arg7[%swap3A_569, %swap3A_570, %swap3A_571], %gather3A_520 {strides = array<i32>} : memref<2x32x1024xf32, #tpu.memory_space<vmem>>, vector<16xf32>,
          %gather3A_573 = tpu.memref_slice %arg5[%mul3A_215] : memref<32000xf32, #tpu.memory_space<vmem>> -> memref<1000xf32, #tpu.memory_space<vmem>>
          %gather3A_574 = tpu.vector_load_idx %gather3A_573[%get3A_279] : memref<1000xf32, #tpu.memory_space<vmem>>[vector<16xi32>], vector<16xf32>,
          %swap3A_575 = arith.index_cast %and3A_166 : i32 to index
          %swap3A_576 = arith.index_cast %scan3A_253 : i32 to index
          %swap3A_577 = arith.constant 704 : index
          %swap3A_578 = tpu.vector_load %arg7[%swap3A_575, %swap3A_576, %swap3A_577] {strides = array<i32>} : memref<2x32x1024xf32, #tpu.memory_space<vmem>>, vector<16xf32>,
          tpu.vector_store %arg7[%swap3A_575, %swap3A_576, %swap3A_577], %gather3A_526 {strides = array<i32>} : memref<2x32x1024xf32, #tpu.memory_space<vmem>>, vector<16xf32>,
          %gather3A_579 = tpu.memref_slice %arg5[%mul3A_215] : memref<32000xf32, #tpu.memory_space<vmem>> -> memref<1000xf32, #tpu.memory_space<vmem>>
          %gather3A_580 = tpu.vector_load_idx %gather3A_579[%get3A_284] : memref<1000xf32, #tpu.memory_space<vmem>>[vector<16xi32>], vector<16xf32>,
          %swap3A_581 = arith.index_cast %and3A_166 : i32 to index
          %swap3A_582 = arith.index_cast %scan3A_253 : i32 to index
          %swap3A_583 = arith.constant 720 : index
          %swap3A_584 = tpu.vector_load %arg7[%swap3A_581, %swap3A_582, %swap3A_583] {strides = array<i32>} : memref<2x32x1024xf32, #tpu.memory_space<vmem>>, vector<16xf32>,
          tpu.vector_store %arg7[%swap3A_581, %swap3A_582, %swap3A_583], %gather3A_532 {strides = array<i32>} : memref<2x32x1024xf32, #tpu.memory_space<vmem>>, vector<16xf32>,
          %gather3A_585 = tpu.memref_slice %arg5[%mul3A_215] : memref<32000xf32, #tpu.memory_space<vmem>> -> memref<1000xf32, #tpu.memory_space<vmem>>
          %gather3A_586 = tpu.vector_load_idx %gather3A_585[%get3A_289] : memref<1000xf32, #tpu.memory_space<vmem>>[vector<16xi32>], vector<16xf32>,
          %swap3A_587 = arith.index_cast %and3A_166 : i32 to index
          %swap3A_588 = arith.index_cast %scan3A_253 : i32 to index
          %swap3A_589 = arith.constant 736 : index
          %swap3A_590 = tpu.vector_load %arg7[%swap3A_587, %swap3A_588, %swap3A_589] {strides = array<i32>} : memref<2x32x1024xf32, #tpu.memory_space<vmem>>, vector<16xf32>,
          tpu.vector_store %arg7[%swap3A_587, %swap3A_588, %swap3A_589], %gather3A_538 {strides = array<i32>} : memref<2x32x1024xf32, #tpu.memory_space<vmem>>, vector<16xf32>,
          %gather3A_591 = tpu.memref_slice %arg5[%mul3A_215] : memref<32000xf32, #tpu.memory_space<vmem>> -> memref<1000xf32, #tpu.memory_space<vmem>>
          %gather3A_592 = tpu.vector_load_idx %gather3A_591[%get3A_294] : memref<1000xf32, #tpu.memory_space<vmem>>[vector<16xi32>], vector<16xf32>,
          %swap3A_593 = arith.index_cast %and3A_166 : i32 to index
          %swap3A_594 = arith.index_cast %scan3A_253 : i32 to index
          %swap3A_595 = arith.constant 752 : index
          %swap3A_596 = tpu.vector_load %arg7[%swap3A_593, %swap3A_594, %swap3A_595] {strides = array<i32>} : memref<2x32x1024xf32, #tpu.memory_space<vmem>>, vector<16xf32>,
          tpu.vector_store %arg7[%swap3A_593, %swap3A_594, %swap3A_595], %gather3A_544 {strides = array<i32>} : memref<2x32x1024xf32, #tpu.memory_space<vmem>>, vector<16xf32>,
          %gather3A_597 = tpu.memref_slice %arg5[%mul3A_222] : memref<32000xf32, #tpu.memory_space<vmem>> -> memref<1000xf32, #tpu.memory_space<vmem>>
          %gather3A_598 = tpu.vector_load_idx %gather3A_597[%get3A_259] : memref<1000xf32, #tpu.memory_space<vmem>>[vector<16xi32>], vector<16xf32>,
          %swap3A_599 = arith.index_cast %and3A_166 : i32 to index
          %swap3A_600 = arith.index_cast %scan3A_253 : i32 to index
          %swap3A_601 = arith.constant 768 : index
          %swap3A_602 = tpu.vector_load %arg7[%swap3A_599, %swap3A_600, %swap3A_601] {strides = array<i32>} : memref<2x32x1024xf32, #tpu.memory_space<vmem>>, vector<16xf32>,
          tpu.vector_store %arg7[%swap3A_599, %swap3A_600, %swap3A_601], %gather3A_550 {strides = array<i32>} : memref<2x32x1024xf32, #tpu.memory_space<vmem>>, vector<16xf32>,
          %gather3A_603 = tpu.memref_slice %arg5[%mul3A_222] : memref<32000xf32, #tpu.memory_space<vmem>> -> memref<1000xf32, #tpu.memory_space<vmem>>
          %gather3A_604 = tpu.vector_load_idx %gather3A_603[%get3A_264] : memref<1000xf32, #tpu.memory_space<vmem>>[vector<16xi32>], vector<16xf32>,
          %swap3A_605 = arith.index_cast %and3A_166 : i32 to index
          %swap3A_606 = arith.index_cast %scan3A_253 : i32 to index
          %swap3A_607 = arith.constant 784 : index
          %swap3A_608 = tpu.vector_load %arg7[%swap3A_605, %swap3A_606, %swap3A_607] {strides = array<i32>} : memref<2x32x1024xf32, #tpu.memory_space<vmem>>, vector<16xf32>,
          tpu.vector_store %arg7[%swap3A_605, %swap3A_606, %swap3A_607], %gather3A_556 {strides = array<i32>} : memref<2x32x1024xf32, #tpu.memory_space<vmem>>, vector<16xf32>,
          %gather3A_609 = tpu.memref_slice %arg5[%mul3A_222] : memref<32000xf32, #tpu.memory_space<vmem>> -> memref<1000xf32, #tpu.memory_space<vmem>>
          %gather3A_610 = tpu.vector_load_idx %gather3A_609[%get3A_269] : memref<1000xf32, #tpu.memory_space<vmem>>[vector<16xi32>], vector<16xf32>,
          %swap3A_611 = arith.index_cast %and3A_166 : i32 to index
          %swap3A_612 = arith.index_cast %scan3A_253 : i32 to index
          %swap3A_613 = arith.constant 800 : index
          %swap3A_614 = tpu.vector_load %arg7[%swap3A_611, %swap3A_612, %swap3A_613] {strides = array<i32>} : memref<2x32x1024xf32, #tpu.memory_space<vmem>>, vector<16xf32>,
          tpu.vector_store %arg7[%swap3A_611, %swap3A_612, %swap3A_613], %gather3A_562 {strides = array<i32>} : memref<2x32x1024xf32, #tpu.memory_space<vmem>>, vector<16xf32>,
          %gather3A_615 = tpu.memref_slice %arg5[%mul3A_222] : memref<32000xf32, #tpu.memory_space<vmem>> -> memref<1000xf32, #tpu.memory_space<vmem>>
          %gather3A_616 = tpu.vector_load_idx %gather3A_615[%get3A_274] : memref<1000xf32, #tpu.memory_space<vmem>>[vector<16xi32>], vector<16xf32>,
          %swap3A_617 = arith.index_cast %and3A_166 : i32 to index
          %swap3A_618 = arith.index_cast %scan3A_253 : i32 to index
          %swap3A_619 = arith.constant 816 : index
          %swap3A_620 = tpu.vector_load %arg7[%swap3A_617, %swap3A_618, %swap3A_619] {strides = array<i32>} : memref<2x32x1024xf32, #tpu.memory_space<vmem>>, vector<16xf32>,
          tpu.vector_store %arg7[%swap3A_617, %swap3A_618, %swap3A_619], %gather3A_568 {strides = array<i32>} : memref<2x32x1024xf32, #tpu.memory_space<vmem>>, vector<16xf32>,
          %gather3A_621 = tpu.memref_slice %arg5[%mul3A_222] : memref<32000xf32, #tpu.memory_space<vmem>> -> memref<1000xf32, #tpu.memory_space<vmem>>
          %gather3A_622 = tpu.vector_load_idx %gather3A_621[%get3A_279] : memref<1000xf32, #tpu.memory_space<vmem>>[vector<16xi32>], vector<16xf32>,
          %swap3A_623 = arith.index_cast %and3A_166 : i32 to index
          %swap3A_624 = arith.index_cast %scan3A_253 : i32 to index
          %swap3A_625 = arith.constant 832 : index
          %swap3A_626 = tpu.vector_load %arg7[%swap3A_623, %swap3A_624, %swap3A_625] {strides = array<i32>} : memref<2x32x1024xf32, #tpu.memory_space<vmem>>, vector<16xf32>,
          tpu.vector_store %arg7[%swap3A_623, %swap3A_624, %swap3A_625], %gather3A_574 {strides = array<i32>} : memref<2x32x1024xf32, #tpu.memory_space<vmem>>, vector<16xf32>,
          %gather3A_627 = tpu.memref_slice %arg5[%mul3A_222] : memref<32000xf32, #tpu.memory_space<vmem>> -> memref<1000xf32, #tpu.memory_space<vmem>>
          %gather3A_628 = tpu.vector_load_idx %gather3A_627[%get3A_284] : memref<1000xf32, #tpu.memory_space<vmem>>[vector<16xi32>], vector<16xf32>,
          %swap3A_629 = arith.index_cast %and3A_166 : i32 to index
          %swap3A_630 = arith.index_cast %scan3A_253 : i32 to index
          %swap3A_631 = arith.constant 848 : index
          %swap3A_632 = tpu.vector_load %arg7[%swap3A_629, %swap3A_630, %swap3A_631] {strides = array<i32>} : memref<2x32x1024xf32, #tpu.memory_space<vmem>>, vector<16xf32>,
          tpu.vector_store %arg7[%swap3A_629, %swap3A_630, %swap3A_631], %gather3A_580 {strides = array<i32>} : memref<2x32x1024xf32, #tpu.memory_space<vmem>>, vector<16xf32>,
          %gather3A_633 = tpu.memref_slice %arg5[%mul3A_222] : memref<32000xf32, #tpu.memory_space<vmem>> -> memref<1000xf32, #tpu.memory_space<vmem>>
          %gather3A_634 = tpu.vector_load_idx %gather3A_633[%get3A_289] : memref<1000xf32, #tpu.memory_space<vmem>>[vector<16xi32>], vector<16xf32>,
          %swap3A_635 = arith.index_cast %and3A_166 : i32 to index
          %swap3A_636 = arith.index_cast %scan3A_253 : i32 to index
          %swap3A_637 = arith.constant 864 : index
          %swap3A_638 = tpu.vector_load %arg7[%swap3A_635, %swap3A_636, %swap3A_637] {strides = array<i32>} : memref<2x32x1024xf32, #tpu.memory_space<vmem>>, vector<16xf32>,
          tpu.vector_store %arg7[%swap3A_635, %swap3A_636, %swap3A_637], %gather3A_586 {strides = array<i32>} : memref<2x32x1024xf32, #tpu.memory_space<vmem>>, vector<16xf32>,
          %gather3A_639 = tpu.memref_slice %arg5[%mul3A_222] : memref<32000xf32, #tpu.memory_space<vmem>> -> memref<1000xf32, #tpu.memory_space<vmem>>
          %gather3A_640 = tpu.vector_load_idx %gather3A_639[%get3A_294] : memref<1000xf32, #tpu.memory_space<vmem>>[vector<16xi32>], vector<16xf32>,
          %swap3A_641 = arith.index_cast %and3A_166 : i32 to index
          %swap3A_642 = arith.index_cast %scan3A_253 : i32 to index
          %swap3A_643 = arith.constant 880 : index
          %swap3A_644 = tpu.vector_load %arg7[%swap3A_641, %swap3A_642, %swap3A_643] {strides = array<i32>} : memref<2x32x1024xf32, #tpu.memory_space<vmem>>, vector<16xf32>,
          tpu.vector_store %arg7[%swap3A_641, %swap3A_642, %swap3A_643], %gather3A_592 {strides = array<i32>} : memref<2x32x1024xf32, #tpu.memory_space<vmem>>, vector<16xf32>,
          %swap3A_645 = arith.index_cast %and3A_166 : i32 to index
          %swap3A_646 = arith.index_cast %scan3A_253 : i32 to index
          %swap3A_647 = arith.constant 896 : index
          %swap3A_648 = tpu.vector_load %arg7[%swap3A_645, %swap3A_646, %swap3A_647] {strides = array<i32>} : memref<2x32x1024xf32, #tpu.memory_space<vmem>>, vector<16xf32>,
          tpu.vector_store %arg7[%swap3A_645, %swap3A_646, %swap3A_647], %gather3A_598 {strides = array<i32>} : memref<2x32x1024xf32, #tpu.memory_space<vmem>>, vector<16xf32>,
          %swap3A_649 = arith.index_cast %and3A_166 : i32 to index
          %swap3A_650 = arith.index_cast %scan3A_253 : i32 to index
          %swap3A_651 = arith.constant 912 : index
          %swap3A_652 = tpu.vector_load %arg7[%swap3A_649, %swap3A_650, %swap3A_651] {strides = array<i32>} : memref<2x32x1024xf32, #tpu.memory_space<vmem>>, vector<16xf32>,
          tpu.vector_store %arg7[%swap3A_649, %swap3A_650, %swap3A_651], %gather3A_604 {strides = array<i32>} : memref<2x32x1024xf32, #tpu.memory_space<vmem>>, vector<16xf32>,
          %swap3A_653 = arith.index_cast %and3A_166 : i32 to index
          %swap3A_654 = arith.index_cast %scan3A_253 : i32 to index
          %swap3A_655 = arith.constant 928 : index
          %swap3A_656 = tpu.vector_load %arg7[%swap3A_653, %swap3A_654, %swap3A_655] {strides = array<i32>} : memref<2x32x1024xf32, #tpu.memory_space<vmem>>, vector<16xf32>,
          tpu.vector_store %arg7[%swap3A_653, %swap3A_654, %swap3A_655], %gather3A_610 {strides = array<i32>} : memref<2x32x1024xf32, #tpu.memory_space<vmem>>, vector<16xf32>,
          %swap3A_657 = arith.index_cast %and3A_166 : i32 to index
          %swap3A_658 = arith.index_cast %scan3A_253 : i32 to index
          %swap3A_659 = arith.constant 944 : index
          %swap3A_660 = tpu.vector_load %arg7[%swap3A_657, %swap3A_658, %swap3A_659] {strides = array<i32>} : memref<2x32x1024xf32, #tpu.memory_space<vmem>>, vector<16xf32>,
          tpu.vector_store %arg7[%swap3A_657, %swap3A_658, %swap3A_659], %gather3A_616 {strides = array<i32>} : memref<2x32x1024xf32, #tpu.memory_space<vmem>>, vector<16xf32>,
          %swap3A_661 = arith.index_cast %and3A_166 : i32 to index
          %swap3A_662 = arith.index_cast %scan3A_253 : i32 to index
          %swap3A_663 = arith.constant 960 : index
          %swap3A_664 = tpu.vector_load %arg7[%swap3A_661, %swap3A_662, %swap3A_663] {strides = array<i32>} : memref<2x32x1024xf32, #tpu.memory_space<vmem>>, vector<16xf32>,
          tpu.vector_store %arg7[%swap3A_661, %swap3A_662, %swap3A_663], %gather3A_622 {strides = array<i32>} : memref<2x32x1024xf32, #tpu.memory_space<vmem>>, vector<16xf32>,
          %swap3A_665 = arith.index_cast %and3A_166 : i32 to index
          %swap3A_666 = arith.index_cast %scan3A_253 : i32 to index
          %swap3A_667 = arith.constant 976 : index
          %swap3A_668 = tpu.vector_load %arg7[%swap3A_665, %swap3A_666, %swap3A_667] {strides = array<i32>} : memref<2x32x1024xf32, #tpu.memory_space<vmem>>, vector<16xf32>,
          tpu.vector_store %arg7[%swap3A_665, %swap3A_666, %swap3A_667], %gather3A_628 {strides = array<i32>} : memref<2x32x1024xf32, #tpu.memory_space<vmem>>, vector<16xf32>,
          %swap3A_669 = arith.index_cast %and3A_166 : i32 to index
          %swap3A_670 = arith.index_cast %scan3A_253 : i32 to index
          %swap3A_671 = arith.constant 992 : index
          %swap3A_672 = tpu.vector_load %arg7[%swap3A_669, %swap3A_670, %swap3A_671] {strides = array<i32>} : memref<2x32x1024xf32, #tpu.memory_space<vmem>>, vector<16xf32>,
          tpu.vector_store %arg7[%swap3A_669, %swap3A_670, %swap3A_671], %gather3A_634 {strides = array<i32>} : memref<2x32x1024xf32, #tpu.memory_space<vmem>>, vector<16xf32>,
          %swap3A_673 = arith.index_cast %and3A_166 : i32 to index
          %swap3A_674 = arith.index_cast %scan3A_253 : i32 to index
          %swap3A_675 = arith.constant 1008 : index
          %swap3A_676 = tpu.vector_load %arg7[%swap3A_673, %swap3A_674, %swap3A_675] {strides = array<i32>} : memref<2x32x1024xf32, #tpu.memory_space<vmem>>, vector<16xf32>,
          tpu.vector_store %arg7[%swap3A_673, %swap3A_674, %swap3A_675], %gather3A_640 {strides = array<i32>} : memref<2x32x1024xf32, #tpu.memory_space<vmem>>, vector<16xf32>,
          %scan3A_677 = arith.constant 1 : i32
          %scan3A_678 = arith.addi %scan3A_253, %scan3A_677 : i32
          %mul3A_679 = arith.constant 128 : i32
          %mul3A_680 = arith.muli %scan3A_678, %mul3A_679 : i32
          %add3A_681 = arith.constant 0 : i32
          %add3A_682 = arith.addi %mul3A_680, %add3A_681 : i32
          %get3A_683 = arith.index_cast %and3A_226 : i32 to index
          %get3A_684 = arith.index_cast %add3A_682 : i32 to index
          %get3A_685 = tpu.vector_load %arg6[%get3A_683, %get3A_684] {strides = array<i32>} : memref<2x4096xi32, #tpu.memory_space<vmem>>, vector<16xi32>,
          %add3A_686 = arith.constant 16 : i32
          %add3A_687 = arith.addi %mul3A_680, %add3A_686 : i32
          %get3A_688 = arith.index_cast %and3A_226 : i32 to index
          %get3A_689 = arith.index_cast %add3A_687 : i32 to index
          %get3A_690 = tpu.vector_load %arg6[%get3A_688, %get3A_689] {strides = array<i32>} : memref<2x4096xi32, #tpu.memory_space<vmem>>, vector<16xi32>,
          %add3A_691 = arith.constant 32 : i32
          %add3A_692 = arith.addi %mul3A_680, %add3A_691 : i32
          %get3A_693 = arith.index_cast %and3A_226 : i32 to index
          %get3A_694 = arith.index_cast %add3A_692 : i32 to index
          %get3A_695 = tpu.vector_load %arg6[%get3A_693, %get3A_694] {strides = array<i32>} : memref<2x4096xi32, #tpu.memory_space<vmem>>, vector<16xi32>,
          %add3A_696 = arith.constant 48 : i32
          %add3A_697 = arith.addi %mul3A_680, %add3A_696 : i32
          %get3A_698 = arith.index_cast %and3A_226 : i32 to index
          %get3A_699 = arith.index_cast %add3A_697 : i32 to index
          %get3A_700 = tpu.vector_load %arg6[%get3A_698, %get3A_699] {strides = array<i32>} : memref<2x4096xi32, #tpu.memory_space<vmem>>, vector<16xi32>,
          %add3A_701 = arith.constant 64 : i32
          %add3A_702 = arith.addi %mul3A_680, %add3A_701 : i32
          %get3A_703 = arith.index_cast %and3A_226 : i32 to index
          %get3A_704 = arith.index_cast %add3A_702 : i32 to index
          %get3A_705 = tpu.vector_load %arg6[%get3A_703, %get3A_704] {strides = array<i32>} : memref<2x4096xi32, #tpu.memory_space<vmem>>, vector<16xi32>,
          %add3A_706 = arith.constant 80 : i32
          %add3A_707 = arith.addi %mul3A_680, %add3A_706 : i32
          %get3A_708 = arith.index_cast %and3A_226 : i32 to index
          %get3A_709 = arith.index_cast %add3A_707 : i32 to index
          %get3A_710 = tpu.vector_load %arg6[%get3A_708, %get3A_709] {strides = array<i32>} : memref<2x4096xi32, #tpu.memory_space<vmem>>, vector<16xi32>,
          %add3A_711 = arith.constant 96 : i32
          %add3A_712 = arith.addi %mul3A_680, %add3A_711 : i32
          %get3A_713 = arith.index_cast %and3A_226 : i32 to index
          %get3A_714 = arith.index_cast %add3A_712 : i32 to index
          %get3A_715 = tpu.vector_load %arg6[%get3A_713, %get3A_714] {strides = array<i32>} : memref<2x4096xi32, #tpu.memory_space<vmem>>, vector<16xi32>,
          %add3A_716 = arith.constant 112 : i32
          %add3A_717 = arith.addi %mul3A_680, %add3A_716 : i32
          %get3A_718 = arith.index_cast %and3A_226 : i32 to index
          %get3A_719 = arith.index_cast %add3A_717 : i32 to index
          %get3A_720 = tpu.vector_load %arg6[%get3A_718, %get3A_719] {strides = array<i32>} : memref<2x4096xi32, #tpu.memory_space<vmem>>, vector<16xi32>,
          %gather3A_721 = tpu.memref_slice %arg5[%mul3A_173] : memref<32000xf32, #tpu.memory_space<vmem>> -> memref<1000xf32, #tpu.memory_space<vmem>>
          %gather3A_722 = tpu.vector_load_idx %gather3A_721[%get3A_685] : memref<1000xf32, #tpu.memory_space<vmem>>[vector<16xi32>], vector<16xf32>,
          %gather3A_723 = tpu.memref_slice %arg5[%mul3A_173] : memref<32000xf32, #tpu.memory_space<vmem>> -> memref<1000xf32, #tpu.memory_space<vmem>>
          %gather3A_724 = tpu.vector_load_idx %gather3A_723[%get3A_690] : memref<1000xf32, #tpu.memory_space<vmem>>[vector<16xi32>], vector<16xf32>,
          %gather3A_725 = tpu.memref_slice %arg5[%mul3A_173] : memref<32000xf32, #tpu.memory_space<vmem>> -> memref<1000xf32, #tpu.memory_space<vmem>>
          %gather3A_726 = tpu.vector_load_idx %gather3A_725[%get3A_695] : memref<1000xf32, #tpu.memory_space<vmem>>[vector<16xi32>], vector<16xf32>,
          %gather3A_727 = tpu.memref_slice %arg5[%mul3A_173] : memref<32000xf32, #tpu.memory_space<vmem>> -> memref<1000xf32, #tpu.memory_space<vmem>>
          %gather3A_728 = tpu.vector_load_idx %gather3A_727[%get3A_700] : memref<1000xf32, #tpu.memory_space<vmem>>[vector<16xi32>], vector<16xf32>,
          %gather3A_729 = tpu.memref_slice %arg5[%mul3A_173] : memref<32000xf32, #tpu.memory_space<vmem>> -> memref<1000xf32, #tpu.memory_space<vmem>>
          %gather3A_730 = tpu.vector_load_idx %gather3A_729[%get3A_705] : memref<1000xf32, #tpu.memory_space<vmem>>[vector<16xi32>], vector<16xf32>,
          %gather3A_731 = tpu.memref_slice %arg5[%mul3A_173] : memref<32000xf32, #tpu.memory_space<vmem>> -> memref<1000xf32, #tpu.memory_space<vmem>>
          %gather3A_732 = tpu.vector_load_idx %gather3A_731[%get3A_710] : memref<1000xf32, #tpu.memory_space<vmem>>[vector<16xi32>], vector<16xf32>,
          %gather3A_733 = tpu.memref_slice %arg5[%mul3A_173] : memref<32000xf32, #tpu.memory_space<vmem>> -> memref<1000xf32, #tpu.memory_space<vmem>>
          %gather3A_734 = tpu.vector_load_idx %gather3A_733[%get3A_715] : memref<1000xf32, #tpu.memory_space<vmem>>[vector<16xi32>], vector<16xf32>,
          %gather3A_735 = tpu.memref_slice %arg5[%mul3A_173] : memref<32000xf32, #tpu.memory_space<vmem>> -> memref<1000xf32, #tpu.memory_space<vmem>>
          %gather3A_736 = tpu.vector_load_idx %gather3A_735[%get3A_720] : memref<1000xf32, #tpu.memory_space<vmem>>[vector<16xi32>], vector<16xf32>,
          %gather3A_737 = tpu.memref_slice %arg5[%mul3A_180] : memref<32000xf32, #tpu.memory_space<vmem>> -> memref<1000xf32, #tpu.memory_space<vmem>>
          %gather3A_738 = tpu.vector_load_idx %gather3A_737[%get3A_685] : memref<1000xf32, #tpu.memory_space<vmem>>[vector<16xi32>], vector<16xf32>,
          %swap3A_739 = arith.index_cast %and3A_166 : i32 to index
          %swap3A_740 = arith.index_cast %scan3A_678 : i32 to index
          %swap3A_741 = arith.constant 0 : index
          %swap3A_742 = tpu.vector_load %arg7[%swap3A_739, %swap3A_740, %swap3A_741] {strides = array<i32>} : memref<2x32x1024xf32, #tpu.memory_space<vmem>>, vector<16xf32>,
          tpu.vector_store %arg7[%swap3A_739, %swap3A_740, %swap3A_741], %gather3A_722 {strides = array<i32>} : memref<2x32x1024xf32, #tpu.memory_space<vmem>>, vector<16xf32>,
          %gather3A_743 = tpu.memref_slice %arg5[%mul3A_180] : memref<32000xf32, #tpu.memory_space<vmem>> -> memref<1000xf32, #tpu.memory_space<vmem>>
          %gather3A_744 = tpu.vector_load_idx %gather3A_743[%get3A_690] : memref<1000xf32, #tpu.memory_space<vmem>>[vector<16xi32>], vector<16xf32>,
          %swap3A_745 = arith.index_cast %and3A_166 : i32 to index
          %swap3A_746 = arith.index_cast %scan3A_678 : i32 to index
          %swap3A_747 = arith.constant 16 : index
          %swap3A_748 = tpu.vector_load %arg7[%swap3A_745, %swap3A_746, %swap3A_747] {strides = array<i32>} : memref<2x32x1024xf32, #tpu.memory_space<vmem>>, vector<16xf32>,
          tpu.vector_store %arg7[%swap3A_745, %swap3A_746, %swap3A_747], %gather3A_724 {strides = array<i32>} : memref<2x32x1024xf32, #tpu.memory_space<vmem>>, vector<16xf32>,
          %gather3A_749 = tpu.memref_slice %arg5[%mul3A_180] : memref<32000xf32, #tpu.memory_space<vmem>> -> memref<1000xf32, #tpu.memory_space<vmem>>
          %gather3A_750 = tpu.vector_load_idx %gather3A_749[%get3A_695] : memref<1000xf32, #tpu.memory_space<vmem>>[vector<16xi32>], vector<16xf32>,
          %swap3A_751 = arith.index_cast %and3A_166 : i32 to index
          %swap3A_752 = arith.index_cast %scan3A_678 : i32 to index
          %swap3A_753 = arith.constant 32 : index
          %swap3A_754 = tpu.vector_load %arg7[%swap3A_751, %swap3A_752, %swap3A_753] {strides = array<i32>} : memref<2x32x1024xf32, #tpu.memory_space<vmem>>, vector<16xf32>,
          tpu.vector_store %arg7[%swap3A_751, %swap3A_752, %swap3A_753], %gather3A_726 {strides = array<i32>} : memref<2x32x1024xf32, #tpu.memory_space<vmem>>, vector<16xf32>,
          %gather3A_755 = tpu.memref_slice %arg5[%mul3A_180] : memref<32000xf32, #tpu.memory_space<vmem>> -> memref<1000xf32, #tpu.memory_space<vmem>>
          %gather3A_756 = tpu.vector_load_idx %gather3A_755[%get3A_700] : memref<1000xf32, #tpu.memory_space<vmem>>[vector<16xi32>], vector<16xf32>,
          %swap3A_757 = arith.index_cast %and3A_166 : i32 to index
          %swap3A_758 = arith.index_cast %scan3A_678 : i32 to index
          %swap3A_759 = arith.constant 48 : index
          %swap3A_760 = tpu.vector_load %arg7[%swap3A_757, %swap3A_758, %swap3A_759] {strides = array<i32>} : memref<2x32x1024xf32, #tpu.memory_space<vmem>>, vector<16xf32>,
          tpu.vector_store %arg7[%swap3A_757, %swap3A_758, %swap3A_759], %gather3A_728 {strides = array<i32>} : memref<2x32x1024xf32, #tpu.memory_space<vmem>>, vector<16xf32>,
          %gather3A_761 = tpu.memref_slice %arg5[%mul3A_180] : memref<32000xf32, #tpu.memory_space<vmem>> -> memref<1000xf32, #tpu.memory_space<vmem>>
          %gather3A_762 = tpu.vector_load_idx %gather3A_761[%get3A_705] : memref<1000xf32, #tpu.memory_space<vmem>>[vector<16xi32>], vector<16xf32>,
          %swap3A_763 = arith.index_cast %and3A_166 : i32 to index
          %swap3A_764 = arith.index_cast %scan3A_678 : i32 to index
          %swap3A_765 = arith.constant 64 : index
          %swap3A_766 = tpu.vector_load %arg7[%swap3A_763, %swap3A_764, %swap3A_765] {strides = array<i32>} : memref<2x32x1024xf32, #tpu.memory_space<vmem>>, vector<16xf32>,
          tpu.vector_store %arg7[%swap3A_763, %swap3A_764, %swap3A_765], %gather3A_730 {strides = array<i32>} : memref<2x32x1024xf32, #tpu.memory_space<vmem>>, vector<16xf32>,
          %gather3A_767 = tpu.memref_slice %arg5[%mul3A_180] : memref<32000xf32, #tpu.memory_space<vmem>> -> memref<1000xf32, #tpu.memory_space<vmem>>
          %gather3A_768 = tpu.vector_load_idx %gather3A_767[%get3A_710] : memref<1000xf32, #tpu.memory_space<vmem>>[vector<16xi32>], vector<16xf32>,
          %swap3A_769 = arith.index_cast %and3A_166 : i32 to index
          %swap3A_770 = arith.index_cast %scan3A_678 : i32 to index
          %swap3A_771 = arith.constant 80 : index
          %swap3A_772 = tpu.vector_load %arg7[%swap3A_769, %swap3A_770, %swap3A_771] {strides = array<i32>} : memref<2x32x1024xf32, #tpu.memory_space<vmem>>, vector<16xf32>,
          tpu.vector_store %arg7[%swap3A_769, %swap3A_770, %swap3A_771], %gather3A_732 {strides = array<i32>} : memref<2x32x1024xf32, #tpu.memory_space<vmem>>, vector<16xf32>,
          %gather3A_773 = tpu.memref_slice %arg5[%mul3A_180] : memref<32000xf32, #tpu.memory_space<vmem>> -> memref<1000xf32, #tpu.memory_space<vmem>>
          %gather3A_774 = tpu.vector_load_idx %gather3A_773[%get3A_715] : memref<1000xf32, #tpu.memory_space<vmem>>[vector<16xi32>], vector<16xf32>,
          %swap3A_775 = arith.index_cast %and3A_166 : i32 to index
          %swap3A_776 = arith.index_cast %scan3A_678 : i32 to index
          %swap3A_777 = arith.constant 96 : index
          %swap3A_778 = tpu.vector_load %arg7[%swap3A_775, %swap3A_776, %swap3A_777] {strides = array<i32>} : memref<2x32x1024xf32, #tpu.memory_space<vmem>>, vector<16xf32>,
          tpu.vector_store %arg7[%swap3A_775, %swap3A_776, %swap3A_777], %gather3A_734 {strides = array<i32>} : memref<2x32x1024xf32, #tpu.memory_space<vmem>>, vector<16xf32>,
          %gather3A_779 = tpu.memref_slice %arg5[%mul3A_180] : memref<32000xf32, #tpu.memory_space<vmem>> -> memref<1000xf32, #tpu.memory_space<vmem>>
          %gather3A_780 = tpu.vector_load_idx %gather3A_779[%get3A_720] : memref<1000xf32, #tpu.memory_space<vmem>>[vector<16xi32>], vector<16xf32>,
          %swap3A_781 = arith.index_cast %and3A_166 : i32 to index
          %swap3A_782 = arith.index_cast %scan3A_678 : i32 to index
          %swap3A_783 = arith.constant 112 : index
          %swap3A_784 = tpu.vector_load %arg7[%swap3A_781, %swap3A_782, %swap3A_783] {strides = array<i32>} : memref<2x32x1024xf32, #tpu.memory_space<vmem>>, vector<16xf32>,
          tpu.vector_store %arg7[%swap3A_781, %swap3A_782, %swap3A_783], %gather3A_736 {strides = array<i32>} : memref<2x32x1024xf32, #tpu.memory_space<vmem>>, vector<16xf32>,
          %gather3A_785 = tpu.memref_slice %arg5[%mul3A_187] : memref<32000xf32, #tpu.memory_space<vmem>> -> memref<1000xf32, #tpu.memory_space<vmem>>
          %gather3A_786 = tpu.vector_load_idx %gather3A_785[%get3A_685] : memref<1000xf32, #tpu.memory_space<vmem>>[vector<16xi32>], vector<16xf32>,
          %swap3A_787 = arith.index_cast %and3A_166 : i32 to index
          %swap3A_788 = arith.index_cast %scan3A_678 : i32 to index
          %swap3A_789 = arith.constant 128 : index
          %swap3A_790 = tpu.vector_load %arg7[%swap3A_787, %swap3A_788, %swap3A_789] {strides = array<i32>} : memref<2x32x1024xf32, #tpu.memory_space<vmem>>, vector<16xf32>,
          tpu.vector_store %arg7[%swap3A_787, %swap3A_788, %swap3A_789], %gather3A_738 {strides = array<i32>} : memref<2x32x1024xf32, #tpu.memory_space<vmem>>, vector<16xf32>,
          %gather3A_791 = tpu.memref_slice %arg5[%mul3A_187] : memref<32000xf32, #tpu.memory_space<vmem>> -> memref<1000xf32, #tpu.memory_space<vmem>>
          %gather3A_792 = tpu.vector_load_idx %gather3A_791[%get3A_690] : memref<1000xf32, #tpu.memory_space<vmem>>[vector<16xi32>], vector<16xf32>,
          %swap3A_793 = arith.index_cast %and3A_166 : i32 to index
          %swap3A_794 = arith.index_cast %scan3A_678 : i32 to index
          %swap3A_795 = arith.constant 144 : index
          %swap3A_796 = tpu.vector_load %arg7[%swap3A_793, %swap3A_794, %swap3A_795] {strides = array<i32>} : memref<2x32x1024xf32, #tpu.memory_space<vmem>>, vector<16xf32>,
          tpu.vector_store %arg7[%swap3A_793, %swap3A_794, %swap3A_795], %gather3A_744 {strides = array<i32>} : memref<2x32x1024xf32, #tpu.memory_space<vmem>>, vector<16xf32>,
          %gather3A_797 = tpu.memref_slice %arg5[%mul3A_187] : memref<32000xf32, #tpu.memory_space<vmem>> -> memref<1000xf32, #tpu.memory_space<vmem>>
          %gather3A_798 = tpu.vector_load_idx %gather3A_797[%get3A_695] : memref<1000xf32, #tpu.memory_space<vmem>>[vector<16xi32>], vector<16xf32>,
          %swap3A_799 = arith.index_cast %and3A_166 : i32 to index
          %swap3A_800 = arith.index_cast %scan3A_678 : i32 to index
          %swap3A_801 = arith.constant 160 : index
          %swap3A_802 = tpu.vector_load %arg7[%swap3A_799, %swap3A_800, %swap3A_801] {strides = array<i32>} : memref<2x32x1024xf32, #tpu.memory_space<vmem>>, vector<16xf32>,
          tpu.vector_store %arg7[%swap3A_799, %swap3A_800, %swap3A_801], %gather3A_750 {strides = array<i32>} : memref<2x32x1024xf32, #tpu.memory_space<vmem>>, vector<16xf32>,
          %gather3A_803 = tpu.memref_slice %arg5[%mul3A_187] : memref<32000xf32, #tpu.memory_space<vmem>> -> memref<1000xf32, #tpu.memory_space<vmem>>
          %gather3A_804 = tpu.vector_load_idx %gather3A_803[%get3A_700] : memref<1000xf32, #tpu.memory_space<vmem>>[vector<16xi32>], vector<16xf32>,
          %swap3A_805 = arith.index_cast %and3A_166 : i32 to index
          %swap3A_806 = arith.index_cast %scan3A_678 : i32 to index
          %swap3A_807 = arith.constant 176 : index
          %swap3A_808 = tpu.vector_load %arg7[%swap3A_805, %swap3A_806, %swap3A_807] {strides = array<i32>} : memref<2x32x1024xf32, #tpu.memory_space<vmem>>, vector<16xf32>,
          tpu.vector_store %arg7[%swap3A_805, %swap3A_806, %swap3A_807], %gather3A_756 {strides = array<i32>} : memref<2x32x1024xf32, #tpu.memory_space<vmem>>, vector<16xf32>,
          %gather3A_809 = tpu.memref_slice %arg5[%mul3A_187] : memref<32000xf32, #tpu.memory_space<vmem>> -> memref<1000xf32, #tpu.memory_space<vmem>>
          %gather3A_810 = tpu.vector_load_idx %gather3A_809[%get3A_705] : memref<1000xf32, #tpu.memory_space<vmem>>[vector<16xi32>], vector<16xf32>,
          %swap3A_811 = arith.index_cast %and3A_166 : i32 to index
          %swap3A_812 = arith.index_cast %scan3A_678 : i32 to index
          %swap3A_813 = arith.constant 192 : index
          %swap3A_814 = tpu.vector_load %arg7[%swap3A_811, %swap3A_812, %swap3A_813] {strides = array<i32>} : memref<2x32x1024xf32, #tpu.memory_space<vmem>>, vector<16xf32>,
          tpu.vector_store %arg7[%swap3A_811, %swap3A_812, %swap3A_813], %gather3A_762 {strides = array<i32>} : memref<2x32x1024xf32, #tpu.memory_space<vmem>>, vector<16xf32>,
          %gather3A_815 = tpu.memref_slice %arg5[%mul3A_187] : memref<32000xf32, #tpu.memory_space<vmem>> -> memref<1000xf32, #tpu.memory_space<vmem>>
          %gather3A_816 = tpu.vector_load_idx %gather3A_815[%get3A_710] : memref<1000xf32, #tpu.memory_space<vmem>>[vector<16xi32>], vector<16xf32>,
          %swap3A_817 = arith.index_cast %and3A_166 : i32 to index
          %swap3A_818 = arith.index_cast %scan3A_678 : i32 to index
          %swap3A_819 = arith.constant 208 : index
          %swap3A_820 = tpu.vector_load %arg7[%swap3A_817, %swap3A_818, %swap3A_819] {strides = array<i32>} : memref<2x32x1024xf32, #tpu.memory_space<vmem>>, vector<16xf32>,
          tpu.vector_store %arg7[%swap3A_817, %swap3A_818, %swap3A_819], %gather3A_768 {strides = array<i32>} : memref<2x32x1024xf32, #tpu.memory_space<vmem>>, vector<16xf32>,
          %gather3A_821 = tpu.memref_slice %arg5[%mul3A_187] : memref<32000xf32, #tpu.memory_space<vmem>> -> memref<1000xf32, #tpu.memory_space<vmem>>
          %gather3A_822 = tpu.vector_load_idx %gather3A_821[%get3A_715] : memref<1000xf32, #tpu.memory_space<vmem>>[vector<16xi32>], vector<16xf32>,
          %swap3A_823 = arith.index_cast %and3A_166 : i32 to index
          %swap3A_824 = arith.index_cast %scan3A_678 : i32 to index
          %swap3A_825 = arith.constant 224 : index
          %swap3A_826 = tpu.vector_load %arg7[%swap3A_823, %swap3A_824, %swap3A_825] {strides = array<i32>} : memref<2x32x1024xf32, #tpu.memory_space<vmem>>, vector<16xf32>,
          tpu.vector_store %arg7[%swap3A_823, %swap3A_824, %swap3A_825], %gather3A_774 {strides = array<i32>} : memref<2x32x1024xf32, #tpu.memory_space<vmem>>, vector<16xf32>,
          %gather3A_827 = tpu.memref_slice %arg5[%mul3A_187] : memref<32000xf32, #tpu.memory_space<vmem>> -> memref<1000xf32, #tpu.memory_space<vmem>>
          %gather3A_828 = tpu.vector_load_idx %gather3A_827[%get3A_720] : memref<1000xf32, #tpu.memory_space<vmem>>[vector<16xi32>], vector<16xf32>,
          %swap3A_829 = arith.index_cast %and3A_166 : i32 to index
          %swap3A_830 = arith.index_cast %scan3A_678 : i32 to index
          %swap3A_831 = arith.constant 240 : index
          %swap3A_832 = tpu.vector_load %arg7[%swap3A_829, %swap3A_830, %swap3A_831] {strides = array<i32>} : memref<2x32x1024xf32, #tpu.memory_space<vmem>>, vector<16xf32>,
          tpu.vector_store %arg7[%swap3A_829, %swap3A_830, %swap3A_831], %gather3A_780 {strides = array<i32>} : memref<2x32x1024xf32, #tpu.memory_space<vmem>>, vector<16xf32>,
          %gather3A_833 = tpu.memref_slice %arg5[%mul3A_194] : memref<32000xf32, #tpu.memory_space<vmem>> -> memref<1000xf32, #tpu.memory_space<vmem>>
          %gather3A_834 = tpu.vector_load_idx %gather3A_833[%get3A_685] : memref<1000xf32, #tpu.memory_space<vmem>>[vector<16xi32>], vector<16xf32>,
          %swap3A_835 = arith.index_cast %and3A_166 : i32 to index
          %swap3A_836 = arith.index_cast %scan3A_678 : i32 to index
          %swap3A_837 = arith.constant 256 : index
          %swap3A_838 = tpu.vector_load %arg7[%swap3A_835, %swap3A_836, %swap3A_837] {strides = array<i32>} : memref<2x32x1024xf32, #tpu.memory_space<vmem>>, vector<16xf32>,
          tpu.vector_store %arg7[%swap3A_835, %swap3A_836, %swap3A_837], %gather3A_786 {strides = array<i32>} : memref<2x32x1024xf32, #tpu.memory_space<vmem>>, vector<16xf32>,
          %gather3A_839 = tpu.memref_slice %arg5[%mul3A_194] : memref<32000xf32, #tpu.memory_space<vmem>> -> memref<1000xf32, #tpu.memory_space<vmem>>
          %gather3A_840 = tpu.vector_load_idx %gather3A_839[%get3A_690] : memref<1000xf32, #tpu.memory_space<vmem>>[vector<16xi32>], vector<16xf32>,
          %swap3A_841 = arith.index_cast %and3A_166 : i32 to index
          %swap3A_842 = arith.index_cast %scan3A_678 : i32 to index
          %swap3A_843 = arith.constant 272 : index
          %swap3A_844 = tpu.vector_load %arg7[%swap3A_841, %swap3A_842, %swap3A_843] {strides = array<i32>} : memref<2x32x1024xf32, #tpu.memory_space<vmem>>, vector<16xf32>,
          tpu.vector_store %arg7[%swap3A_841, %swap3A_842, %swap3A_843], %gather3A_792 {strides = array<i32>} : memref<2x32x1024xf32, #tpu.memory_space<vmem>>, vector<16xf32>,
          %gather3A_845 = tpu.memref_slice %arg5[%mul3A_194] : memref<32000xf32, #tpu.memory_space<vmem>> -> memref<1000xf32, #tpu.memory_space<vmem>>
          %gather3A_846 = tpu.vector_load_idx %gather3A_845[%get3A_695] : memref<1000xf32, #tpu.memory_space<vmem>>[vector<16xi32>], vector<16xf32>,
          %swap3A_847 = arith.index_cast %and3A_166 : i32 to index
          %swap3A_848 = arith.index_cast %scan3A_678 : i32 to index
          %swap3A_849 = arith.constant 288 : index
          %swap3A_850 = tpu.vector_load %arg7[%swap3A_847, %swap3A_848, %swap3A_849] {strides = array<i32>} : memref<2x32x1024xf32, #tpu.memory_space<vmem>>, vector<16xf32>,
          tpu.vector_store %arg7[%swap3A_847, %swap3A_848, %swap3A_849], %gather3A_798 {strides = array<i32>} : memref<2x32x1024xf32, #tpu.memory_space<vmem>>, vector<16xf32>,
          %gather3A_851 = tpu.memref_slice %arg5[%mul3A_194] : memref<32000xf32, #tpu.memory_space<vmem>> -> memref<1000xf32, #tpu.memory_space<vmem>>
          %gather3A_852 = tpu.vector_load_idx %gather3A_851[%get3A_700] : memref<1000xf32, #tpu.memory_space<vmem>>[vector<16xi32>], vector<16xf32>,
          %swap3A_853 = arith.index_cast %and3A_166 : i32 to index
          %swap3A_854 = arith.index_cast %scan3A_678 : i32 to index
          %swap3A_855 = arith.constant 304 : index
          %swap3A_856 = tpu.vector_load %arg7[%swap3A_853, %swap3A_854, %swap3A_855] {strides = array<i32>} : memref<2x32x1024xf32, #tpu.memory_space<vmem>>, vector<16xf32>,
          tpu.vector_store %arg7[%swap3A_853, %swap3A_854, %swap3A_855], %gather3A_804 {strides = array<i32>} : memref<2x32x1024xf32, #tpu.memory_space<vmem>>, vector<16xf32>,
          %gather3A_857 = tpu.memref_slice %arg5[%mul3A_194] : memref<32000xf32, #tpu.memory_space<vmem>> -> memref<1000xf32, #tpu.memory_space<vmem>>
          %gather3A_858 = tpu.vector_load_idx %gather3A_857[%get3A_705] : memref<1000xf32, #tpu.memory_space<vmem>>[vector<16xi32>], vector<16xf32>,
          %swap3A_859 = arith.index_cast %and3A_166 : i32 to index
          %swap3A_860 = arith.index_cast %scan3A_678 : i32 to index
          %swap3A_861 = arith.constant 320 : index
          %swap3A_862 = tpu.vector_load %arg7[%swap3A_859, %swap3A_860, %swap3A_861] {strides = array<i32>} : memref<2x32x1024xf32, #tpu.memory_space<vmem>>, vector<16xf32>,
          tpu.vector_store %arg7[%swap3A_859, %swap3A_860, %swap3A_861], %gather3A_810 {strides = array<i32>} : memref<2x32x1024xf32, #tpu.memory_space<vmem>>, vector<16xf32>,
          %gather3A_863 = tpu.memref_slice %arg5[%mul3A_194] : memref<32000xf32, #tpu.memory_space<vmem>> -> memref<1000xf32, #tpu.memory_space<vmem>>
          %gather3A_864 = tpu.vector_load_idx %gather3A_863[%get3A_710] : memref<1000xf32, #tpu.memory_space<vmem>>[vector<16xi32>], vector<16xf32>,
          %swap3A_865 = arith.index_cast %and3A_166 : i32 to index
          %swap3A_866 = arith.index_cast %scan3A_678 : i32 to index
          %swap3A_867 = arith.constant 336 : index
          %swap3A_868 = tpu.vector_load %arg7[%swap3A_865, %swap3A_866, %swap3A_867] {strides = array<i32>} : memref<2x32x1024xf32, #tpu.memory_space<vmem>>, vector<16xf32>,
          tpu.vector_store %arg7[%swap3A_865, %swap3A_866, %swap3A_867], %gather3A_816 {strides = array<i32>} : memref<2x32x1024xf32, #tpu.memory_space<vmem>>, vector<16xf32>,
          %gather3A_869 = tpu.memref_slice %arg5[%mul3A_194] : memref<32000xf32, #tpu.memory_space<vmem>> -> memref<1000xf32, #tpu.memory_space<vmem>>
          %gather3A_870 = tpu.vector_load_idx %gather3A_869[%get3A_715] : memref<1000xf32, #tpu.memory_space<vmem>>[vector<16xi32>], vector<16xf32>,
          %swap3A_871 = arith.index_cast %and3A_166 : i32 to index
          %swap3A_872 = arith.index_cast %scan3A_678 : i32 to index
          %swap3A_873 = arith.constant 352 : index
          %swap3A_874 = tpu.vector_load %arg7[%swap3A_871, %swap3A_872, %swap3A_873] {strides = array<i32>} : memref<2x32x1024xf32, #tpu.memory_space<vmem>>, vector<16xf32>,
          tpu.vector_store %arg7[%swap3A_871, %swap3A_872, %swap3A_873], %gather3A_822 {strides = array<i32>} : memref<2x32x1024xf32, #tpu.memory_space<vmem>>, vector<16xf32>,
          %gather3A_875 = tpu.memref_slice %arg5[%mul3A_194] : memref<32000xf32, #tpu.memory_space<vmem>> -> memref<1000xf32, #tpu.memory_space<vmem>>
          %gather3A_876 = tpu.vector_load_idx %gather3A_875[%get3A_720] : memref<1000xf32, #tpu.memory_space<vmem>>[vector<16xi32>], vector<16xf32>,
          %swap3A_877 = arith.index_cast %and3A_166 : i32 to index
          %swap3A_878 = arith.index_cast %scan3A_678 : i32 to index
          %swap3A_879 = arith.constant 368 : index
          %swap3A_880 = tpu.vector_load %arg7[%swap3A_877, %swap3A_878, %swap3A_879] {strides = array<i32>} : memref<2x32x1024xf32, #tpu.memory_space<vmem>>, vector<16xf32>,
          tpu.vector_store %arg7[%swap3A_877, %swap3A_878, %swap3A_879], %gather3A_828 {strides = array<i32>} : memref<2x32x1024xf32, #tpu.memory_space<vmem>>, vector<16xf32>,
          %gather3A_881 = tpu.memref_slice %arg5[%mul3A_201] : memref<32000xf32, #tpu.memory_space<vmem>> -> memref<1000xf32, #tpu.memory_space<vmem>>
          %gather3A_882 = tpu.vector_load_idx %gather3A_881[%get3A_685] : memref<1000xf32, #tpu.memory_space<vmem>>[vector<16xi32>], vector<16xf32>,
          %swap3A_883 = arith.index_cast %and3A_166 : i32 to index
          %swap3A_884 = arith.index_cast %scan3A_678 : i32 to index
          %swap3A_885 = arith.constant 384 : index
          %swap3A_886 = tpu.vector_load %arg7[%swap3A_883, %swap3A_884, %swap3A_885] {strides = array<i32>} : memref<2x32x1024xf32, #tpu.memory_space<vmem>>, vector<16xf32>,
          tpu.vector_store %arg7[%swap3A_883, %swap3A_884, %swap3A_885], %gather3A_834 {strides = array<i32>} : memref<2x32x1024xf32, #tpu.memory_space<vmem>>, vector<16xf32>,
          %gather3A_887 = tpu.memref_slice %arg5[%mul3A_201] : memref<32000xf32, #tpu.memory_space<vmem>> -> memref<1000xf32, #tpu.memory_space<vmem>>
          %gather3A_888 = tpu.vector_load_idx %gather3A_887[%get3A_690] : memref<1000xf32, #tpu.memory_space<vmem>>[vector<16xi32>], vector<16xf32>,
          %swap3A_889 = arith.index_cast %and3A_166 : i32 to index
          %swap3A_890 = arith.index_cast %scan3A_678 : i32 to index
          %swap3A_891 = arith.constant 400 : index
          %swap3A_892 = tpu.vector_load %arg7[%swap3A_889, %swap3A_890, %swap3A_891] {strides = array<i32>} : memref<2x32x1024xf32, #tpu.memory_space<vmem>>, vector<16xf32>,
          tpu.vector_store %arg7[%swap3A_889, %swap3A_890, %swap3A_891], %gather3A_840 {strides = array<i32>} : memref<2x32x1024xf32, #tpu.memory_space<vmem>>, vector<16xf32>,
          %gather3A_893 = tpu.memref_slice %arg5[%mul3A_201] : memref<32000xf32, #tpu.memory_space<vmem>> -> memref<1000xf32, #tpu.memory_space<vmem>>
          %gather3A_894 = tpu.vector_load_idx %gather3A_893[%get3A_695] : memref<1000xf32, #tpu.memory_space<vmem>>[vector<16xi32>], vector<16xf32>,
          %swap3A_895 = arith.index_cast %and3A_166 : i32 to index
          %swap3A_896 = arith.index_cast %scan3A_678 : i32 to index
          %swap3A_897 = arith.constant 416 : index
          %swap3A_898 = tpu.vector_load %arg7[%swap3A_895, %swap3A_896, %swap3A_897] {strides = array<i32>} : memref<2x32x1024xf32, #tpu.memory_space<vmem>>, vector<16xf32>,
          tpu.vector_store %arg7[%swap3A_895, %swap3A_896, %swap3A_897], %gather3A_846 {strides = array<i32>} : memref<2x32x1024xf32, #tpu.memory_space<vmem>>, vector<16xf32>,
          %gather3A_899 = tpu.memref_slice %arg5[%mul3A_201] : memref<32000xf32, #tpu.memory_space<vmem>> -> memref<1000xf32, #tpu.memory_space<vmem>>
          %gather3A_900 = tpu.vector_load_idx %gather3A_899[%get3A_700] : memref<1000xf32, #tpu.memory_space<vmem>>[vector<16xi32>], vector<16xf32>,
          %swap3A_901 = arith.index_cast %and3A_166 : i32 to index
          %swap3A_902 = arith.index_cast %scan3A_678 : i32 to index
          %swap3A_903 = arith.constant 432 : index
          %swap3A_904 = tpu.vector_load %arg7[%swap3A_901, %swap3A_902, %swap3A_903] {strides = array<i32>} : memref<2x32x1024xf32, #tpu.memory_space<vmem>>, vector<16xf32>,
          tpu.vector_store %arg7[%swap3A_901, %swap3A_902, %swap3A_903], %gather3A_852 {strides = array<i32>} : memref<2x32x1024xf32, #tpu.memory_space<vmem>>, vector<16xf32>,
          %gather3A_905 = tpu.memref_slice %arg5[%mul3A_201] : memref<32000xf32, #tpu.memory_space<vmem>> -> memref<1000xf32, #tpu.memory_space<vmem>>
          %gather3A_906 = tpu.vector_load_idx %gather3A_905[%get3A_705] : memref<1000xf32, #tpu.memory_space<vmem>>[vector<16xi32>], vector<16xf32>,
          %swap3A_907 = arith.index_cast %and3A_166 : i32 to index
          %swap3A_908 = arith.index_cast %scan3A_678 : i32 to index
          %swap3A_909 = arith.constant 448 : index
          %swap3A_910 = tpu.vector_load %arg7[%swap3A_907, %swap3A_908, %swap3A_909] {strides = array<i32>} : memref<2x32x1024xf32, #tpu.memory_space<vmem>>, vector<16xf32>,
          tpu.vector_store %arg7[%swap3A_907, %swap3A_908, %swap3A_909], %gather3A_858 {strides = array<i32>} : memref<2x32x1024xf32, #tpu.memory_space<vmem>>, vector<16xf32>,
          %gather3A_911 = tpu.memref_slice %arg5[%mul3A_201] : memref<32000xf32, #tpu.memory_space<vmem>> -> memref<1000xf32, #tpu.memory_space<vmem>>
          %gather3A_912 = tpu.vector_load_idx %gather3A_911[%get3A_710] : memref<1000xf32, #tpu.memory_space<vmem>>[vector<16xi32>], vector<16xf32>,
          %swap3A_913 = arith.index_cast %and3A_166 : i32 to index
          %swap3A_914 = arith.index_cast %scan3A_678 : i32 to index
          %swap3A_915 = arith.constant 464 : index
          %swap3A_916 = tpu.vector_load %arg7[%swap3A_913, %swap3A_914, %swap3A_915] {strides = array<i32>} : memref<2x32x1024xf32, #tpu.memory_space<vmem>>, vector<16xf32>,
          tpu.vector_store %arg7[%swap3A_913, %swap3A_914, %swap3A_915], %gather3A_864 {strides = array<i32>} : memref<2x32x1024xf32, #tpu.memory_space<vmem>>, vector<16xf32>,
          %gather3A_917 = tpu.memref_slice %arg5[%mul3A_201] : memref<32000xf32, #tpu.memory_space<vmem>> -> memref<1000xf32, #tpu.memory_space<vmem>>
          %gather3A_918 = tpu.vector_load_idx %gather3A_917[%get3A_715] : memref<1000xf32, #tpu.memory_space<vmem>>[vector<16xi32>], vector<16xf32>,
          %swap3A_919 = arith.index_cast %and3A_166 : i32 to index
          %swap3A_920 = arith.index_cast %scan3A_678 : i32 to index
          %swap3A_921 = arith.constant 480 : index
          %swap3A_922 = tpu.vector_load %arg7[%swap3A_919, %swap3A_920, %swap3A_921] {strides = array<i32>} : memref<2x32x1024xf32, #tpu.memory_space<vmem>>, vector<16xf32>,
          tpu.vector_store %arg7[%swap3A_919, %swap3A_920, %swap3A_921], %gather3A_870 {strides = array<i32>} : memref<2x32x1024xf32, #tpu.memory_space<vmem>>, vector<16xf32>,
          %gather3A_923 = tpu.memref_slice %arg5[%mul3A_201] : memref<32000xf32, #tpu.memory_space<vmem>> -> memref<1000xf32, #tpu.memory_space<vmem>>
          %gather3A_924 = tpu.vector_load_idx %gather3A_923[%get3A_720] : memref<1000xf32, #tpu.memory_space<vmem>>[vector<16xi32>], vector<16xf32>,
          %swap3A_925 = arith.index_cast %and3A_166 : i32 to index
          %swap3A_926 = arith.index_cast %scan3A_678 : i32 to index
          %swap3A_927 = arith.constant 496 : index
          %swap3A_928 = tpu.vector_load %arg7[%swap3A_925, %swap3A_926, %swap3A_927] {strides = array<i32>} : memref<2x32x1024xf32, #tpu.memory_space<vmem>>, vector<16xf32>,
          tpu.vector_store %arg7[%swap3A_925, %swap3A_926, %swap3A_927], %gather3A_876 {strides = array<i32>} : memref<2x32x1024xf32, #tpu.memory_space<vmem>>, vector<16xf32>,
          %gather3A_929 = tpu.memref_slice %arg5[%mul3A_208] : memref<32000xf32, #tpu.memory_space<vmem>> -> memref<1000xf32, #tpu.memory_space<vmem>>
          %gather3A_930 = tpu.vector_load_idx %gather3A_929[%get3A_685] : memref<1000xf32, #tpu.memory_space<vmem>>[vector<16xi32>], vector<16xf32>,
          %swap3A_931 = arith.index_cast %and3A_166 : i32 to index
          %swap3A_932 = arith.index_cast %scan3A_678 : i32 to index
          %swap3A_933 = arith.constant 512 : index
          %swap3A_934 = tpu.vector_load %arg7[%swap3A_931, %swap3A_932, %swap3A_933] {strides = array<i32>} : memref<2x32x1024xf32, #tpu.memory_space<vmem>>, vector<16xf32>,
          tpu.vector_store %arg7[%swap3A_931, %swap3A_932, %swap3A_933], %gather3A_882 {strides = array<i32>} : memref<2x32x1024xf32, #tpu.memory_space<vmem>>, vector<16xf32>,
          %gather3A_935 = tpu.memref_slice %arg5[%mul3A_208] : memref<32000xf32, #tpu.memory_space<vmem>> -> memref<1000xf32, #tpu.memory_space<vmem>>
          %gather3A_936 = tpu.vector_load_idx %gather3A_935[%get3A_690] : memref<1000xf32, #tpu.memory_space<vmem>>[vector<16xi32>], vector<16xf32>,
          %swap3A_937 = arith.index_cast %and3A_166 : i32 to index
          %swap3A_938 = arith.index_cast %scan3A_678 : i32 to index
          %swap3A_939 = arith.constant 528 : index
          %swap3A_940 = tpu.vector_load %arg7[%swap3A_937, %swap3A_938, %swap3A_939] {strides = array<i32>} : memref<2x32x1024xf32, #tpu.memory_space<vmem>>, vector<16xf32>,
          tpu.vector_store %arg7[%swap3A_937, %swap3A_938, %swap3A_939], %gather3A_888 {strides = array<i32>} : memref<2x32x1024xf32, #tpu.memory_space<vmem>>, vector<16xf32>,
          %gather3A_941 = tpu.memref_slice %arg5[%mul3A_208] : memref<32000xf32, #tpu.memory_space<vmem>> -> memref<1000xf32, #tpu.memory_space<vmem>>
          %gather3A_942 = tpu.vector_load_idx %gather3A_941[%get3A_695] : memref<1000xf32, #tpu.memory_space<vmem>>[vector<16xi32>], vector<16xf32>,
          %swap3A_943 = arith.index_cast %and3A_166 : i32 to index
          %swap3A_944 = arith.index_cast %scan3A_678 : i32 to index
          %swap3A_945 = arith.constant 544 : index
          %swap3A_946 = tpu.vector_load %arg7[%swap3A_943, %swap3A_944, %swap3A_945] {strides = array<i32>} : memref<2x32x1024xf32, #tpu.memory_space<vmem>>, vector<16xf32>,
          tpu.vector_store %arg7[%swap3A_943, %swap3A_944, %swap3A_945], %gather3A_894 {strides = array<i32>} : memref<2x32x1024xf32, #tpu.memory_space<vmem>>, vector<16xf32>,
          %gather3A_947 = tpu.memref_slice %arg5[%mul3A_208] : memref<32000xf32, #tpu.memory_space<vmem>> -> memref<1000xf32, #tpu.memory_space<vmem>>
          %gather3A_948 = tpu.vector_load_idx %gather3A_947[%get3A_700] : memref<1000xf32, #tpu.memory_space<vmem>>[vector<16xi32>], vector<16xf32>,
          %swap3A_949 = arith.index_cast %and3A_166 : i32 to index
          %swap3A_950 = arith.index_cast %scan3A_678 : i32 to index
          %swap3A_951 = arith.constant 560 : index
          %swap3A_952 = tpu.vector_load %arg7[%swap3A_949, %swap3A_950, %swap3A_951] {strides = array<i32>} : memref<2x32x1024xf32, #tpu.memory_space<vmem>>, vector<16xf32>,
          tpu.vector_store %arg7[%swap3A_949, %swap3A_950, %swap3A_951], %gather3A_900 {strides = array<i32>} : memref<2x32x1024xf32, #tpu.memory_space<vmem>>, vector<16xf32>,
          %gather3A_953 = tpu.memref_slice %arg5[%mul3A_208] : memref<32000xf32, #tpu.memory_space<vmem>> -> memref<1000xf32, #tpu.memory_space<vmem>>
          %gather3A_954 = tpu.vector_load_idx %gather3A_953[%get3A_705] : memref<1000xf32, #tpu.memory_space<vmem>>[vector<16xi32>], vector<16xf32>,
          %swap3A_955 = arith.index_cast %and3A_166 : i32 to index
          %swap3A_956 = arith.index_cast %scan3A_678 : i32 to index
          %swap3A_957 = arith.constant 576 : index
          %swap3A_958 = tpu.vector_load %arg7[%swap3A_955, %swap3A_956, %swap3A_957] {strides = array<i32>} : memref<2x32x1024xf32, #tpu.memory_space<vmem>>, vector<16xf32>,
          tpu.vector_store %arg7[%swap3A_955, %swap3A_956, %swap3A_957], %gather3A_906 {strides = array<i32>} : memref<2x32x1024xf32, #tpu.memory_space<vmem>>, vector<16xf32>,
          %gather3A_959 = tpu.memref_slice %arg5[%mul3A_208] : memref<32000xf32, #tpu.memory_space<vmem>> -> memref<1000xf32, #tpu.memory_space<vmem>>
          %gather3A_960 = tpu.vector_load_idx %gather3A_959[%get3A_710] : memref<1000xf32, #tpu.memory_space<vmem>>[vector<16xi32>], vector<16xf32>,
          %swap3A_961 = arith.index_cast %and3A_166 : i32 to index
          %swap3A_962 = arith.index_cast %scan3A_678 : i32 to index
          %swap3A_963 = arith.constant 592 : index
          %swap3A_964 = tpu.vector_load %arg7[%swap3A_961, %swap3A_962, %swap3A_963] {strides = array<i32>} : memref<2x32x1024xf32, #tpu.memory_space<vmem>>, vector<16xf32>,
          tpu.vector_store %arg7[%swap3A_961, %swap3A_962, %swap3A_963], %gather3A_912 {strides = array<i32>} : memref<2x32x1024xf32, #tpu.memory_space<vmem>>, vector<16xf32>,
          %gather3A_965 = tpu.memref_slice %arg5[%mul3A_208] : memref<32000xf32, #tpu.memory_space<vmem>> -> memref<1000xf32, #tpu.memory_space<vmem>>
          %gather3A_966 = tpu.vector_load_idx %gather3A_965[%get3A_715] : memref<1000xf32, #tpu.memory_space<vmem>>[vector<16xi32>], vector<16xf32>,
          %swap3A_967 = arith.index_cast %and3A_166 : i32 to index
          %swap3A_968 = arith.index_cast %scan3A_678 : i32 to index
          %swap3A_969 = arith.constant 608 : index
          %swap3A_970 = tpu.vector_load %arg7[%swap3A_967, %swap3A_968, %swap3A_969] {strides = array<i32>} : memref<2x32x1024xf32, #tpu.memory_space<vmem>>, vector<16xf32>,
          tpu.vector_store %arg7[%swap3A_967, %swap3A_968, %swap3A_969], %gather3A_918 {strides = array<i32>} : memref<2x32x1024xf32, #tpu.memory_space<vmem>>, vector<16xf32>,
          %gather3A_971 = tpu.memref_slice %arg5[%mul3A_208] : memref<32000xf32, #tpu.memory_space<vmem>> -> memref<1000xf32, #tpu.memory_space<vmem>>
          %gather3A_972 = tpu.vector_load_idx %gather3A_971[%get3A_720] : memref<1000xf32, #tpu.memory_space<vmem>>[vector<16xi32>], vector<16xf32>,
          %swap3A_973 = arith.index_cast %and3A_166 : i32 to index
          %swap3A_974 = arith.index_cast %scan3A_678 : i32 to index
          %swap3A_975 = arith.constant 624 : index
          %swap3A_976 = tpu.vector_load %arg7[%swap3A_973, %swap3A_974, %swap3A_975] {strides = array<i32>} : memref<2x32x1024xf32, #tpu.memory_space<vmem>>, vector<16xf32>,
          tpu.vector_store %arg7[%swap3A_973, %swap3A_974, %swap3A_975], %gather3A_924 {strides = array<i32>} : memref<2x32x1024xf32, #tpu.memory_space<vmem>>, vector<16xf32>,
          %gather3A_977 = tpu.memref_slice %arg5[%mul3A_215] : memref<32000xf32, #tpu.memory_space<vmem>> -> memref<1000xf32, #tpu.memory_space<vmem>>
          %gather3A_978 = tpu.vector_load_idx %gather3A_977[%get3A_685] : memref<1000xf32, #tpu.memory_space<vmem>>[vector<16xi32>], vector<16xf32>,
          %swap3A_979 = arith.index_cast %and3A_166 : i32 to index
          %swap3A_980 = arith.index_cast %scan3A_678 : i32 to index
          %swap3A_981 = arith.constant 640 : index
          %swap3A_982 = tpu.vector_load %arg7[%swap3A_979, %swap3A_980, %swap3A_981] {strides = array<i32>} : memref<2x32x1024xf32, #tpu.memory_space<vmem>>, vector<16xf32>,
          tpu.vector_store %arg7[%swap3A_979, %swap3A_980, %swap3A_981], %gather3A_930 {strides = array<i32>} : memref<2x32x1024xf32, #tpu.memory_space<vmem>>, vector<16xf32>,
          %gather3A_983 = tpu.memref_slice %arg5[%mul3A_215] : memref<32000xf32, #tpu.memory_space<vmem>> -> memref<1000xf32, #tpu.memory_space<vmem>>
          %gather3A_984 = tpu.vector_load_idx %gather3A_983[%get3A_690] : memref<1000xf32, #tpu.memory_space<vmem>>[vector<16xi32>], vector<16xf32>,
          %swap3A_985 = arith.index_cast %and3A_166 : i32 to index
          %swap3A_986 = arith.index_cast %scan3A_678 : i32 to index
          %swap3A_987 = arith.constant 656 : index
          %swap3A_988 = tpu.vector_load %arg7[%swap3A_985, %swap3A_986, %swap3A_987] {strides = array<i32>} : memref<2x32x1024xf32, #tpu.memory_space<vmem>>, vector<16xf32>,
          tpu.vector_store %arg7[%swap3A_985, %swap3A_986, %swap3A_987], %gather3A_936 {strides = array<i32>} : memref<2x32x1024xf32, #tpu.memory_space<vmem>>, vector<16xf32>,
          %gather3A_989 = tpu.memref_slice %arg5[%mul3A_215] : memref<32000xf32, #tpu.memory_space<vmem>> -> memref<1000xf32, #tpu.memory_space<vmem>>
          %gather3A_990 = tpu.vector_load_idx %gather3A_989[%get3A_695] : memref<1000xf32, #tpu.memory_space<vmem>>[vector<16xi32>], vector<16xf32>,
          %swap3A_991 = arith.index_cast %and3A_166 : i32 to index
          %swap3A_992 = arith.index_cast %scan3A_678 : i32 to index
          %swap3A_993 = arith.constant 672 : index
          %swap3A_994 = tpu.vector_load %arg7[%swap3A_991, %swap3A_992, %swap3A_993] {strides = array<i32>} : memref<2x32x1024xf32, #tpu.memory_space<vmem>>, vector<16xf32>,
          tpu.vector_store %arg7[%swap3A_991, %swap3A_992, %swap3A_993], %gather3A_942 {strides = array<i32>} : memref<2x32x1024xf32, #tpu.memory_space<vmem>>, vector<16xf32>,
          %gather3A_995 = tpu.memref_slice %arg5[%mul3A_215] : memref<32000xf32, #tpu.memory_space<vmem>> -> memref<1000xf32, #tpu.memory_space<vmem>>
          %gather3A_996 = tpu.vector_load_idx %gather3A_995[%get3A_700] : memref<1000xf32, #tpu.memory_space<vmem>>[vector<16xi32>], vector<16xf32>,
          %swap3A_997 = arith.index_cast %and3A_166 : i32 to index
          %swap3A_998 = arith.index_cast %scan3A_678 : i32 to index
          %swap3A_999 = arith.constant 688 : index
          %swap3A_1000 = tpu.vector_load %arg7[%swap3A_997, %swap3A_998, %swap3A_999] {strides = array<i32>} : memref<2x32x1024xf32, #tpu.memory_space<vmem>>, vector<16xf32>,
          tpu.vector_store %arg7[%swap3A_997, %swap3A_998, %swap3A_999], %gather3A_948 {strides = array<i32>} : memref<2x32x1024xf32, #tpu.memory_space<vmem>>, vector<16xf32>,
          %gather3A_1001 = tpu.memref_slice %arg5[%mul3A_215] : memref<32000xf32, #tpu.memory_space<vmem>> -> memref<1000xf32, #tpu.memory_space<vmem>>
          %gather3A_1002 = tpu.vector_load_idx %gather3A_1001[%get3A_705] : memref<1000xf32, #tpu.memory_space<vmem>>[vector<16xi32>], vector<16xf32>,
          %swap3A_1003 = arith.index_cast %and3A_166 : i32 to index
          %swap3A_1004 = arith.index_cast %scan3A_678 : i32 to index
          %swap3A_1005 = arith.constant 704 : index
          %swap3A_1006 = tpu.vector_load %arg7[%swap3A_1003, %swap3A_1004, %swap3A_1005] {strides = array<i32>} : memref<2x32x1024xf32, #tpu.memory_space<vmem>>, vector<16xf32>,
          tpu.vector_store %arg7[%swap3A_1003, %swap3A_1004, %swap3A_1005], %gather3A_954 {strides = array<i32>} : memref<2x32x1024xf32, #tpu.memory_space<vmem>>, vector<16xf32>,
          %gather3A_1007 = tpu.memref_slice %arg5[%mul3A_215] : memref<32000xf32, #tpu.memory_space<vmem>> -> memref<1000xf32, #tpu.memory_space<vmem>>
          %gather3A_1008 = tpu.vector_load_idx %gather3A_1007[%get3A_710] : memref<1000xf32, #tpu.memory_space<vmem>>[vector<16xi32>], vector<16xf32>,
          %swap3A_1009 = arith.index_cast %and3A_166 : i32 to index
          %swap3A_1010 = arith.index_cast %scan3A_678 : i32 to index
          %swap3A_1011 = arith.constant 720 : index
          %swap3A_1012 = tpu.vector_load %arg7[%swap3A_1009, %swap3A_1010, %swap3A_1011] {strides = array<i32>} : memref<2x32x1024xf32, #tpu.memory_space<vmem>>, vector<16xf32>,
          tpu.vector_store %arg7[%swap3A_1009, %swap3A_1010, %swap3A_1011], %gather3A_960 {strides = array<i32>} : memref<2x32x1024xf32, #tpu.memory_space<vmem>>, vector<16xf32>,
          %gather3A_1013 = tpu.memref_slice %arg5[%mul3A_215] : memref<32000xf32, #tpu.memory_space<vmem>> -> memref<1000xf32, #tpu.memory_space<vmem>>
          %gather3A_1014 = tpu.vector_load_idx %gather3A_1013[%get3A_715] : memref<1000xf32, #tpu.memory_space<vmem>>[vector<16xi32>], vector<16xf32>,
          %swap3A_1015 = arith.index_cast %and3A_166 : i32 to index
          %swap3A_1016 = arith.index_cast %scan3A_678 : i32 to index
          %swap3A_1017 = arith.constant 736 : index
          %swap3A_1018 = tpu.vector_load %arg7[%swap3A_1015, %swap3A_1016, %swap3A_1017] {strides = array<i32>} : memref<2x32x1024xf32, #tpu.memory_space<vmem>>, vector<16xf32>,
          tpu.vector_store %arg7[%swap3A_1015, %swap3A_1016, %swap3A_1017], %gather3A_966 {strides = array<i32>} : memref<2x32x1024xf32, #tpu.memory_space<vmem>>, vector<16xf32>,
          %gather3A_1019 = tpu.memref_slice %arg5[%mul3A_215] : memref<32000xf32, #tpu.memory_space<vmem>> -> memref<1000xf32, #tpu.memory_space<vmem>>
          %gather3A_1020 = tpu.vector_load_idx %gather3A_1019[%get3A_720] : memref<1000xf32, #tpu.memory_space<vmem>>[vector<16xi32>], vector<16xf32>,
          %swap3A_1021 = arith.index_cast %and3A_166 : i32 to index
          %swap3A_1022 = arith.index_cast %scan3A_678 : i32 to index
          %swap3A_1023 = arith.constant 752 : index
          %swap3A_1024 = tpu.vector_load %arg7[%swap3A_1021, %swap3A_1022, %swap3A_1023] {strides = array<i32>} : memref<2x32x1024xf32, #tpu.memory_space<vmem>>, vector<16xf32>,
          tpu.vector_store %arg7[%swap3A_1021, %swap3A_1022, %swap3A_1023], %gather3A_972 {strides = array<i32>} : memref<2x32x1024xf32, #tpu.memory_space<vmem>>, vector<16xf32>,
          %gather3A_1025 = tpu.memref_slice %arg5[%mul3A_222] : memref<32000xf32, #tpu.memory_space<vmem>> -> memref<1000xf32, #tpu.memory_space<vmem>>
          %gather3A_1026 = tpu.vector_load_idx %gather3A_1025[%get3A_685] : memref<1000xf32, #tpu.memory_space<vmem>>[vector<16xi32>], vector<16xf32>,
          %swap3A_1027 = arith.index_cast %and3A_166 : i32 to index
          %swap3A_1028 = arith.index_cast %scan3A_678 : i32 to index
          %swap3A_1029 = arith.constant 768 : index
          %swap3A_1030 = tpu.vector_load %arg7[%swap3A_1027, %swap3A_1028, %swap3A_1029] {strides = array<i32>} : memref<2x32x1024xf32, #tpu.memory_space<vmem>>, vector<16xf32>,
          tpu.vector_store %arg7[%swap3A_1027, %swap3A_1028, %swap3A_1029], %gather3A_978 {strides = array<i32>} : memref<2x32x1024xf32, #tpu.memory_space<vmem>>, vector<16xf32>,
          %gather3A_1031 = tpu.memref_slice %arg5[%mul3A_222] : memref<32000xf32, #tpu.memory_space<vmem>> -> memref<1000xf32, #tpu.memory_space<vmem>>
          %gather3A_1032 = tpu.vector_load_idx %gather3A_1031[%get3A_690] : memref<1000xf32, #tpu.memory_space<vmem>>[vector<16xi32>], vector<16xf32>,
          %swap3A_1033 = arith.index_cast %and3A_166 : i32 to index
          %swap3A_1034 = arith.index_cast %scan3A_678 : i32 to index
          %swap3A_1035 = arith.constant 784 : index
          %swap3A_1036 = tpu.vector_load %arg7[%swap3A_1033, %swap3A_1034, %swap3A_1035] {strides = array<i32>} : memref<2x32x1024xf32, #tpu.memory_space<vmem>>, vector<16xf32>,
          tpu.vector_store %arg7[%swap3A_1033, %swap3A_1034, %swap3A_1035], %gather3A_984 {strides = array<i32>} : memref<2x32x1024xf32, #tpu.memory_space<vmem>>, vector<16xf32>,
          %gather3A_1037 = tpu.memref_slice %arg5[%mul3A_222] : memref<32000xf32, #tpu.memory_space<vmem>> -> memref<1000xf32, #tpu.memory_space<vmem>>
          %gather3A_1038 = tpu.vector_load_idx %gather3A_1037[%get3A_695] : memref<1000xf32, #tpu.memory_space<vmem>>[vector<16xi32>], vector<16xf32>,
          %swap3A_1039 = arith.index_cast %and3A_166 : i32 to index
          %swap3A_1040 = arith.index_cast %scan3A_678 : i32 to index
          %swap3A_1041 = arith.constant 800 : index
          %swap3A_1042 = tpu.vector_load %arg7[%swap3A_1039, %swap3A_1040, %swap3A_1041] {strides = array<i32>} : memref<2x32x1024xf32, #tpu.memory_space<vmem>>, vector<16xf32>,
          tpu.vector_store %arg7[%swap3A_1039, %swap3A_1040, %swap3A_1041], %gather3A_990 {strides = array<i32>} : memref<2x32x1024xf32, #tpu.memory_space<vmem>>, vector<16xf32>,
          %gather3A_1043 = tpu.memref_slice %arg5[%mul3A_222] : memref<32000xf32, #tpu.memory_space<vmem>> -> memref<1000xf32, #tpu.memory_space<vmem>>
          %gather3A_1044 = tpu.vector_load_idx %gather3A_1043[%get3A_700] : memref<1000xf32, #tpu.memory_space<vmem>>[vector<16xi32>], vector<16xf32>,
          %swap3A_1045 = arith.index_cast %and3A_166 : i32 to index
          %swap3A_1046 = arith.index_cast %scan3A_678 : i32 to index
          %swap3A_1047 = arith.constant 816 : index
          %swap3A_1048 = tpu.vector_load %arg7[%swap3A_1045, %swap3A_1046, %swap3A_1047] {strides = array<i32>} : memref<2x32x1024xf32, #tpu.memory_space<vmem>>, vector<16xf32>,
          tpu.vector_store %arg7[%swap3A_1045, %swap3A_1046, %swap3A_1047], %gather3A_996 {strides = array<i32>} : memref<2x32x1024xf32, #tpu.memory_space<vmem>>, vector<16xf32>,
          %gather3A_1049 = tpu.memref_slice %arg5[%mul3A_222] : memref<32000xf32, #tpu.memory_space<vmem>> -> memref<1000xf32, #tpu.memory_space<vmem>>
          %gather3A_1050 = tpu.vector_load_idx %gather3A_1049[%get3A_705] : memref<1000xf32, #tpu.memory_space<vmem>>[vector<16xi32>], vector<16xf32>,
          %swap3A_1051 = arith.index_cast %and3A_166 : i32 to index
          %swap3A_1052 = arith.index_cast %scan3A_678 : i32 to index
          %swap3A_1053 = arith.constant 832 : index
          %swap3A_1054 = tpu.vector_load %arg7[%swap3A_1051, %swap3A_1052, %swap3A_1053] {strides = array<i32>} : memref<2x32x1024xf32, #tpu.memory_space<vmem>>, vector<16xf32>,
          tpu.vector_store %arg7[%swap3A_1051, %swap3A_1052, %swap3A_1053], %gather3A_1002 {strides = array<i32>} : memref<2x32x1024xf32, #tpu.memory_space<vmem>>, vector<16xf32>,
          %gather3A_1055 = tpu.memref_slice %arg5[%mul3A_222] : memref<32000xf32, #tpu.memory_space<vmem>> -> memref<1000xf32, #tpu.memory_space<vmem>>
          %gather3A_1056 = tpu.vector_load_idx %gather3A_1055[%get3A_710] : memref<1000xf32, #tpu.memory_space<vmem>>[vector<16xi32>], vector<16xf32>,
          %swap3A_1057 = arith.index_cast %and3A_166 : i32 to index
          %swap3A_1058 = arith.index_cast %scan3A_678 : i32 to index
          %swap3A_1059 = arith.constant 848 : index
          %swap3A_1060 = tpu.vector_load %arg7[%swap3A_1057, %swap3A_1058, %swap3A_1059] {strides = array<i32>} : memref<2x32x1024xf32, #tpu.memory_space<vmem>>, vector<16xf32>,
          tpu.vector_store %arg7[%swap3A_1057, %swap3A_1058, %swap3A_1059], %gather3A_1008 {strides = array<i32>} : memref<2x32x1024xf32, #tpu.memory_space<vmem>>, vector<16xf32>,
          %gather3A_1061 = tpu.memref_slice %arg5[%mul3A_222] : memref<32000xf32, #tpu.memory_space<vmem>> -> memref<1000xf32, #tpu.memory_space<vmem>>
          %gather3A_1062 = tpu.vector_load_idx %gather3A_1061[%get3A_715] : memref<1000xf32, #tpu.memory_space<vmem>>[vector<16xi32>], vector<16xf32>,
          %swap3A_1063 = arith.index_cast %and3A_166 : i32 to index
          %swap3A_1064 = arith.index_cast %scan3A_678 : i32 to index
          %swap3A_1065 = arith.constant 864 : index
          %swap3A_1066 = tpu.vector_load %arg7[%swap3A_1063, %swap3A_1064, %swap3A_1065] {strides = array<i32>} : memref<2x32x1024xf32, #tpu.memory_space<vmem>>, vector<16xf32>,
          tpu.vector_store %arg7[%swap3A_1063, %swap3A_1064, %swap3A_1065], %gather3A_1014 {strides = array<i32>} : memref<2x32x1024xf32, #tpu.memory_space<vmem>>, vector<16xf32>,
          %gather3A_1067 = tpu.memref_slice %arg5[%mul3A_222] : memref<32000xf32, #tpu.memory_space<vmem>> -> memref<1000xf32, #tpu.memory_space<vmem>>
          %gather3A_1068 = tpu.vector_load_idx %gather3A_1067[%get3A_720] : memref<1000xf32, #tpu.memory_space<vmem>>[vector<16xi32>], vector<16xf32>,
          %swap3A_1069 = arith.index_cast %and3A_166 : i32 to index
          %swap3A_1070 = arith.index_cast %scan3A_678 : i32 to index
          %swap3A_1071 = arith.constant 880 : index
          %swap3A_1072 = tpu.vector_load %arg7[%swap3A_1069, %swap3A_1070, %swap3A_1071] {strides = array<i32>} : memref<2x32x1024xf32, #tpu.memory_space<vmem>>, vector<16xf32>,
          tpu.vector_store %arg7[%swap3A_1069, %swap3A_1070, %swap3A_1071], %gather3A_1020 {strides = array<i32>} : memref<2x32x1024xf32, #tpu.memory_space<vmem>>, vector<16xf32>,
          %swap3A_1073 = arith.index_cast %and3A_166 : i32 to index
          %swap3A_1074 = arith.index_cast %scan3A_678 : i32 to index
          %swap3A_1075 = arith.constant 896 : index
          %swap3A_1076 = tpu.vector_load %arg7[%swap3A_1073, %swap3A_1074, %swap3A_1075] {strides = array<i32>} : memref<2x32x1024xf32, #tpu.memory_space<vmem>>, vector<16xf32>,
          tpu.vector_store %arg7[%swap3A_1073, %swap3A_1074, %swap3A_1075], %gather3A_1026 {strides = array<i32>} : memref<2x32x1024xf32, #tpu.memory_space<vmem>>, vector<16xf32>,
          %swap3A_1077 = arith.index_cast %and3A_166 : i32 to index
          %swap3A_1078 = arith.index_cast %scan3A_678 : i32 to index
          %swap3A_1079 = arith.constant 912 : index
          %swap3A_1080 = tpu.vector_load %arg7[%swap3A_1077, %swap3A_1078, %swap3A_1079] {strides = array<i32>} : memref<2x32x1024xf32, #tpu.memory_space<vmem>>, vector<16xf32>,
          tpu.vector_store %arg7[%swap3A_1077, %swap3A_1078, %swap3A_1079], %gather3A_1032 {strides = array<i32>} : memref<2x32x1024xf32, #tpu.memory_space<vmem>>, vector<16xf32>,
          %swap3A_1081 = arith.index_cast %and3A_166 : i32 to index
          %swap3A_1082 = arith.index_cast %scan3A_678 : i32 to index
          %swap3A_1083 = arith.constant 928 : index
          %swap3A_1084 = tpu.vector_load %arg7[%swap3A_1081, %swap3A_1082, %swap3A_1083] {strides = array<i32>} : memref<2x32x1024xf32, #tpu.memory_space<vmem>>, vector<16xf32>,
          tpu.vector_store %arg7[%swap3A_1081, %swap3A_1082, %swap3A_1083], %gather3A_1038 {strides = array<i32>} : memref<2x32x1024xf32, #tpu.memory_space<vmem>>, vector<16xf32>,
          %swap3A_1085 = arith.index_cast %and3A_166 : i32 to index
          %swap3A_1086 = arith.index_cast %scan3A_678 : i32 to index
          %swap3A_1087 = arith.constant 944 : index
          %swap3A_1088 = tpu.vector_load %arg7[%swap3A_1085, %swap3A_1086, %swap3A_1087] {strides = array<i32>} : memref<2x32x1024xf32, #tpu.memory_space<vmem>>, vector<16xf32>,
          tpu.vector_store %arg7[%swap3A_1085, %swap3A_1086, %swap3A_1087], %gather3A_1044 {strides = array<i32>} : memref<2x32x1024xf32, #tpu.memory_space<vmem>>, vector<16xf32>,
          %swap3A_1089 = arith.index_cast %and3A_166 : i32 to index
          %swap3A_1090 = arith.index_cast %scan3A_678 : i32 to index
          %swap3A_1091 = arith.constant 960 : index
          %swap3A_1092 = tpu.vector_load %arg7[%swap3A_1089, %swap3A_1090, %swap3A_1091] {strides = array<i32>} : memref<2x32x1024xf32, #tpu.memory_space<vmem>>, vector<16xf32>,
          tpu.vector_store %arg7[%swap3A_1089, %swap3A_1090, %swap3A_1091], %gather3A_1050 {strides = array<i32>} : memref<2x32x1024xf32, #tpu.memory_space<vmem>>, vector<16xf32>,
          %swap3A_1093 = arith.index_cast %and3A_166 : i32 to index
          %swap3A_1094 = arith.index_cast %scan3A_678 : i32 to index
          %swap3A_1095 = arith.constant 976 : index
          %swap3A_1096 = tpu.vector_load %arg7[%swap3A_1093, %swap3A_1094, %swap3A_1095] {strides = array<i32>} : memref<2x32x1024xf32, #tpu.memory_space<vmem>>, vector<16xf32>,
          tpu.vector_store %arg7[%swap3A_1093, %swap3A_1094, %swap3A_1095], %gather3A_1056 {strides = array<i32>} : memref<2x32x1024xf32, #tpu.memory_space<vmem>>, vector<16xf32>,
          %swap3A_1097 = arith.index_cast %and3A_166 : i32 to index
          %swap3A_1098 = arith.index_cast %scan3A_678 : i32 to index
          %swap3A_1099 = arith.constant 992 : index
          %swap3A_1100 = tpu.vector_load %arg7[%swap3A_1097, %swap3A_1098, %swap3A_1099] {strides = array<i32>} : memref<2x32x1024xf32, #tpu.memory_space<vmem>>, vector<16xf32>,
          tpu.vector_store %arg7[%swap3A_1097, %swap3A_1098, %swap3A_1099], %gather3A_1062 {strides = array<i32>} : memref<2x32x1024xf32, #tpu.memory_space<vmem>>, vector<16xf32>,
          %swap3A_1101 = arith.index_cast %and3A_166 : i32 to index
          %swap3A_1102 = arith.index_cast %scan3A_678 : i32 to index
          %swap3A_1103 = arith.constant 1008 : index
          %swap3A_1104 = tpu.vector_load %arg7[%swap3A_1101, %swap3A_1102, %swap3A_1103] {strides = array<i32>} : memref<2x32x1024xf32, #tpu.memory_space<vmem>>, vector<16xf32>,
          tpu.vector_store %arg7[%swap3A_1101, %swap3A_1102, %swap3A_1103], %gather3A_1068 {strides = array<i32>} : memref<2x32x1024xf32, #tpu.memory_space<vmem>>, vector<16xf32>,
          %scan3A_1105 = arith.constant 2 : i32
          %scan3A_1106 = arith.addi %scan3A_253, %scan3A_1105 : i32
          %mul3A_1107 = arith.constant 128 : i32
          %mul3A_1108 = arith.muli %scan3A_1106, %mul3A_1107 : i32
          %add3A_1109 = arith.constant 0 : i32
          %add3A_1110 = arith.addi %mul3A_1108, %add3A_1109 : i32
          %get3A_1111 = arith.index_cast %and3A_226 : i32 to index
          %get3A_1112 = arith.index_cast %add3A_1110 : i32 to index
          %get3A_1113 = tpu.vector_load %arg6[%get3A_1111, %get3A_1112] {strides = array<i32>} : memref<2x4096xi32, #tpu.memory_space<vmem>>, vector<16xi32>,
          %add3A_1114 = arith.constant 16 : i32
          %add3A_1115 = arith.addi %mul3A_1108, %add3A_1114 : i32
          %get3A_1116 = arith.index_cast %and3A_226 : i32 to index
          %get3A_1117 = arith.index_cast %add3A_1115 : i32 to index
          %get3A_1118 = tpu.vector_load %arg6[%get3A_1116, %get3A_1117] {strides = array<i32>} : memref<2x4096xi32, #tpu.memory_space<vmem>>, vector<16xi32>,
          %add3A_1119 = arith.constant 32 : i32
          %add3A_1120 = arith.addi %mul3A_1108, %add3A_1119 : i32
          %get3A_1121 = arith.index_cast %and3A_226 : i32 to index
          %get3A_1122 = arith.index_cast %add3A_1120 : i32 to index
          %get3A_1123 = tpu.vector_load %arg6[%get3A_1121, %get3A_1122] {strides = array<i32>} : memref<2x4096xi32, #tpu.memory_space<vmem>>, vector<16xi32>,
          %add3A_1124 = arith.constant 48 : i32
          %add3A_1125 = arith.addi %mul3A_1108, %add3A_1124 : i32
          %get3A_1126 = arith.index_cast %and3A_226 : i32 to index
          %get3A_1127 = arith.index_cast %add3A_1125 : i32 to index
          %get3A_1128 = tpu.vector_load %arg6[%get3A_1126, %get3A_1127] {strides = array<i32>} : memref<2x4096xi32, #tpu.memory_space<vmem>>, vector<16xi32>,
          %add3A_1129 = arith.constant 64 : i32
          %add3A_1130 = arith.addi %mul3A_1108, %add3A_1129 : i32
          %get3A_1131 = arith.index_cast %and3A_226 : i32 to index
          %get3A_1132 = arith.index_cast %add3A_1130 : i32 to index
          %get3A_1133 = tpu.vector_load %arg6[%get3A_1131, %get3A_1132] {strides = array<i32>} : memref<2x4096xi32, #tpu.memory_space<vmem>>, vector<16xi32>,
          %add3A_1134 = arith.constant 80 : i32
          %add3A_1135 = arith.addi %mul3A_1108, %add3A_1134 : i32
          %get3A_1136 = arith.index_cast %and3A_226 : i32 to index
          %get3A_1137 = arith.index_cast %add3A_1135 : i32 to index
          %get3A_1138 = tpu.vector_load %arg6[%get3A_1136, %get3A_1137] {strides = array<i32>} : memref<2x4096xi32, #tpu.memory_space<vmem>>, vector<16xi32>,
          %add3A_1139 = arith.constant 96 : i32
          %add3A_1140 = arith.addi %mul3A_1108, %add3A_1139 : i32
          %get3A_1141 = arith.index_cast %and3A_226 : i32 to index
          %get3A_1142 = arith.index_cast %add3A_1140 : i32 to index
          %get3A_1143 = tpu.vector_load %arg6[%get3A_1141, %get3A_1142] {strides = array<i32>} : memref<2x4096xi32, #tpu.memory_space<vmem>>, vector<16xi32>,
          %add3A_1144 = arith.constant 112 : i32
          %add3A_1145 = arith.addi %mul3A_1108, %add3A_1144 : i32
          %get3A_1146 = arith.index_cast %and3A_226 : i32 to index
          %get3A_1147 = arith.index_cast %add3A_1145 : i32 to index
          %get3A_1148 = tpu.vector_load %arg6[%get3A_1146, %get3A_1147] {strides = array<i32>} : memref<2x4096xi32, #tpu.memory_space<vmem>>, vector<16xi32>,
          %gather3A_1149 = tpu.memref_slice %arg5[%mul3A_173] : memref<32000xf32, #tpu.memory_space<vmem>> -> memref<1000xf32, #tpu.memory_space<vmem>>
          %gather3A_1150 = tpu.vector_load_idx %gather3A_1149[%get3A_1113] : memref<1000xf32, #tpu.memory_space<vmem>>[vector<16xi32>], vector<16xf32>,
          %gather3A_1151 = tpu.memref_slice %arg5[%mul3A_173] : memref<32000xf32, #tpu.memory_space<vmem>> -> memref<1000xf32, #tpu.memory_space<vmem>>
          %gather3A_1152 = tpu.vector_load_idx %gather3A_1151[%get3A_1118] : memref<1000xf32, #tpu.memory_space<vmem>>[vector<16xi32>], vector<16xf32>,
          %gather3A_1153 = tpu.memref_slice %arg5[%mul3A_173] : memref<32000xf32, #tpu.memory_space<vmem>> -> memref<1000xf32, #tpu.memory_space<vmem>>
          %gather3A_1154 = tpu.vector_load_idx %gather3A_1153[%get3A_1123] : memref<1000xf32, #tpu.memory_space<vmem>>[vector<16xi32>], vector<16xf32>,
          %gather3A_1155 = tpu.memref_slice %arg5[%mul3A_173] : memref<32000xf32, #tpu.memory_space<vmem>> -> memref<1000xf32, #tpu.memory_space<vmem>>
          %gather3A_1156 = tpu.vector_load_idx %gather3A_1155[%get3A_1128] : memref<1000xf32, #tpu.memory_space<vmem>>[vector<16xi32>], vector<16xf32>,
          %gather3A_1157 = tpu.memref_slice %arg5[%mul3A_173] : memref<32000xf32, #tpu.memory_space<vmem>> -> memref<1000xf32, #tpu.memory_space<vmem>>
          %gather3A_1158 = tpu.vector_load_idx %gather3A_1157[%get3A_1133] : memref<1000xf32, #tpu.memory_space<vmem>>[vector<16xi32>], vector<16xf32>,
          %gather3A_1159 = tpu.memref_slice %arg5[%mul3A_173] : memref<32000xf32, #tpu.memory_space<vmem>> -> memref<1000xf32, #tpu.memory_space<vmem>>
          %gather3A_1160 = tpu.vector_load_idx %gather3A_1159[%get3A_1138] : memref<1000xf32, #tpu.memory_space<vmem>>[vector<16xi32>], vector<16xf32>,
          %gather3A_1161 = tpu.memref_slice %arg5[%mul3A_173] : memref<32000xf32, #tpu.memory_space<vmem>> -> memref<1000xf32, #tpu.memory_space<vmem>>
          %gather3A_1162 = tpu.vector_load_idx %gather3A_1161[%get3A_1143] : memref<1000xf32, #tpu.memory_space<vmem>>[vector<16xi32>], vector<16xf32>,
          %gather3A_1163 = tpu.memref_slice %arg5[%mul3A_173] : memref<32000xf32, #tpu.memory_space<vmem>> -> memref<1000xf32, #tpu.memory_space<vmem>>
          %gather3A_1164 = tpu.vector_load_idx %gather3A_1163[%get3A_1148] : memref<1000xf32, #tpu.memory_space<vmem>>[vector<16xi32>], vector<16xf32>,
          %gather3A_1165 = tpu.memref_slice %arg5[%mul3A_180] : memref<32000xf32, #tpu.memory_space<vmem>> -> memref<1000xf32, #tpu.memory_space<vmem>>
          %gather3A_1166 = tpu.vector_load_idx %gather3A_1165[%get3A_1113] : memref<1000xf32, #tpu.memory_space<vmem>>[vector<16xi32>], vector<16xf32>,
          %swap3A_1167 = arith.index_cast %and3A_166 : i32 to index
          %swap3A_1168 = arith.index_cast %scan3A_1106 : i32 to index
          %swap3A_1169 = arith.constant 0 : index
          %swap3A_1170 = tpu.vector_load %arg7[%swap3A_1167, %swap3A_1168, %swap3A_1169] {strides = array<i32>} : memref<2x32x1024xf32, #tpu.memory_space<vmem>>, vector<16xf32>,
          tpu.vector_store %arg7[%swap3A_1167, %swap3A_1168, %swap3A_1169], %gather3A_1150 {strides = array<i32>} : memref<2x32x1024xf32, #tpu.memory_space<vmem>>, vector<16xf32>,
          %gather3A_1171 = tpu.memref_slice %arg5[%mul3A_180] : memref<32000xf32, #tpu.memory_space<vmem>> -> memref<1000xf32, #tpu.memory_space<vmem>>
          %gather3A_1172 = tpu.vector_load_idx %gather3A_1171[%get3A_1118] : memref<1000xf32, #tpu.memory_space<vmem>>[vector<16xi32>], vector<16xf32>,
          %swap3A_1173 = arith.index_cast %and3A_166 : i32 to index
          %swap3A_1174 = arith.index_cast %scan3A_1106 : i32 to index
          %swap3A_1175 = arith.constant 16 : index
          %swap3A_1176 = tpu.vector_load %arg7[%swap3A_1173, %swap3A_1174, %swap3A_1175] {strides = array<i32>} : memref<2x32x1024xf32, #tpu.memory_space<vmem>>, vector<16xf32>,
          tpu.vector_store %arg7[%swap3A_1173, %swap3A_1174, %swap3A_1175], %gather3A_1152 {strides = array<i32>} : memref<2x32x1024xf32, #tpu.memory_space<vmem>>, vector<16xf32>,
          %gather3A_1177 = tpu.memref_slice %arg5[%mul3A_180] : memref<32000xf32, #tpu.memory_space<vmem>> -> memref<1000xf32, #tpu.memory_space<vmem>>
          %gather3A_1178 = tpu.vector_load_idx %gather3A_1177[%get3A_1123] : memref<1000xf32, #tpu.memory_space<vmem>>[vector<16xi32>], vector<16xf32>,
          %swap3A_1179 = arith.index_cast %and3A_166 : i32 to index
          %swap3A_1180 = arith.index_cast %scan3A_1106 : i32 to index
          %swap3A_1181 = arith.constant 32 : index
          %swap3A_1182 = tpu.vector_load %arg7[%swap3A_1179, %swap3A_1180, %swap3A_1181] {strides = array<i32>} : memref<2x32x1024xf32, #tpu.memory_space<vmem>>, vector<16xf32>,
          tpu.vector_store %arg7[%swap3A_1179, %swap3A_1180, %swap3A_1181], %gather3A_1154 {strides = array<i32>} : memref<2x32x1024xf32, #tpu.memory_space<vmem>>, vector<16xf32>,
          %gather3A_1183 = tpu.memref_slice %arg5[%mul3A_180] : memref<32000xf32, #tpu.memory_space<vmem>> -> memref<1000xf32, #tpu.memory_space<vmem>>
          %gather3A_1184 = tpu.vector_load_idx %gather3A_1183[%get3A_1128] : memref<1000xf32, #tpu.memory_space<vmem>>[vector<16xi32>], vector<16xf32>,
          %swap3A_1185 = arith.index_cast %and3A_166 : i32 to index
          %swap3A_1186 = arith.index_cast %scan3A_1106 : i32 to index
          %swap3A_1187 = arith.constant 48 : index
          %swap3A_1188 = tpu.vector_load %arg7[%swap3A_1185, %swap3A_1186, %swap3A_1187] {strides = array<i32>} : memref<2x32x1024xf32, #tpu.memory_space<vmem>>, vector<16xf32>,
          tpu.vector_store %arg7[%swap3A_1185, %swap3A_1186, %swap3A_1187], %gather3A_1156 {strides = array<i32>} : memref<2x32x1024xf32, #tpu.memory_space<vmem>>, vector<16xf32>,
          %gather3A_1189 = tpu.memref_slice %arg5[%mul3A_180] : memref<32000xf32, #tpu.memory_space<vmem>> -> memref<1000xf32, #tpu.memory_space<vmem>>
          %gather3A_1190 = tpu.vector_load_idx %gather3A_1189[%get3A_1133] : memref<1000xf32, #tpu.memory_space<vmem>>[vector<16xi32>], vector<16xf32>,
          %swap3A_1191 = arith.index_cast %and3A_166 : i32 to index
          %swap3A_1192 = arith.index_cast %scan3A_1106 : i32 to index
          %swap3A_1193 = arith.constant 64 : index
          %swap3A_1194 = tpu.vector_load %arg7[%swap3A_1191, %swap3A_1192, %swap3A_1193] {strides = array<i32>} : memref<2x32x1024xf32, #tpu.memory_space<vmem>>, vector<16xf32>,
          tpu.vector_store %arg7[%swap3A_1191, %swap3A_1192, %swap3A_1193], %gather3A_1158 {strides = array<i32>} : memref<2x32x1024xf32, #tpu.memory_space<vmem>>, vector<16xf32>,
          %gather3A_1195 = tpu.memref_slice %arg5[%mul3A_180] : memref<32000xf32, #tpu.memory_space<vmem>> -> memref<1000xf32, #tpu.memory_space<vmem>>
          %gather3A_1196 = tpu.vector_load_idx %gather3A_1195[%get3A_1138] : memref<1000xf32, #tpu.memory_space<vmem>>[vector<16xi32>], vector<16xf32>,
          %swap3A_1197 = arith.index_cast %and3A_166 : i32 to index
          %swap3A_1198 = arith.index_cast %scan3A_1106 : i32 to index
          %swap3A_1199 = arith.constant 80 : index
          %swap3A_1200 = tpu.vector_load %arg7[%swap3A_1197, %swap3A_1198, %swap3A_1199] {strides = array<i32>} : memref<2x32x1024xf32, #tpu.memory_space<vmem>>, vector<16xf32>,
          tpu.vector_store %arg7[%swap3A_1197, %swap3A_1198, %swap3A_1199], %gather3A_1160 {strides = array<i32>} : memref<2x32x1024xf32, #tpu.memory_space<vmem>>, vector<16xf32>,
          %gather3A_1201 = tpu.memref_slice %arg5[%mul3A_180] : memref<32000xf32, #tpu.memory_space<vmem>> -> memref<1000xf32, #tpu.memory_space<vmem>>
          %gather3A_1202 = tpu.vector_load_idx %gather3A_1201[%get3A_1143] : memref<1000xf32, #tpu.memory_space<vmem>>[vector<16xi32>], vector<16xf32>,
          %swap3A_1203 = arith.index_cast %and3A_166 : i32 to index
          %swap3A_1204 = arith.index_cast %scan3A_1106 : i32 to index
          %swap3A_1205 = arith.constant 96 : index
          %swap3A_1206 = tpu.vector_load %arg7[%swap3A_1203, %swap3A_1204, %swap3A_1205] {strides = array<i32>} : memref<2x32x1024xf32, #tpu.memory_space<vmem>>, vector<16xf32>,
          tpu.vector_store %arg7[%swap3A_1203, %swap3A_1204, %swap3A_1205], %gather3A_1162 {strides = array<i32>} : memref<2x32x1024xf32, #tpu.memory_space<vmem>>, vector<16xf32>,
          %gather3A_1207 = tpu.memref_slice %arg5[%mul3A_180] : memref<32000xf32, #tpu.memory_space<vmem>> -> memref<1000xf32, #tpu.memory_space<vmem>>
          %gather3A_1208 = tpu.vector_load_idx %gather3A_1207[%get3A_1148] : memref<1000xf32, #tpu.memory_space<vmem>>[vector<16xi32>], vector<16xf32>,
          %swap3A_1209 = arith.index_cast %and3A_166 : i32 to index
          %swap3A_1210 = arith.index_cast %scan3A_1106 : i32 to index
          %swap3A_1211 = arith.constant 112 : index
          %swap3A_1212 = tpu.vector_load %arg7[%swap3A_1209, %swap3A_1210, %swap3A_1211] {strides = array<i32>} : memref<2x32x1024xf32, #tpu.memory_space<vmem>>, vector<16xf32>,
          tpu.vector_store %arg7[%swap3A_1209, %swap3A_1210, %swap3A_1211], %gather3A_1164 {strides = array<i32>} : memref<2x32x1024xf32, #tpu.memory_space<vmem>>, vector<16xf32>,
          %gather3A_1213 = tpu.memref_slice %arg5[%mul3A_187] : memref<32000xf32, #tpu.memory_space<vmem>> -> memref<1000xf32, #tpu.memory_space<vmem>>
          %gather3A_1214 = tpu.vector_load_idx %gather3A_1213[%get3A_1113] : memref<1000xf32, #tpu.memory_space<vmem>>[vector<16xi32>], vector<16xf32>,
          %swap3A_1215 = arith.index_cast %and3A_166 : i32 to index
          %swap3A_1216 = arith.index_cast %scan3A_1106 : i32 to index
          %swap3A_1217 = arith.constant 128 : index
          %swap3A_1218 = tpu.vector_load %arg7[%swap3A_1215, %swap3A_1216, %swap3A_1217] {strides = array<i32>} : memref<2x32x1024xf32, #tpu.memory_space<vmem>>, vector<16xf32>,
          tpu.vector_store %arg7[%swap3A_1215, %swap3A_1216, %swap3A_1217], %gather3A_1166 {strides = array<i32>} : memref<2x32x1024xf32, #tpu.memory_space<vmem>>, vector<16xf32>,
          %gather3A_1219 = tpu.memref_slice %arg5[%mul3A_187] : memref<32000xf32, #tpu.memory_space<vmem>> -> memref<1000xf32, #tpu.memory_space<vmem>>
          %gather3A_1220 = tpu.vector_load_idx %gather3A_1219[%get3A_1118] : memref<1000xf32, #tpu.memory_space<vmem>>[vector<16xi32>], vector<16xf32>,
          %swap3A_1221 = arith.index_cast %and3A_166 : i32 to index
          %swap3A_1222 = arith.index_cast %scan3A_1106 : i32 to index
          %swap3A_1223 = arith.constant 144 : index
          %swap3A_1224 = tpu.vector_load %arg7[%swap3A_1221, %swap3A_1222, %swap3A_1223] {strides = array<i32>} : memref<2x32x1024xf32, #tpu.memory_space<vmem>>, vector<16xf32>,
          tpu.vector_store %arg7[%swap3A_1221, %swap3A_1222, %swap3A_1223], %gather3A_1172 {strides = array<i32>} : memref<2x32x1024xf32, #tpu.memory_space<vmem>>, vector<16xf32>,
          %gather3A_1225 = tpu.memref_slice %arg5[%mul3A_187] : memref<32000xf32, #tpu.memory_space<vmem>> -> memref<1000xf32, #tpu.memory_space<vmem>>
          %gather3A_1226 = tpu.vector_load_idx %gather3A_1225[%get3A_1123] : memref<1000xf32, #tpu.memory_space<vmem>>[vector<16xi32>], vector<16xf32>,
          %swap3A_1227 = arith.index_cast %and3A_166 : i32 to index
          %swap3A_1228 = arith.index_cast %scan3A_1106 : i32 to index
          %swap3A_1229 = arith.constant 160 : index
          %swap3A_1230 = tpu.vector_load %arg7[%swap3A_1227, %swap3A_1228, %swap3A_1229] {strides = array<i32>} : memref<2x32x1024xf32, #tpu.memory_space<vmem>>, vector<16xf32>,
          tpu.vector_store %arg7[%swap3A_1227, %swap3A_1228, %swap3A_1229], %gather3A_1178 {strides = array<i32>} : memref<2x32x1024xf32, #tpu.memory_space<vmem>>, vector<16xf32>,
          %gather3A_1231 = tpu.memref_slice %arg5[%mul3A_187] : memref<32000xf32, #tpu.memory_space<vmem>> -> memref<1000xf32, #tpu.memory_space<vmem>>
          %gather3A_1232 = tpu.vector_load_idx %gather3A_1231[%get3A_1128] : memref<1000xf32, #tpu.memory_space<vmem>>[vector<16xi32>], vector<16xf32>,
          %swap3A_1233 = arith.index_cast %and3A_166 : i32 to index
          %swap3A_1234 = arith.index_cast %scan3A_1106 : i32 to index
          %swap3A_1235 = arith.constant 176 : index
          %swap3A_1236 = tpu.vector_load %arg7[%swap3A_1233, %swap3A_1234, %swap3A_1235] {strides = array<i32>} : memref<2x32x1024xf32, #tpu.memory_space<vmem>>, vector<16xf32>,
          tpu.vector_store %arg7[%swap3A_1233, %swap3A_1234, %swap3A_1235], %gather3A_1184 {strides = array<i32>} : memref<2x32x1024xf32, #tpu.memory_space<vmem>>, vector<16xf32>,
          %gather3A_1237 = tpu.memref_slice %arg5[%mul3A_187] : memref<32000xf32, #tpu.memory_space<vmem>> -> memref<1000xf32, #tpu.memory_space<vmem>>
          %gather3A_1238 = tpu.vector_load_idx %gather3A_1237[%get3A_1133] : memref<1000xf32, #tpu.memory_space<vmem>>[vector<16xi32>], vector<16xf32>,
          %swap3A_1239 = arith.index_cast %and3A_166 : i32 to index
          %swap3A_1240 = arith.index_cast %scan3A_1106 : i32 to index
          %swap3A_1241 = arith.constant 192 : index
          %swap3A_1242 = tpu.vector_load %arg7[%swap3A_1239, %swap3A_1240, %swap3A_1241] {strides = array<i32>} : memref<2x32x1024xf32, #tpu.memory_space<vmem>>, vector<16xf32>,
          tpu.vector_store %arg7[%swap3A_1239, %swap3A_1240, %swap3A_1241], %gather3A_1190 {strides = array<i32>} : memref<2x32x1024xf32, #tpu.memory_space<vmem>>, vector<16xf32>,
          %gather3A_1243 = tpu.memref_slice %arg5[%mul3A_187] : memref<32000xf32, #tpu.memory_space<vmem>> -> memref<1000xf32, #tpu.memory_space<vmem>>
          %gather3A_1244 = tpu.vector_load_idx %gather3A_1243[%get3A_1138] : memref<1000xf32, #tpu.memory_space<vmem>>[vector<16xi32>], vector<16xf32>,
          %swap3A_1245 = arith.index_cast %and3A_166 : i32 to index
          %swap3A_1246 = arith.index_cast %scan3A_1106 : i32 to index
          %swap3A_1247 = arith.constant 208 : index
          %swap3A_1248 = tpu.vector_load %arg7[%swap3A_1245, %swap3A_1246, %swap3A_1247] {strides = array<i32>} : memref<2x32x1024xf32, #tpu.memory_space<vmem>>, vector<16xf32>,
          tpu.vector_store %arg7[%swap3A_1245, %swap3A_1246, %swap3A_1247], %gather3A_1196 {strides = array<i32>} : memref<2x32x1024xf32, #tpu.memory_space<vmem>>, vector<16xf32>,
          %gather3A_1249 = tpu.memref_slice %arg5[%mul3A_187] : memref<32000xf32, #tpu.memory_space<vmem>> -> memref<1000xf32, #tpu.memory_space<vmem>>
          %gather3A_1250 = tpu.vector_load_idx %gather3A_1249[%get3A_1143] : memref<1000xf32, #tpu.memory_space<vmem>>[vector<16xi32>], vector<16xf32>,
          %swap3A_1251 = arith.index_cast %and3A_166 : i32 to index
          %swap3A_1252 = arith.index_cast %scan3A_1106 : i32 to index
          %swap3A_1253 = arith.constant 224 : index
          %swap3A_1254 = tpu.vector_load %arg7[%swap3A_1251, %swap3A_1252, %swap3A_1253] {strides = array<i32>} : memref<2x32x1024xf32, #tpu.memory_space<vmem>>, vector<16xf32>,
          tpu.vector_store %arg7[%swap3A_1251, %swap3A_1252, %swap3A_1253], %gather3A_1202 {strides = array<i32>} : memref<2x32x1024xf32, #tpu.memory_space<vmem>>, vector<16xf32>,
          %gather3A_1255 = tpu.memref_slice %arg5[%mul3A_187] : memref<32000xf32, #tpu.memory_space<vmem>> -> memref<1000xf32, #tpu.memory_space<vmem>>
          %gather3A_1256 = tpu.vector_load_idx %gather3A_1255[%get3A_1148] : memref<1000xf32, #tpu.memory_space<vmem>>[vector<16xi32>], vector<16xf32>,
          %swap3A_1257 = arith.index_cast %and3A_166 : i32 to index
          %swap3A_1258 = arith.index_cast %scan3A_1106 : i32 to index
          %swap3A_1259 = arith.constant 240 : index
          %swap3A_1260 = tpu.vector_load %arg7[%swap3A_1257, %swap3A_1258, %swap3A_1259] {strides = array<i32>} : memref<2x32x1024xf32, #tpu.memory_space<vmem>>, vector<16xf32>,
          tpu.vector_store %arg7[%swap3A_1257, %swap3A_1258, %swap3A_1259], %gather3A_1208 {strides = array<i32>} : memref<2x32x1024xf32, #tpu.memory_space<vmem>>, vector<16xf32>,
          %gather3A_1261 = tpu.memref_slice %arg5[%mul3A_194] : memref<32000xf32, #tpu.memory_space<vmem>> -> memref<1000xf32, #tpu.memory_space<vmem>>
          %gather3A_1262 = tpu.vector_load_idx %gather3A_1261[%get3A_1113] : memref<1000xf32, #tpu.memory_space<vmem>>[vector<16xi32>], vector<16xf32>,
          %swap3A_1263 = arith.index_cast %and3A_166 : i32 to index
          %swap3A_1264 = arith.index_cast %scan3A_1106 : i32 to index
          %swap3A_1265 = arith.constant 256 : index
          %swap3A_1266 = tpu.vector_load %arg7[%swap3A_1263, %swap3A_1264, %swap3A_1265] {strides = array<i32>} : memref<2x32x1024xf32, #tpu.memory_space<vmem>>, vector<16xf32>,
          tpu.vector_store %arg7[%swap3A_1263, %swap3A_1264, %swap3A_1265], %gather3A_1214 {strides = array<i32>} : memref<2x32x1024xf32, #tpu.memory_space<vmem>>, vector<16xf32>,
          %gather3A_1267 = tpu.memref_slice %arg5[%mul3A_194] : memref<32000xf32, #tpu.memory_space<vmem>> -> memref<1000xf32, #tpu.memory_space<vmem>>
          %gather3A_1268 = tpu.vector_load_idx %gather3A_1267[%get3A_1118] : memref<1000xf32, #tpu.memory_space<vmem>>[vector<16xi32>], vector<16xf32>,
          %swap3A_1269 = arith.index_cast %and3A_166 : i32 to index
          %swap3A_1270 = arith.index_cast %scan3A_1106 : i32 to index
          %swap3A_1271 = arith.constant 272 : index
          %swap3A_1272 = tpu.vector_load %arg7[%swap3A_1269, %swap3A_1270, %swap3A_1271] {strides = array<i32>} : memref<2x32x1024xf32, #tpu.memory_space<vmem>>, vector<16xf32>,
          tpu.vector_store %arg7[%swap3A_1269, %swap3A_1270, %swap3A_1271], %gather3A_1220 {strides = array<i32>} : memref<2x32x1024xf32, #tpu.memory_space<vmem>>, vector<16xf32>,
          %gather3A_1273 = tpu.memref_slice %arg5[%mul3A_194] : memref<32000xf32, #tpu.memory_space<vmem>> -> memref<1000xf32, #tpu.memory_space<vmem>>
          %gather3A_1274 = tpu.vector_load_idx %gather3A_1273[%get3A_1123] : memref<1000xf32, #tpu.memory_space<vmem>>[vector<16xi32>], vector<16xf32>,
          %swap3A_1275 = arith.index_cast %and3A_166 : i32 to index
          %swap3A_1276 = arith.index_cast %scan3A_1106 : i32 to index
          %swap3A_1277 = arith.constant 288 : index
          %swap3A_1278 = tpu.vector_load %arg7[%swap3A_1275, %swap3A_1276, %swap3A_1277] {strides = array<i32>} : memref<2x32x1024xf32, #tpu.memory_space<vmem>>, vector<16xf32>,
          tpu.vector_store %arg7[%swap3A_1275, %swap3A_1276, %swap3A_1277], %gather3A_1226 {strides = array<i32>} : memref<2x32x1024xf32, #tpu.memory_space<vmem>>, vector<16xf32>,
          %gather3A_1279 = tpu.memref_slice %arg5[%mul3A_194] : memref<32000xf32, #tpu.memory_space<vmem>> -> memref<1000xf32, #tpu.memory_space<vmem>>
          %gather3A_1280 = tpu.vector_load_idx %gather3A_1279[%get3A_1128] : memref<1000xf32, #tpu.memory_space<vmem>>[vector<16xi32>], vector<16xf32>,
          %swap3A_1281 = arith.index_cast %and3A_166 : i32 to index
          %swap3A_1282 = arith.index_cast %scan3A_1106 : i32 to index
          %swap3A_1283 = arith.constant 304 : index
          %swap3A_1284 = tpu.vector_load %arg7[%swap3A_1281, %swap3A_1282, %swap3A_1283] {strides = array<i32>} : memref<2x32x1024xf32, #tpu.memory_space<vmem>>, vector<16xf32>,
          tpu.vector_store %arg7[%swap3A_1281, %swap3A_1282, %swap3A_1283], %gather3A_1232 {strides = array<i32>} : memref<2x32x1024xf32, #tpu.memory_space<vmem>>, vector<16xf32>,
          %gather3A_1285 = tpu.memref_slice %arg5[%mul3A_194] : memref<32000xf32, #tpu.memory_space<vmem>> -> memref<1000xf32, #tpu.memory_space<vmem>>
          %gather3A_1286 = tpu.vector_load_idx %gather3A_1285[%get3A_1133] : memref<1000xf32, #tpu.memory_space<vmem>>[vector<16xi32>], vector<16xf32>,
          %swap3A_1287 = arith.index_cast %and3A_166 : i32 to index
          %swap3A_1288 = arith.index_cast %scan3A_1106 : i32 to index
          %swap3A_1289 = arith.constant 320 : index
          %swap3A_1290 = tpu.vector_load %arg7[%swap3A_1287, %swap3A_1288, %swap3A_1289] {strides = array<i32>} : memref<2x32x1024xf32, #tpu.memory_space<vmem>>, vector<16xf32>,
          tpu.vector_store %arg7[%swap3A_1287, %swap3A_1288, %swap3A_1289], %gather3A_1238 {strides = array<i32>} : memref<2x32x1024xf32, #tpu.memory_space<vmem>>, vector<16xf32>,
          %gather3A_1291 = tpu.memref_slice %arg5[%mul3A_194] : memref<32000xf32, #tpu.memory_space<vmem>> -> memref<1000xf32, #tpu.memory_space<vmem>>
          %gather3A_1292 = tpu.vector_load_idx %gather3A_1291[%get3A_1138] : memref<1000xf32, #tpu.memory_space<vmem>>[vector<16xi32>], vector<16xf32>,
          %swap3A_1293 = arith.index_cast %and3A_166 : i32 to index
          %swap3A_1294 = arith.index_cast %scan3A_1106 : i32 to index
          %swap3A_1295 = arith.constant 336 : index
          %swap3A_1296 = tpu.vector_load %arg7[%swap3A_1293, %swap3A_1294, %swap3A_1295] {strides = array<i32>} : memref<2x32x1024xf32, #tpu.memory_space<vmem>>, vector<16xf32>,
          tpu.vector_store %arg7[%swap3A_1293, %swap3A_1294, %swap3A_1295], %gather3A_1244 {strides = array<i32>} : memref<2x32x1024xf32, #tpu.memory_space<vmem>>, vector<16xf32>,
          %gather3A_1297 = tpu.memref_slice %arg5[%mul3A_194] : memref<32000xf32, #tpu.memory_space<vmem>> -> memref<1000xf32, #tpu.memory_space<vmem>>
          %gather3A_1298 = tpu.vector_load_idx %gather3A_1297[%get3A_1143] : memref<1000xf32, #tpu.memory_space<vmem>>[vector<16xi32>], vector<16xf32>,
          %swap3A_1299 = arith.index_cast %and3A_166 : i32 to index
          %swap3A_1300 = arith.index_cast %scan3A_1106 : i32 to index
          %swap3A_1301 = arith.constant 352 : index
          %swap3A_1302 = tpu.vector_load %arg7[%swap3A_1299, %swap3A_1300, %swap3A_1301] {strides = array<i32>} : memref<2x32x1024xf32, #tpu.memory_space<vmem>>, vector<16xf32>,
          tpu.vector_store %arg7[%swap3A_1299, %swap3A_1300, %swap3A_1301], %gather3A_1250 {strides = array<i32>} : memref<2x32x1024xf32, #tpu.memory_space<vmem>>, vector<16xf32>,
          %gather3A_1303 = tpu.memref_slice %arg5[%mul3A_194] : memref<32000xf32, #tpu.memory_space<vmem>> -> memref<1000xf32, #tpu.memory_space<vmem>>
          %gather3A_1304 = tpu.vector_load_idx %gather3A_1303[%get3A_1148] : memref<1000xf32, #tpu.memory_space<vmem>>[vector<16xi32>], vector<16xf32>,
          %swap3A_1305 = arith.index_cast %and3A_166 : i32 to index
          %swap3A_1306 = arith.index_cast %scan3A_1106 : i32 to index
          %swap3A_1307 = arith.constant 368 : index
          %swap3A_1308 = tpu.vector_load %arg7[%swap3A_1305, %swap3A_1306, %swap3A_1307] {strides = array<i32>} : memref<2x32x1024xf32, #tpu.memory_space<vmem>>, vector<16xf32>,
          tpu.vector_store %arg7[%swap3A_1305, %swap3A_1306, %swap3A_1307], %gather3A_1256 {strides = array<i32>} : memref<2x32x1024xf32, #tpu.memory_space<vmem>>, vector<16xf32>,
          %gather3A_1309 = tpu.memref_slice %arg5[%mul3A_201] : memref<32000xf32, #tpu.memory_space<vmem>> -> memref<1000xf32, #tpu.memory_space<vmem>>
          %gather3A_1310 = tpu.vector_load_idx %gather3A_1309[%get3A_1113] : memref<1000xf32, #tpu.memory_space<vmem>>[vector<16xi32>], vector<16xf32>,
          %swap3A_1311 = arith.index_cast %and3A_166 : i32 to index
          %swap3A_1312 = arith.index_cast %scan3A_1106 : i32 to index
          %swap3A_1313 = arith.constant 384 : index
          %swap3A_1314 = tpu.vector_load %arg7[%swap3A_1311, %swap3A_1312, %swap3A_1313] {strides = array<i32>} : memref<2x32x1024xf32, #tpu.memory_space<vmem>>, vector<16xf32>,
          tpu.vector_store %arg7[%swap3A_1311, %swap3A_1312, %swap3A_1313], %gather3A_1262 {strides = array<i32>} : memref<2x32x1024xf32, #tpu.memory_space<vmem>>, vector<16xf32>,
          %gather3A_1315 = tpu.memref_slice %arg5[%mul3A_201] : memref<32000xf32, #tpu.memory_space<vmem>> -> memref<1000xf32, #tpu.memory_space<vmem>>
          %gather3A_1316 = tpu.vector_load_idx %gather3A_1315[%get3A_1118] : memref<1000xf32, #tpu.memory_space<vmem>>[vector<16xi32>], vector<16xf32>,
          %swap3A_1317 = arith.index_cast %and3A_166 : i32 to index
          %swap3A_1318 = arith.index_cast %scan3A_1106 : i32 to index
          %swap3A_1319 = arith.constant 400 : index
          %swap3A_1320 = tpu.vector_load %arg7[%swap3A_1317, %swap3A_1318, %swap3A_1319] {strides = array<i32>} : memref<2x32x1024xf32, #tpu.memory_space<vmem>>, vector<16xf32>,
          tpu.vector_store %arg7[%swap3A_1317, %swap3A_1318, %swap3A_1319], %gather3A_1268 {strides = array<i32>} : memref<2x32x1024xf32, #tpu.memory_space<vmem>>, vector<16xf32>,
          %gather3A_1321 = tpu.memref_slice %arg5[%mul3A_201] : memref<32000xf32, #tpu.memory_space<vmem>> -> memref<1000xf32, #tpu.memory_space<vmem>>
          %gather3A_1322 = tpu.vector_load_idx %gather3A_1321[%get3A_1123] : memref<1000xf32, #tpu.memory_space<vmem>>[vector<16xi32>], vector<16xf32>,
          %swap3A_1323 = arith.index_cast %and3A_166 : i32 to index
          %swap3A_1324 = arith.index_cast %scan3A_1106 : i32 to index
          %swap3A_1325 = arith.constant 416 : index
          %swap3A_1326 = tpu.vector_load %arg7[%swap3A_1323, %swap3A_1324, %swap3A_1325] {strides = array<i32>} : memref<2x32x1024xf32, #tpu.memory_space<vmem>>, vector<16xf32>,
          tpu.vector_store %arg7[%swap3A_1323, %swap3A_1324, %swap3A_1325], %gather3A_1274 {strides = array<i32>} : memref<2x32x1024xf32, #tpu.memory_space<vmem>>, vector<16xf32>,
          %gather3A_1327 = tpu.memref_slice %arg5[%mul3A_201] : memref<32000xf32, #tpu.memory_space<vmem>> -> memref<1000xf32, #tpu.memory_space<vmem>>
          %gather3A_1328 = tpu.vector_load_idx %gather3A_1327[%get3A_1128] : memref<1000xf32, #tpu.memory_space<vmem>>[vector<16xi32>], vector<16xf32>,
          %swap3A_1329 = arith.index_cast %and3A_166 : i32 to index
          %swap3A_1330 = arith.index_cast %scan3A_1106 : i32 to index
          %swap3A_1331 = arith.constant 432 : index
          %swap3A_1332 = tpu.vector_load %arg7[%swap3A_1329, %swap3A_1330, %swap3A_1331] {strides = array<i32>} : memref<2x32x1024xf32, #tpu.memory_space<vmem>>, vector<16xf32>,
          tpu.vector_store %arg7[%swap3A_1329, %swap3A_1330, %swap3A_1331], %gather3A_1280 {strides = array<i32>} : memref<2x32x1024xf32, #tpu.memory_space<vmem>>, vector<16xf32>,
          %gather3A_1333 = tpu.memref_slice %arg5[%mul3A_201] : memref<32000xf32, #tpu.memory_space<vmem>> -> memref<1000xf32, #tpu.memory_space<vmem>>
          %gather3A_1334 = tpu.vector_load_idx %gather3A_1333[%get3A_1133] : memref<1000xf32, #tpu.memory_space<vmem>>[vector<16xi32>], vector<16xf32>,
          %swap3A_1335 = arith.index_cast %and3A_166 : i32 to index
          %swap3A_1336 = arith.index_cast %scan3A_1106 : i32 to index
          %swap3A_1337 = arith.constant 448 : index
          %swap3A_1338 = tpu.vector_load %arg7[%swap3A_1335, %swap3A_1336, %swap3A_1337] {strides = array<i32>} : memref<2x32x1024xf32, #tpu.memory_space<vmem>>, vector<16xf32>,
          tpu.vector_store %arg7[%swap3A_1335, %swap3A_1336, %swap3A_1337], %gather3A_1286 {strides = array<i32>} : memref<2x32x1024xf32, #tpu.memory_space<vmem>>, vector<16xf32>,
          %gather3A_1339 = tpu.memref_slice %arg5[%mul3A_201] : memref<32000xf32, #tpu.memory_space<vmem>> -> memref<1000xf32, #tpu.memory_space<vmem>>
          %gather3A_1340 = tpu.vector_load_idx %gather3A_1339[%get3A_1138] : memref<1000xf32, #tpu.memory_space<vmem>>[vector<16xi32>], vector<16xf32>,
          %swap3A_1341 = arith.index_cast %and3A_166 : i32 to index
          %swap3A_1342 = arith.index_cast %scan3A_1106 : i32 to index
          %swap3A_1343 = arith.constant 464 : index
          %swap3A_1344 = tpu.vector_load %arg7[%swap3A_1341, %swap3A_1342, %swap3A_1343] {strides = array<i32>} : memref<2x32x1024xf32, #tpu.memory_space<vmem>>, vector<16xf32>,
          tpu.vector_store %arg7[%swap3A_1341, %swap3A_1342, %swap3A_1343], %gather3A_1292 {strides = array<i32>} : memref<2x32x1024xf32, #tpu.memory_space<vmem>>, vector<16xf32>,
          %gather3A_1345 = tpu.memref_slice %arg5[%mul3A_201] : memref<32000xf32, #tpu.memory_space<vmem>> -> memref<1000xf32, #tpu.memory_space<vmem>>
          %gather3A_1346 = tpu.vector_load_idx %gather3A_1345[%get3A_1143] : memref<1000xf32, #tpu.memory_space<vmem>>[vector<16xi32>], vector<16xf32>,
          %swap3A_1347 = arith.index_cast %and3A_166 : i32 to index
          %swap3A_1348 = arith.index_cast %scan3A_1106 : i32 to index
          %swap3A_1349 = arith.constant 480 : index
          %swap3A_1350 = tpu.vector_load %arg7[%swap3A_1347, %swap3A_1348, %swap3A_1349] {strides = array<i32>} : memref<2x32x1024xf32, #tpu.memory_space<vmem>>, vector<16xf32>,
          tpu.vector_store %arg7[%swap3A_1347, %swap3A_1348, %swap3A_1349], %gather3A_1298 {strides = array<i32>} : memref<2x32x1024xf32, #tpu.memory_space<vmem>>, vector<16xf32>,
          %gather3A_1351 = tpu.memref_slice %arg5[%mul3A_201] : memref<32000xf32, #tpu.memory_space<vmem>> -> memref<1000xf32, #tpu.memory_space<vmem>>
          %gather3A_1352 = tpu.vector_load_idx %gather3A_1351[%get3A_1148] : memref<1000xf32, #tpu.memory_space<vmem>>[vector<16xi32>], vector<16xf32>,
          %swap3A_1353 = arith.index_cast %and3A_166 : i32 to index
          %swap3A_1354 = arith.index_cast %scan3A_1106 : i32 to index
          %swap3A_1355 = arith.constant 496 : index
          %swap3A_1356 = tpu.vector_load %arg7[%swap3A_1353, %swap3A_1354, %swap3A_1355] {strides = array<i32>} : memref<2x32x1024xf32, #tpu.memory_space<vmem>>, vector<16xf32>,
          tpu.vector_store %arg7[%swap3A_1353, %swap3A_1354, %swap3A_1355], %gather3A_1304 {strides = array<i32>} : memref<2x32x1024xf32, #tpu.memory_space<vmem>>, vector<16xf32>,
          %gather3A_1357 = tpu.memref_slice %arg5[%mul3A_208] : memref<32000xf32, #tpu.memory_space<vmem>> -> memref<1000xf32, #tpu.memory_space<vmem>>
          %gather3A_1358 = tpu.vector_load_idx %gather3A_1357[%get3A_1113] : memref<1000xf32, #tpu.memory_space<vmem>>[vector<16xi32>], vector<16xf32>,
          %swap3A_1359 = arith.index_cast %and3A_166 : i32 to index
          %swap3A_1360 = arith.index_cast %scan3A_1106 : i32 to index
          %swap3A_1361 = arith.constant 512 : index
          %swap3A_1362 = tpu.vector_load %arg7[%swap3A_1359, %swap3A_1360, %swap3A_1361] {strides = array<i32>} : memref<2x32x1024xf32, #tpu.memory_space<vmem>>, vector<16xf32>,
          tpu.vector_store %arg7[%swap3A_1359, %swap3A_1360, %swap3A_1361], %gather3A_1310 {strides = array<i32>} : memref<2x32x1024xf32, #tpu.memory_space<vmem>>, vector<16xf32>,
          %gather3A_1363 = tpu.memref_slice %arg5[%mul3A_208] : memref<32000xf32, #tpu.memory_space<vmem>> -> memref<1000xf32, #tpu.memory_space<vmem>>
          %gather3A_1364 = tpu.vector_load_idx %gather3A_1363[%get3A_1118] : memref<1000xf32, #tpu.memory_space<vmem>>[vector<16xi32>], vector<16xf32>,
          %swap3A_1365 = arith.index_cast %and3A_166 : i32 to index
          %swap3A_1366 = arith.index_cast %scan3A_1106 : i32 to index
          %swap3A_1367 = arith.constant 528 : index
          %swap3A_1368 = tpu.vector_load %arg7[%swap3A_1365, %swap3A_1366, %swap3A_1367] {strides = array<i32>} : memref<2x32x1024xf32, #tpu.memory_space<vmem>>, vector<16xf32>,
          tpu.vector_store %arg7[%swap3A_1365, %swap3A_1366, %swap3A_1367], %gather3A_1316 {strides = array<i32>} : memref<2x32x1024xf32, #tpu.memory_space<vmem>>, vector<16xf32>,
          %gather3A_1369 = tpu.memref_slice %arg5[%mul3A_208] : memref<32000xf32, #tpu.memory_space<vmem>> -> memref<1000xf32, #tpu.memory_space<vmem>>
          %gather3A_1370 = tpu.vector_load_idx %gather3A_1369[%get3A_1123] : memref<1000xf32, #tpu.memory_space<vmem>>[vector<16xi32>], vector<16xf32>,
          %swap3A_1371 = arith.index_cast %and3A_166 : i32 to index
          %swap3A_1372 = arith.index_cast %scan3A_1106 : i32 to index
          %swap3A_1373 = arith.constant 544 : index
          %swap3A_1374 = tpu.vector_load %arg7[%swap3A_1371, %swap3A_1372, %swap3A_1373] {strides = array<i32>} : memref<2x32x1024xf32, #tpu.memory_space<vmem>>, vector<16xf32>,
          tpu.vector_store %arg7[%swap3A_1371, %swap3A_1372, %swap3A_1373], %gather3A_1322 {strides = array<i32>} : memref<2x32x1024xf32, #tpu.memory_space<vmem>>, vector<16xf32>,
          %gather3A_1375 = tpu.memref_slice %arg5[%mul3A_208] : memref<32000xf32, #tpu.memory_space<vmem>> -> memref<1000xf32, #tpu.memory_space<vmem>>
          %gather3A_1376 = tpu.vector_load_idx %gather3A_1375[%get3A_1128] : memref<1000xf32, #tpu.memory_space<vmem>>[vector<16xi32>], vector<16xf32>,
          %swap3A_1377 = arith.index_cast %and3A_166 : i32 to index
          %swap3A_1378 = arith.index_cast %scan3A_1106 : i32 to index
          %swap3A_1379 = arith.constant 560 : index
          %swap3A_1380 = tpu.vector_load %arg7[%swap3A_1377, %swap3A_1378, %swap3A_1379] {strides = array<i32>} : memref<2x32x1024xf32, #tpu.memory_space<vmem>>, vector<16xf32>,
          tpu.vector_store %arg7[%swap3A_1377, %swap3A_1378, %swap3A_1379], %gather3A_1328 {strides = array<i32>} : memref<2x32x1024xf32, #tpu.memory_space<vmem>>, vector<16xf32>,
          %gather3A_1381 = tpu.memref_slice %arg5[%mul3A_208] : memref<32000xf32, #tpu.memory_space<vmem>> -> memref<1000xf32, #tpu.memory_space<vmem>>
          %gather3A_1382 = tpu.vector_load_idx %gather3A_1381[%get3A_1133] : memref<1000xf32, #tpu.memory_space<vmem>>[vector<16xi32>], vector<16xf32>,
          %swap3A_1383 = arith.index_cast %and3A_166 : i32 to index
          %swap3A_1384 = arith.index_cast %scan3A_1106 : i32 to index
          %swap3A_1385 = arith.constant 576 : index
          %swap3A_1386 = tpu.vector_load %arg7[%swap3A_1383, %swap3A_1384, %swap3A_1385] {strides = array<i32>} : memref<2x32x1024xf32, #tpu.memory_space<vmem>>, vector<16xf32>,
          tpu.vector_store %arg7[%swap3A_1383, %swap3A_1384, %swap3A_1385], %gather3A_1334 {strides = array<i32>} : memref<2x32x1024xf32, #tpu.memory_space<vmem>>, vector<16xf32>,
          %gather3A_1387 = tpu.memref_slice %arg5[%mul3A_208] : memref<32000xf32, #tpu.memory_space<vmem>> -> memref<1000xf32, #tpu.memory_space<vmem>>
          %gather3A_1388 = tpu.vector_load_idx %gather3A_1387[%get3A_1138] : memref<1000xf32, #tpu.memory_space<vmem>>[vector<16xi32>], vector<16xf32>,
          %swap3A_1389 = arith.index_cast %and3A_166 : i32 to index
          %swap3A_1390 = arith.index_cast %scan3A_1106 : i32 to index
          %swap3A_1391 = arith.constant 592 : index
          %swap3A_1392 = tpu.vector_load %arg7[%swap3A_1389, %swap3A_1390, %swap3A_1391] {strides = array<i32>} : memref<2x32x1024xf32, #tpu.memory_space<vmem>>, vector<16xf32>,
          tpu.vector_store %arg7[%swap3A_1389, %swap3A_1390, %swap3A_1391], %gather3A_1340 {strides = array<i32>} : memref<2x32x1024xf32, #tpu.memory_space<vmem>>, vector<16xf32>,
          %gather3A_1393 = tpu.memref_slice %arg5[%mul3A_208] : memref<32000xf32, #tpu.memory_space<vmem>> -> memref<1000xf32, #tpu.memory_space<vmem>>
          %gather3A_1394 = tpu.vector_load_idx %gather3A_1393[%get3A_1143] : memref<1000xf32, #tpu.memory_space<vmem>>[vector<16xi32>], vector<16xf32>,
          %swap3A_1395 = arith.index_cast %and3A_166 : i32 to index
          %swap3A_1396 = arith.index_cast %scan3A_1106 : i32 to index
          %swap3A_1397 = arith.constant 608 : index
          %swap3A_1398 = tpu.vector_load %arg7[%swap3A_1395, %swap3A_1396, %swap3A_1397] {strides = array<i32>} : memref<2x32x1024xf32, #tpu.memory_space<vmem>>, vector<16xf32>,
          tpu.vector_store %arg7[%swap3A_1395, %swap3A_1396, %swap3A_1397], %gather3A_1346 {strides = array<i32>} : memref<2x32x1024xf32, #tpu.memory_space<vmem>>, vector<16xf32>,
          %gather3A_1399 = tpu.memref_slice %arg5[%mul3A_208] : memref<32000xf32, #tpu.memory_space<vmem>> -> memref<1000xf32, #tpu.memory_space<vmem>>
          %gather3A_1400 = tpu.vector_load_idx %gather3A_1399[%get3A_1148] : memref<1000xf32, #tpu.memory_space<vmem>>[vector<16xi32>], vector<16xf32>,
          %swap3A_1401 = arith.index_cast %and3A_166 : i32 to index
          %swap3A_1402 = arith.index_cast %scan3A_1106 : i32 to index
          %swap3A_1403 = arith.constant 624 : index
          %swap3A_1404 = tpu.vector_load %arg7[%swap3A_1401, %swap3A_1402, %swap3A_1403] {strides = array<i32>} : memref<2x32x1024xf32, #tpu.memory_space<vmem>>, vector<16xf32>,
          tpu.vector_store %arg7[%swap3A_1401, %swap3A_1402, %swap3A_1403], %gather3A_1352 {strides = array<i32>} : memref<2x32x1024xf32, #tpu.memory_space<vmem>>, vector<16xf32>,
          %gather3A_1405 = tpu.memref_slice %arg5[%mul3A_215] : memref<32000xf32, #tpu.memory_space<vmem>> -> memref<1000xf32, #tpu.memory_space<vmem>>
          %gather3A_1406 = tpu.vector_load_idx %gather3A_1405[%get3A_1113] : memref<1000xf32, #tpu.memory_space<vmem>>[vector<16xi32>], vector<16xf32>,
          %swap3A_1407 = arith.index_cast %and3A_166 : i32 to index
          %swap3A_1408 = arith.index_cast %scan3A_1106 : i32 to index
          %swap3A_1409 = arith.constant 640 : index
          %swap3A_1410 = tpu.vector_load %arg7[%swap3A_1407, %swap3A_1408, %swap3A_1409] {strides = array<i32>} : memref<2x32x1024xf32, #tpu.memory_space<vmem>>, vector<16xf32>,
          tpu.vector_store %arg7[%swap3A_1407, %swap3A_1408, %swap3A_1409], %gather3A_1358 {strides = array<i32>} : memref<2x32x1024xf32, #tpu.memory_space<vmem>>, vector<16xf32>,
          %gather3A_1411 = tpu.memref_slice %arg5[%mul3A_215] : memref<32000xf32, #tpu.memory_space<vmem>> -> memref<1000xf32, #tpu.memory_space<vmem>>
          %gather3A_1412 = tpu.vector_load_idx %gather3A_1411[%get3A_1118] : memref<1000xf32, #tpu.memory_space<vmem>>[vector<16xi32>], vector<16xf32>,
          %swap3A_1413 = arith.index_cast %and3A_166 : i32 to index
          %swap3A_1414 = arith.index_cast %scan3A_1106 : i32 to index
          %swap3A_1415 = arith.constant 656 : index
          %swap3A_1416 = tpu.vector_load %arg7[%swap3A_1413, %swap3A_1414, %swap3A_1415] {strides = array<i32>} : memref<2x32x1024xf32, #tpu.memory_space<vmem>>, vector<16xf32>,
          tpu.vector_store %arg7[%swap3A_1413, %swap3A_1414, %swap3A_1415], %gather3A_1364 {strides = array<i32>} : memref<2x32x1024xf32, #tpu.memory_space<vmem>>, vector<16xf32>,
          %gather3A_1417 = tpu.memref_slice %arg5[%mul3A_215] : memref<32000xf32, #tpu.memory_space<vmem>> -> memref<1000xf32, #tpu.memory_space<vmem>>
          %gather3A_1418 = tpu.vector_load_idx %gather3A_1417[%get3A_1123] : memref<1000xf32, #tpu.memory_space<vmem>>[vector<16xi32>], vector<16xf32>,
          %swap3A_1419 = arith.index_cast %and3A_166 : i32 to index
          %swap3A_1420 = arith.index_cast %scan3A_1106 : i32 to index
          %swap3A_1421 = arith.constant 672 : index
          %swap3A_1422 = tpu.vector_load %arg7[%swap3A_1419, %swap3A_1420, %swap3A_1421] {strides = array<i32>} : memref<2x32x1024xf32, #tpu.memory_space<vmem>>, vector<16xf32>,
          tpu.vector_store %arg7[%swap3A_1419, %swap3A_1420, %swap3A_1421], %gather3A_1370 {strides = array<i32>} : memref<2x32x1024xf32, #tpu.memory_space<vmem>>, vector<16xf32>,
          %gather3A_1423 = tpu.memref_slice %arg5[%mul3A_215] : memref<32000xf32, #tpu.memory_space<vmem>> -> memref<1000xf32, #tpu.memory_space<vmem>>
          %gather3A_1424 = tpu.vector_load_idx %gather3A_1423[%get3A_1128] : memref<1000xf32, #tpu.memory_space<vmem>>[vector<16xi32>], vector<16xf32>,
          %swap3A_1425 = arith.index_cast %and3A_166 : i32 to index
          %swap3A_1426 = arith.index_cast %scan3A_1106 : i32 to index
          %swap3A_1427 = arith.constant 688 : index
          %swap3A_1428 = tpu.vector_load %arg7[%swap3A_1425, %swap3A_1426, %swap3A_1427] {strides = array<i32>} : memref<2x32x1024xf32, #tpu.memory_space<vmem>>, vector<16xf32>,
          tpu.vector_store %arg7[%swap3A_1425, %swap3A_1426, %swap3A_1427], %gather3A_1376 {strides = array<i32>} : memref<2x32x1024xf32, #tpu.memory_space<vmem>>, vector<16xf32>,
          %gather3A_1429 = tpu.memref_slice %arg5[%mul3A_215] : memref<32000xf32, #tpu.memory_space<vmem>> -> memref<1000xf32, #tpu.memory_space<vmem>>
          %gather3A_1430 = tpu.vector_load_idx %gather3A_1429[%get3A_1133] : memref<1000xf32, #tpu.memory_space<vmem>>[vector<16xi32>], vector<16xf32>,
          %swap3A_1431 = arith.index_cast %and3A_166 : i32 to index
          %swap3A_1432 = arith.index_cast %scan3A_1106 : i32 to index
          %swap3A_1433 = arith.constant 704 : index
          %swap3A_1434 = tpu.vector_load %arg7[%swap3A_1431, %swap3A_1432, %swap3A_1433] {strides = array<i32>} : memref<2x32x1024xf32, #tpu.memory_space<vmem>>, vector<16xf32>,
          tpu.vector_store %arg7[%swap3A_1431, %swap3A_1432, %swap3A_1433], %gather3A_1382 {strides = array<i32>} : memref<2x32x1024xf32, #tpu.memory_space<vmem>>, vector<16xf32>,
          %gather3A_1435 = tpu.memref_slice %arg5[%mul3A_215] : memref<32000xf32, #tpu.memory_space<vmem>> -> memref<1000xf32, #tpu.memory_space<vmem>>
          %gather3A_1436 = tpu.vector_load_idx %gather3A_1435[%get3A_1138] : memref<1000xf32, #tpu.memory_space<vmem>>[vector<16xi32>], vector<16xf32>,
          %swap3A_1437 = arith.index_cast %and3A_166 : i32 to index
          %swap3A_1438 = arith.index_cast %scan3A_1106 : i32 to index
          %swap3A_1439 = arith.constant 720 : index
          %swap3A_1440 = tpu.vector_load %arg7[%swap3A_1437, %swap3A_1438, %swap3A_1439] {strides = array<i32>} : memref<2x32x1024xf32, #tpu.memory_space<vmem>>, vector<16xf32>,
          tpu.vector_store %arg7[%swap3A_1437, %swap3A_1438, %swap3A_1439], %gather3A_1388 {strides = array<i32>} : memref<2x32x1024xf32, #tpu.memory_space<vmem>>, vector<16xf32>,
          %gather3A_1441 = tpu.memref_slice %arg5[%mul3A_215] : memref<32000xf32, #tpu.memory_space<vmem>> -> memref<1000xf32, #tpu.memory_space<vmem>>
          %gather3A_1442 = tpu.vector_load_idx %gather3A_1441[%get3A_1143] : memref<1000xf32, #tpu.memory_space<vmem>>[vector<16xi32>], vector<16xf32>,
          %swap3A_1443 = arith.index_cast %and3A_166 : i32 to index
          %swap3A_1444 = arith.index_cast %scan3A_1106 : i32 to index
          %swap3A_1445 = arith.constant 736 : index
          %swap3A_1446 = tpu.vector_load %arg7[%swap3A_1443, %swap3A_1444, %swap3A_1445] {strides = array<i32>} : memref<2x32x1024xf32, #tpu.memory_space<vmem>>, vector<16xf32>,
          tpu.vector_store %arg7[%swap3A_1443, %swap3A_1444, %swap3A_1445], %gather3A_1394 {strides = array<i32>} : memref<2x32x1024xf32, #tpu.memory_space<vmem>>, vector<16xf32>,
          %gather3A_1447 = tpu.memref_slice %arg5[%mul3A_215] : memref<32000xf32, #tpu.memory_space<vmem>> -> memref<1000xf32, #tpu.memory_space<vmem>>
          %gather3A_1448 = tpu.vector_load_idx %gather3A_1447[%get3A_1148] : memref<1000xf32, #tpu.memory_space<vmem>>[vector<16xi32>], vector<16xf32>,
          %swap3A_1449 = arith.index_cast %and3A_166 : i32 to index
          %swap3A_1450 = arith.index_cast %scan3A_1106 : i32 to index
          %swap3A_1451 = arith.constant 752 : index
          %swap3A_1452 = tpu.vector_load %arg7[%swap3A_1449, %swap3A_1450, %swap3A_1451] {strides = array<i32>} : memref<2x32x1024xf32, #tpu.memory_space<vmem>>, vector<16xf32>,
          tpu.vector_store %arg7[%swap3A_1449, %swap3A_1450, %swap3A_1451], %gather3A_1400 {strides = array<i32>} : memref<2x32x1024xf32, #tpu.memory_space<vmem>>, vector<16xf32>,
          %gather3A_1453 = tpu.memref_slice %arg5[%mul3A_222] : memref<32000xf32, #tpu.memory_space<vmem>> -> memref<1000xf32, #tpu.memory_space<vmem>>
          %gather3A_1454 = tpu.vector_load_idx %gather3A_1453[%get3A_1113] : memref<1000xf32, #tpu.memory_space<vmem>>[vector<16xi32>], vector<16xf32>,
          %swap3A_1455 = arith.index_cast %and3A_166 : i32 to index
          %swap3A_1456 = arith.index_cast %scan3A_1106 : i32 to index
          %swap3A_1457 = arith.constant 768 : index
          %swap3A_1458 = tpu.vector_load %arg7[%swap3A_1455, %swap3A_1456, %swap3A_1457] {strides = array<i32>} : memref<2x32x1024xf32, #tpu.memory_space<vmem>>, vector<16xf32>,
          tpu.vector_store %arg7[%swap3A_1455, %swap3A_1456, %swap3A_1457], %gather3A_1406 {strides = array<i32>} : memref<2x32x1024xf32, #tpu.memory_space<vmem>>, vector<16xf32>,
          %gather3A_1459 = tpu.memref_slice %arg5[%mul3A_222] : memref<32000xf32, #tpu.memory_space<vmem>> -> memref<1000xf32, #tpu.memory_space<vmem>>
          %gather3A_1460 = tpu.vector_load_idx %gather3A_1459[%get3A_1118] : memref<1000xf32, #tpu.memory_space<vmem>>[vector<16xi32>], vector<16xf32>,
          %swap3A_1461 = arith.index_cast %and3A_166 : i32 to index
          %swap3A_1462 = arith.index_cast %scan3A_1106 : i32 to index
          %swap3A_1463 = arith.constant 784 : index
          %swap3A_1464 = tpu.vector_load %arg7[%swap3A_1461, %swap3A_1462, %swap3A_1463] {strides = array<i32>} : memref<2x32x1024xf32, #tpu.memory_space<vmem>>, vector<16xf32>,
          tpu.vector_store %arg7[%swap3A_1461, %swap3A_1462, %swap3A_1463], %gather3A_1412 {strides = array<i32>} : memref<2x32x1024xf32, #tpu.memory_space<vmem>>, vector<16xf32>,
          %gather3A_1465 = tpu.memref_slice %arg5[%mul3A_222] : memref<32000xf32, #tpu.memory_space<vmem>> -> memref<1000xf32, #tpu.memory_space<vmem>>
          %gather3A_1466 = tpu.vector_load_idx %gather3A_1465[%get3A_1123] : memref<1000xf32, #tpu.memory_space<vmem>>[vector<16xi32>], vector<16xf32>,
          %swap3A_1467 = arith.index_cast %and3A_166 : i32 to index
          %swap3A_1468 = arith.index_cast %scan3A_1106 : i32 to index
          %swap3A_1469 = arith.constant 800 : index
          %swap3A_1470 = tpu.vector_load %arg7[%swap3A_1467, %swap3A_1468, %swap3A_1469] {strides = array<i32>} : memref<2x32x1024xf32, #tpu.memory_space<vmem>>, vector<16xf32>,
          tpu.vector_store %arg7[%swap3A_1467, %swap3A_1468, %swap3A_1469], %gather3A_1418 {strides = array<i32>} : memref<2x32x1024xf32, #tpu.memory_space<vmem>>, vector<16xf32>,
          %gather3A_1471 = tpu.memref_slice %arg5[%mul3A_222] : memref<32000xf32, #tpu.memory_space<vmem>> -> memref<1000xf32, #tpu.memory_space<vmem>>
          %gather3A_1472 = tpu.vector_load_idx %gather3A_1471[%get3A_1128] : memref<1000xf32, #tpu.memory_space<vmem>>[vector<16xi32>], vector<16xf32>,
          %swap3A_1473 = arith.index_cast %and3A_166 : i32 to index
          %swap3A_1474 = arith.index_cast %scan3A_1106 : i32 to index
          %swap3A_1475 = arith.constant 816 : index
          %swap3A_1476 = tpu.vector_load %arg7[%swap3A_1473, %swap3A_1474, %swap3A_1475] {strides = array<i32>} : memref<2x32x1024xf32, #tpu.memory_space<vmem>>, vector<16xf32>,
          tpu.vector_store %arg7[%swap3A_1473, %swap3A_1474, %swap3A_1475], %gather3A_1424 {strides = array<i32>} : memref<2x32x1024xf32, #tpu.memory_space<vmem>>, vector<16xf32>,
          %gather3A_1477 = tpu.memref_slice %arg5[%mul3A_222] : memref<32000xf32, #tpu.memory_space<vmem>> -> memref<1000xf32, #tpu.memory_space<vmem>>
          %gather3A_1478 = tpu.vector_load_idx %gather3A_1477[%get3A_1133] : memref<1000xf32, #tpu.memory_space<vmem>>[vector<16xi32>], vector<16xf32>,
          %swap3A_1479 = arith.index_cast %and3A_166 : i32 to index
          %swap3A_1480 = arith.index_cast %scan3A_1106 : i32 to index
          %swap3A_1481 = arith.constant 832 : index
          %swap3A_1482 = tpu.vector_load %arg7[%swap3A_1479, %swap3A_1480, %swap3A_1481] {strides = array<i32>} : memref<2x32x1024xf32, #tpu.memory_space<vmem>>, vector<16xf32>,
          tpu.vector_store %arg7[%swap3A_1479, %swap3A_1480, %swap3A_1481], %gather3A_1430 {strides = array<i32>} : memref<2x32x1024xf32, #tpu.memory_space<vmem>>, vector<16xf32>,
          %gather3A_1483 = tpu.memref_slice %arg5[%mul3A_222] : memref<32000xf32, #tpu.memory_space<vmem>> -> memref<1000xf32, #tpu.memory_space<vmem>>
          %gather3A_1484 = tpu.vector_load_idx %gather3A_1483[%get3A_1138] : memref<1000xf32, #tpu.memory_space<vmem>>[vector<16xi32>], vector<16xf32>,
          %swap3A_1485 = arith.index_cast %and3A_166 : i32 to index
          %swap3A_1486 = arith.index_cast %scan3A_1106 : i32 to index
          %swap3A_1487 = arith.constant 848 : index
          %swap3A_1488 = tpu.vector_load %arg7[%swap3A_1485, %swap3A_1486, %swap3A_1487] {strides = array<i32>} : memref<2x32x1024xf32, #tpu.memory_space<vmem>>, vector<16xf32>,
          tpu.vector_store %arg7[%swap3A_1485, %swap3A_1486, %swap3A_1487], %gather3A_1436 {strides = array<i32>} : memref<2x32x1024xf32, #tpu.memory_space<vmem>>, vector<16xf32>,
          %gather3A_1489 = tpu.memref_slice %arg5[%mul3A_222] : memref<32000xf32, #tpu.memory_space<vmem>> -> memref<1000xf32, #tpu.memory_space<vmem>>
          %gather3A_1490 = tpu.vector_load_idx %gather3A_1489[%get3A_1143] : memref<1000xf32, #tpu.memory_space<vmem>>[vector<16xi32>], vector<16xf32>,
          %swap3A_1491 = arith.index_cast %and3A_166 : i32 to index
          %swap3A_1492 = arith.index_cast %scan3A_1106 : i32 to index
          %swap3A_1493 = arith.constant 864 : index
          %swap3A_1494 = tpu.vector_load %arg7[%swap3A_1491, %swap3A_1492, %swap3A_1493] {strides = array<i32>} : memref<2x32x1024xf32, #tpu.memory_space<vmem>>, vector<16xf32>,
          tpu.vector_store %arg7[%swap3A_1491, %swap3A_1492, %swap3A_1493], %gather3A_1442 {strides = array<i32>} : memref<2x32x1024xf32, #tpu.memory_space<vmem>>, vector<16xf32>,
          %gather3A_1495 = tpu.memref_slice %arg5[%mul3A_222] : memref<32000xf32, #tpu.memory_space<vmem>> -> memref<1000xf32, #tpu.memory_space<vmem>>
          %gather3A_1496 = tpu.vector_load_idx %gather3A_1495[%get3A_1148] : memref<1000xf32, #tpu.memory_space<vmem>>[vector<16xi32>], vector<16xf32>,
          %swap3A_1497 = arith.index_cast %and3A_166 : i32 to index
          %swap3A_1498 = arith.index_cast %scan3A_1106 : i32 to index
          %swap3A_1499 = arith.constant 880 : index
          %swap3A_1500 = tpu.vector_load %arg7[%swap3A_1497, %swap3A_1498, %swap3A_1499] {strides = array<i32>} : memref<2x32x1024xf32, #tpu.memory_space<vmem>>, vector<16xf32>,
          tpu.vector_store %arg7[%swap3A_1497, %swap3A_1498, %swap3A_1499], %gather3A_1448 {strides = array<i32>} : memref<2x32x1024xf32, #tpu.memory_space<vmem>>, vector<16xf32>,
          %swap3A_1501 = arith.index_cast %and3A_166 : i32 to index
          %swap3A_1502 = arith.index_cast %scan3A_1106 : i32 to index
          %swap3A_1503 = arith.constant 896 : index
          %swap3A_1504 = tpu.vector_load %arg7[%swap3A_1501, %swap3A_1502, %swap3A_1503] {strides = array<i32>} : memref<2x32x1024xf32, #tpu.memory_space<vmem>>, vector<16xf32>,
          tpu.vector_store %arg7[%swap3A_1501, %swap3A_1502, %swap3A_1503], %gather3A_1454 {strides = array<i32>} : memref<2x32x1024xf32, #tpu.memory_space<vmem>>, vector<16xf32>,
          %swap3A_1505 = arith.index_cast %and3A_166 : i32 to index
          %swap3A_1506 = arith.index_cast %scan3A_1106 : i32 to index
          %swap3A_1507 = arith.constant 912 : index
          %swap3A_1508 = tpu.vector_load %arg7[%swap3A_1505, %swap3A_1506, %swap3A_1507] {strides = array<i32>} : memref<2x32x1024xf32, #tpu.memory_space<vmem>>, vector<16xf32>,
          tpu.vector_store %arg7[%swap3A_1505, %swap3A_1506, %swap3A_1507], %gather3A_1460 {strides = array<i32>} : memref<2x32x1024xf32, #tpu.memory_space<vmem>>, vector<16xf32>,
          %swap3A_1509 = arith.index_cast %and3A_166 : i32 to index
          %swap3A_1510 = arith.index_cast %scan3A_1106 : i32 to index
          %swap3A_1511 = arith.constant 928 : index
          %swap3A_1512 = tpu.vector_load %arg7[%swap3A_1509, %swap3A_1510, %swap3A_1511] {strides = array<i32>} : memref<2x32x1024xf32, #tpu.memory_space<vmem>>, vector<16xf32>,
          tpu.vector_store %arg7[%swap3A_1509, %swap3A_1510, %swap3A_1511], %gather3A_1466 {strides = array<i32>} : memref<2x32x1024xf32, #tpu.memory_space<vmem>>, vector<16xf32>,
          %swap3A_1513 = arith.index_cast %and3A_166 : i32 to index
          %swap3A_1514 = arith.index_cast %scan3A_1106 : i32 to index
          %swap3A_1515 = arith.constant 944 : index
          %swap3A_1516 = tpu.vector_load %arg7[%swap3A_1513, %swap3A_1514, %swap3A_1515] {strides = array<i32>} : memref<2x32x1024xf32, #tpu.memory_space<vmem>>, vector<16xf32>,
          tpu.vector_store %arg7[%swap3A_1513, %swap3A_1514, %swap3A_1515], %gather3A_1472 {strides = array<i32>} : memref<2x32x1024xf32, #tpu.memory_space<vmem>>, vector<16xf32>,
          %swap3A_1517 = arith.index_cast %and3A_166 : i32 to index
          %swap3A_1518 = arith.index_cast %scan3A_1106 : i32 to index
          %swap3A_1519 = arith.constant 960 : index
          %swap3A_1520 = tpu.vector_load %arg7[%swap3A_1517, %swap3A_1518, %swap3A_1519] {strides = array<i32>} : memref<2x32x1024xf32, #tpu.memory_space<vmem>>, vector<16xf32>,
          tpu.vector_store %arg7[%swap3A_1517, %swap3A_1518, %swap3A_1519], %gather3A_1478 {strides = array<i32>} : memref<2x32x1024xf32, #tpu.memory_space<vmem>>, vector<16xf32>,
          %swap3A_1521 = arith.index_cast %and3A_166 : i32 to index
          %swap3A_1522 = arith.index_cast %scan3A_1106 : i32 to index
          %swap3A_1523 = arith.constant 976 : index
          %swap3A_1524 = tpu.vector_load %arg7[%swap3A_1521, %swap3A_1522, %swap3A_1523] {strides = array<i32>} : memref<2x32x1024xf32, #tpu.memory_space<vmem>>, vector<16xf32>,
          tpu.vector_store %arg7[%swap3A_1521, %swap3A_1522, %swap3A_1523], %gather3A_1484 {strides = array<i32>} : memref<2x32x1024xf32, #tpu.memory_space<vmem>>, vector<16xf32>,
          %swap3A_1525 = arith.index_cast %and3A_166 : i32 to index
          %swap3A_1526 = arith.index_cast %scan3A_1106 : i32 to index
          %swap3A_1527 = arith.constant 992 : index
          %swap3A_1528 = tpu.vector_load %arg7[%swap3A_1525, %swap3A_1526, %swap3A_1527] {strides = array<i32>} : memref<2x32x1024xf32, #tpu.memory_space<vmem>>, vector<16xf32>,
          tpu.vector_store %arg7[%swap3A_1525, %swap3A_1526, %swap3A_1527], %gather3A_1490 {strides = array<i32>} : memref<2x32x1024xf32, #tpu.memory_space<vmem>>, vector<16xf32>,
          %swap3A_1529 = arith.index_cast %and3A_166 : i32 to index
          %swap3A_1530 = arith.index_cast %scan3A_1106 : i32 to index
          %swap3A_1531 = arith.constant 1008 : index
          %swap3A_1532 = tpu.vector_load %arg7[%swap3A_1529, %swap3A_1530, %swap3A_1531] {strides = array<i32>} : memref<2x32x1024xf32, #tpu.memory_space<vmem>>, vector<16xf32>,
          tpu.vector_store %arg7[%swap3A_1529, %swap3A_1530, %swap3A_1531], %gather3A_1496 {strides = array<i32>} : memref<2x32x1024xf32, #tpu.memory_space<vmem>>, vector<16xf32>,
          %scan3A_1533 = arith.constant 3 : i32
          %scan3A_1534 = arith.addi %scan3A_253, %scan3A_1533 : i32
          %mul3A_1535 = arith.constant 128 : i32
          %mul3A_1536 = arith.muli %scan3A_1534, %mul3A_1535 : i32
          %add3A_1537 = arith.constant 0 : i32
          %add3A_1538 = arith.addi %mul3A_1536, %add3A_1537 : i32
          %get3A_1539 = arith.index_cast %and3A_226 : i32 to index
          %get3A_1540 = arith.index_cast %add3A_1538 : i32 to index
          %get3A_1541 = tpu.vector_load %arg6[%get3A_1539, %get3A_1540] {strides = array<i32>} : memref<2x4096xi32, #tpu.memory_space<vmem>>, vector<16xi32>,
          %add3A_1542 = arith.constant 16 : i32
          %add3A_1543 = arith.addi %mul3A_1536, %add3A_1542 : i32
          %get3A_1544 = arith.index_cast %and3A_226 : i32 to index
          %get3A_1545 = arith.index_cast %add3A_1543 : i32 to index
          %get3A_1546 = tpu.vector_load %arg6[%get3A_1544, %get3A_1545] {strides = array<i32>} : memref<2x4096xi32, #tpu.memory_space<vmem>>, vector<16xi32>,
          %add3A_1547 = arith.constant 32 : i32
          %add3A_1548 = arith.addi %mul3A_1536, %add3A_1547 : i32
          %get3A_1549 = arith.index_cast %and3A_226 : i32 to index
          %get3A_1550 = arith.index_cast %add3A_1548 : i32 to index
          %get3A_1551 = tpu.vector_load %arg6[%get3A_1549, %get3A_1550] {strides = array<i32>} : memref<2x4096xi32, #tpu.memory_space<vmem>>, vector<16xi32>,
          %add3A_1552 = arith.constant 48 : i32
          %add3A_1553 = arith.addi %mul3A_1536, %add3A_1552 : i32
          %get3A_1554 = arith.index_cast %and3A_226 : i32 to index
          %get3A_1555 = arith.index_cast %add3A_1553 : i32 to index
          %get3A_1556 = tpu.vector_load %arg6[%get3A_1554, %get3A_1555] {strides = array<i32>} : memref<2x4096xi32, #tpu.memory_space<vmem>>, vector<16xi32>,
          %add3A_1557 = arith.constant 64 : i32
          %add3A_1558 = arith.addi %mul3A_1536, %add3A_1557 : i32
          %get3A_1559 = arith.index_cast %and3A_226 : i32 to index
          %get3A_1560 = arith.index_cast %add3A_1558 : i32 to index
          %get3A_1561 = tpu.vector_load %arg6[%get3A_1559, %get3A_1560] {strides = array<i32>} : memref<2x4096xi32, #tpu.memory_space<vmem>>, vector<16xi32>,
          %add3A_1562 = arith.constant 80 : i32
          %add3A_1563 = arith.addi %mul3A_1536, %add3A_1562 : i32
          %get3A_1564 = arith.index_cast %and3A_226 : i32 to index
          %get3A_1565 = arith.index_cast %add3A_1563 : i32 to index
          %get3A_1566 = tpu.vector_load %arg6[%get3A_1564, %get3A_1565] {strides = array<i32>} : memref<2x4096xi32, #tpu.memory_space<vmem>>, vector<16xi32>,
          %add3A_1567 = arith.constant 96 : i32
          %add3A_1568 = arith.addi %mul3A_1536, %add3A_1567 : i32
          %get3A_1569 = arith.index_cast %and3A_226 : i32 to index
          %get3A_1570 = arith.index_cast %add3A_1568 : i32 to index
          %get3A_1571 = tpu.vector_load %arg6[%get3A_1569, %get3A_1570] {strides = array<i32>} : memref<2x4096xi32, #tpu.memory_space<vmem>>, vector<16xi32>,
          %add3A_1572 = arith.constant 112 : i32
          %add3A_1573 = arith.addi %mul3A_1536, %add3A_1572 : i32
          %get3A_1574 = arith.index_cast %and3A_226 : i32 to index
          %get3A_1575 = arith.index_cast %add3A_1573 : i32 to index
          %get3A_1576 = tpu.vector_load %arg6[%get3A_1574, %get3A_1575] {strides = array<i32>} : memref<2x4096xi32, #tpu.memory_space<vmem>>, vector<16xi32>,
          %gather3A_1577 = tpu.memref_slice %arg5[%mul3A_173] : memref<32000xf32, #tpu.memory_space<vmem>> -> memref<1000xf32, #tpu.memory_space<vmem>>
          %gather3A_1578 = tpu.vector_load_idx %gather3A_1577[%get3A_1541] : memref<1000xf32, #tpu.memory_space<vmem>>[vector<16xi32>], vector<16xf32>,
          %gather3A_1579 = tpu.memref_slice %arg5[%mul3A_173] : memref<32000xf32, #tpu.memory_space<vmem>> -> memref<1000xf32, #tpu.memory_space<vmem>>
          %gather3A_1580 = tpu.vector_load_idx %gather3A_1579[%get3A_1546] : memref<1000xf32, #tpu.memory_space<vmem>>[vector<16xi32>], vector<16xf32>,
          %gather3A_1581 = tpu.memref_slice %arg5[%mul3A_173] : memref<32000xf32, #tpu.memory_space<vmem>> -> memref<1000xf32, #tpu.memory_space<vmem>>
          %gather3A_1582 = tpu.vector_load_idx %gather3A_1581[%get3A_1551] : memref<1000xf32, #tpu.memory_space<vmem>>[vector<16xi32>], vector<16xf32>,
          %gather3A_1583 = tpu.memref_slice %arg5[%mul3A_173] : memref<32000xf32, #tpu.memory_space<vmem>> -> memref<1000xf32, #tpu.memory_space<vmem>>
          %gather3A_1584 = tpu.vector_load_idx %gather3A_1583[%get3A_1556] : memref<1000xf32, #tpu.memory_space<vmem>>[vector<16xi32>], vector<16xf32>,
          %gather3A_1585 = tpu.memref_slice %arg5[%mul3A_173] : memref<32000xf32, #tpu.memory_space<vmem>> -> memref<1000xf32, #tpu.memory_space<vmem>>
          %gather3A_1586 = tpu.vector_load_idx %gather3A_1585[%get3A_1561] : memref<1000xf32, #tpu.memory_space<vmem>>[vector<16xi32>], vector<16xf32>,
          %gather3A_1587 = tpu.memref_slice %arg5[%mul3A_173] : memref<32000xf32, #tpu.memory_space<vmem>> -> memref<1000xf32, #tpu.memory_space<vmem>>
          %gather3A_1588 = tpu.vector_load_idx %gather3A_1587[%get3A_1566] : memref<1000xf32, #tpu.memory_space<vmem>>[vector<16xi32>], vector<16xf32>,
          %gather3A_1589 = tpu.memref_slice %arg5[%mul3A_173] : memref<32000xf32, #tpu.memory_space<vmem>> -> memref<1000xf32, #tpu.memory_space<vmem>>
          %gather3A_1590 = tpu.vector_load_idx %gather3A_1589[%get3A_1571] : memref<1000xf32, #tpu.memory_space<vmem>>[vector<16xi32>], vector<16xf32>,
          %gather3A_1591 = tpu.memref_slice %arg5[%mul3A_173] : memref<32000xf32, #tpu.memory_space<vmem>> -> memref<1000xf32, #tpu.memory_space<vmem>>
          %gather3A_1592 = tpu.vector_load_idx %gather3A_1591[%get3A_1576] : memref<1000xf32, #tpu.memory_space<vmem>>[vector<16xi32>], vector<16xf32>,
          %gather3A_1593 = tpu.memref_slice %arg5[%mul3A_180] : memref<32000xf32, #tpu.memory_space<vmem>> -> memref<1000xf32, #tpu.memory_space<vmem>>
          %gather3A_1594 = tpu.vector_load_idx %gather3A_1593[%get3A_1541] : memref<1000xf32, #tpu.memory_space<vmem>>[vector<16xi32>], vector<16xf32>,
          %swap3A_1595 = arith.index_cast %and3A_166 : i32 to index
          %swap3A_1596 = arith.index_cast %scan3A_1534 : i32 to index
          %swap3A_1597 = arith.constant 0 : index
          %swap3A_1598 = tpu.vector_load %arg7[%swap3A_1595, %swap3A_1596, %swap3A_1597] {strides = array<i32>} : memref<2x32x1024xf32, #tpu.memory_space<vmem>>, vector<16xf32>,
          tpu.vector_store %arg7[%swap3A_1595, %swap3A_1596, %swap3A_1597], %gather3A_1578 {strides = array<i32>} : memref<2x32x1024xf32, #tpu.memory_space<vmem>>, vector<16xf32>,
          %gather3A_1599 = tpu.memref_slice %arg5[%mul3A_180] : memref<32000xf32, #tpu.memory_space<vmem>> -> memref<1000xf32, #tpu.memory_space<vmem>>
          %gather3A_1600 = tpu.vector_load_idx %gather3A_1599[%get3A_1546] : memref<1000xf32, #tpu.memory_space<vmem>>[vector<16xi32>], vector<16xf32>,
          %swap3A_1601 = arith.index_cast %and3A_166 : i32 to index
          %swap3A_1602 = arith.index_cast %scan3A_1534 : i32 to index
          %swap3A_1603 = arith.constant 16 : index
          %swap3A_1604 = tpu.vector_load %arg7[%swap3A_1601, %swap3A_1602, %swap3A_1603] {strides = array<i32>} : memref<2x32x1024xf32, #tpu.memory_space<vmem>>, vector<16xf32>,
          tpu.vector_store %arg7[%swap3A_1601, %swap3A_1602, %swap3A_1603], %gather3A_1580 {strides = array<i32>} : memref<2x32x1024xf32, #tpu.memory_space<vmem>>, vector<16xf32>,
          %gather3A_1605 = tpu.memref_slice %arg5[%mul3A_180] : memref<32000xf32, #tpu.memory_space<vmem>> -> memref<1000xf32, #tpu.memory_space<vmem>>
          %gather3A_1606 = tpu.vector_load_idx %gather3A_1605[%get3A_1551] : memref<1000xf32, #tpu.memory_space<vmem>>[vector<16xi32>], vector<16xf32>,
          %swap3A_1607 = arith.index_cast %and3A_166 : i32 to index
          %swap3A_1608 = arith.index_cast %scan3A_1534 : i32 to index
          %swap3A_1609 = arith.constant 32 : index
          %swap3A_1610 = tpu.vector_load %arg7[%swap3A_1607, %swap3A_1608, %swap3A_1609] {strides = array<i32>} : memref<2x32x1024xf32, #tpu.memory_space<vmem>>, vector<16xf32>,
          tpu.vector_store %arg7[%swap3A_1607, %swap3A_1608, %swap3A_1609], %gather3A_1582 {strides = array<i32>} : memref<2x32x1024xf32, #tpu.memory_space<vmem>>, vector<16xf32>,
          %gather3A_1611 = tpu.memref_slice %arg5[%mul3A_180] : memref<32000xf32, #tpu.memory_space<vmem>> -> memref<1000xf32, #tpu.memory_space<vmem>>
          %gather3A_1612 = tpu.vector_load_idx %gather3A_1611[%get3A_1556] : memref<1000xf32, #tpu.memory_space<vmem>>[vector<16xi32>], vector<16xf32>,
          %swap3A_1613 = arith.index_cast %and3A_166 : i32 to index
          %swap3A_1614 = arith.index_cast %scan3A_1534 : i32 to index
          %swap3A_1615 = arith.constant 48 : index
          %swap3A_1616 = tpu.vector_load %arg7[%swap3A_1613, %swap3A_1614, %swap3A_1615] {strides = array<i32>} : memref<2x32x1024xf32, #tpu.memory_space<vmem>>, vector<16xf32>,
          tpu.vector_store %arg7[%swap3A_1613, %swap3A_1614, %swap3A_1615], %gather3A_1584 {strides = array<i32>} : memref<2x32x1024xf32, #tpu.memory_space<vmem>>, vector<16xf32>,
          %gather3A_1617 = tpu.memref_slice %arg5[%mul3A_180] : memref<32000xf32, #tpu.memory_space<vmem>> -> memref<1000xf32, #tpu.memory_space<vmem>>
          %gather3A_1618 = tpu.vector_load_idx %gather3A_1617[%get3A_1561] : memref<1000xf32, #tpu.memory_space<vmem>>[vector<16xi32>], vector<16xf32>,
          %swap3A_1619 = arith.index_cast %and3A_166 : i32 to index
          %swap3A_1620 = arith.index_cast %scan3A_1534 : i32 to index
          %swap3A_1621 = arith.constant 64 : index
          %swap3A_1622 = tpu.vector_load %arg7[%swap3A_1619, %swap3A_1620, %swap3A_1621] {strides = array<i32>} : memref<2x32x1024xf32, #tpu.memory_space<vmem>>, vector<16xf32>,
          tpu.vector_store %arg7[%swap3A_1619, %swap3A_1620, %swap3A_1621], %gather3A_1586 {strides = array<i32>} : memref<2x32x1024xf32, #tpu.memory_space<vmem>>, vector<16xf32>,
          %gather3A_1623 = tpu.memref_slice %arg5[%mul3A_180] : memref<32000xf32, #tpu.memory_space<vmem>> -> memref<1000xf32, #tpu.memory_space<vmem>>
          %gather3A_1624 = tpu.vector_load_idx %gather3A_1623[%get3A_1566] : memref<1000xf32, #tpu.memory_space<vmem>>[vector<16xi32>], vector<16xf32>,
          %swap3A_1625 = arith.index_cast %and3A_166 : i32 to index
          %swap3A_1626 = arith.index_cast %scan3A_1534 : i32 to index
          %swap3A_1627 = arith.constant 80 : index
          %swap3A_1628 = tpu.vector_load %arg7[%swap3A_1625, %swap3A_1626, %swap3A_1627] {strides = array<i32>} : memref<2x32x1024xf32, #tpu.memory_space<vmem>>, vector<16xf32>,
          tpu.vector_store %arg7[%swap3A_1625, %swap3A_1626, %swap3A_1627], %gather3A_1588 {strides = array<i32>} : memref<2x32x1024xf32, #tpu.memory_space<vmem>>, vector<16xf32>,
          %gather3A_1629 = tpu.memref_slice %arg5[%mul3A_180] : memref<32000xf32, #tpu.memory_space<vmem>> -> memref<1000xf32, #tpu.memory_space<vmem>>
          %gather3A_1630 = tpu.vector_load_idx %gather3A_1629[%get3A_1571] : memref<1000xf32, #tpu.memory_space<vmem>>[vector<16xi32>], vector<16xf32>,
          %swap3A_1631 = arith.index_cast %and3A_166 : i32 to index
          %swap3A_1632 = arith.index_cast %scan3A_1534 : i32 to index
          %swap3A_1633 = arith.constant 96 : index
          %swap3A_1634 = tpu.vector_load %arg7[%swap3A_1631, %swap3A_1632, %swap3A_1633] {strides = array<i32>} : memref<2x32x1024xf32, #tpu.memory_space<vmem>>, vector<16xf32>,
          tpu.vector_store %arg7[%swap3A_1631, %swap3A_1632, %swap3A_1633], %gather3A_1590 {strides = array<i32>} : memref<2x32x1024xf32, #tpu.memory_space<vmem>>, vector<16xf32>,
          %gather3A_1635 = tpu.memref_slice %arg5[%mul3A_180] : memref<32000xf32, #tpu.memory_space<vmem>> -> memref<1000xf32, #tpu.memory_space<vmem>>
          %gather3A_1636 = tpu.vector_load_idx %gather3A_1635[%get3A_1576] : memref<1000xf32, #tpu.memory_space<vmem>>[vector<16xi32>], vector<16xf32>,
          %swap3A_1637 = arith.index_cast %and3A_166 : i32 to index
          %swap3A_1638 = arith.index_cast %scan3A_1534 : i32 to index
          %swap3A_1639 = arith.constant 112 : index
          %swap3A_1640 = tpu.vector_load %arg7[%swap3A_1637, %swap3A_1638, %swap3A_1639] {strides = array<i32>} : memref<2x32x1024xf32, #tpu.memory_space<vmem>>, vector<16xf32>,
          tpu.vector_store %arg7[%swap3A_1637, %swap3A_1638, %swap3A_1639], %gather3A_1592 {strides = array<i32>} : memref<2x32x1024xf32, #tpu.memory_space<vmem>>, vector<16xf32>,
          %gather3A_1641 = tpu.memref_slice %arg5[%mul3A_187] : memref<32000xf32, #tpu.memory_space<vmem>> -> memref<1000xf32, #tpu.memory_space<vmem>>
          %gather3A_1642 = tpu.vector_load_idx %gather3A_1641[%get3A_1541] : memref<1000xf32, #tpu.memory_space<vmem>>[vector<16xi32>], vector<16xf32>,
          %swap3A_1643 = arith.index_cast %and3A_166 : i32 to index
          %swap3A_1644 = arith.index_cast %scan3A_1534 : i32 to index
          %swap3A_1645 = arith.constant 128 : index
          %swap3A_1646 = tpu.vector_load %arg7[%swap3A_1643, %swap3A_1644, %swap3A_1645] {strides = array<i32>} : memref<2x32x1024xf32, #tpu.memory_space<vmem>>, vector<16xf32>,
          tpu.vector_store %arg7[%swap3A_1643, %swap3A_1644, %swap3A_1645], %gather3A_1594 {strides = array<i32>} : memref<2x32x1024xf32, #tpu.memory_space<vmem>>, vector<16xf32>,
          %gather3A_1647 = tpu.memref_slice %arg5[%mul3A_187] : memref<32000xf32, #tpu.memory_space<vmem>> -> memref<1000xf32, #tpu.memory_space<vmem>>
          %gather3A_1648 = tpu.vector_load_idx %gather3A_1647[%get3A_1546] : memref<1000xf32, #tpu.memory_space<vmem>>[vector<16xi32>], vector<16xf32>,
          %swap3A_1649 = arith.index_cast %and3A_166 : i32 to index
          %swap3A_1650 = arith.index_cast %scan3A_1534 : i32 to index
          %swap3A_1651 = arith.constant 144 : index
          %swap3A_1652 = tpu.vector_load %arg7[%swap3A_1649, %swap3A_1650, %swap3A_1651] {strides = array<i32>} : memref<2x32x1024xf32, #tpu.memory_space<vmem>>, vector<16xf32>,
          tpu.vector_store %arg7[%swap3A_1649, %swap3A_1650, %swap3A_1651], %gather3A_1600 {strides = array<i32>} : memref<2x32x1024xf32, #tpu.memory_space<vmem>>, vector<16xf32>,
          %gather3A_1653 = tpu.memref_slice %arg5[%mul3A_187] : memref<32000xf32, #tpu.memory_space<vmem>> -> memref<1000xf32, #tpu.memory_space<vmem>>
          %gather3A_1654 = tpu.vector_load_idx %gather3A_1653[%get3A_1551] : memref<1000xf32, #tpu.memory_space<vmem>>[vector<16xi32>], vector<16xf32>,
          %swap3A_1655 = arith.index_cast %and3A_166 : i32 to index
          %swap3A_1656 = arith.index_cast %scan3A_1534 : i32 to index
          %swap3A_1657 = arith.constant 160 : index
          %swap3A_1658 = tpu.vector_load %arg7[%swap3A_1655, %swap3A_1656, %swap3A_1657] {strides = array<i32>} : memref<2x32x1024xf32, #tpu.memory_space<vmem>>, vector<16xf32>,
          tpu.vector_store %arg7[%swap3A_1655, %swap3A_1656, %swap3A_1657], %gather3A_1606 {strides = array<i32>} : memref<2x32x1024xf32, #tpu.memory_space<vmem>>, vector<16xf32>,
          %gather3A_1659 = tpu.memref_slice %arg5[%mul3A_187] : memref<32000xf32, #tpu.memory_space<vmem>> -> memref<1000xf32, #tpu.memory_space<vmem>>
          %gather3A_1660 = tpu.vector_load_idx %gather3A_1659[%get3A_1556] : memref<1000xf32, #tpu.memory_space<vmem>>[vector<16xi32>], vector<16xf32>,
          %swap3A_1661 = arith.index_cast %and3A_166 : i32 to index
          %swap3A_1662 = arith.index_cast %scan3A_1534 : i32 to index
          %swap3A_1663 = arith.constant 176 : index
          %swap3A_1664 = tpu.vector_load %arg7[%swap3A_1661, %swap3A_1662, %swap3A_1663] {strides = array<i32>} : memref<2x32x1024xf32, #tpu.memory_space<vmem>>, vector<16xf32>,
          tpu.vector_store %arg7[%swap3A_1661, %swap3A_1662, %swap3A_1663], %gather3A_1612 {strides = array<i32>} : memref<2x32x1024xf32, #tpu.memory_space<vmem>>, vector<16xf32>,
          %gather3A_1665 = tpu.memref_slice %arg5[%mul3A_187] : memref<32000xf32, #tpu.memory_space<vmem>> -> memref<1000xf32, #tpu.memory_space<vmem>>
          %gather3A_1666 = tpu.vector_load_idx %gather3A_1665[%get3A_1561] : memref<1000xf32, #tpu.memory_space<vmem>>[vector<16xi32>], vector<16xf32>,
          %swap3A_1667 = arith.index_cast %and3A_166 : i32 to index
          %swap3A_1668 = arith.index_cast %scan3A_1534 : i32 to index
          %swap3A_1669 = arith.constant 192 : index
          %swap3A_1670 = tpu.vector_load %arg7[%swap3A_1667, %swap3A_1668, %swap3A_1669] {strides = array<i32>} : memref<2x32x1024xf32, #tpu.memory_space<vmem>>, vector<16xf32>,
          tpu.vector_store %arg7[%swap3A_1667, %swap3A_1668, %swap3A_1669], %gather3A_1618 {strides = array<i32>} : memref<2x32x1024xf32, #tpu.memory_space<vmem>>, vector<16xf32>,
          %gather3A_1671 = tpu.memref_slice %arg5[%mul3A_187] : memref<32000xf32, #tpu.memory_space<vmem>> -> memref<1000xf32, #tpu.memory_space<vmem>>
          %gather3A_1672 = tpu.vector_load_idx %gather3A_1671[%get3A_1566] : memref<1000xf32, #tpu.memory_space<vmem>>[vector<16xi32>], vector<16xf32>,
          %swap3A_1673 = arith.index_cast %and3A_166 : i32 to index
          %swap3A_1674 = arith.index_cast %scan3A_1534 : i32 to index
          %swap3A_1675 = arith.constant 208 : index
          %swap3A_1676 = tpu.vector_load %arg7[%swap3A_1673, %swap3A_1674, %swap3A_1675] {strides = array<i32>} : memref<2x32x1024xf32, #tpu.memory_space<vmem>>, vector<16xf32>,
          tpu.vector_store %arg7[%swap3A_1673, %swap3A_1674, %swap3A_1675], %gather3A_1624 {strides = array<i32>} : memref<2x32x1024xf32, #tpu.memory_space<vmem>>, vector<16xf32>,
          %gather3A_1677 = tpu.memref_slice %arg5[%mul3A_187] : memref<32000xf32, #tpu.memory_space<vmem>> -> memref<1000xf32, #tpu.memory_space<vmem>>
          %gather3A_1678 = tpu.vector_load_idx %gather3A_1677[%get3A_1571] : memref<1000xf32, #tpu.memory_space<vmem>>[vector<16xi32>], vector<16xf32>,
          %swap3A_1679 = arith.index_cast %and3A_166 : i32 to index
          %swap3A_1680 = arith.index_cast %scan3A_1534 : i32 to index
          %swap3A_1681 = arith.constant 224 : index
          %swap3A_1682 = tpu.vector_load %arg7[%swap3A_1679, %swap3A_1680, %swap3A_1681] {strides = array<i32>} : memref<2x32x1024xf32, #tpu.memory_space<vmem>>, vector<16xf32>,
          tpu.vector_store %arg7[%swap3A_1679, %swap3A_1680, %swap3A_1681], %gather3A_1630 {strides = array<i32>} : memref<2x32x1024xf32, #tpu.memory_space<vmem>>, vector<16xf32>,
          %gather3A_1683 = tpu.memref_slice %arg5[%mul3A_187] : memref<32000xf32, #tpu.memory_space<vmem>> -> memref<1000xf32, #tpu.memory_space<vmem>>
          %gather3A_1684 = tpu.vector_load_idx %gather3A_1683[%get3A_1576] : memref<1000xf32, #tpu.memory_space<vmem>>[vector<16xi32>], vector<16xf32>,
          %swap3A_1685 = arith.index_cast %and3A_166 : i32 to index
          %swap3A_1686 = arith.index_cast %scan3A_1534 : i32 to index
          %swap3A_1687 = arith.constant 240 : index
          %swap3A_1688 = tpu.vector_load %arg7[%swap3A_1685, %swap3A_1686, %swap3A_1687] {strides = array<i32>} : memref<2x32x1024xf32, #tpu.memory_space<vmem>>, vector<16xf32>,
          tpu.vector_store %arg7[%swap3A_1685, %swap3A_1686, %swap3A_1687], %gather3A_1636 {strides = array<i32>} : memref<2x32x1024xf32, #tpu.memory_space<vmem>>, vector<16xf32>,
          %gather3A_1689 = tpu.memref_slice %arg5[%mul3A_194] : memref<32000xf32, #tpu.memory_space<vmem>> -> memref<1000xf32, #tpu.memory_space<vmem>>
          %gather3A_1690 = tpu.vector_load_idx %gather3A_1689[%get3A_1541] : memref<1000xf32, #tpu.memory_space<vmem>>[vector<16xi32>], vector<16xf32>,
          %swap3A_1691 = arith.index_cast %and3A_166 : i32 to index
          %swap3A_1692 = arith.index_cast %scan3A_1534 : i32 to index
          %swap3A_1693 = arith.constant 256 : index
          %swap3A_1694 = tpu.vector_load %arg7[%swap3A_1691, %swap3A_1692, %swap3A_1693] {strides = array<i32>} : memref<2x32x1024xf32, #tpu.memory_space<vmem>>, vector<16xf32>,
          tpu.vector_store %arg7[%swap3A_1691, %swap3A_1692, %swap3A_1693], %gather3A_1642 {strides = array<i32>} : memref<2x32x1024xf32, #tpu.memory_space<vmem>>, vector<16xf32>,
          %gather3A_1695 = tpu.memref_slice %arg5[%mul3A_194] : memref<32000xf32, #tpu.memory_space<vmem>> -> memref<1000xf32, #tpu.memory_space<vmem>>
          %gather3A_1696 = tpu.vector_load_idx %gather3A_1695[%get3A_1546] : memref<1000xf32, #tpu.memory_space<vmem>>[vector<16xi32>], vector<16xf32>,
          %swap3A_1697 = arith.index_cast %and3A_166 : i32 to index
          %swap3A_1698 = arith.index_cast %scan3A_1534 : i32 to index
          %swap3A_1699 = arith.constant 272 : index
          %swap3A_1700 = tpu.vector_load %arg7[%swap3A_1697, %swap3A_1698, %swap3A_1699] {strides = array<i32>} : memref<2x32x1024xf32, #tpu.memory_space<vmem>>, vector<16xf32>,
          tpu.vector_store %arg7[%swap3A_1697, %swap3A_1698, %swap3A_1699], %gather3A_1648 {strides = array<i32>} : memref<2x32x1024xf32, #tpu.memory_space<vmem>>, vector<16xf32>,
          %gather3A_1701 = tpu.memref_slice %arg5[%mul3A_194] : memref<32000xf32, #tpu.memory_space<vmem>> -> memref<1000xf32, #tpu.memory_space<vmem>>
          %gather3A_1702 = tpu.vector_load_idx %gather3A_1701[%get3A_1551] : memref<1000xf32, #tpu.memory_space<vmem>>[vector<16xi32>], vector<16xf32>,
          %swap3A_1703 = arith.index_cast %and3A_166 : i32 to index
          %swap3A_1704 = arith.index_cast %scan3A_1534 : i32 to index
          %swap3A_1705 = arith.constant 288 : index
          %swap3A_1706 = tpu.vector_load %arg7[%swap3A_1703, %swap3A_1704, %swap3A_1705] {strides = array<i32>} : memref<2x32x1024xf32, #tpu.memory_space<vmem>>, vector<16xf32>,
          tpu.vector_store %arg7[%swap3A_1703, %swap3A_1704, %swap3A_1705], %gather3A_1654 {strides = array<i32>} : memref<2x32x1024xf32, #tpu.memory_space<vmem>>, vector<16xf32>,
          %gather3A_1707 = tpu.memref_slice %arg5[%mul3A_194] : memref<32000xf32, #tpu.memory_space<vmem>> -> memref<1000xf32, #tpu.memory_space<vmem>>
          %gather3A_1708 = tpu.vector_load_idx %gather3A_1707[%get3A_1556] : memref<1000xf32, #tpu.memory_space<vmem>>[vector<16xi32>], vector<16xf32>,
          %swap3A_1709 = arith.index_cast %and3A_166 : i32 to index
          %swap3A_1710 = arith.index_cast %scan3A_1534 : i32 to index
          %swap3A_1711 = arith.constant 304 : index
          %swap3A_1712 = tpu.vector_load %arg7[%swap3A_1709, %swap3A_1710, %swap3A_1711] {strides = array<i32>} : memref<2x32x1024xf32, #tpu.memory_space<vmem>>, vector<16xf32>,
          tpu.vector_store %arg7[%swap3A_1709, %swap3A_1710, %swap3A_1711], %gather3A_1660 {strides = array<i32>} : memref<2x32x1024xf32, #tpu.memory_space<vmem>>, vector<16xf32>,
          %gather3A_1713 = tpu.memref_slice %arg5[%mul3A_194] : memref<32000xf32, #tpu.memory_space<vmem>> -> memref<1000xf32, #tpu.memory_space<vmem>>
          %gather3A_1714 = tpu.vector_load_idx %gather3A_1713[%get3A_1561] : memref<1000xf32, #tpu.memory_space<vmem>>[vector<16xi32>], vector<16xf32>,
          %swap3A_1715 = arith.index_cast %and3A_166 : i32 to index
          %swap3A_1716 = arith.index_cast %scan3A_1534 : i32 to index
          %swap3A_1717 = arith.constant 320 : index
          %swap3A_1718 = tpu.vector_load %arg7[%swap3A_1715, %swap3A_1716, %swap3A_1717] {strides = array<i32>} : memref<2x32x1024xf32, #tpu.memory_space<vmem>>, vector<16xf32>,
          tpu.vector_store %arg7[%swap3A_1715, %swap3A_1716, %swap3A_1717], %gather3A_1666 {strides = array<i32>} : memref<2x32x1024xf32, #tpu.memory_space<vmem>>, vector<16xf32>,
          %gather3A_1719 = tpu.memref_slice %arg5[%mul3A_194] : memref<32000xf32, #tpu.memory_space<vmem>> -> memref<1000xf32, #tpu.memory_space<vmem>>
          %gather3A_1720 = tpu.vector_load_idx %gather3A_1719[%get3A_1566] : memref<1000xf32, #tpu.memory_space<vmem>>[vector<16xi32>], vector<16xf32>,
          %swap3A_1721 = arith.index_cast %and3A_166 : i32 to index
          %swap3A_1722 = arith.index_cast %scan3A_1534 : i32 to index
          %swap3A_1723 = arith.constant 336 : index
          %swap3A_1724 = tpu.vector_load %arg7[%swap3A_1721, %swap3A_1722, %swap3A_1723] {strides = array<i32>} : memref<2x32x1024xf32, #tpu.memory_space<vmem>>, vector<16xf32>,
          tpu.vector_store %arg7[%swap3A_1721, %swap3A_1722, %swap3A_1723], %gather3A_1672 {strides = array<i32>} : memref<2x32x1024xf32, #tpu.memory_space<vmem>>, vector<16xf32>,
          %gather3A_1725 = tpu.memref_slice %arg5[%mul3A_194] : memref<32000xf32, #tpu.memory_space<vmem>> -> memref<1000xf32, #tpu.memory_space<vmem>>
          %gather3A_1726 = tpu.vector_load_idx %gather3A_1725[%get3A_1571] : memref<1000xf32, #tpu.memory_space<vmem>>[vector<16xi32>], vector<16xf32>,
          %swap3A_1727 = arith.index_cast %and3A_166 : i32 to index
          %swap3A_1728 = arith.index_cast %scan3A_1534 : i32 to index
          %swap3A_1729 = arith.constant 352 : index
          %swap3A_1730 = tpu.vector_load %arg7[%swap3A_1727, %swap3A_1728, %swap3A_1729] {strides = array<i32>} : memref<2x32x1024xf32, #tpu.memory_space<vmem>>, vector<16xf32>,
          tpu.vector_store %arg7[%swap3A_1727, %swap3A_1728, %swap3A_1729], %gather3A_1678 {strides = array<i32>} : memref<2x32x1024xf32, #tpu.memory_space<vmem>>, vector<16xf32>,
          %gather3A_1731 = tpu.memref_slice %arg5[%mul3A_194] : memref<32000xf32, #tpu.memory_space<vmem>> -> memref<1000xf32, #tpu.memory_space<vmem>>
          %gather3A_1732 = tpu.vector_load_idx %gather3A_1731[%get3A_1576] : memref<1000xf32, #tpu.memory_space<vmem>>[vector<16xi32>], vector<16xf32>,
          %swap3A_1733 = arith.index_cast %and3A_166 : i32 to index
          %swap3A_1734 = arith.index_cast %scan3A_1534 : i32 to index
          %swap3A_1735 = arith.constant 368 : index
          %swap3A_1736 = tpu.vector_load %arg7[%swap3A_1733, %swap3A_1734, %swap3A_1735] {strides = array<i32>} : memref<2x32x1024xf32, #tpu.memory_space<vmem>>, vector<16xf32>,
          tpu.vector_store %arg7[%swap3A_1733, %swap3A_1734, %swap3A_1735], %gather3A_1684 {strides = array<i32>} : memref<2x32x1024xf32, #tpu.memory_space<vmem>>, vector<16xf32>,
          %gather3A_1737 = tpu.memref_slice %arg5[%mul3A_201] : memref<32000xf32, #tpu.memory_space<vmem>> -> memref<1000xf32, #tpu.memory_space<vmem>>
          %gather3A_1738 = tpu.vector_load_idx %gather3A_1737[%get3A_1541] : memref<1000xf32, #tpu.memory_space<vmem>>[vector<16xi32>], vector<16xf32>,
          %swap3A_1739 = arith.index_cast %and3A_166 : i32 to index
          %swap3A_1740 = arith.index_cast %scan3A_1534 : i32 to index
          %swap3A_1741 = arith.constant 384 : index
          %swap3A_1742 = tpu.vector_load %arg7[%swap3A_1739, %swap3A_1740, %swap3A_1741] {strides = array<i32>} : memref<2x32x1024xf32, #tpu.memory_space<vmem>>, vector<16xf32>,
          tpu.vector_store %arg7[%swap3A_1739, %swap3A_1740, %swap3A_1741], %gather3A_1690 {strides = array<i32>} : memref<2x32x1024xf32, #tpu.memory_space<vmem>>, vector<16xf32>,
          %gather3A_1743 = tpu.memref_slice %arg5[%mul3A_201] : memref<32000xf32, #tpu.memory_space<vmem>> -> memref<1000xf32, #tpu.memory_space<vmem>>
          %gather3A_1744 = tpu.vector_load_idx %gather3A_1743[%get3A_1546] : memref<1000xf32, #tpu.memory_space<vmem>>[vector<16xi32>], vector<16xf32>,
          %swap3A_1745 = arith.index_cast %and3A_166 : i32 to index
          %swap3A_1746 = arith.index_cast %scan3A_1534 : i32 to index
          %swap3A_1747 = arith.constant 400 : index
          %swap3A_1748 = tpu.vector_load %arg7[%swap3A_1745, %swap3A_1746, %swap3A_1747] {strides = array<i32>} : memref<2x32x1024xf32, #tpu.memory_space<vmem>>, vector<16xf32>,
          tpu.vector_store %arg7[%swap3A_1745, %swap3A_1746, %swap3A_1747], %gather3A_1696 {strides = array<i32>} : memref<2x32x1024xf32, #tpu.memory_space<vmem>>, vector<16xf32>,
          %gather3A_1749 = tpu.memref_slice %arg5[%mul3A_201] : memref<32000xf32, #tpu.memory_space<vmem>> -> memref<1000xf32, #tpu.memory_space<vmem>>
          %gather3A_1750 = tpu.vector_load_idx %gather3A_1749[%get3A_1551] : memref<1000xf32, #tpu.memory_space<vmem>>[vector<16xi32>], vector<16xf32>,
          %swap3A_1751 = arith.index_cast %and3A_166 : i32 to index
          %swap3A_1752 = arith.index_cast %scan3A_1534 : i32 to index
          %swap3A_1753 = arith.constant 416 : index
          %swap3A_1754 = tpu.vector_load %arg7[%swap3A_1751, %swap3A_1752, %swap3A_1753] {strides = array<i32>} : memref<2x32x1024xf32, #tpu.memory_space<vmem>>, vector<16xf32>,
          tpu.vector_store %arg7[%swap3A_1751, %swap3A_1752, %swap3A_1753], %gather3A_1702 {strides = array<i32>} : memref<2x32x1024xf32, #tpu.memory_space<vmem>>, vector<16xf32>,
          %gather3A_1755 = tpu.memref_slice %arg5[%mul3A_201] : memref<32000xf32, #tpu.memory_space<vmem>> -> memref<1000xf32, #tpu.memory_space<vmem>>
          %gather3A_1756 = tpu.vector_load_idx %gather3A_1755[%get3A_1556] : memref<1000xf32, #tpu.memory_space<vmem>>[vector<16xi32>], vector<16xf32>,
          %swap3A_1757 = arith.index_cast %and3A_166 : i32 to index
          %swap3A_1758 = arith.index_cast %scan3A_1534 : i32 to index
          %swap3A_1759 = arith.constant 432 : index
          %swap3A_1760 = tpu.vector_load %arg7[%swap3A_1757, %swap3A_1758, %swap3A_1759] {strides = array<i32>} : memref<2x32x1024xf32, #tpu.memory_space<vmem>>, vector<16xf32>,
          tpu.vector_store %arg7[%swap3A_1757, %swap3A_1758, %swap3A_1759], %gather3A_1708 {strides = array<i32>} : memref<2x32x1024xf32, #tpu.memory_space<vmem>>, vector<16xf32>,
          %gather3A_1761 = tpu.memref_slice %arg5[%mul3A_201] : memref<32000xf32, #tpu.memory_space<vmem>> -> memref<1000xf32, #tpu.memory_space<vmem>>
          %gather3A_1762 = tpu.vector_load_idx %gather3A_1761[%get3A_1561] : memref<1000xf32, #tpu.memory_space<vmem>>[vector<16xi32>], vector<16xf32>,
          %swap3A_1763 = arith.index_cast %and3A_166 : i32 to index
          %swap3A_1764 = arith.index_cast %scan3A_1534 : i32 to index
          %swap3A_1765 = arith.constant 448 : index
          %swap3A_1766 = tpu.vector_load %arg7[%swap3A_1763, %swap3A_1764, %swap3A_1765] {strides = array<i32>} : memref<2x32x1024xf32, #tpu.memory_space<vmem>>, vector<16xf32>,
          tpu.vector_store %arg7[%swap3A_1763, %swap3A_1764, %swap3A_1765], %gather3A_1714 {strides = array<i32>} : memref<2x32x1024xf32, #tpu.memory_space<vmem>>, vector<16xf32>,
          %gather3A_1767 = tpu.memref_slice %arg5[%mul3A_201] : memref<32000xf32, #tpu.memory_space<vmem>> -> memref<1000xf32, #tpu.memory_space<vmem>>
          %gather3A_1768 = tpu.vector_load_idx %gather3A_1767[%get3A_1566] : memref<1000xf32, #tpu.memory_space<vmem>>[vector<16xi32>], vector<16xf32>,
          %swap3A_1769 = arith.index_cast %and3A_166 : i32 to index
          %swap3A_1770 = arith.index_cast %scan3A_1534 : i32 to index
          %swap3A_1771 = arith.constant 464 : index
          %swap3A_1772 = tpu.vector_load %arg7[%swap3A_1769, %swap3A_1770, %swap3A_1771] {strides = array<i32>} : memref<2x32x1024xf32, #tpu.memory_space<vmem>>, vector<16xf32>,
          tpu.vector_store %arg7[%swap3A_1769, %swap3A_1770, %swap3A_1771], %gather3A_1720 {strides = array<i32>} : memref<2x32x1024xf32, #tpu.memory_space<vmem>>, vector<16xf32>,
          %gather3A_1773 = tpu.memref_slice %arg5[%mul3A_201] : memref<32000xf32, #tpu.memory_space<vmem>> -> memref<1000xf32, #tpu.memory_space<vmem>>
          %gather3A_1774 = tpu.vector_load_idx %gather3A_1773[%get3A_1571] : memref<1000xf32, #tpu.memory_space<vmem>>[vector<16xi32>], vector<16xf32>,
          %swap3A_1775 = arith.index_cast %and3A_166 : i32 to index
          %swap3A_1776 = arith.index_cast %scan3A_1534 : i32 to index
          %swap3A_1777 = arith.constant 480 : index
          %swap3A_1778 = tpu.vector_load %arg7[%swap3A_1775, %swap3A_1776, %swap3A_1777] {strides = array<i32>} : memref<2x32x1024xf32, #tpu.memory_space<vmem>>, vector<16xf32>,
          tpu.vector_store %arg7[%swap3A_1775, %swap3A_1776, %swap3A_1777], %gather3A_1726 {strides = array<i32>} : memref<2x32x1024xf32, #tpu.memory_space<vmem>>, vector<16xf32>,
          %gather3A_1779 = tpu.memref_slice %arg5[%mul3A_201] : memref<32000xf32, #tpu.memory_space<vmem>> -> memref<1000xf32, #tpu.memory_space<vmem>>
          %gather3A_1780 = tpu.vector_load_idx %gather3A_1779[%get3A_1576] : memref<1000xf32, #tpu.memory_space<vmem>>[vector<16xi32>], vector<16xf32>,
          %swap3A_1781 = arith.index_cast %and3A_166 : i32 to index
          %swap3A_1782 = arith.index_cast %scan3A_1534 : i32 to index
          %swap3A_1783 = arith.constant 496 : index
          %swap3A_1784 = tpu.vector_load %arg7[%swap3A_1781, %swap3A_1782, %swap3A_1783] {strides = array<i32>} : memref<2x32x1024xf32, #tpu.memory_space<vmem>>, vector<16xf32>,
          tpu.vector_store %arg7[%swap3A_1781, %swap3A_1782, %swap3A_1783], %gather3A_1732 {strides = array<i32>} : memref<2x32x1024xf32, #tpu.memory_space<vmem>>, vector<16xf32>,
          %gather3A_1785 = tpu.memref_slice %arg5[%mul3A_208] : memref<32000xf32, #tpu.memory_space<vmem>> -> memref<1000xf32, #tpu.memory_space<vmem>>
          %gather3A_1786 = tpu.vector_load_idx %gather3A_1785[%get3A_1541] : memref<1000xf32, #tpu.memory_space<vmem>>[vector<16xi32>], vector<16xf32>,
          %swap3A_1787 = arith.index_cast %and3A_166 : i32 to index
          %swap3A_1788 = arith.index_cast %scan3A_1534 : i32 to index
          %swap3A_1789 = arith.constant 512 : index
          %swap3A_1790 = tpu.vector_load %arg7[%swap3A_1787, %swap3A_1788, %swap3A_1789] {strides = array<i32>} : memref<2x32x1024xf32, #tpu.memory_space<vmem>>, vector<16xf32>,
          tpu.vector_store %arg7[%swap3A_1787, %swap3A_1788, %swap3A_1789], %gather3A_1738 {strides = array<i32>} : memref<2x32x1024xf32, #tpu.memory_space<vmem>>, vector<16xf32>,
          %gather3A_1791 = tpu.memref_slice %arg5[%mul3A_208] : memref<32000xf32, #tpu.memory_space<vmem>> -> memref<1000xf32, #tpu.memory_space<vmem>>
          %gather3A_1792 = tpu.vector_load_idx %gather3A_1791[%get3A_1546] : memref<1000xf32, #tpu.memory_space<vmem>>[vector<16xi32>], vector<16xf32>,
          %swap3A_1793 = arith.index_cast %and3A_166 : i32 to index
          %swap3A_1794 = arith.index_cast %scan3A_1534 : i32 to index
          %swap3A_1795 = arith.constant 528 : index
          %swap3A_1796 = tpu.vector_load %arg7[%swap3A_1793, %swap3A_1794, %swap3A_1795] {strides = array<i32>} : memref<2x32x1024xf32, #tpu.memory_space<vmem>>, vector<16xf32>,
          tpu.vector_store %arg7[%swap3A_1793, %swap3A_1794, %swap3A_1795], %gather3A_1744 {strides = array<i32>} : memref<2x32x1024xf32, #tpu.memory_space<vmem>>, vector<16xf32>,
          %gather3A_1797 = tpu.memref_slice %arg5[%mul3A_208] : memref<32000xf32, #tpu.memory_space<vmem>> -> memref<1000xf32, #tpu.memory_space<vmem>>
          %gather3A_1798 = tpu.vector_load_idx %gather3A_1797[%get3A_1551] : memref<1000xf32, #tpu.memory_space<vmem>>[vector<16xi32>], vector<16xf32>,
          %swap3A_1799 = arith.index_cast %and3A_166 : i32 to index
          %swap3A_1800 = arith.index_cast %scan3A_1534 : i32 to index
          %swap3A_1801 = arith.constant 544 : index
          %swap3A_1802 = tpu.vector_load %arg7[%swap3A_1799, %swap3A_1800, %swap3A_1801] {strides = array<i32>} : memref<2x32x1024xf32, #tpu.memory_space<vmem>>, vector<16xf32>,
          tpu.vector_store %arg7[%swap3A_1799, %swap3A_1800, %swap3A_1801], %gather3A_1750 {strides = array<i32>} : memref<2x32x1024xf32, #tpu.memory_space<vmem>>, vector<16xf32>,
          %gather3A_1803 = tpu.memref_slice %arg5[%mul3A_208] : memref<32000xf32, #tpu.memory_space<vmem>> -> memref<1000xf32, #tpu.memory_space<vmem>>
          %gather3A_1804 = tpu.vector_load_idx %gather3A_1803[%get3A_1556] : memref<1000xf32, #tpu.memory_space<vmem>>[vector<16xi32>], vector<16xf32>,
          %swap3A_1805 = arith.index_cast %and3A_166 : i32 to index
          %swap3A_1806 = arith.index_cast %scan3A_1534 : i32 to index
          %swap3A_1807 = arith.constant 560 : index
          %swap3A_1808 = tpu.vector_load %arg7[%swap3A_1805, %swap3A_1806, %swap3A_1807] {strides = array<i32>} : memref<2x32x1024xf32, #tpu.memory_space<vmem>>, vector<16xf32>,
          tpu.vector_store %arg7[%swap3A_1805, %swap3A_1806, %swap3A_1807], %gather3A_1756 {strides = array<i32>} : memref<2x32x1024xf32, #tpu.memory_space<vmem>>, vector<16xf32>,
          %gather3A_1809 = tpu.memref_slice %arg5[%mul3A_208] : memref<32000xf32, #tpu.memory_space<vmem>> -> memref<1000xf32, #tpu.memory_space<vmem>>
          %gather3A_1810 = tpu.vector_load_idx %gather3A_1809[%get3A_1561] : memref<1000xf32, #tpu.memory_space<vmem>>[vector<16xi32>], vector<16xf32>,
          %swap3A_1811 = arith.index_cast %and3A_166 : i32 to index
          %swap3A_1812 = arith.index_cast %scan3A_1534 : i32 to index
          %swap3A_1813 = arith.constant 576 : index
          %swap3A_1814 = tpu.vector_load %arg7[%swap3A_1811, %swap3A_1812, %swap3A_1813] {strides = array<i32>} : memref<2x32x1024xf32, #tpu.memory_space<vmem>>, vector<16xf32>,
          tpu.vector_store %arg7[%swap3A_1811, %swap3A_1812, %swap3A_1813], %gather3A_1762 {strides = array<i32>} : memref<2x32x1024xf32, #tpu.memory_space<vmem>>, vector<16xf32>,
          %gather3A_1815 = tpu.memref_slice %arg5[%mul3A_208] : memref<32000xf32, #tpu.memory_space<vmem>> -> memref<1000xf32, #tpu.memory_space<vmem>>
          %gather3A_1816 = tpu.vector_load_idx %gather3A_1815[%get3A_1566] : memref<1000xf32, #tpu.memory_space<vmem>>[vector<16xi32>], vector<16xf32>,
          %swap3A_1817 = arith.index_cast %and3A_166 : i32 to index
          %swap3A_1818 = arith.index_cast %scan3A_1534 : i32 to index
          %swap3A_1819 = arith.constant 592 : index
          %swap3A_1820 = tpu.vector_load %arg7[%swap3A_1817, %swap3A_1818, %swap3A_1819] {strides = array<i32>} : memref<2x32x1024xf32, #tpu.memory_space<vmem>>, vector<16xf32>,
          tpu.vector_store %arg7[%swap3A_1817, %swap3A_1818, %swap3A_1819], %gather3A_1768 {strides = array<i32>} : memref<2x32x1024xf32, #tpu.memory_space<vmem>>, vector<16xf32>,
          %gather3A_1821 = tpu.memref_slice %arg5[%mul3A_208] : memref<32000xf32, #tpu.memory_space<vmem>> -> memref<1000xf32, #tpu.memory_space<vmem>>
          %gather3A_1822 = tpu.vector_load_idx %gather3A_1821[%get3A_1571] : memref<1000xf32, #tpu.memory_space<vmem>>[vector<16xi32>], vector<16xf32>,
          %swap3A_1823 = arith.index_cast %and3A_166 : i32 to index
          %swap3A_1824 = arith.index_cast %scan3A_1534 : i32 to index
          %swap3A_1825 = arith.constant 608 : index
          %swap3A_1826 = tpu.vector_load %arg7[%swap3A_1823, %swap3A_1824, %swap3A_1825] {strides = array<i32>} : memref<2x32x1024xf32, #tpu.memory_space<vmem>>, vector<16xf32>,
          tpu.vector_store %arg7[%swap3A_1823, %swap3A_1824, %swap3A_1825], %gather3A_1774 {strides = array<i32>} : memref<2x32x1024xf32, #tpu.memory_space<vmem>>, vector<16xf32>,
          %gather3A_1827 = tpu.memref_slice %arg5[%mul3A_208] : memref<32000xf32, #tpu.memory_space<vmem>> -> memref<1000xf32, #tpu.memory_space<vmem>>
          %gather3A_1828 = tpu.vector_load_idx %gather3A_1827[%get3A_1576] : memref<1000xf32, #tpu.memory_space<vmem>>[vector<16xi32>], vector<16xf32>,
          %swap3A_1829 = arith.index_cast %and3A_166 : i32 to index
          %swap3A_1830 = arith.index_cast %scan3A_1534 : i32 to index
          %swap3A_1831 = arith.constant 624 : index
          %swap3A_1832 = tpu.vector_load %arg7[%swap3A_1829, %swap3A_1830, %swap3A_1831] {strides = array<i32>} : memref<2x32x1024xf32, #tpu.memory_space<vmem>>, vector<16xf32>,
          tpu.vector_store %arg7[%swap3A_1829, %swap3A_1830, %swap3A_1831], %gather3A_1780 {strides = array<i32>} : memref<2x32x1024xf32, #tpu.memory_space<vmem>>, vector<16xf32>,
          %gather3A_1833 = tpu.memref_slice %arg5[%mul3A_215] : memref<32000xf32, #tpu.memory_space<vmem>> -> memref<1000xf32, #tpu.memory_space<vmem>>
          %gather3A_1834 = tpu.vector_load_idx %gather3A_1833[%get3A_1541] : memref<1000xf32, #tpu.memory_space<vmem>>[vector<16xi32>], vector<16xf32>,
          %swap3A_1835 = arith.index_cast %and3A_166 : i32 to index
          %swap3A_1836 = arith.index_cast %scan3A_1534 : i32 to index
          %swap3A_1837 = arith.constant 640 : index
          %swap3A_1838 = tpu.vector_load %arg7[%swap3A_1835, %swap3A_1836, %swap3A_1837] {strides = array<i32>} : memref<2x32x1024xf32, #tpu.memory_space<vmem>>, vector<16xf32>,
          tpu.vector_store %arg7[%swap3A_1835, %swap3A_1836, %swap3A_1837], %gather3A_1786 {strides = array<i32>} : memref<2x32x1024xf32, #tpu.memory_space<vmem>>, vector<16xf32>,
          %gather3A_1839 = tpu.memref_slice %arg5[%mul3A_215] : memref<32000xf32, #tpu.memory_space<vmem>> -> memref<1000xf32, #tpu.memory_space<vmem>>
          %gather3A_1840 = tpu.vector_load_idx %gather3A_1839[%get3A_1546] : memref<1000xf32, #tpu.memory_space<vmem>>[vector<16xi32>], vector<16xf32>,
          %swap3A_1841 = arith.index_cast %and3A_166 : i32 to index
          %swap3A_1842 = arith.index_cast %scan3A_1534 : i32 to index
          %swap3A_1843 = arith.constant 656 : index
          %swap3A_1844 = tpu.vector_load %arg7[%swap3A_1841, %swap3A_1842, %swap3A_1843] {strides = array<i32>} : memref<2x32x1024xf32, #tpu.memory_space<vmem>>, vector<16xf32>,
          tpu.vector_store %arg7[%swap3A_1841, %swap3A_1842, %swap3A_1843], %gather3A_1792 {strides = array<i32>} : memref<2x32x1024xf32, #tpu.memory_space<vmem>>, vector<16xf32>,
          %gather3A_1845 = tpu.memref_slice %arg5[%mul3A_215] : memref<32000xf32, #tpu.memory_space<vmem>> -> memref<1000xf32, #tpu.memory_space<vmem>>
          %gather3A_1846 = tpu.vector_load_idx %gather3A_1845[%get3A_1551] : memref<1000xf32, #tpu.memory_space<vmem>>[vector<16xi32>], vector<16xf32>,
          %swap3A_1847 = arith.index_cast %and3A_166 : i32 to index
          %swap3A_1848 = arith.index_cast %scan3A_1534 : i32 to index
          %swap3A_1849 = arith.constant 672 : index
          %swap3A_1850 = tpu.vector_load %arg7[%swap3A_1847, %swap3A_1848, %swap3A_1849] {strides = array<i32>} : memref<2x32x1024xf32, #tpu.memory_space<vmem>>, vector<16xf32>,
          tpu.vector_store %arg7[%swap3A_1847, %swap3A_1848, %swap3A_1849], %gather3A_1798 {strides = array<i32>} : memref<2x32x1024xf32, #tpu.memory_space<vmem>>, vector<16xf32>,
          %gather3A_1851 = tpu.memref_slice %arg5[%mul3A_215] : memref<32000xf32, #tpu.memory_space<vmem>> -> memref<1000xf32, #tpu.memory_space<vmem>>
          %gather3A_1852 = tpu.vector_load_idx %gather3A_1851[%get3A_1556] : memref<1000xf32, #tpu.memory_space<vmem>>[vector<16xi32>], vector<16xf32>,
          %swap3A_1853 = arith.index_cast %and3A_166 : i32 to index
          %swap3A_1854 = arith.index_cast %scan3A_1534 : i32 to index
          %swap3A_1855 = arith.constant 688 : index
          %swap3A_1856 = tpu.vector_load %arg7[%swap3A_1853, %swap3A_1854, %swap3A_1855] {strides = array<i32>} : memref<2x32x1024xf32, #tpu.memory_space<vmem>>, vector<16xf32>,
          tpu.vector_store %arg7[%swap3A_1853, %swap3A_1854, %swap3A_1855], %gather3A_1804 {strides = array<i32>} : memref<2x32x1024xf32, #tpu.memory_space<vmem>>, vector<16xf32>,
          %gather3A_1857 = tpu.memref_slice %arg5[%mul3A_215] : memref<32000xf32, #tpu.memory_space<vmem>> -> memref<1000xf32, #tpu.memory_space<vmem>>
          %gather3A_1858 = tpu.vector_load_idx %gather3A_1857[%get3A_1561] : memref<1000xf32, #tpu.memory_space<vmem>>[vector<16xi32>], vector<16xf32>,
          %swap3A_1859 = arith.index_cast %and3A_166 : i32 to index
          %swap3A_1860 = arith.index_cast %scan3A_1534 : i32 to index
          %swap3A_1861 = arith.constant 704 : index
          %swap3A_1862 = tpu.vector_load %arg7[%swap3A_1859, %swap3A_1860, %swap3A_1861] {strides = array<i32>} : memref<2x32x1024xf32, #tpu.memory_space<vmem>>, vector<16xf32>,
          tpu.vector_store %arg7[%swap3A_1859, %swap3A_1860, %swap3A_1861], %gather3A_1810 {strides = array<i32>} : memref<2x32x1024xf32, #tpu.memory_space<vmem>>, vector<16xf32>,
          %gather3A_1863 = tpu.memref_slice %arg5[%mul3A_215] : memref<32000xf32, #tpu.memory_space<vmem>> -> memref<1000xf32, #tpu.memory_space<vmem>>
          %gather3A_1864 = tpu.vector_load_idx %gather3A_1863[%get3A_1566] : memref<1000xf32, #tpu.memory_space<vmem>>[vector<16xi32>], vector<16xf32>,
          %swap3A_1865 = arith.index_cast %and3A_166 : i32 to index
          %swap3A_1866 = arith.index_cast %scan3A_1534 : i32 to index
          %swap3A_1867 = arith.constant 720 : index
          %swap3A_1868 = tpu.vector_load %arg7[%swap3A_1865, %swap3A_1866, %swap3A_1867] {strides = array<i32>} : memref<2x32x1024xf32, #tpu.memory_space<vmem>>, vector<16xf32>,
          tpu.vector_store %arg7[%swap3A_1865, %swap3A_1866, %swap3A_1867], %gather3A_1816 {strides = array<i32>} : memref<2x32x1024xf32, #tpu.memory_space<vmem>>, vector<16xf32>,
          %gather3A_1869 = tpu.memref_slice %arg5[%mul3A_215] : memref<32000xf32, #tpu.memory_space<vmem>> -> memref<1000xf32, #tpu.memory_space<vmem>>
          %gather3A_1870 = tpu.vector_load_idx %gather3A_1869[%get3A_1571] : memref<1000xf32, #tpu.memory_space<vmem>>[vector<16xi32>], vector<16xf32>,
          %swap3A_1871 = arith.index_cast %and3A_166 : i32 to index
          %swap3A_1872 = arith.index_cast %scan3A_1534 : i32 to index
          %swap3A_1873 = arith.constant 736 : index
          %swap3A_1874 = tpu.vector_load %arg7[%swap3A_1871, %swap3A_1872, %swap3A_1873] {strides = array<i32>} : memref<2x32x1024xf32, #tpu.memory_space<vmem>>, vector<16xf32>,
          tpu.vector_store %arg7[%swap3A_1871, %swap3A_1872, %swap3A_1873], %gather3A_1822 {strides = array<i32>} : memref<2x32x1024xf32, #tpu.memory_space<vmem>>, vector<16xf32>,
          %gather3A_1875 = tpu.memref_slice %arg5[%mul3A_215] : memref<32000xf32, #tpu.memory_space<vmem>> -> memref<1000xf32, #tpu.memory_space<vmem>>
          %gather3A_1876 = tpu.vector_load_idx %gather3A_1875[%get3A_1576] : memref<1000xf32, #tpu.memory_space<vmem>>[vector<16xi32>], vector<16xf32>,
          %swap3A_1877 = arith.index_cast %and3A_166 : i32 to index
          %swap3A_1878 = arith.index_cast %scan3A_1534 : i32 to index
          %swap3A_1879 = arith.constant 752 : index
          %swap3A_1880 = tpu.vector_load %arg7[%swap3A_1877, %swap3A_1878, %swap3A_1879] {strides = array<i32>} : memref<2x32x1024xf32, #tpu.memory_space<vmem>>, vector<16xf32>,
          tpu.vector_store %arg7[%swap3A_1877, %swap3A_1878, %swap3A_1879], %gather3A_1828 {strides = array<i32>} : memref<2x32x1024xf32, #tpu.memory_space<vmem>>, vector<16xf32>,
          %gather3A_1881 = tpu.memref_slice %arg5[%mul3A_222] : memref<32000xf32, #tpu.memory_space<vmem>> -> memref<1000xf32, #tpu.memory_space<vmem>>
          %gather3A_1882 = tpu.vector_load_idx %gather3A_1881[%get3A_1541] : memref<1000xf32, #tpu.memory_space<vmem>>[vector<16xi32>], vector<16xf32>,
          %swap3A_1883 = arith.index_cast %and3A_166 : i32 to index
          %swap3A_1884 = arith.index_cast %scan3A_1534 : i32 to index
          %swap3A_1885 = arith.constant 768 : index
          %swap3A_1886 = tpu.vector_load %arg7[%swap3A_1883, %swap3A_1884, %swap3A_1885] {strides = array<i32>} : memref<2x32x1024xf32, #tpu.memory_space<vmem>>, vector<16xf32>,
          tpu.vector_store %arg7[%swap3A_1883, %swap3A_1884, %swap3A_1885], %gather3A_1834 {strides = array<i32>} : memref<2x32x1024xf32, #tpu.memory_space<vmem>>, vector<16xf32>,
          %gather3A_1887 = tpu.memref_slice %arg5[%mul3A_222] : memref<32000xf32, #tpu.memory_space<vmem>> -> memref<1000xf32, #tpu.memory_space<vmem>>
          %gather3A_1888 = tpu.vector_load_idx %gather3A_1887[%get3A_1546] : memref<1000xf32, #tpu.memory_space<vmem>>[vector<16xi32>], vector<16xf32>,
          %swap3A_1889 = arith.index_cast %and3A_166 : i32 to index
          %swap3A_1890 = arith.index_cast %scan3A_1534 : i32 to index
          %swap3A_1891 = arith.constant 784 : index
          %swap3A_1892 = tpu.vector_load %arg7[%swap3A_1889, %swap3A_1890, %swap3A_1891] {strides = array<i32>} : memref<2x32x1024xf32, #tpu.memory_space<vmem>>, vector<16xf32>,
          tpu.vector_store %arg7[%swap3A_1889, %swap3A_1890, %swap3A_1891], %gather3A_1840 {strides = array<i32>} : memref<2x32x1024xf32, #tpu.memory_space<vmem>>, vector<16xf32>,
          %gather3A_1893 = tpu.memref_slice %arg5[%mul3A_222] : memref<32000xf32, #tpu.memory_space<vmem>> -> memref<1000xf32, #tpu.memory_space<vmem>>
          %gather3A_1894 = tpu.vector_load_idx %gather3A_1893[%get3A_1551] : memref<1000xf32, #tpu.memory_space<vmem>>[vector<16xi32>], vector<16xf32>,
          %swap3A_1895 = arith.index_cast %and3A_166 : i32 to index
          %swap3A_1896 = arith.index_cast %scan3A_1534 : i32 to index
          %swap3A_1897 = arith.constant 800 : index
          %swap3A_1898 = tpu.vector_load %arg7[%swap3A_1895, %swap3A_1896, %swap3A_1897] {strides = array<i32>} : memref<2x32x1024xf32, #tpu.memory_space<vmem>>, vector<16xf32>,
          tpu.vector_store %arg7[%swap3A_1895, %swap3A_1896, %swap3A_1897], %gather3A_1846 {strides = array<i32>} : memref<2x32x1024xf32, #tpu.memory_space<vmem>>, vector<16xf32>,
          %gather3A_1899 = tpu.memref_slice %arg5[%mul3A_222] : memref<32000xf32, #tpu.memory_space<vmem>> -> memref<1000xf32, #tpu.memory_space<vmem>>
          %gather3A_1900 = tpu.vector_load_idx %gather3A_1899[%get3A_1556] : memref<1000xf32, #tpu.memory_space<vmem>>[vector<16xi32>], vector<16xf32>,
          %swap3A_1901 = arith.index_cast %and3A_166 : i32 to index
          %swap3A_1902 = arith.index_cast %scan3A_1534 : i32 to index
          %swap3A_1903 = arith.constant 816 : index
          %swap3A_1904 = tpu.vector_load %arg7[%swap3A_1901, %swap3A_1902, %swap3A_1903] {strides = array<i32>} : memref<2x32x1024xf32, #tpu.memory_space<vmem>>, vector<16xf32>,
          tpu.vector_store %arg7[%swap3A_1901, %swap3A_1902, %swap3A_1903], %gather3A_1852 {strides = array<i32>} : memref<2x32x1024xf32, #tpu.memory_space<vmem>>, vector<16xf32>,
          %gather3A_1905 = tpu.memref_slice %arg5[%mul3A_222] : memref<32000xf32, #tpu.memory_space<vmem>> -> memref<1000xf32, #tpu.memory_space<vmem>>
          %gather3A_1906 = tpu.vector_load_idx %gather3A_1905[%get3A_1561] : memref<1000xf32, #tpu.memory_space<vmem>>[vector<16xi32>], vector<16xf32>,
          %swap3A_1907 = arith.index_cast %and3A_166 : i32 to index
          %swap3A_1908 = arith.index_cast %scan3A_1534 : i32 to index
          %swap3A_1909 = arith.constant 832 : index
          %swap3A_1910 = tpu.vector_load %arg7[%swap3A_1907, %swap3A_1908, %swap3A_1909] {strides = array<i32>} : memref<2x32x1024xf32, #tpu.memory_space<vmem>>, vector<16xf32>,
          tpu.vector_store %arg7[%swap3A_1907, %swap3A_1908, %swap3A_1909], %gather3A_1858 {strides = array<i32>} : memref<2x32x1024xf32, #tpu.memory_space<vmem>>, vector<16xf32>,
          %gather3A_1911 = tpu.memref_slice %arg5[%mul3A_222] : memref<32000xf32, #tpu.memory_space<vmem>> -> memref<1000xf32, #tpu.memory_space<vmem>>
          %gather3A_1912 = tpu.vector_load_idx %gather3A_1911[%get3A_1566] : memref<1000xf32, #tpu.memory_space<vmem>>[vector<16xi32>], vector<16xf32>,
          %swap3A_1913 = arith.index_cast %and3A_166 : i32 to index
          %swap3A_1914 = arith.index_cast %scan3A_1534 : i32 to index
          %swap3A_1915 = arith.constant 848 : index
          %swap3A_1916 = tpu.vector_load %arg7[%swap3A_1913, %swap3A_1914, %swap3A_1915] {strides = array<i32>} : memref<2x32x1024xf32, #tpu.memory_space<vmem>>, vector<16xf32>,
          tpu.vector_store %arg7[%swap3A_1913, %swap3A_1914, %swap3A_1915], %gather3A_1864 {strides = array<i32>} : memref<2x32x1024xf32, #tpu.memory_space<vmem>>, vector<16xf32>,
          %gather3A_1917 = tpu.memref_slice %arg5[%mul3A_222] : memref<32000xf32, #tpu.memory_space<vmem>> -> memref<1000xf32, #tpu.memory_space<vmem>>
          %gather3A_1918 = tpu.vector_load_idx %gather3A_1917[%get3A_1571] : memref<1000xf32, #tpu.memory_space<vmem>>[vector<16xi32>], vector<16xf32>,
          %swap3A_1919 = arith.index_cast %and3A_166 : i32 to index
          %swap3A_1920 = arith.index_cast %scan3A_1534 : i32 to index
          %swap3A_1921 = arith.constant 864 : index
          %swap3A_1922 = tpu.vector_load %arg7[%swap3A_1919, %swap3A_1920, %swap3A_1921] {strides = array<i32>} : memref<2x32x1024xf32, #tpu.memory_space<vmem>>, vector<16xf32>,
          tpu.vector_store %arg7[%swap3A_1919, %swap3A_1920, %swap3A_1921], %gather3A_1870 {strides = array<i32>} : memref<2x32x1024xf32, #tpu.memory_space<vmem>>, vector<16xf32>,
          %gather3A_1923 = tpu.memref_slice %arg5[%mul3A_222] : memref<32000xf32, #tpu.memory_space<vmem>> -> memref<1000xf32, #tpu.memory_space<vmem>>
          %gather3A_1924 = tpu.vector_load_idx %gather3A_1923[%get3A_1576] : memref<1000xf32, #tpu.memory_space<vmem>>[vector<16xi32>], vector<16xf32>,
          %swap3A_1925 = arith.index_cast %and3A_166 : i32 to index
          %swap3A_1926 = arith.index_cast %scan3A_1534 : i32 to index
          %swap3A_1927 = arith.constant 880 : index
          %swap3A_1928 = tpu.vector_load %arg7[%swap3A_1925, %swap3A_1926, %swap3A_1927] {strides = array<i32>} : memref<2x32x1024xf32, #tpu.memory_space<vmem>>, vector<16xf32>,
          tpu.vector_store %arg7[%swap3A_1925, %swap3A_1926, %swap3A_1927], %gather3A_1876 {strides = array<i32>} : memref<2x32x1024xf32, #tpu.memory_space<vmem>>, vector<16xf32>,
          %swap3A_1929 = arith.index_cast %and3A_166 : i32 to index
          %swap3A_1930 = arith.index_cast %scan3A_1534 : i32 to index
          %swap3A_1931 = arith.constant 896 : index
          %swap3A_1932 = tpu.vector_load %arg7[%swap3A_1929, %swap3A_1930, %swap3A_1931] {strides = array<i32>} : memref<2x32x1024xf32, #tpu.memory_space<vmem>>, vector<16xf32>,
          tpu.vector_store %arg7[%swap3A_1929, %swap3A_1930, %swap3A_1931], %gather3A_1882 {strides = array<i32>} : memref<2x32x1024xf32, #tpu.memory_space<vmem>>, vector<16xf32>,
          %swap3A_1933 = arith.index_cast %and3A_166 : i32 to index
          %swap3A_1934 = arith.index_cast %scan3A_1534 : i32 to index
          %swap3A_1935 = arith.constant 912 : index
          %swap3A_1936 = tpu.vector_load %arg7[%swap3A_1933, %swap3A_1934, %swap3A_1935] {strides = array<i32>} : memref<2x32x1024xf32, #tpu.memory_space<vmem>>, vector<16xf32>,
          tpu.vector_store %arg7[%swap3A_1933, %swap3A_1934, %swap3A_1935], %gather3A_1888 {strides = array<i32>} : memref<2x32x1024xf32, #tpu.memory_space<vmem>>, vector<16xf32>,
          %swap3A_1937 = arith.index_cast %and3A_166 : i32 to index
          %swap3A_1938 = arith.index_cast %scan3A_1534 : i32 to index
          %swap3A_1939 = arith.constant 928 : index
          %swap3A_1940 = tpu.vector_load %arg7[%swap3A_1937, %swap3A_1938, %swap3A_1939] {strides = array<i32>} : memref<2x32x1024xf32, #tpu.memory_space<vmem>>, vector<16xf32>,
          tpu.vector_store %arg7[%swap3A_1937, %swap3A_1938, %swap3A_1939], %gather3A_1894 {strides = array<i32>} : memref<2x32x1024xf32, #tpu.memory_space<vmem>>, vector<16xf32>,
          %swap3A_1941 = arith.index_cast %and3A_166 : i32 to index
          %swap3A_1942 = arith.index_cast %scan3A_1534 : i32 to index
          %swap3A_1943 = arith.constant 944 : index
          %swap3A_1944 = tpu.vector_load %arg7[%swap3A_1941, %swap3A_1942, %swap3A_1943] {strides = array<i32>} : memref<2x32x1024xf32, #tpu.memory_space<vmem>>, vector<16xf32>,
          tpu.vector_store %arg7[%swap3A_1941, %swap3A_1942, %swap3A_1943], %gather3A_1900 {strides = array<i32>} : memref<2x32x1024xf32, #tpu.memory_space<vmem>>, vector<16xf32>,
          %swap3A_1945 = arith.index_cast %and3A_166 : i32 to index
          %swap3A_1946 = arith.index_cast %scan3A_1534 : i32 to index
          %swap3A_1947 = arith.constant 960 : index
          %swap3A_1948 = tpu.vector_load %arg7[%swap3A_1945, %swap3A_1946, %swap3A_1947] {strides = array<i32>} : memref<2x32x1024xf32, #tpu.memory_space<vmem>>, vector<16xf32>,
          tpu.vector_store %arg7[%swap3A_1945, %swap3A_1946, %swap3A_1947], %gather3A_1906 {strides = array<i32>} : memref<2x32x1024xf32, #tpu.memory_space<vmem>>, vector<16xf32>,
          %swap3A_1949 = arith.index_cast %and3A_166 : i32 to index
          %swap3A_1950 = arith.index_cast %scan3A_1534 : i32 to index
          %swap3A_1951 = arith.constant 976 : index
          %swap3A_1952 = tpu.vector_load %arg7[%swap3A_1949, %swap3A_1950, %swap3A_1951] {strides = array<i32>} : memref<2x32x1024xf32, #tpu.memory_space<vmem>>, vector<16xf32>,
          tpu.vector_store %arg7[%swap3A_1949, %swap3A_1950, %swap3A_1951], %gather3A_1912 {strides = array<i32>} : memref<2x32x1024xf32, #tpu.memory_space<vmem>>, vector<16xf32>,
          %swap3A_1953 = arith.index_cast %and3A_166 : i32 to index
          %swap3A_1954 = arith.index_cast %scan3A_1534 : i32 to index
          %swap3A_1955 = arith.constant 992 : index
          %swap3A_1956 = tpu.vector_load %arg7[%swap3A_1953, %swap3A_1954, %swap3A_1955] {strides = array<i32>} : memref<2x32x1024xf32, #tpu.memory_space<vmem>>, vector<16xf32>,
          tpu.vector_store %arg7[%swap3A_1953, %swap3A_1954, %swap3A_1955], %gather3A_1918 {strides = array<i32>} : memref<2x32x1024xf32, #tpu.memory_space<vmem>>, vector<16xf32>,
          %swap3A_1957 = arith.index_cast %and3A_166 : i32 to index
          %swap3A_1958 = arith.index_cast %scan3A_1534 : i32 to index
          %swap3A_1959 = arith.constant 1008 : index
          %swap3A_1960 = tpu.vector_load %arg7[%swap3A_1957, %swap3A_1958, %swap3A_1959] {strides = array<i32>} : memref<2x32x1024xf32, #tpu.memory_space<vmem>>, vector<16xf32>,
          tpu.vector_store %arg7[%swap3A_1957, %swap3A_1958, %swap3A_1959], %gather3A_1924 {strides = array<i32>} : memref<2x32x1024xf32, #tpu.memory_space<vmem>>, vector<16xf32>,
        }
        %scan3A_231 = arith.constant 32 : i32
        %mul3A_232 = arith.constant 125 : i32
        %mul3A_233 = arith.muli %scan3A_119, %mul3A_232 : i32
        %add3A_234 = arith.addi %mul3A_233, %while3A_163 : i32
        %mul3A_235 = arith.constant 32 : i32
        %mul3A_236 = arith.muli %add3A_234, %mul3A_235 : i32
        %dma_start3A_237 = arith.constant 0 : i32
        %dma_start3A_238 = arith.constant 0 : i32
        %dma_start3A_239 = tpu.memref_slice %arg7[%and3A_166, %dma_start3A_237, %dma_start3A_238] : memref<2x32x1024xf32, #tpu.memory_space<vmem>> -> memref<1x32x1024xf32, #tpu.memory_space<vmem>>
        %dma_start3A_240 = tpu.memref_squeeze %dma_start3A_239 : memref<1x32x1024xf32, #tpu.memory_space<vmem>> -> memref<32x1024xf32, #tpu.memory_space<vmem>>
        %dma_start3A_241 = arith.constant 0 : i32
        %dma_start3A_242 = tpu.memref_slice %arg4[%mul3A_236, %dma_start3A_241] : memref<80000x1024xf32, #tpu.memory_space<hbm>> -> memref<32x1024xf32, #tpu.memory_space<hbm>>
        %dma_start3A_243 = tpu.memref_slice %arg9[%and3A_166] : memref<2x!tpu.dma_semaphore, #tpu.memory_space<semaphore_mem>> -> memref<1x!tpu.dma_semaphore, #tpu.memory_space<semaphore_mem>>
        %dma_start3A_244 = tpu.memref_squeeze %dma_start3A_243 : memref<1x!tpu.dma_semaphore, #tpu.memory_space<semaphore_mem>> -> memref<!tpu.dma_semaphore, #tpu.memory_space<semaphore_mem>>
        %dma_start3A_245 = arith.constant 0 : i32
        %dma_start3A_246 = tpu.memref_slice %arg4[%mul3A_236, %dma_start3A_245] : memref<80000x1024xf32, #tpu.memory_space<hbm>> -> memref<32x1024xf32, #tpu.memory_space<hbm>>
        %dma_start3A_247 = arith.constant 0 : i32
        %dma_start3A_248 = arith.constant 0 : i32
        %dma_start3A_249 = tpu.memref_slice %arg7[%and3A_166, %dma_start3A_247, %dma_start3A_248] : memref<2x32x1024xf32, #tpu.memory_space<vmem>> -> memref<1x32x1024xf32, #tpu.memory_space<vmem>>
        %dma_start3A_250 = tpu.memref_squeeze %dma_start3A_249 : memref<1x32x1024xf32, #tpu.memory_space<vmem>> -> memref<32x1024xf32, #tpu.memory_space<vmem>>
        tpu.enqueue_dma source(%dma_start3A_250 : memref<32x1024xf32, #tpu.memory_space<vmem>>) target(%dma_start3A_246 : memref<32x1024xf32, #tpu.memory_space<hbm>>) target_semaphore(%dma_start3A_244 : memref<!tpu.dma_semaphore, #tpu.memory_space<semaphore_mem>>)
        %add3A_251 = arith.constant 1 : i32
        %add3A_252 = arith.addi %while3A_164, %add3A_251 : i32
        scf.yield %add3A_252 : i32
      }
      scf.yield %while3A_162 : i32
    }
    %scan3A_69 = arith.constant 20 : i32
    %dma_wait3A = arith.constant 0 : i32
    %dma_wait3A_70 = arith.constant 0 : i32
    %dma_wait3A_71 = arith.constant 0 : i32
    %dma_wait3A_72 = tpu.memref_slice %arg6[%dma_wait3A_70, %dma_wait3A_71] : memref<2x4096xi32, #tpu.memory_space<vmem>> -> memref<1x4096xi32, #tpu.memory_space<vmem>>
    %dma_wait3A_73 = tpu.memref_squeeze %dma_wait3A_72 : memref<1x4096xi32, #tpu.memory_space<vmem>> -> memref<4096xi32, #tpu.memory_space<vmem>>
    %dma_wait3A_74 = arith.constant 0 : i32
    %dma_wait3A_75 = tpu.memref_slice %arg3[%dma_wait3A, %dma_wait3A_74] : memref<20x4096xi32, #tpu.memory_space<hbm>> -> memref<1x4096xi32, #tpu.memory_space<hbm>>
    %dma_wait3A_76 = tpu.memref_squeeze %dma_wait3A_75 : memref<1x4096xi32, #tpu.memory_space<hbm>> -> memref<4096xi32, #tpu.memory_space<hbm>>
    %dma_wait3A_77 = arith.constant 0 : i32
    %dma_wait3A_78 = tpu.memref_slice %arg6[%dma_wait3A_70, %dma_wait3A_77] : memref<2x4096xi32, #tpu.memory_space<vmem>> -> memref<1x4096xi32, #tpu.memory_space<vmem>>
    %dma_wait3A_79 = tpu.memref_squeeze %dma_wait3A_78 : memref<1x4096xi32, #tpu.memory_space<vmem>> -> memref<4096xi32, #tpu.memory_space<vmem>>
    %dma_wait3A_80 = arith.constant 0 : i32
    %dma_wait3A_81 = tpu.memref_slice %arg3[%dma_wait3A, %dma_wait3A_80] : memref<20x4096xi32, #tpu.memory_space<hbm>> -> memref<1x4096xi32, #tpu.memory_space<hbm>>
    %dma_wait3A_82 = tpu.memref_squeeze %dma_wait3A_81 : memref<1x4096xi32, #tpu.memory_space<hbm>> -> memref<4096xi32, #tpu.memory_space<hbm>>
    tpu.wait_dma2 semaphore(%arg8 : memref<!tpu.dma_semaphore, #tpu.memory_space<semaphore_mem>>) src(%dma_wait3A_82 : memref<4096xi32, #tpu.memory_space<hbm>>) dst(%dma_wait3A_79 : memref<4096xi32, #tpu.memory_space<vmem>>)
    %dma_wait3A_83 = arith.constant 0 : i32
    %dma_wait3A_84 = arith.constant 0 : i32
    %dma_wait3A_85 = arith.constant 0 : i32
    %dma_wait3A_86 = arith.constant 0 : i32
    %dma_wait3A_87 = tpu.memref_slice %arg7[%dma_wait3A_83, %dma_wait3A_85, %dma_wait3A_86] : memref<2x32x1024xf32, #tpu.memory_space<vmem>> -> memref<1x32x1024xf32, #tpu.memory_space<vmem>>
    %dma_wait3A_88 = tpu.memref_squeeze %dma_wait3A_87 : memref<1x32x1024xf32, #tpu.memory_space<vmem>> -> memref<32x1024xf32, #tpu.memory_space<vmem>>
    %dma_wait3A_89 = arith.constant 0 : i32
    %dma_wait3A_90 = arith.constant 0 : i32
    %dma_wait3A_91 = tpu.memref_slice %arg4[%dma_wait3A_89, %dma_wait3A_90] : memref<80000x1024xf32, #tpu.memory_space<hbm>> -> memref<32x1024xf32, #tpu.memory_space<hbm>>
    %dma_wait3A_92 = tpu.memref_slice %arg9[%dma_wait3A_84] : memref<2x!tpu.dma_semaphore, #tpu.memory_space<semaphore_mem>> -> memref<1x!tpu.dma_semaphore, #tpu.memory_space<semaphore_mem>>
    %dma_wait3A_93 = tpu.memref_squeeze %dma_wait3A_92 : memref<1x!tpu.dma_semaphore, #tpu.memory_space<semaphore_mem>> -> memref<!tpu.dma_semaphore, #tpu.memory_space<semaphore_mem>>
    %dma_wait3A_94 = arith.constant 0 : i32
    %dma_wait3A_95 = arith.constant 0 : i32
    %dma_wait3A_96 = tpu.memref_slice %arg4[%dma_wait3A_94, %dma_wait3A_95] : memref<80000x1024xf32, #tpu.memory_space<hbm>> -> memref<32x1024xf32, #tpu.memory_space<hbm>>
    %dma_wait3A_97 = arith.constant 0 : i32
    %dma_wait3A_98 = arith.constant 0 : i32
    %dma_wait3A_99 = tpu.memref_slice %arg7[%dma_wait3A_83, %dma_wait3A_97, %dma_wait3A_98] : memref<2x32x1024xf32, #tpu.memory_space<vmem>> -> memref<1x32x1024xf32, #tpu.memory_space<vmem>>
    %dma_wait3A_100 = tpu.memref_squeeze %dma_wait3A_99 : memref<1x32x1024xf32, #tpu.memory_space<vmem>> -> memref<32x1024xf32, #tpu.memory_space<vmem>>
    tpu.wait_dma2 semaphore(%dma_wait3A_93 : memref<!tpu.dma_semaphore, #tpu.memory_space<semaphore_mem>>) src(%dma_wait3A_100 : memref<32x1024xf32, #tpu.memory_space<vmem>>) dst(%dma_wait3A_96 : memref<32x1024xf32, #tpu.memory_space<hbm>>)
    %dma_wait3A_101 = arith.constant 1 : i32
    %dma_wait3A_102 = arith.constant 1 : i32
    %dma_wait3A_103 = arith.constant 0 : i32
    %dma_wait3A_104 = arith.constant 0 : i32
    %dma_wait3A_105 = tpu.memref_slice %arg7[%dma_wait3A_101, %dma_wait3A_103, %dma_wait3A_104] : memref<2x32x1024xf32, #tpu.memory_space<vmem>> -> memref<1x32x1024xf32, #tpu.memory_space<vmem>>
    %dma_wait3A_106 = tpu.memref_squeeze %dma_wait3A_105 : memref<1x32x1024xf32, #tpu.memory_space<vmem>> -> memref<32x1024xf32, #tpu.memory_space<vmem>>
    %dma_wait3A_107 = arith.constant 0 : i32
    %dma_wait3A_108 = arith.constant 0 : i32
    %dma_wait3A_109 = tpu.memref_slice %arg4[%dma_wait3A_107, %dma_wait3A_108] : memref<80000x1024xf32, #tpu.memory_space<hbm>> -> memref<32x1024xf32, #tpu.memory_space<hbm>>
    %dma_wait3A_110 = tpu.memref_slice %arg9[%dma_wait3A_102] : memref<2x!tpu.dma_semaphore, #tpu.memory_space<semaphore_mem>> -> memref<1x!tpu.dma_semaphore, #tpu.memory_space<semaphore_mem>>
    %dma_wait3A_111 = tpu.memref_squeeze %dma_wait3A_110 : memref<1x!tpu.dma_semaphore, #tpu.memory_space<semaphore_mem>> -> memref<!tpu.dma_semaphore, #tpu.memory_space<semaphore_mem>>
    %dma_wait3A_112 = arith.constant 0 : i32
    %dma_wait3A_113 = arith.constant 0 : i32
    %dma_wait3A_114 = tpu.memref_slice %arg4[%dma_wait3A_112, %dma_wait3A_113] : memref<80000x1024xf32, #tpu.memory_space<hbm>> -> memref<32x1024xf32, #tpu.memory_space<hbm>>
    %dma_wait3A_115 = arith.constant 0 : i32
    %dma_wait3A_116 = arith.constant 0 : i32
    %dma_wait3A_117 = tpu.memref_slice %arg7[%dma_wait3A_101, %dma_wait3A_115, %dma_wait3A_116] : memref<2x32x1024xf32, #tpu.memory_space<vmem>> -> memref<1x32x1024xf32, #tpu.memory_space<vmem>>
    %dma_wait3A_118 = tpu.memref_squeeze %dma_wait3A_117 : memref<1x32x1024xf32, #tpu.memory_space<vmem>> -> memref<32x1024xf32, #tpu.memory_space<vmem>>
    tpu.wait_dma2 semaphore(%dma_wait3A_111 : memref<!tpu.dma_semaphore, #tpu.memory_space<semaphore_mem>>) src(%dma_wait3A_118 : memref<32x1024xf32, #tpu.memory_space<vmem>>) dst(%dma_wait3A_114 : memref<32x1024xf32, #tpu.memory_space<hbm>>)
    return
  }
}

</mosaic_0001>

<sc_bundles>
// kernel: kernel.3.cloned.1.call-start
scs
__scs_entry_jumppad:
0x0: {  	(pc) =	sbr.rel $0x88, $3  }
0x1: {  	(tag) =	ssettag $0x0;
	lr =	simm.s32 $0x1  }
0x2: {  	[smem:$0x3F9F] =	sst lr;
	_ =	strace $0xD0000000  }
0x3: {  	_ = 	snop  }
0x4: {  	_ = 	snop  }
0x5: {  	_ = 	snop  }
0x6: {  	_ = 	snop  }
0x7: {  	_ = 	snop  }
__scs_overlays_trampoline_lowered:
0x8: {  	[smem:$0x3FAE] =	sst s0  }
0x9: {  	[smem:$0x3FAF] =	sst s1  }
0xa: {  	[smem:$0x3FB0] =	sst s2  }
0xb: {  	[smem:$0x3FB1] =	sst s3  }
0xc: {  	[smem:$0x3FB2] =	sst s4  }
0xd: {  	[smem:$0x3FB3] =	sst s5  }
0xe: {  	[smem:$0x3FB4] =	sst s6  }
0xf: {  	[smem:$0x3FB5] =	sst s7  }
0x10: {  	[smem:$0x3FB6] =	sst s8  }
0x11: {  	[smem:$0x3FB7] =	sst s9;
	s0 =	simm.s32 @!p0 $0x0  }
0x12: {  	s1 =	sld [smem:$0x3F9D];
	s0 =	simm.s32 @p0 $0x1  }
0x13: {  	[smem:$0x3FB8] =	sst s0;
	s0 =	simm.s32 @!p1 $0x0  }
0x14: {  	s2 =	sld [smem:$0x3F9C];
	s0 =	simm.s32 @p1 $0x1  }
0x15: {  	[smem:$0x3FB9] =	sst s0;
	s0 =	simm.s32 @!p2 $0x0  }
0x16: {  	s3 =	sld [smem:$0x3FDB];
	s0 =	simm.s32 @p2 $0x1  }
0x17: {  	s4 =	simm.s32 $0x1BF5;
	[smem:$0x3FBB] =	sst s0  }
0x18: {  	s0 =	sld [smem:$0x3F9E];
	_ =	swait.ge [sflag:s4], $0x0  }
0x19: {  	s7 =	sld [smem:$0x3F9F]  }
0x1a: {  	s8 =	sadd.s32 $0xFFFFE003, lr  }
0x1b: {  	s9 =	sadd.s32 $0xFFFFFEF7, lr;
	s5 =	simm.s32 $0xFFFFFFFF;
	p2 =	slt.u32 s8, $0xFFFFF086  }
0x1c: {  	p1 =	slt.u32 s9, $0xF7A;
	s5 =	simm.s32 @!p2 $0x0  }
0x1d: {  	s5 =	simm.s32 @p1 $0x1;
	p0 =	seq.s32 s7, s2  }
0x1e: {  	s7 =	smul.u32 @!p0 $0xF7A, s2;
	p2 =	seq.s32 @!p0 s5, $0x0  }
0x1f: {  	s9 =	smul.u32 $0xF7A, s1;
	s8 =	simm.s32 @!p0 $0x1BF5;
	p2 =	por !p2, p0  }
0x20: {  	[sflag:s8] =	ssyncset.s32 @!p0 $0xFFFFF086;
	s6 =	sadd.s32 @!p0 s3, s7;
	s7 =	simm.s32 @!p0 $0x108  }
0x21: {  	s3 =	sadd.s32 s3, s9;
	s6 =	sadd.s32 @!p0 $0x88, s6;
	s7 =	simm.s32 @p2 $0x1082  }
0x22: {  	[simem:s7], [sflag:s8] =	dma.local @!p0 [hbm:s6], $0xF7A  }
0x23: {  	s9 =	sor.u32 $0xD0000000, s2;
	s6 =	simm.s32 $0x108;
	_ =	swait.ge @!p0 [sflag:s8], $0x0  }
0x24: {  	s3 =	sadd.s32 $0x88, s3;
	s6 =	simm.s32 @!p1 $0x1082;
	[sflag:s4] =	ssyncset.s32 $0xFFFFF086  }
0x25: {  	[simem:s6], [sflag:s4] =	dma.local [hbm:s3], $0xF7A  }
0x26: {  	[smem:$0x3F9F] =	sst s1;
	(tag) =	ssettag s2;
	_ =	strace s9  }
0x27: {  	s1 =	sld [smem:$0x3FAF]  }
0x28: {  	s2 =	sld [smem:$0x3FB0]  }
0x29: {  	s4 =	sld [smem:$0x3FB2]  }
0x2a: {  	p0 =	seq.s32 s5, $0x0;
	s5 =	sld [smem:$0x3FB3]  }
0x2b: {  	s6 =	sld [smem:$0x3FB4]  }
0x2c: {  	s7 =	sld [smem:$0x3FB5]  }
0x2d: {  	s3 =	simm.s32 $0x108;
	s8 =	sld [smem:$0x3FB6]  }
0x2e: {  	s3 =	simm.s32 @!p0 $0x1082;
	s9 =	sld [smem:$0x3FB7]  }
0x2f: {  	lr =	sadd.s32 s0, s3;
	s0 =	sld [smem:$0x3FAE]  }
0x30: {  	s3 =	sld [smem:$0x3FB1]  }
0x31: {  	[smem:$0x3FBA] =	sst s10  }
0x32: {  	s10 =	sld [smem:$0x3FB8];
	_ =	sdelay $0x3  }
0x33: {  	p0 =	seq.s32 s10, $0x1;
	s10 =	sld [smem:$0x3FBA];
	_ =	sdelay $0x3  }
0x34: {  	[smem:$0x3FBA] =	sst s10  }
0x35: {  	s10 =	sld [smem:$0x3FB9];
	_ =	sdelay $0x3  }
0x36: {  	p1 =	seq.s32 s10, $0x1;
	s10 =	sld [smem:$0x3FBA];
	_ =	sdelay $0x3  }
0x37: {  	[smem:$0x3FBA] =	sst s10  }
0x38: {  	s10 =	sld [smem:$0x3FBB]  }
0x39: {  	_ = 	snop;
	(pc) =	sbr.ind lr, $3  }
0x3a: {  	_ = 	snop  }
0x3b: {  	_ = 	snop  }
0x3c: {  	p2 =	seq.s32 s10, $0x1;
	s10 =	sld [smem:$0x3FBA]  }
0x3d: {  	_ =	shalt  }
0x3e: {  	_ =	shalt  }
0x3f: {  	_ =	shalt  }
0x40: {  	_ =	shalt  }
0x41: {  	_ =	shalt  }
0x42: {  	_ =	shalt  }
0x43: {  	_ =	shalt  }
0x44: {  	_ =	shalt  }
0x45: {  	_ =	shalt  }
0x46: {  	_ =	shalt  }
0x47: {  	_ =	shalt  }
0x48: {  	_ =	shalt  }
0x49: {  	_ =	shalt  }
0x4a: {  	_ =	shalt  }
0x4b: {  	_ =	shalt  }
0x4c: {  	_ =	shalt  }
0x4d: {  	_ =	shalt  }
0x4e: {  	_ =	shalt  }
0x4f: {  	_ =	shalt  }
0x50: {  	_ =	shalt  }
0x51: {  	_ =	shalt  }
0x52: {  	_ =	shalt  }
0x53: {  	_ =	shalt  }
0x54: {  	_ =	shalt  }
0x55: {  	_ =	shalt  }
0x56: {  	_ =	shalt  }
0x57: {  	_ =	shalt  }
0x58: {  	_ =	shalt  }
0x59: {  	_ =	shalt  }
0x5a: {  	_ =	shalt  }
0x5b: {  	_ =	shalt  }
0x5c: {  	_ =	shalt  }
0x5d: {  	_ =	shalt  }
0x5e: {  	_ =	shalt  }
0x5f: {  	_ =	shalt  }
0x60: {  	_ =	shalt  }
0x61: {  	_ =	shalt  }
0x62: {  	_ =	shalt  }
0x63: {  	_ =	shalt  }
0x64: {  	_ =	shalt  }
0x65: {  	_ =	shalt  }
0x66: {  	_ =	shalt  }
0x67: {  	_ =	shalt  }
0x68: {  	_ =	shalt  }
0x69: {  	_ =	shalt  }
0x6a: {  	_ =	shalt  }
0x6b: {  	_ =	shalt  }
0x6c: {  	_ =	shalt  }
0x6d: {  	_ =	shalt  }
0x6e: {  	_ =	shalt  }
0x6f: {  	_ =	shalt  }
0x70: {  	_ =	shalt  }
0x71: {  	_ =	shalt  }
0x72: {  	_ =	shalt  }
0x73: {  	_ =	shalt  }
0x74: {  	_ =	shalt  }
0x75: {  	_ =	shalt  }
0x76: {  	_ =	shalt  }
0x77: {  	_ =	shalt  }
0x78: {  	_ =	shalt  }
0x79: {  	_ =	shalt  }
0x7a: {  	_ =	shalt  }
0x7b: {  	_ =	shalt  }
0x7c: {  	_ =	shalt  }
0x7d: {  	_ =	shalt  }
0x7e: {  	_ =	shalt  }
0x7f: {  	_ =	shalt  }
0x80: {  	_ =	shalt  }
0x81: {  	_ =	shalt  }
0x82: {  	_ =	shalt  }
0x83: {  	_ =	shalt  }
0x84: {  	_ =	shalt  }
0x85: {  	_ =	shalt  }
0x86: {  	_ =	shalt  }
0x87: {  	_ =	shalt  }
.Lfunc_end0:
.L_simem_size_0:
called_computation_lowered:
.L_overlay_start_0:
0x88: {  	s2 =	sld [smem:$0x3FD9]  }
0x89: {  	s3 =	sld [smem:$0x3FFE];
	_ =	sdelay $0x1  }
0x8a: {  	s1 =	srdreg.scid  }
0x8b: {  	s0 =	sand.u32 $0x1, s1  }
0x8c: {  	s17 =	sshll.u32 s0, $0xA;
	s2 =	sadd.s32 s3, s2  }
0x8d: {  	s2 =	sadd.s32 s2, s17  }
0x8e: {  	[smem:$0x3FC6] =	sst s2  }
0x8f: {  	_ = 	snop  }
0x90: {  	s2 =	sld [smem:$0x3FD0];
	(tm) =	ssettm $0x1  }
0x91: {  	s18 =	sld [smem:$0x3FFB];
	_ =	sdelay $0x3  }
0x92: {  	_ =	strace s18  }
0x93: {  	s3 =	sld [smem:$0x3FFC];
	_ =	sdelay $0x3  }
0x94: {  	_ =	strace s3  }
0x95: {  	s3 =	sld [smem:$0x3FFD];
	_ =	sdelay $0x3  }
0x96: {  	_ =	strace s3  }
0x97: {  	_ =	strace $0x8FFFFFFF  }
0x98: {  	s19 =	sld [smem:$0x3FDB];
	_ =	sdelay $0x1  }
0x99: {  	s4 =	simm.s32 $_scs_section_size  }
0x9a: {  	s5 =	simm.s32 $_size__tile_overlayer_lowered;
	s6 =	simm.s32 $_tile_overlayer_lowered  }
0x9b: {  	s22 =	simm.s32 $0x1BFF;
	s21 =	sshll.u32 s6, $0x1;
	s3 =	sadd.s32 s4, s19  }
0x9c: {  	s7 =	simm.s32 $0x0;
	s20 =	sshll.u32 s5, $0x1;
	s5 =	sadd.s32 s21, s3  }
0x9d: {  	[timem:s7], [sflag:s22] =	dma.local [hbm:s5], s20  }
0x9e: {  	_ =	swait.ge [sflag:s22], s20  }
0x9f: {  	s4 =	ssub.s32 $0x0, s20;
	[sflag:s22] =	ssyncset.done $0x0  }
0xa0: {  	[sflag:s22] =	ssyncadd.s32 s4;
	_ =	sdelay $0x1  }
0xa1: {  	s23 =	simm.s32 $0x1B8B  }
0xa2: {  	_ =	swait.ge [sflag:s23], $0x1  }
0xa3: {  	[sflag:s23] =	ssyncset.done $0x0  }
0xa4: {  	s25 =	simm.s32 $0x1B8E;
	s24 =	sld [smem:$0x3FFE];
	[sflag:s23] =	ssyncadd.s32 $0xFFFFFFFF  }
0xa5: {  	s26 =	simm.s32 $execute0_lowered;
	[smem:$0x3FD2] =	sst s25  }
0xa6: {  	s5 =	sshll.u32 s26, $0x1;
	_ =	strace $0x80000046;
	[dreg:$0x1] =	wrdreg $0xFFFFFFFF  }
0xa7: {  	s28 =	simm.s32 $_size_execute0_lowered;
	s3 =	sadd.s32 s3, s5;
	[dreg:$0x0] =	wrdreg $0x0  }
0xa8: {  	s5 =	sshll.u32 s28, $0x1;
	[dreg:$0x2] =	wrdreg s3  }
0xa9: {  	[dreg:$0x3] =	wrdreg s5  }
0xaa: {  	[dreg:$0x4] =	wrdreg $0xC0  }
0xab: {  	_ =	task [dreg:s7], $0x5FFFF  }
0xac: {  	[dreg:$0x1] =	wrdreg $0xFFFFFFFF  }
0xad: {  	[dreg:$0x0] =	wrdreg $0x60  }
0xae: {  	[dreg:$0x2] =	wrdreg s24  }
0xaf: {  	[dreg:$0x3] =	wrdreg s2  }
0xb0: {  	[dreg:$0x4] =	wrdreg $0x9  }
0xb1: {  	_ =	task.clear_ibuf [dreg:s7], $0x5FFFF;
	_ =	strace $0x90000046  }
0xb2: {  	s29 =	simm.s32 $0x9;
	_ =	strace $0x80000048  }
0xb3: {  	_ =	swait.ge [sflag:s29], $0x1  }
0xb4: {  	[sflag:s29] =	ssyncadd.s32 $0xFFFFFFFF  }
0xb5: {  	_ =	strace $0x90000048  }
0xb6: {  	_ =	sfence  }
0xb7: {  	s30 =	sld [smem:$0x0];
	_ =	sdelay $0x2  }
0xb8: {  	s31 =	sshll.u32 s1, $0xD;
	s1 =	sshrl.u32 s1, $0x2  }
0xb9: {  	s3 =	sand.u32 $0x4000, s31;
	s1 =	sadd.s32 s1, s30  }
0xba: {  	s0 =	sor.u32 s3, s0;
	s1 =	sshll.u32 s1, $0x11  }
0xbb: {  	s0 =	sor.u32 s1, s0  }
0xbc: {  	s0 =	sadd.s32 $0x8F2B, s0  }
0xbd: {  	[sflag:s0] =	ssyncadd.remote.s32 $0x1  }
0xbe: {  	_ =	sfence.sel $0xFFFF  }
0xbf: {  	[dreg:$0x0] =	wrdreg $0xFFFFFFFF;
	(pc) =	sbr.abs _section_cstart, $3  }
0xc0: {  	[dreg:$0x1] =	wrdreg $0xFFFFFFFF  }
0xc1: {  	_ =	task.clear_ibuf [dreg:s7], $0x2FFFF;
	_ =	strace $0x9FFFFFFF  }
0xc2: {  	(tm) =	ssettm $0x7FFFFFFF  }
0xc3: {  	_ =	shalt  }
tec
execute0_lowered:
.L_overlay_start_1:
0x0: {  	(tag) =	ssettag $0x1  }
0x1: {  	s1 =	srdreg.scid;
	s0 =	stileid.u32  }
0x2: {  	s5 =	sand.u32 $0x1, s1;
	s31 =	sshll.u32 s0, $0x1  }
0x3: {  	s1 =	sor.u32 s5, s31  }
0x4: {  	s6 =	rddreg [dreg:$0x0];
	s7 =	smul.u32 $0x7D, s1  }
0x5: {  	s2 =	rddreg [dreg:$0x1];
	s3 =	simm.s32 $0x0  }
0x6: {  	s11 =	simm.s32 $0x1;
	s12 =	simm.s32 $0x2;
	s4 =	sshrl.u32 s7, $0x5  }
0x7: {  	s13 =	simm.s32 $0x3;
	s14 =	simm.s32 $0x0;
	s8 =	smul.u32 $0x3E8, s4  }
.Ltmp0:
0x8: {  	[smem:$0x7FF] =	sst s3;
	s9 =	ssub.s32 $0x2, s5;
	(pc) =	sbr.rel .LBB2_1-.Ltmp0, $4  }
0x9: {  	_ =	strace $0x80000047;
	s5 =	sadd.s32 $0x400, s6;
	s10 =	sshrl.u32 s9, $0x1  }
0xa: {  	s9 =	ssub.s32 s9, s10;
	s7 =	sadd.s32 $0x7D, s7;
	s8 =	sadd.s32 s8, s6  }
0xb: {  	s10 =	simm.s32 $0x7D00;
	s6 =	sshrl.u32 s7, $0x5;
	s7 =	sadd.s32 $0x2C00, s8  }
0xc: {  	s8 =	smax.u32 s9, $0x1;
	s9 =	simm.s32 $0x4;
	p0 =	sge.u32 s4, s6  }
.LBB2_8:
0xd: {  	_ =	swait.ge [sflag:s11], $0x1000  }
0xe: {  	[sflag:s11] =	ssyncset.done $0x0  }
0xf: {  	s14 =	sadd.s32 $0x1, s14;
	[sflag:s11] =	ssyncadd.s32 $0xFFFFF000  }
0x10: {  	p1 =	sne.s32 s14, s8;
	_ =	swait.ge [sflag:s12], $0x8000  }
.Ltmp1:
0x11: {  	[sflag:s12] =	ssyncset.done $0x0;
	(pc) =	sbr.rel @!p1 .LBB2_9-.Ltmp1, $4  }
0x12: {  	[sflag:s12] =	ssyncadd.s32 $0xFFFF8000  }
0x13: {  	_ =	swait.ge [sflag:s13], $0x8000  }
0x14: {  	[sflag:s13] =	ssyncset.done $0x0  }
0x15: {  	[sflag:s13] =	ssyncadd.s32 $0xFFFF8000  }
.LBB2_1:
0x16: {  	[tilespmem:s3], [sflag:$0x4] =	stream.linear.gather [hbm4b:s7+s3], $0x7D00, $0x38;
	[tilespmem:$0x19D00] =	vst v63  }
.Ltmp2:
0x17: {  	_ = 	snop;
	(pc) =	sbr.rel .LBB2_3-.Ltmp2, $4  }
0x18: {  	_ =	swait.ge [sflag:s9], $0x7D00  }
0x19: {  	[sflag:s9] =	ssyncset.done $0x0  }
0x1a: {  	s15 =	simm.s32 $0x0;
	s16 =	simm.s32 $0x0;
	[sflag:s9] =	ssyncadd.s32 $0xFFFF8300  }
0x1b: {  	[tilespmem:s10], [sflag:$0x1] =	stream.linear.gather [hbm4b:s5+s3], $0x1000, $0x38;
	[tilespmem:$0x19D00] =	vst v63  }
.LBB2_2:
0x1c: {  	p1 =	seq.s32 s16, $0x14  }
.Ltmp3:
0x1d: {  	_ = 	snop;
	(pc) =	sbr.rel @p1 .LBB2_8-.Ltmp3, $1  }
0x1e: {  	_ =	sdelay $0x3  }
.LBB2_3:
.Ltmp4:
0x1f: {  	s17 =	smov.u32 s16;
	s16 =	sadd.s32 $0x1, s16;
	(pc) =	sbr.rel @p0 .LBB2_2-.Ltmp4, $4  }
0x20: {  	_ =	swait.ge [sflag:s11], $0x1000;
	s18 =	sshll.u32 s16, $0xC;
	s19 =	smin.u32 s16, $0x13  }
0x21: {  	[sflag:s11] =	ssyncset.done $0x0;
	s18 =	sand.u32 $0x1000, s18;
	s19 =	sshll.u32 s19, $0x9  }
0x22: {  	[sflag:s11] =	ssyncadd.s32 $0xFFFFF000;
	s18 =	sadd.s32 $0x7D00, s18;
	s19 =	sadd.s32 s5, s19  }
0x23: {  	[tilespmem:s18], [sflag:$0x1] =	stream.linear.gather [hbm4b:s19+s3], $0x1000, $0x38;
	[tilespmem:$0x19D00] =	vst v63  }
0x24: {  	s18 =	sshll.u32 s17, $0xC  }
0x25: {  	s18 =	sand.u32 $0x1000, s18  }
0x26: {  	s18 =	sadd.s32 $0x7D00, s18  }
0x27: {  	v0 =	vmov s18;
	_ =	sdelay $0x1  }
0x28: {  	s17 =	smul.u32 $0x7D, s17;
	s18 =	smov.u32 s4  }
.LBB2_5:
0x29: {  	s19 =	sand.u32 $0x1, s15;
	p1 =	slt.s32 s15, $0x2  }
0x2a: {  	s20 =	ssub.s32 s18, s4;
	s21 =	sor.u32 @!p1 $0x2, s19  }
0x2b: {  	s20 =	smul.u32 $0x7D00, s20;
	_ =	swait.ge @!p1 [sflag:s21], $0x8000  }
0x2c: {  	[sflag:s21] =	ssyncset.done @!p1 $0x0  }
0x2d: {  	s31 =	sshll.u32 s19, $0xF;
	[sflag:s21] =	ssyncadd.s32 @!p1 $0xFFFF8000;
	s21 =	sshra.s32 s20, $0x2  }
0x2e: {  	s30 =	simm.s32 $0x0;
	s20 =	sadd.s32 $0x9D00, s31;
	s22 =	sadd.s32 $0x3E8, s21  }
0x2f: {  	s23 =	sadd.s32 $0x7D0, s21;
	s24 =	sadd.s32 $0xBB8, s21;
	s25 =	sadd.s32 $0xFA0, s21  }
0x30: {  	s26 =	sadd.s32 $0x1388, s21;
	s28 =	sadd.s32 $0x1770, s21;
	s29 =	sadd.s32 $0x1B58, s21;
	v1 =	vmov s20  }
.LBB2_6:
0x31: {  	s31 =	sshll.u32 s30, $0x7  }
0x32: {  	s31 =	sand.u32 $0x3FFFFF80, s31  }
0x33: {  	v2 =	vld.idx.msk [tilespmem:v0+s31+$0x0 ss:$0x1], $0xffff  }
0x34: {  	v3 =	vld.idx.msk [tilespmem:v0+s31+$0x10 ss:$0x1], $0xffff  }
0x35: {  	v4 =	vld.idx.msk [tilespmem:v0+s31+$0x20 ss:$0x1], $0xffff  }
0x36: {  	v5 =	vld.idx.msk [tilespmem:v0+s31+$0x30 ss:$0x1], $0xffff  }
0x37: {  	v6 =	vld.idx.msk [tilespmem:v0+s31+$0x40 ss:$0x1], $0xffff  }
0x38: {  	v7 =	vld.idx.msk [tilespmem:v0+s31+$0x50 ss:$0x1], $0xffff  }
0x39: {  	v8 =	vld.idx.msk [tilespmem:v0+s31+$0x60 ss:$0x1], $0xffff  }
0x3a: {  	v9 =	vld.idx.msk [tilespmem:v0+s31+$0x70 ss:$0x1], $0xffff  }
0x3b: {  	v10 =	vld.idx.msk [tilespmem:v2+s21+$0x0], $0xffff  }
0x3c: {  	v11 =	vld.idx.msk [tilespmem:v3+s21+$0x0], $0xffff  }
0x3d: {  	v12 =	vld.idx.msk [tilespmem:v4+s21+$0x0], $0xffff  }
0x3e: {  	v13 =	vld.idx.msk [tilespmem:v5+s21+$0x0], $0xffff  }
0x3f: {  	v14 =	vld.idx.msk [tilespmem:v6+s21+$0x0], $0xffff  }
0x40: {  	v15 =	vld.idx.msk [tilespmem:v7+s21+$0x0], $0xffff  }
0x41: {  	s1 =	sshll.u32 s30, $0xA;
	v16 =	vld.idx.msk [tilespmem:v8+s21+$0x0], $0xffff  }
0x42: {  	s31 =	sand.u32 $0x3FFFFC00, s1;
	v17 =	vld.idx.msk [tilespmem:v9+s21+$0x0], $0xffff  }
0x43: {  	v18 =	vld.idx.msk [tilespmem:v2+s22+$0x0], $0xffff;
	[tilespmem:v1+s31+$0x0 ss:$0x1] =	vst.idx.msk $0xffff, v10  }
0x44: {  	v10 =	vld.idx.msk [tilespmem:v3+s22+$0x0], $0xffff;
	[tilespmem:v1+s31+$0x10 ss:$0x1] =	vst.idx.msk $0xffff, v11  }
0x45: {  	v11 =	vld.idx.msk [tilespmem:v4+s22+$0x0], $0xffff;
	[tilespmem:v1+s31+$0x20 ss:$0x1] =	vst.idx.msk $0xffff, v12  }
0x46: {  	v12 =	vld.idx.msk [tilespmem:v5+s22+$0x0], $0xffff;
	[tilespmem:v1+s31+$0x30 ss:$0x1] =	vst.idx.msk $0xffff, v13  }
0x47: {  	v13 =	vld.idx.msk [tilespmem:v6+s22+$0x0], $0xffff;
	[tilespmem:v1+s31+$0x40 ss:$0x1] =	vst.idx.msk $0xffff, v14  }
0x48: {  	v14 =	vld.idx.msk [tilespmem:v7+s22+$0x0], $0xffff;
	[tilespmem:v1+s31+$0x50 ss:$0x1] =	vst.idx.msk $0xffff, v15  }
0x49: {  	v15 =	vld.idx.msk [tilespmem:v8+s22+$0x0], $0xffff;
	[tilespmem:v1+s31+$0x60 ss:$0x1] =	vst.idx.msk $0xffff, v16  }
0x4a: {  	v16 =	vld.idx.msk [tilespmem:v9+s22+$0x0], $0xffff;
	[tilespmem:v1+s31+$0x70 ss:$0x1] =	vst.idx.msk $0xffff, v17  }
0x4b: {  	v17 =	vld.idx.msk [tilespmem:v2+s23+$0x0], $0xffff;
	[tilespmem:v1+s31+$0x80 ss:$0x1] =	vst.idx.msk $0xffff, v18  }
0x4c: {  	v18 =	vld.idx.msk [tilespmem:v3+s23+$0x0], $0xffff;
	[tilespmem:v1+s31+$0x90 ss:$0x1] =	vst.idx.msk $0xffff, v10  }
0x4d: {  	v10 =	vld.idx.msk [tilespmem:v4+s23+$0x0], $0xffff;
	[tilespmem:v1+s31+$0xA0 ss:$0x1] =	vst.idx.msk $0xffff, v11  }
0x4e: {  	v11 =	vld.idx.msk [tilespmem:v5+s23+$0x0], $0xffff;
	[tilespmem:v1+s31+$0xB0 ss:$0x1] =	vst.idx.msk $0xffff, v12  }
0x4f: {  	v12 =	vld.idx.msk [tilespmem:v6+s23+$0x0], $0xffff;
	[tilespmem:v1+s31+$0xC0 ss:$0x1] =	vst.idx.msk $0xffff, v13  }
0x50: {  	v13 =	vld.idx.msk [tilespmem:v7+s23+$0x0], $0xffff;
	[tilespmem:v1+s31+$0xD0 ss:$0x1] =	vst.idx.msk $0xffff, v14  }
0x51: {  	v14 =	vld.idx.msk [tilespmem:v8+s23+$0x0], $0xffff;
	[tilespmem:v1+s31+$0xE0 ss:$0x1] =	vst.idx.msk $0xffff, v15  }
0x52: {  	v15 =	vld.idx.msk [tilespmem:v9+s23+$0x0], $0xffff;
	[tilespmem:v1+s31+$0xF0 ss:$0x1] =	vst.idx.msk $0xffff, v16  }
0x53: {  	v16 =	vld.idx.msk [tilespmem:v2+s24+$0x0], $0xffff;
	[tilespmem:v1+s31+$0x100 ss:$0x1] =	vst.idx.msk $0xffff, v17  }
0x54: {  	v17 =	vld.idx.msk [tilespmem:v3+s24+$0x0], $0xffff;
	[tilespmem:v1+s31+$0x110 ss:$0x1] =	vst.idx.msk $0xffff, v18  }
0x55: {  	v18 =	vld.idx.msk [tilespmem:v4+s24+$0x0], $0xffff;
	[tilespmem:v1+s31+$0x120 ss:$0x1] =	vst.idx.msk $0xffff, v10  }
0x56: {  	v10 =	vld.idx.msk [tilespmem:v5+s24+$0x0], $0xffff;
	[tilespmem:v1+s31+$0x130 ss:$0x1] =	vst.idx.msk $0xffff, v11  }
0x57: {  	v11 =	vld.idx.msk [tilespmem:v6+s24+$0x0], $0xffff;
	[tilespmem:v1+s31+$0x140 ss:$0x1] =	vst.idx.msk $0xffff, v12  }
0x58: {  	v12 =	vld.idx.msk [tilespmem:v7+s24+$0x0], $0xffff;
	[tilespmem:v1+s31+$0x150 ss:$0x1] =	vst.idx.msk $0xffff, v13  }
0x59: {  	v13 =	vld.idx.msk [tilespmem:v8+s24+$0x0], $0xffff;
	[tilespmem:v1+s31+$0x160 ss:$0x1] =	vst.idx.msk $0xffff, v14  }
0x5a: {  	v14 =	vld.idx.msk [tilespmem:v9+s24+$0x0], $0xffff;
	[tilespmem:v1+s31+$0x170 ss:$0x1] =	vst.idx.msk $0xffff, v15  }
0x5b: {  	v15 =	vld.idx.msk [tilespmem:v2+s25+$0x0], $0xffff;
	[tilespmem:v1+s31+$0x180 ss:$0x1] =	vst.idx.msk $0xffff, v16  }
0x5c: {  	v16 =	vld.idx.msk [tilespmem:v3+s25+$0x0], $0xffff;
	[tilespmem:v1+s31+$0x190 ss:$0x1] =	vst.idx.msk $0xffff, v17  }
0x5d: {  	v17 =	vld.idx.msk [tilespmem:v4+s25+$0x0], $0xffff;
	[tilespmem:v1+s31+$0x1A0 ss:$0x1] =	vst.idx.msk $0xffff, v18  }
0x5e: {  	v18 =	vld.idx.msk [tilespmem:v5+s25+$0x0], $0xffff;
	[tilespmem:v1+s31+$0x1B0 ss:$0x1] =	vst.idx.msk $0xffff, v10  }
0x5f: {  	v10 =	vld.idx.msk [tilespmem:v6+s25+$0x0], $0xffff;
	[tilespmem:v1+s31+$0x1C0 ss:$0x1] =	vst.idx.msk $0xffff, v11  }
0x60: {  	v11 =	vld.idx.msk [tilespmem:v7+s25+$0x0], $0xffff;
	[tilespmem:v1+s31+$0x1D0 ss:$0x1] =	vst.idx.msk $0xffff, v12  }
0x61: {  	v12 =	vld.idx.msk [tilespmem:v8+s25+$0x0], $0xffff;
	[tilespmem:v1+s31+$0x1E0 ss:$0x1] =	vst.idx.msk $0xffff, v13  }
0x62: {  	v13 =	vld.idx.msk [tilespmem:v9+s25+$0x0], $0xffff;
	[tilespmem:v1+s31+$0x1F0 ss:$0x1] =	vst.idx.msk $0xffff, v14  }
0x63: {  	v14 =	vld.idx.msk [tilespmem:v2+s26+$0x0], $0xffff;
	[tilespmem:v1+s31+$0x200 ss:$0x1] =	vst.idx.msk $0xffff, v15  }
0x64: {  	v15 =	vld.idx.msk [tilespmem:v3+s26+$0x0], $0xffff;
	[tilespmem:v1+s31+$0x210 ss:$0x1] =	vst.idx.msk $0xffff, v16  }
0x65: {  	v16 =	vld.idx.msk [tilespmem:v4+s26+$0x0], $0xffff;
	[tilespmem:v1+s31+$0x220 ss:$0x1] =	vst.idx.msk $0xffff, v17  }
0x66: {  	v17 =	vld.idx.msk [tilespmem:v5+s26+$0x0], $0xffff;
	[tilespmem:v1+s31+$0x230 ss:$0x1] =	vst.idx.msk $0xffff, v18  }
0x67: {  	v18 =	vld.idx.msk [tilespmem:v6+s26+$0x0], $0xffff;
	[tilespmem:v1+s31+$0x240 ss:$0x1] =	vst.idx.msk $0xffff, v10  }
0x68: {  	v10 =	vld.idx.msk [tilespmem:v7+s26+$0x0], $0xffff;
	[tilespmem:v1+s31+$0x250 ss:$0x1] =	vst.idx.msk $0xffff, v11  }
0x69: {  	v11 =	vld.idx.msk [tilespmem:v8+s26+$0x0], $0xffff;
	[tilespmem:v1+s31+$0x260 ss:$0x1] =	vst.idx.msk $0xffff, v12  }
0x6a: {  	v12 =	vld.idx.msk [tilespmem:v9+s26+$0x0], $0xffff;
	[tilespmem:v1+s31+$0x270 ss:$0x1] =	vst.idx.msk $0xffff, v13  }
0x6b: {  	v13 =	vld.idx.msk [tilespmem:v2+s28+$0x0], $0xffff;
	[tilespmem:v1+s31+$0x280 ss:$0x1] =	vst.idx.msk $0xffff, v14  }
0x6c: {  	v14 =	vld.idx.msk [tilespmem:v3+s28+$0x0], $0xffff;
	[tilespmem:v1+s31+$0x290 ss:$0x1] =	vst.idx.msk $0xffff, v15  }
0x6d: {  	v15 =	vld.idx.msk [tilespmem:v4+s28+$0x0], $0xffff;
	[tilespmem:v1+s31+$0x2A0 ss:$0x1] =	vst.idx.msk $0xffff, v16  }
0x6e: {  	v16 =	vld.idx.msk [tilespmem:v5+s28+$0x0], $0xffff;
	[tilespmem:v1+s31+$0x2B0 ss:$0x1] =	vst.idx.msk $0xffff, v17  }
0x6f: {  	v17 =	vld.idx.msk [tilespmem:v6+s28+$0x0], $0xffff;
	[tilespmem:v1+s31+$0x2C0 ss:$0x1] =	vst.idx.msk $0xffff, v18  }
0x70: {  	v18 =	vld.idx.msk [tilespmem:v7+s28+$0x0], $0xffff;
	[tilespmem:v1+s31+$0x2D0 ss:$0x1] =	vst.idx.msk $0xffff, v10  }
0x71: {  	v10 =	vld.idx.msk [tilespmem:v8+s28+$0x0], $0xffff;
	[tilespmem:v1+s31+$0x2E0 ss:$0x1] =	vst.idx.msk $0xffff, v11  }
0x72: {  	v11 =	vld.idx.msk [tilespmem:v9+s28+$0x0], $0xffff;
	[tilespmem:v1+s31+$0x2F0 ss:$0x1] =	vst.idx.msk $0xffff, v12  }
0x73: {  	v2 =	vld.idx.msk [tilespmem:v2+s29+$0x0], $0xffff;
	[tilespmem:v1+s31+$0x300 ss:$0x1] =	vst.idx.msk $0xffff, v13  }
0x74: {  	v3 =	vld.idx.msk [tilespmem:v3+s29+$0x0], $0xffff;
	[tilespmem:v1+s31+$0x310 ss:$0x1] =	vst.idx.msk $0xffff, v14  }
0x75: {  	v4 =	vld.idx.msk [tilespmem:v4+s29+$0x0], $0xffff;
	[tilespmem:v1+s31+$0x320 ss:$0x1] =	vst.idx.msk $0xffff, v15  }
0x76: {  	v5 =	vld.idx.msk [tilespmem:v5+s29+$0x0], $0xffff;
	[tilespmem:v1+s31+$0x330 ss:$0x1] =	vst.idx.msk $0xffff, v16  }
0x77: {  	v6 =	vld.idx.msk [tilespmem:v6+s29+$0x0], $0xffff;
	[tilespmem:v1+s31+$0x340 ss:$0x1] =	vst.idx.msk $0xffff, v17  }
0x78: {  	v7 =	vld.idx.msk [tilespmem:v7+s29+$0x0], $0xffff;
	[tilespmem:v1+s31+$0x350 ss:$0x1] =	vst.idx.msk $0xffff, v18  }
0x79: {  	v8 =	vld.idx.msk [tilespmem:v8+s29+$0x0], $0xffff;
	[tilespmem:v1+s31+$0x360 ss:$0x1] =	vst.idx.msk $0xffff, v10  }
0x7a: {  	v9 =	vld.idx.msk [tilespmem:v9+s29+$0x0], $0xffff;
	[tilespmem:v1+s31+$0x370 ss:$0x1] =	vst.idx.msk $0xffff, v11  }
0x7b: {  	[tilespmem:v1+s31+$0x380 ss:$0x1] =	vst.idx.msk $0xffff, v2  }
0x7c: {  	[tilespmem:v1+s31+$0x390 ss:$0x1] =	vst.idx.msk $0xffff, v3  }
0x7d: {  	[tilespmem:v1+s31+$0x3A0 ss:$0x1] =	vst.idx.msk $0xffff, v4  }
0x7e: {  	[tilespmem:v1+s31+$0x3B0 ss:$0x1] =	vst.idx.msk $0xffff, v5  }
0x7f: {  	[tilespmem:v1+s31+$0x3C0 ss:$0x1] =	vst.idx.msk $0xffff, v6  }
0x80: {  	s1 =	sor.u32 $0x1, s30;
	[tilespmem:v1+s31+$0x3D0 ss:$0x1] =	vst.idx.msk $0xffff, v7  }
0x81: {  	s0 =	sshll.u32 s1, $0x7;
	[tilespmem:v1+s31+$0x3E0 ss:$0x1] =	vst.idx.msk $0xffff, v8  }
0x82: {  	s0 =	sand.u32 $0x3FFFFF80, s0;
	[tilespmem:v1+s31+$0x3F0 ss:$0x1] =	vst.idx.msk $0xffff, v9  }
0x83: {  	v2 =	vld.idx.msk [tilespmem:v0+s0+$0x0 ss:$0x1], $0xffff  }
0x84: {  	v3 =	vld.idx.msk [tilespmem:v0+s0+$0x10 ss:$0x1], $0xffff  }
0x85: {  	v4 =	vld.idx.msk [tilespmem:v0+s0+$0x20 ss:$0x1], $0xffff  }
0x86: {  	v5 =	vld.idx.msk [tilespmem:v0+s0+$0x30 ss:$0x1], $0xffff  }
0x87: {  	v6 =	vld.idx.msk [tilespmem:v0+s0+$0x40 ss:$0x1], $0xffff  }
0x88: {  	v7 =	vld.idx.msk [tilespmem:v0+s0+$0x50 ss:$0x1], $0xffff  }
0x89: {  	v8 =	vld.idx.msk [tilespmem:v0+s0+$0x60 ss:$0x1], $0xffff  }
0x8a: {  	v9 =	vld.idx.msk [tilespmem:v0+s0+$0x70 ss:$0x1], $0xffff  }
0x8b: {  	v10 =	vld.idx.msk [tilespmem:v2+s21+$0x0], $0xffff  }
0x8c: {  	v11 =	vld.idx.msk [tilespmem:v3+s21+$0x0], $0xffff  }
0x8d: {  	v12 =	vld.idx.msk [tilespmem:v4+s21+$0x0], $0xffff  }
0x8e: {  	v13 =	vld.idx.msk [tilespmem:v5+s21+$0x0], $0xffff  }
0x8f: {  	v14 =	vld.idx.msk [tilespmem:v6+s21+$0x0], $0xffff  }
0x90: {  	v15 =	vld.idx.msk [tilespmem:v7+s21+$0x0], $0xffff  }
0x91: {  	s31 =	sshll.u32 s1, $0xA;
	v16 =	vld.idx.msk [tilespmem:v8+s21+$0x0], $0xffff  }
0x92: {  	s31 =	sand.u32 $0x3FFFFC00, s31;
	v17 =	vld.idx.msk [tilespmem:v9+s21+$0x0], $0xffff  }
0x93: {  	v18 =	vld.idx.msk [tilespmem:v2+s22+$0x0], $0xffff;
	[tilespmem:v1+s31+$0x0 ss:$0x1] =	vst.idx.msk $0xffff, v10  }
0x94: {  	v10 =	vld.idx.msk [tilespmem:v3+s22+$0x0], $0xffff;
	[tilespmem:v1+s31+$0x10 ss:$0x1] =	vst.idx.msk $0xffff, v11  }
0x95: {  	v11 =	vld.idx.msk [tilespmem:v4+s22+$0x0], $0xffff;
	[tilespmem:v1+s31+$0x20 ss:$0x1] =	vst.idx.msk $0xffff, v12  }
0x96: {  	v12 =	vld.idx.msk [tilespmem:v5+s22+$0x0], $0xffff;
	[tilespmem:v1+s31+$0x30 ss:$0x1] =	vst.idx.msk $0xffff, v13  }
0x97: {  	v13 =	vld.idx.msk [tilespmem:v6+s22+$0x0], $0xffff;
	[tilespmem:v1+s31+$0x40 ss:$0x1] =	vst.idx.msk $0xffff, v14  }
0x98: {  	v14 =	vld.idx.msk [tilespmem:v7+s22+$0x0], $0xffff;
	[tilespmem:v1+s31+$0x50 ss:$0x1] =	vst.idx.msk $0xffff, v15  }
0x99: {  	v15 =	vld.idx.msk [tilespmem:v8+s22+$0x0], $0xffff;
	[tilespmem:v1+s31+$0x60 ss:$0x1] =	vst.idx.msk $0xffff, v16  }
0x9a: {  	v16 =	vld.idx.msk [tilespmem:v9+s22+$0x0], $0xffff;
	[tilespmem:v1+s31+$0x70 ss:$0x1] =	vst.idx.msk $0xffff, v17  }
0x9b: {  	v17 =	vld.idx.msk [tilespmem:v2+s23+$0x0], $0xffff;
	[tilespmem:v1+s31+$0x80 ss:$0x1] =	vst.idx.msk $0xffff, v18  }
0x9c: {  	v18 =	vld.idx.msk [tilespmem:v3+s23+$0x0], $0xffff;
	[tilespmem:v1+s31+$0x90 ss:$0x1] =	vst.idx.msk $0xffff, v10  }
0x9d: {  	v10 =	vld.idx.msk [tilespmem:v4+s23+$0x0], $0xffff;
	[tilespmem:v1+s31+$0xA0 ss:$0x1] =	vst.idx.msk $0xffff, v11  }
0x9e: {  	v11 =	vld.idx.msk [tilespmem:v5+s23+$0x0], $0xffff;
	[tilespmem:v1+s31+$0xB0 ss:$0x1] =	vst.idx.msk $0xffff, v12  }
0x9f: {  	v12 =	vld.idx.msk [tilespmem:v6+s23+$0x0], $0xffff;
	[tilespmem:v1+s31+$0xC0 ss:$0x1] =	vst.idx.msk $0xffff, v13  }
0xa0: {  	v13 =	vld.idx.msk [tilespmem:v7+s23+$0x0], $0xffff;
	[tilespmem:v1+s31+$0xD0 ss:$0x1] =	vst.idx.msk $0xffff, v14  }
0xa1: {  	v14 =	vld.idx.msk [tilespmem:v8+s23+$0x0], $0xffff;
	[tilespmem:v1+s31+$0xE0 ss:$0x1] =	vst.idx.msk $0xffff, v15  }
0xa2: {  	v15 =	vld.idx.msk [tilespmem:v9+s23+$0x0], $0xffff;
	[tilespmem:v1+s31+$0xF0 ss:$0x1] =	vst.idx.msk $0xffff, v16  }
0xa3: {  	v16 =	vld.idx.msk [tilespmem:v2+s24+$0x0], $0xffff;
	[tilespmem:v1+s31+$0x100 ss:$0x1] =	vst.idx.msk $0xffff, v17  }
0xa4: {  	v17 =	vld.idx.msk [tilespmem:v3+s24+$0x0], $0xffff;
	[tilespmem:v1+s31+$0x110 ss:$0x1] =	vst.idx.msk $0xffff, v18  }
0xa5: {  	v18 =	vld.idx.msk [tilespmem:v4+s24+$0x0], $0xffff;
	[tilespmem:v1+s31+$0x120 ss:$0x1] =	vst.idx.msk $0xffff, v10  }
0xa6: {  	v10 =	vld.idx.msk [tilespmem:v5+s24+$0x0], $0xffff;
	[tilespmem:v1+s31+$0x130 ss:$0x1] =	vst.idx.msk $0xffff, v11  }
0xa7: {  	v11 =	vld.idx.msk [tilespmem:v6+s24+$0x0], $0xffff;
	[tilespmem:v1+s31+$0x140 ss:$0x1] =	vst.idx.msk $0xffff, v12  }
0xa8: {  	v12 =	vld.idx.msk [tilespmem:v7+s24+$0x0], $0xffff;
	[tilespmem:v1+s31+$0x150 ss:$0x1] =	vst.idx.msk $0xffff, v13  }
0xa9: {  	v13 =	vld.idx.msk [tilespmem:v8+s24+$0x0], $0xffff;
	[tilespmem:v1+s31+$0x160 ss:$0x1] =	vst.idx.msk $0xffff, v14  }
0xaa: {  	v14 =	vld.idx.msk [tilespmem:v9+s24+$0x0], $0xffff;
	[tilespmem:v1+s31+$0x170 ss:$0x1] =	vst.idx.msk $0xffff, v15  }
0xab: {  	v15 =	vld.idx.msk [tilespmem:v2+s25+$0x0], $0xffff;
	[tilespmem:v1+s31+$0x180 ss:$0x1] =	vst.idx.msk $0xffff, v16  }
0xac: {  	v16 =	vld.idx.msk [tilespmem:v3+s25+$0x0], $0xffff;
	[tilespmem:v1+s31+$0x190 ss:$0x1] =	vst.idx.msk $0xffff, v17  }
0xad: {  	v17 =	vld.idx.msk [tilespmem:v4+s25+$0x0], $0xffff;
	[tilespmem:v1+s31+$0x1A0 ss:$0x1] =	vst.idx.msk $0xffff, v18  }
0xae: {  	v18 =	vld.idx.msk [tilespmem:v5+s25+$0x0], $0xffff;
	[tilespmem:v1+s31+$0x1B0 ss:$0x1] =	vst.idx.msk $0xffff, v10  }
0xaf: {  	v10 =	vld.idx.msk [tilespmem:v6+s25+$0x0], $0xffff;
	[tilespmem:v1+s31+$0x1C0 ss:$0x1] =	vst.idx.msk $0xffff, v11  }
0xb0: {  	v11 =	vld.idx.msk [tilespmem:v7+s25+$0x0], $0xffff;
	[tilespmem:v1+s31+$0x1D0 ss:$0x1] =	vst.idx.msk $0xffff, v12  }
0xb1: {  	v12 =	vld.idx.msk [tilespmem:v8+s25+$0x0], $0xffff;
	[tilespmem:v1+s31+$0x1E0 ss:$0x1] =	vst.idx.msk $0xffff, v13  }
0xb2: {  	v13 =	vld.idx.msk [tilespmem:v9+s25+$0x0], $0xffff;
	[tilespmem:v1+s31+$0x1F0 ss:$0x1] =	vst.idx.msk $0xffff, v14  }
0xb3: {  	v14 =	vld.idx.msk [tilespmem:v2+s26+$0x0], $0xffff;
	[tilespmem:v1+s31+$0x200 ss:$0x1] =	vst.idx.msk $0xffff, v15  }
0xb4: {  	v15 =	vld.idx.msk [tilespmem:v3+s26+$0x0], $0xffff;
	[tilespmem:v1+s31+$0x210 ss:$0x1] =	vst.idx.msk $0xffff, v16  }
0xb5: {  	v16 =	vld.idx.msk [tilespmem:v4+s26+$0x0], $0xffff;
	[tilespmem:v1+s31+$0x220 ss:$0x1] =	vst.idx.msk $0xffff, v17  }
0xb6: {  	v17 =	vld.idx.msk [tilespmem:v5+s26+$0x0], $0xffff;
	[tilespmem:v1+s31+$0x230 ss:$0x1] =	vst.idx.msk $0xffff, v18  }
0xb7: {  	v18 =	vld.idx.msk [tilespmem:v6+s26+$0x0], $0xffff;
	[tilespmem:v1+s31+$0x240 ss:$0x1] =	vst.idx.msk $0xffff, v10  }
0xb8: {  	v10 =	vld.idx.msk [tilespmem:v7+s26+$0x0], $0xffff;
	[tilespmem:v1+s31+$0x250 ss:$0x1] =	vst.idx.msk $0xffff, v11  }
0xb9: {  	v11 =	vld.idx.msk [tilespmem:v8+s26+$0x0], $0xffff;
	[tilespmem:v1+s31+$0x260 ss:$0x1] =	vst.idx.msk $0xffff, v12  }
0xba: {  	v12 =	vld.idx.msk [tilespmem:v9+s26+$0x0], $0xffff;
	[tilespmem:v1+s31+$0x270 ss:$0x1] =	vst.idx.msk $0xffff, v13  }
0xbb: {  	v13 =	vld.idx.msk [tilespmem:v2+s28+$0x0], $0xffff;
	[tilespmem:v1+s31+$0x280 ss:$0x1] =	vst.idx.msk $0xffff, v14  }
0xbc: {  	v14 =	vld.idx.msk [tilespmem:v3+s28+$0x0], $0xffff;
	[tilespmem:v1+s31+$0x290 ss:$0x1] =	vst.idx.msk $0xffff, v15  }
0xbd: {  	v15 =	vld.idx.msk [tilespmem:v4+s28+$0x0], $0xffff;
	[tilespmem:v1+s31+$0x2A0 ss:$0x1] =	vst.idx.msk $0xffff, v16  }
0xbe: {  	v16 =	vld.idx.msk [tilespmem:v5+s28+$0x0], $0xffff;
	[tilespmem:v1+s31+$0x2B0 ss:$0x1] =	vst.idx.msk $0xffff, v17  }
0xbf: {  	v17 =	vld.idx.msk [tilespmem:v6+s28+$0x0], $0xffff;
	[tilespmem:v1+s31+$0x2C0 ss:$0x1] =	vst.idx.msk $0xffff, v18  }
0xc0: {  	v18 =	vld.idx.msk [tilespmem:v7+s28+$0x0], $0xffff;
	[tilespmem:v1+s31+$0x2D0 ss:$0x1] =	vst.idx.msk $0xffff, v10  }
0xc1: {  	v10 =	vld.idx.msk [tilespmem:v8+s28+$0x0], $0xffff;
	[tilespmem:v1+s31+$0x2E0 ss:$0x1] =	vst.idx.msk $0xffff, v11  }
0xc2: {  	v11 =	vld.idx.msk [tilespmem:v9+s28+$0x0], $0xffff;
	[tilespmem:v1+s31+$0x2F0 ss:$0x1] =	vst.idx.msk $0xffff, v12  }
0xc3: {  	v2 =	vld.idx.msk [tilespmem:v2+s29+$0x0], $0xffff;
	[tilespmem:v1+s31+$0x300 ss:$0x1] =	vst.idx.msk $0xffff, v13  }
0xc4: {  	v3 =	vld.idx.msk [tilespmem:v3+s29+$0x0], $0xffff;
	[tilespmem:v1+s31+$0x310 ss:$0x1] =	vst.idx.msk $0xffff, v14  }
0xc5: {  	v4 =	vld.idx.msk [tilespmem:v4+s29+$0x0], $0xffff;
	[tilespmem:v1+s31+$0x320 ss:$0x1] =	vst.idx.msk $0xffff, v15  }
0xc6: {  	v5 =	vld.idx.msk [tilespmem:v5+s29+$0x0], $0xffff;
	[tilespmem:v1+s31+$0x330 ss:$0x1] =	vst.idx.msk $0xffff, v16  }
0xc7: {  	v6 =	vld.idx.msk [tilespmem:v6+s29+$0x0], $0xffff;
	[tilespmem:v1+s31+$0x340 ss:$0x1] =	vst.idx.msk $0xffff, v17  }
0xc8: {  	v7 =	vld.idx.msk [tilespmem:v7+s29+$0x0], $0xffff;
	[tilespmem:v1+s31+$0x350 ss:$0x1] =	vst.idx.msk $0xffff, v18  }
0xc9: {  	v8 =	vld.idx.msk [tilespmem:v8+s29+$0x0], $0xffff;
	[tilespmem:v1+s31+$0x360 ss:$0x1] =	vst.idx.msk $0xffff, v10  }
0xca: {  	v9 =	vld.idx.msk [tilespmem:v9+s29+$0x0], $0xffff;
	[tilespmem:v1+s31+$0x370 ss:$0x1] =	vst.idx.msk $0xffff, v11  }
0xcb: {  	[tilespmem:v1+s31+$0x380 ss:$0x1] =	vst.idx.msk $0xffff, v2  }
0xcc: {  	[tilespmem:v1+s31+$0x390 ss:$0x1] =	vst.idx.msk $0xffff, v3  }
0xcd: {  	[tilespmem:v1+s31+$0x3A0 ss:$0x1] =	vst.idx.msk $0xffff, v4  }
0xce: {  	[tilespmem:v1+s31+$0x3B0 ss:$0x1] =	vst.idx.msk $0xffff, v5  }
0xcf: {  	[tilespmem:v1+s31+$0x3C0 ss:$0x1] =	vst.idx.msk $0xffff, v6  }
0xd0: {  	s0 =	sor.u32 $0x2, s30;
	[tilespmem:v1+s31+$0x3D0 ss:$0x1] =	vst.idx.msk $0xffff, v7  }
0xd1: {  	s1 =	sshll.u32 s0, $0x7;
	[tilespmem:v1+s31+$0x3E0 ss:$0x1] =	vst.idx.msk $0xffff, v8  }
0xd2: {  	s1 =	sand.u32 $0x3FFFFF80, s1;
	[tilespmem:v1+s31+$0x3F0 ss:$0x1] =	vst.idx.msk $0xffff, v9  }
0xd3: {  	v2 =	vld.idx.msk [tilespmem:v0+s1+$0x0 ss:$0x1], $0xffff  }
0xd4: {  	v3 =	vld.idx.msk [tilespmem:v0+s1+$0x10 ss:$0x1], $0xffff  }
0xd5: {  	v4 =	vld.idx.msk [tilespmem:v0+s1+$0x20 ss:$0x1], $0xffff  }
0xd6: {  	v5 =	vld.idx.msk [tilespmem:v0+s1+$0x30 ss:$0x1], $0xffff  }
0xd7: {  	v6 =	vld.idx.msk [tilespmem:v0+s1+$0x40 ss:$0x1], $0xffff  }
0xd8: {  	v7 =	vld.idx.msk [tilespmem:v0+s1+$0x50 ss:$0x1], $0xffff  }
0xd9: {  	v8 =	vld.idx.msk [tilespmem:v0+s1+$0x60 ss:$0x1], $0xffff  }
0xda: {  	v9 =	vld.idx.msk [tilespmem:v0+s1+$0x70 ss:$0x1], $0xffff  }
0xdb: {  	v10 =	vld.idx.msk [tilespmem:v2+s21+$0x0], $0xffff  }
0xdc: {  	v11 =	vld.idx.msk [tilespmem:v3+s21+$0x0], $0xffff  }
0xdd: {  	v12 =	vld.idx.msk [tilespmem:v4+s21+$0x0], $0xffff  }
0xde: {  	v13 =	vld.idx.msk [tilespmem:v5+s21+$0x0], $0xffff  }
0xdf: {  	v14 =	vld.idx.msk [tilespmem:v6+s21+$0x0], $0xffff  }
0xe0: {  	v15 =	vld.idx.msk [tilespmem:v7+s21+$0x0], $0xffff  }
0xe1: {  	s0 =	sshll.u32 s0, $0xA;
	v16 =	vld.idx.msk [tilespmem:v8+s21+$0x0], $0xffff  }
0xe2: {  	s31 =	sand.u32 $0x3FFFFC00, s0;
	v17 =	vld.idx.msk [tilespmem:v9+s21+$0x0], $0xffff  }
0xe3: {  	v18 =	vld.idx.msk [tilespmem:v2+s22+$0x0], $0xffff;
	[tilespmem:v1+s31+$0x0 ss:$0x1] =	vst.idx.msk $0xffff, v10  }
0xe4: {  	v10 =	vld.idx.msk [tilespmem:v3+s22+$0x0], $0xffff;
	[tilespmem:v1+s31+$0x10 ss:$0x1] =	vst.idx.msk $0xffff, v11  }
0xe5: {  	v11 =	vld.idx.msk [tilespmem:v4+s22+$0x0], $0xffff;
	[tilespmem:v1+s31+$0x20 ss:$0x1] =	vst.idx.msk $0xffff, v12  }
0xe6: {  	v12 =	vld.idx.msk [tilespmem:v5+s22+$0x0], $0xffff;
	[tilespmem:v1+s31+$0x30 ss:$0x1] =	vst.idx.msk $0xffff, v13  }
0xe7: {  	v13 =	vld.idx.msk [tilespmem:v6+s22+$0x0], $0xffff;
	[tilespmem:v1+s31+$0x40 ss:$0x1] =	vst.idx.msk $0xffff, v14  }
0xe8: {  	v14 =	vld.idx.msk [tilespmem:v7+s22+$0x0], $0xffff;
	[tilespmem:v1+s31+$0x50 ss:$0x1] =	vst.idx.msk $0xffff, v15  }
0xe9: {  	v15 =	vld.idx.msk [tilespmem:v8+s22+$0x0], $0xffff;
	[tilespmem:v1+s31+$0x60 ss:$0x1] =	vst.idx.msk $0xffff, v16  }
0xea: {  	v16 =	vld.idx.msk [tilespmem:v9+s22+$0x0], $0xffff;
	[tilespmem:v1+s31+$0x70 ss:$0x1] =	vst.idx.msk $0xffff, v17  }
0xeb: {  	v17 =	vld.idx.msk [tilespmem:v2+s23+$0x0], $0xffff;
	[tilespmem:v1+s31+$0x80 ss:$0x1] =	vst.idx.msk $0xffff, v18  }
0xec: {  	v18 =	vld.idx.msk [tilespmem:v3+s23+$0x0], $0xffff;
	[tilespmem:v1+s31+$0x90 ss:$0x1] =	vst.idx.msk $0xffff, v10  }
0xed: {  	v10 =	vld.idx.msk [tilespmem:v4+s23+$0x0], $0xffff;
	[tilespmem:v1+s31+$0xA0 ss:$0x1] =	vst.idx.msk $0xffff, v11  }
0xee: {  	v11 =	vld.idx.msk [tilespmem:v5+s23+$0x0], $0xffff;
	[tilespmem:v1+s31+$0xB0 ss:$0x1] =	vst.idx.msk $0xffff, v12  }
0xef: {  	v12 =	vld.idx.msk [tilespmem:v6+s23+$0x0], $0xffff;
	[tilespmem:v1+s31+$0xC0 ss:$0x1] =	vst.idx.msk $0xffff, v13  }
0xf0: {  	v13 =	vld.idx.msk [tilespmem:v7+s23+$0x0], $0xffff;
	[tilespmem:v1+s31+$0xD0 ss:$0x1] =	vst.idx.msk $0xffff, v14  }
0xf1: {  	v14 =	vld.idx.msk [tilespmem:v8+s23+$0x0], $0xffff;
	[tilespmem:v1+s31+$0xE0 ss:$0x1] =	vst.idx.msk $0xffff, v15  }
0xf2: {  	v15 =	vld.idx.msk [tilespmem:v9+s23+$0x0], $0xffff;
	[tilespmem:v1+s31+$0xF0 ss:$0x1] =	vst.idx.msk $0xffff, v16  }
0xf3: {  	v16 =	vld.idx.msk [tilespmem:v2+s24+$0x0], $0xffff;
	[tilespmem:v1+s31+$0x100 ss:$0x1] =	vst.idx.msk $0xffff, v17  }
0xf4: {  	v17 =	vld.idx.msk [tilespmem:v3+s24+$0x0], $0xffff;
	[tilespmem:v1+s31+$0x110 ss:$0x1] =	vst.idx.msk $0xffff, v18  }
0xf5: {  	v18 =	vld.idx.msk [tilespmem:v4+s24+$0x0], $0xffff;
	[tilespmem:v1+s31+$0x120 ss:$0x1] =	vst.idx.msk $0xffff, v10  }
0xf6: {  	v10 =	vld.idx.msk [tilespmem:v5+s24+$0x0], $0xffff;
	[tilespmem:v1+s31+$0x130 ss:$0x1] =	vst.idx.msk $0xffff, v11  }
0xf7: {  	v11 =	vld.idx.msk [tilespmem:v6+s24+$0x0], $0xffff;
	[tilespmem:v1+s31+$0x140 ss:$0x1] =	vst.idx.msk $0xffff, v12  }
0xf8: {  	v12 =	vld.idx.msk [tilespmem:v7+s24+$0x0], $0xffff;
	[tilespmem:v1+s31+$0x150 ss:$0x1] =	vst.idx.msk $0xffff, v13  }
0xf9: {  	v13 =	vld.idx.msk [tilespmem:v8+s24+$0x0], $0xffff;
	[tilespmem:v1+s31+$0x160 ss:$0x1] =	vst.idx.msk $0xffff, v14  }
0xfa: {  	v14 =	vld.idx.msk [tilespmem:v9+s24+$0x0], $0xffff;
	[tilespmem:v1+s31+$0x170 ss:$0x1] =	vst.idx.msk $0xffff, v15  }
0xfb: {  	v15 =	vld.idx.msk [tilespmem:v2+s25+$0x0], $0xffff;
	[tilespmem:v1+s31+$0x180 ss:$0x1] =	vst.idx.msk $0xffff, v16  }
0xfc: {  	v16 =	vld.idx.msk [tilespmem:v3+s25+$0x0], $0xffff;
	[tilespmem:v1+s31+$0x190 ss:$0x1] =	vst.idx.msk $0xffff, v17  }
0xfd: {  	v17 =	vld.idx.msk [tilespmem:v4+s25+$0x0], $0xffff;
	[tilespmem:v1+s31+$0x1A0 ss:$0x1] =	vst.idx.msk $0xffff, v18  }
0xfe: {  	v18 =	vld.idx.msk [tilespmem:v5+s25+$0x0], $0xffff;
	[tilespmem:v1+s31+$0x1B0 ss:$0x1] =	vst.idx.msk $0xffff, v10  }
0xff: {  	v10 =	vld.idx.msk [tilespmem:v6+s25+$0x0], $0xffff;
	[tilespmem:v1+s31+$0x1C0 ss:$0x1] =	vst.idx.msk $0xffff, v11  }
0x100: {  	v11 =	vld.idx.msk [tilespmem:v7+s25+$0x0], $0xffff;
	[tilespmem:v1+s31+$0x1D0 ss:$0x1] =	vst.idx.msk $0xffff, v12  }
0x101: {  	v12 =	vld.idx.msk [tilespmem:v8+s25+$0x0], $0xffff;
	[tilespmem:v1+s31+$0x1E0 ss:$0x1] =	vst.idx.msk $0xffff, v13  }
0x102: {  	v13 =	vld.idx.msk [tilespmem:v9+s25+$0x0], $0xffff;
	[tilespmem:v1+s31+$0x1F0 ss:$0x1] =	vst.idx.msk $0xffff, v14  }
0x103: {  	v14 =	vld.idx.msk [tilespmem:v2+s26+$0x0], $0xffff;
	[tilespmem:v1+s31+$0x200 ss:$0x1] =	vst.idx.msk $0xffff, v15  }
0x104: {  	v15 =	vld.idx.msk [tilespmem:v3+s26+$0x0], $0xffff;
	[tilespmem:v1+s31+$0x210 ss:$0x1] =	vst.idx.msk $0xffff, v16  }
0x105: {  	v16 =	vld.idx.msk [tilespmem:v4+s26+$0x0], $0xffff;
	[tilespmem:v1+s31+$0x220 ss:$0x1] =	vst.idx.msk $0xffff, v17  }
0x106: {  	v17 =	vld.idx.msk [tilespmem:v5+s26+$0x0], $0xffff;
	[tilespmem:v1+s31+$0x230 ss:$0x1] =	vst.idx.msk $0xffff, v18  }
0x107: {  	v18 =	vld.idx.msk [tilespmem:v6+s26+$0x0], $0xffff;
	[tilespmem:v1+s31+$0x240 ss:$0x1] =	vst.idx.msk $0xffff, v10  }
0x108: {  	v10 =	vld.idx.msk [tilespmem:v7+s26+$0x0], $0xffff;
	[tilespmem:v1+s31+$0x250 ss:$0x1] =	vst.idx.msk $0xffff, v11  }
0x109: {  	v11 =	vld.idx.msk [tilespmem:v8+s26+$0x0], $0xffff;
	[tilespmem:v1+s31+$0x260 ss:$0x1] =	vst.idx.msk $0xffff, v12  }
0x10a: {  	v12 =	vld.idx.msk [tilespmem:v9+s26+$0x0], $0xffff;
	[tilespmem:v1+s31+$0x270 ss:$0x1] =	vst.idx.msk $0xffff, v13  }
0x10b: {  	v13 =	vld.idx.msk [tilespmem:v2+s28+$0x0], $0xffff;
	[tilespmem:v1+s31+$0x280 ss:$0x1] =	vst.idx.msk $0xffff, v14  }
0x10c: {  	v14 =	vld.idx.msk [tilespmem:v3+s28+$0x0], $0xffff;
	[tilespmem:v1+s31+$0x290 ss:$0x1] =	vst.idx.msk $0xffff, v15  }
0x10d: {  	v15 =	vld.idx.msk [tilespmem:v4+s28+$0x0], $0xffff;
	[tilespmem:v1+s31+$0x2A0 ss:$0x1] =	vst.idx.msk $0xffff, v16  }
0x10e: {  	v16 =	vld.idx.msk [tilespmem:v5+s28+$0x0], $0xffff;
	[tilespmem:v1+s31+$0x2B0 ss:$0x1] =	vst.idx.msk $0xffff, v17  }
0x10f: {  	v17 =	vld.idx.msk [tilespmem:v6+s28+$0x0], $0xffff;
	[tilespmem:v1+s31+$0x2C0 ss:$0x1] =	vst.idx.msk $0xffff, v18  }
0x110: {  	v18 =	vld.idx.msk [tilespmem:v7+s28+$0x0], $0xffff;
	[tilespmem:v1+s31+$0x2D0 ss:$0x1] =	vst.idx.msk $0xffff, v10  }
0x111: {  	v10 =	vld.idx.msk [tilespmem:v8+s28+$0x0], $0xffff;
	[tilespmem:v1+s31+$0x2E0 ss:$0x1] =	vst.idx.msk $0xffff, v11  }
0x112: {  	v11 =	vld.idx.msk [tilespmem:v9+s28+$0x0], $0xffff;
	[tilespmem:v1+s31+$0x2F0 ss:$0x1] =	vst.idx.msk $0xffff, v12  }
0x113: {  	v2 =	vld.idx.msk [tilespmem:v2+s29+$0x0], $0xffff;
	[tilespmem:v1+s31+$0x300 ss:$0x1] =	vst.idx.msk $0xffff, v13  }
0x114: {  	v3 =	vld.idx.msk [tilespmem:v3+s29+$0x0], $0xffff;
	[tilespmem:v1+s31+$0x310 ss:$0x1] =	vst.idx.msk $0xffff, v14  }
0x115: {  	v4 =	vld.idx.msk [tilespmem:v4+s29+$0x0], $0xffff;
	[tilespmem:v1+s31+$0x320 ss:$0x1] =	vst.idx.msk $0xffff, v15  }
0x116: {  	v5 =	vld.idx.msk [tilespmem:v5+s29+$0x0], $0xffff;
	[tilespmem:v1+s31+$0x330 ss:$0x1] =	vst.idx.msk $0xffff, v16  }
0x117: {  	v6 =	vld.idx.msk [tilespmem:v6+s29+$0x0], $0xffff;
	[tilespmem:v1+s31+$0x340 ss:$0x1] =	vst.idx.msk $0xffff, v17  }
0x118: {  	v7 =	vld.idx.msk [tilespmem:v7+s29+$0x0], $0xffff;
	[tilespmem:v1+s31+$0x350 ss:$0x1] =	vst.idx.msk $0xffff, v18  }
0x119: {  	v8 =	vld.idx.msk [tilespmem:v8+s29+$0x0], $0xffff;
	[tilespmem:v1+s31+$0x360 ss:$0x1] =	vst.idx.msk $0xffff, v10  }
0x11a: {  	v9 =	vld.idx.msk [tilespmem:v9+s29+$0x0], $0xffff;
	[tilespmem:v1+s31+$0x370 ss:$0x1] =	vst.idx.msk $0xffff, v11  }
0x11b: {  	[tilespmem:v1+s31+$0x380 ss:$0x1] =	vst.idx.msk $0xffff, v2  }
0x11c: {  	[tilespmem:v1+s31+$0x390 ss:$0x1] =	vst.idx.msk $0xffff, v3  }
0x11d: {  	[tilespmem:v1+s31+$0x3A0 ss:$0x1] =	vst.idx.msk $0xffff, v4  }
0x11e: {  	[tilespmem:v1+s31+$0x3B0 ss:$0x1] =	vst.idx.msk $0xffff, v5  }
0x11f: {  	[tilespmem:v1+s31+$0x3C0 ss:$0x1] =	vst.idx.msk $0xffff, v6  }
0x120: {  	s0 =	sor.u32 $0x3, s30;
	[tilespmem:v1+s31+$0x3D0 ss:$0x1] =	vst.idx.msk $0xffff, v7  }
0x121: {  	s1 =	sshll.u32 s0, $0x7;
	[tilespmem:v1+s31+$0x3E0 ss:$0x1] =	vst.idx.msk $0xffff, v8  }
0x122: {  	s1 =	sand.u32 $0x3FFFFF80, s1;
	[tilespmem:v1+s31+$0x3F0 ss:$0x1] =	vst.idx.msk $0xffff, v9  }
0x123: {  	v2 =	vld.idx.msk [tilespmem:v0+s1+$0x0 ss:$0x1], $0xffff  }
0x124: {  	v3 =	vld.idx.msk [tilespmem:v0+s1+$0x10 ss:$0x1], $0xffff  }
0x125: {  	v4 =	vld.idx.msk [tilespmem:v0+s1+$0x20 ss:$0x1], $0xffff  }
0x126: {  	v5 =	vld.idx.msk [tilespmem:v0+s1+$0x30 ss:$0x1], $0xffff  }
0x127: {  	v6 =	vld.idx.msk [tilespmem:v0+s1+$0x40 ss:$0x1], $0xffff  }
0x128: {  	v7 =	vld.idx.msk [tilespmem:v0+s1+$0x50 ss:$0x1], $0xffff  }
0x129: {  	v8 =	vld.idx.msk [tilespmem:v0+s1+$0x60 ss:$0x1], $0xffff  }
0x12a: {  	v9 =	vld.idx.msk [tilespmem:v0+s1+$0x70 ss:$0x1], $0xffff  }
0x12b: {  	v10 =	vld.idx.msk [tilespmem:v2+s21+$0x0], $0xffff  }
0x12c: {  	v11 =	vld.idx.msk [tilespmem:v3+s21+$0x0], $0xffff  }
0x12d: {  	v12 =	vld.idx.msk [tilespmem:v4+s21+$0x0], $0xffff  }
0x12e: {  	v13 =	vld.idx.msk [tilespmem:v5+s21+$0x0], $0xffff  }
0x12f: {  	v14 =	vld.idx.msk [tilespmem:v6+s21+$0x0], $0xffff  }
0x130: {  	v15 =	vld.idx.msk [tilespmem:v7+s21+$0x0], $0xffff  }
0x131: {  	s0 =	sshll.u32 s0, $0xA;
	v16 =	vld.idx.msk [tilespmem:v8+s21+$0x0], $0xffff  }
0x132: {  	s0 =	sand.u32 $0x3FFFFC00, s0;
	v17 =	vld.idx.msk [tilespmem:v9+s21+$0x0], $0xffff  }
0x133: {  	v18 =	vld.idx.msk [tilespmem:v2+s22+$0x0], $0xffff;
	[tilespmem:v1+s0+$0x0 ss:$0x1] =	vst.idx.msk $0xffff, v10  }
0x134: {  	v10 =	vld.idx.msk [tilespmem:v3+s22+$0x0], $0xffff;
	[tilespmem:v1+s0+$0x10 ss:$0x1] =	vst.idx.msk $0xffff, v11  }
0x135: {  	v11 =	vld.idx.msk [tilespmem:v4+s22+$0x0], $0xffff;
	[tilespmem:v1+s0+$0x20 ss:$0x1] =	vst.idx.msk $0xffff, v12  }
0x136: {  	v12 =	vld.idx.msk [tilespmem:v5+s22+$0x0], $0xffff;
	[tilespmem:v1+s0+$0x30 ss:$0x1] =	vst.idx.msk $0xffff, v13  }
0x137: {  	v13 =	vld.idx.msk [tilespmem:v6+s22+$0x0], $0xffff;
	[tilespmem:v1+s0+$0x40 ss:$0x1] =	vst.idx.msk $0xffff, v14  }
0x138: {  	v14 =	vld.idx.msk [tilespmem:v7+s22+$0x0], $0xffff;
	[tilespmem:v1+s0+$0x50 ss:$0x1] =	vst.idx.msk $0xffff, v15  }
0x139: {  	v15 =	vld.idx.msk [tilespmem:v8+s22+$0x0], $0xffff;
	[tilespmem:v1+s0+$0x60 ss:$0x1] =	vst.idx.msk $0xffff, v16  }
0x13a: {  	v16 =	vld.idx.msk [tilespmem:v9+s22+$0x0], $0xffff;
	[tilespmem:v1+s0+$0x70 ss:$0x1] =	vst.idx.msk $0xffff, v17  }
0x13b: {  	v17 =	vld.idx.msk [tilespmem:v2+s23+$0x0], $0xffff;
	[tilespmem:v1+s0+$0x80 ss:$0x1] =	vst.idx.msk $0xffff, v18  }
0x13c: {  	v18 =	vld.idx.msk [tilespmem:v3+s23+$0x0], $0xffff;
	[tilespmem:v1+s0+$0x90 ss:$0x1] =	vst.idx.msk $0xffff, v10  }
0x13d: {  	v10 =	vld.idx.msk [tilespmem:v4+s23+$0x0], $0xffff;
	[tilespmem:v1+s0+$0xA0 ss:$0x1] =	vst.idx.msk $0xffff, v11  }
0x13e: {  	v11 =	vld.idx.msk [tilespmem:v5+s23+$0x0], $0xffff;
	[tilespmem:v1+s0+$0xB0 ss:$0x1] =	vst.idx.msk $0xffff, v12  }
0x13f: {  	v12 =	vld.idx.msk [tilespmem:v6+s23+$0x0], $0xffff;
	[tilespmem:v1+s0+$0xC0 ss:$0x1] =	vst.idx.msk $0xffff, v13  }
0x140: {  	v13 =	vld.idx.msk [tilespmem:v7+s23+$0x0], $0xffff;
	[tilespmem:v1+s0+$0xD0 ss:$0x1] =	vst.idx.msk $0xffff, v14  }
0x141: {  	v14 =	vld.idx.msk [tilespmem:v8+s23+$0x0], $0xffff;
	[tilespmem:v1+s0+$0xE0 ss:$0x1] =	vst.idx.msk $0xffff, v15  }
0x142: {  	v15 =	vld.idx.msk [tilespmem:v9+s23+$0x0], $0xffff;
	[tilespmem:v1+s0+$0xF0 ss:$0x1] =	vst.idx.msk $0xffff, v16  }
0x143: {  	v16 =	vld.idx.msk [tilespmem:v2+s24+$0x0], $0xffff;
	[tilespmem:v1+s0+$0x100 ss:$0x1] =	vst.idx.msk $0xffff, v17  }
0x144: {  	v17 =	vld.idx.msk [tilespmem:v3+s24+$0x0], $0xffff;
	[tilespmem:v1+s0+$0x110 ss:$0x1] =	vst.idx.msk $0xffff, v18  }
0x145: {  	v18 =	vld.idx.msk [tilespmem:v4+s24+$0x0], $0xffff;
	[tilespmem:v1+s0+$0x120 ss:$0x1] =	vst.idx.msk $0xffff, v10  }
0x146: {  	v10 =	vld.idx.msk [tilespmem:v5+s24+$0x0], $0xffff;
	[tilespmem:v1+s0+$0x130 ss:$0x1] =	vst.idx.msk $0xffff, v11  }
0x147: {  	v11 =	vld.idx.msk [tilespmem:v6+s24+$0x0], $0xffff;
	[tilespmem:v1+s0+$0x140 ss:$0x1] =	vst.idx.msk $0xffff, v12  }
0x148: {  	v12 =	vld.idx.msk [tilespmem:v7+s24+$0x0], $0xffff;
	[tilespmem:v1+s0+$0x150 ss:$0x1] =	vst.idx.msk $0xffff, v13  }
0x149: {  	v13 =	vld.idx.msk [tilespmem:v8+s24+$0x0], $0xffff;
	[tilespmem:v1+s0+$0x160 ss:$0x1] =	vst.idx.msk $0xffff, v14  }
0x14a: {  	v14 =	vld.idx.msk [tilespmem:v9+s24+$0x0], $0xffff;
	[tilespmem:v1+s0+$0x170 ss:$0x1] =	vst.idx.msk $0xffff, v15  }
0x14b: {  	v15 =	vld.idx.msk [tilespmem:v2+s25+$0x0], $0xffff;
	[tilespmem:v1+s0+$0x180 ss:$0x1] =	vst.idx.msk $0xffff, v16  }
0x14c: {  	v16 =	vld.idx.msk [tilespmem:v3+s25+$0x0], $0xffff;
	[tilespmem:v1+s0+$0x190 ss:$0x1] =	vst.idx.msk $0xffff, v17  }
0x14d: {  	v17 =	vld.idx.msk [tilespmem:v4+s25+$0x0], $0xffff;
	[tilespmem:v1+s0+$0x1A0 ss:$0x1] =	vst.idx.msk $0xffff, v18  }
0x14e: {  	v18 =	vld.idx.msk [tilespmem:v5+s25+$0x0], $0xffff;
	[tilespmem:v1+s0+$0x1B0 ss:$0x1] =	vst.idx.msk $0xffff, v10  }
0x14f: {  	v10 =	vld.idx.msk [tilespmem:v6+s25+$0x0], $0xffff;
	[tilespmem:v1+s0+$0x1C0 ss:$0x1] =	vst.idx.msk $0xffff, v11  }
0x150: {  	v11 =	vld.idx.msk [tilespmem:v7+s25+$0x0], $0xffff;
	[tilespmem:v1+s0+$0x1D0 ss:$0x1] =	vst.idx.msk $0xffff, v12  }
0x151: {  	v12 =	vld.idx.msk [tilespmem:v8+s25+$0x0], $0xffff;
	[tilespmem:v1+s0+$0x1E0 ss:$0x1] =	vst.idx.msk $0xffff, v13  }
0x152: {  	v13 =	vld.idx.msk [tilespmem:v9+s25+$0x0], $0xffff;
	[tilespmem:v1+s0+$0x1F0 ss:$0x1] =	vst.idx.msk $0xffff, v14  }
0x153: {  	v14 =	vld.idx.msk [tilespmem:v2+s26+$0x0], $0xffff;
	[tilespmem:v1+s0+$0x200 ss:$0x1] =	vst.idx.msk $0xffff, v15  }
0x154: {  	v15 =	vld.idx.msk [tilespmem:v3+s26+$0x0], $0xffff;
	[tilespmem:v1+s0+$0x210 ss:$0x1] =	vst.idx.msk $0xffff, v16  }
0x155: {  	v16 =	vld.idx.msk [tilespmem:v4+s26+$0x0], $0xffff;
	[tilespmem:v1+s0+$0x220 ss:$0x1] =	vst.idx.msk $0xffff, v17  }
0x156: {  	v17 =	vld.idx.msk [tilespmem:v5+s26+$0x0], $0xffff;
	[tilespmem:v1+s0+$0x230 ss:$0x1] =	vst.idx.msk $0xffff, v18  }
0x157: {  	v18 =	vld.idx.msk [tilespmem:v6+s26+$0x0], $0xffff;
	[tilespmem:v1+s0+$0x240 ss:$0x1] =	vst.idx.msk $0xffff, v10  }
0x158: {  	v10 =	vld.idx.msk [tilespmem:v7+s26+$0x0], $0xffff;
	[tilespmem:v1+s0+$0x250 ss:$0x1] =	vst.idx.msk $0xffff, v11  }
0x159: {  	v11 =	vld.idx.msk [tilespmem:v8+s26+$0x0], $0xffff;
	[tilespmem:v1+s0+$0x260 ss:$0x1] =	vst.idx.msk $0xffff, v12  }
0x15a: {  	v12 =	vld.idx.msk [tilespmem:v9+s26+$0x0], $0xffff;
	[tilespmem:v1+s0+$0x270 ss:$0x1] =	vst.idx.msk $0xffff, v13  }
0x15b: {  	v13 =	vld.idx.msk [tilespmem:v2+s28+$0x0], $0xffff;
	[tilespmem:v1+s0+$0x280 ss:$0x1] =	vst.idx.msk $0xffff, v14  }
0x15c: {  	v14 =	vld.idx.msk [tilespmem:v3+s28+$0x0], $0xffff;
	[tilespmem:v1+s0+$0x290 ss:$0x1] =	vst.idx.msk $0xffff, v15  }
0x15d: {  	v15 =	vld.idx.msk [tilespmem:v4+s28+$0x0], $0xffff;
	[tilespmem:v1+s0+$0x2A0 ss:$0x1] =	vst.idx.msk $0xffff, v16  }
0x15e: {  	v16 =	vld.idx.msk [tilespmem:v5+s28+$0x0], $0xffff;
	[tilespmem:v1+s0+$0x2B0 ss:$0x1] =	vst.idx.msk $0xffff, v17  }
0x15f: {  	v17 =	vld.idx.msk [tilespmem:v6+s28+$0x0], $0xffff;
	[tilespmem:v1+s0+$0x2C0 ss:$0x1] =	vst.idx.msk $0xffff, v18  }
0x160: {  	v18 =	vld.idx.msk [tilespmem:v7+s28+$0x0], $0xffff;
	[tilespmem:v1+s0+$0x2D0 ss:$0x1] =	vst.idx.msk $0xffff, v10  }
0x161: {  	v10 =	vld.idx.msk [tilespmem:v8+s28+$0x0], $0xffff;
	[tilespmem:v1+s0+$0x2E0 ss:$0x1] =	vst.idx.msk $0xffff, v11  }
0x162: {  	v11 =	vld.idx.msk [tilespmem:v9+s28+$0x0], $0xffff;
	[tilespmem:v1+s0+$0x2F0 ss:$0x1] =	vst.idx.msk $0xffff, v12  }
0x163: {  	v2 =	vld.idx.msk [tilespmem:v2+s29+$0x0], $0xffff;
	[tilespmem:v1+s0+$0x300 ss:$0x1] =	vst.idx.msk $0xffff, v13  }
0x164: {  	v3 =	vld.idx.msk [tilespmem:v3+s29+$0x0], $0xffff;
	[tilespmem:v1+s0+$0x310 ss:$0x1] =	vst.idx.msk $0xffff, v14  }
0x165: {  	v4 =	vld.idx.msk [tilespmem:v4+s29+$0x0], $0xffff;
	[tilespmem:v1+s0+$0x320 ss:$0x1] =	vst.idx.msk $0xffff, v15  }
0x166: {  	v5 =	vld.idx.msk [tilespmem:v5+s29+$0x0], $0xffff;
	[tilespmem:v1+s0+$0x330 ss:$0x1] =	vst.idx.msk $0xffff, v16  }
0x167: {  	v6 =	vld.idx.msk [tilespmem:v6+s29+$0x0], $0xffff;
	[tilespmem:v1+s0+$0x340 ss:$0x1] =	vst.idx.msk $0xffff, v17  }
0x168: {  	v7 =	vld.idx.msk [tilespmem:v7+s29+$0x0], $0xffff;
	[tilespmem:v1+s0+$0x350 ss:$0x1] =	vst.idx.msk $0xffff, v18  }
0x169: {  	v8 =	vld.idx.msk [tilespmem:v8+s29+$0x0], $0xffff;
	[tilespmem:v1+s0+$0x360 ss:$0x1] =	vst.idx.msk $0xffff, v10  }
0x16a: {  	v9 =	vld.idx.msk [tilespmem:v9+s29+$0x0], $0xffff;
	[tilespmem:v1+s0+$0x370 ss:$0x1] =	vst.idx.msk $0xffff, v11  }
0x16b: {  	[tilespmem:v1+s0+$0x380 ss:$0x1] =	vst.idx.msk $0xffff, v2  }
0x16c: {  	[tilespmem:v1+s0+$0x390 ss:$0x1] =	vst.idx.msk $0xffff, v3  }
0x16d: {  	p1 =	slt.u32 s30, $0x1C;
	[tilespmem:v1+s0+$0x3A0 ss:$0x1] =	vst.idx.msk $0xffff, v4  }
.Ltmp5:
0x16e: {  	[tilespmem:v1+s0+$0x3B0 ss:$0x1] =	vst.idx.msk $0xffff, v5;
	(pc) =	sbr.rel @p1 .LBB2_6-.Ltmp5, $4  }
0x16f: {  	[tilespmem:v1+s0+$0x3C0 ss:$0x1] =	vst.idx.msk $0xffff, v6  }
0x170: {  	[tilespmem:v1+s0+$0x3D0 ss:$0x1] =	vst.idx.msk $0xffff, v7  }
0x171: {  	s1 =	sadd.s32 $0x4, s30;
	[tilespmem:v1+s0+$0x3E0 ss:$0x1] =	vst.idx.msk $0xffff, v8  }
0x172: {  	s30 =	smov.u32 s1;
	[tilespmem:v1+s0+$0x3F0 ss:$0x1] =	vst.idx.msk $0xffff, v9  }
0x173: {  	s0 =	sadd.s32 s17, s18;
	s18 =	sadd.s32 $0x1, s18  }
0x174: {  	p1 =	slt.u32 s18, s6  }
.Ltmp6:
0x175: {  	_ = 	snop;
	(pc) =	sbr.rel @p1 .LBB2_5-.Ltmp6, $4  }
.Ltmp7:
0x176: {  	_ = 	snop;
	(pc) =	sbr.rel @!p1 .LBB2_2-.Ltmp7, $4  }
0x177: {  	s0 =	sshll.u32 s0, $0xC  }
0x178: {  	s1 =	sor.u32 $0x2, s19;
	s15 =	sadd.s32 $0x1, s15;
	s0 =	sadd.s32 s2, s0  }
0x179: {  	[hbm4b:s0+s3] =	stream.linear.scatter [tilespmem:s20], [sflag:s1], $0x8000, $0x38;
	[tilespmem:$0x19D00] =	vst v63  }
0x17a: {  	_ = 	snop  }
.LBB2_9:
0x17b: {  	_ =	sfence.sel $0x180000  }
0x17c: {  	[bflag:$0x0] =	sbarrier.arrive $0xFFFF  }
0x17d: {  	_ =	strace $0x90000047  }
0x17e: {  	s0 =	stileid.u32;
	[bflag:$0x2] =	sbarrier.arrive $0xFFFF  }
0x17f: {  	p0 =	sne.s32 s0, $0x0;
	s0 =	rddreg [dreg:$0x2]  }
0x180: {  	s0 =	sadd.s32 @!p0 $0x100000, s0  }
0x181: {  	[sflag:s0] =	ssyncadd.tile.s32 @!p0 $0x1;
	_ =	shalt  }
.Lfunc_end2:
_tile_overlayer_lowered:
.L_overlay_start_2:
0x182: {  	(tag) =	ssettag $0x2  }
0x183: {  	s0 =	rddreg [dreg:$0x0];
	s2 =	stileid.u32  }
0x184: {  	s1 =	rddreg [dreg:$0x1];
	p0 =	sne.s32 s2, $0x0  }
0x185: {  	s3 =	rddreg [dreg:$0x2];
	[bflag:$0x3] =	sbarrier.arrive $0xFFFF;
	s2 =	simm.s32 @!p0 $0x1C04  }
0x186: {  	[timem:s3], [sflag:s2] =	dma.local @!p0 [hbm:s0], s1  }
0x187: {  	s0 =	simm.s32 @!p0 $0x4  }
0x188: {  	_ =	swait.ge @!p0 [sflag:s0], s1  }
0x189: {  	s1 =	ssub.s32 @!p0 $0x0, s1;
	[sflag:s0] =	ssyncset.done @!p0 $0x0  }
0x18a: {  	[sflag:s0] =	ssyncadd.s32 @!p0 s1  }
0x18b: {  	[bflag:$0x3] =	sbarrier.arrive $0xFFFF  }
0x18c: {  	_ =	shalt  }

</sc_bundles>
